<compile_context>
chip_gen: v7x
topology: tpu7x:2x2x1
jax: 0.10.2.dev20260603
libtpu: 0.0.44.dev20260713+nightly
codegen_flags: <defaults>
</compile_context>

<pallas_src>
import jax
import jax.numpy as jnp
import numpy as np
from jax import lax
from jax.experimental import pallas as pl
from jax.experimental.pallas import tpu as pltpu
from jax.experimental.pallas import tpu_sc as plsc

_NC = 2
_NS = 16
_NW = _NC * _NS
_CHUNK = 128
_L = 16

_SIGN = np.uint32(0x80000000)


def _make_sc_gather_dequant(V, D, B):
  assert D == 64
  assert B % (_NW * _CHUNK) == 0
  rows_per_w = B // _NW
  nch = rows_per_w // _CHUNK
  W = D // 2

  mesh = plsc.VectorSubcoreMesh(
      core_axis_name="c", subcore_axis_name="s",
      num_cores=_NC, num_subcores=_NS)

  def body(table_flat_hbm, idx_hbm, magic_hbm, out_hbm,
           idx_v, magic_v, rows0, rows1, out0, out1,
           gsem0, gsem1, osem0, osem1):
    table_hbm = table_flat_hbm
    cid = lax.axis_index("c")
    sid = lax.axis_index("s")
    wid = sid * _NC + cid
    chunk_base = wid * nch

    pltpu.sync_copy(idx_hbm.at[pl.ds(wid * rows_per_w, rows_per_w)], idx_v)
    pltpu.sync_copy(magic_hbm, magic_v)
    mv = magic_v[...]

    rows = (rows0, rows1)
    outs = (out0, out1)
    gsems = (gsem0, gsem1)
    osems = (osem0, osem1)

    def _i2f(v):
      return lax.bitcast_convert_type(v, jnp.float32)

    def _f2i(v):
      return lax.bitcast_convert_type(v, jnp.uint32)

    def cvt(v):
      mlo = (v & 0x7FFF) << 13
      flo = _i2f(mlo) * mv
      slo = (v << 16) & _SIGN
      lo = _i2f(_f2i(flo) | slo)
      mhi = lax.shift_right_logical(v & 0x7FFF0000, np.uint32(3))
      fhi = _i2f(mhi) * mv
      shi = v & _SIGN
      hi = _i2f(_f2i(fhi) | shi)
      return lo, hi

    def gather_start(g, b):
      d = pltpu.make_async_copy(
          table_hbm.at[idx_v.at[pl.ds(g * _CHUNK, _CHUNK)]], rows[b], gsems[b])
      d.start()
      return d

    def out_start(g, b):
      dst = out_hbm.at[pl.ds((chunk_base + g) * (_CHUNK * D), _CHUNK * D)]
      d = pltpu.make_async_copy(outs[b], dst, osems[b])
      d.start()
      return d

    def compute(b):
      rv = rows[b]
      ov = outs[b]

      @plsc.parallel_loop(0, _CHUNK, 1, unroll=2)
      def _(r):
        obase = r * D
        v0 = rv[r, pl.ds(0, _L)]
        v1 = rv[r, pl.ds(_L, _L)]
        lo0, hi0 = cvt(v0)
        lo1, hi1 = cvt(v1)
        ov[pl.ds(obase, _L)] = lo0
        ov[pl.ds(obase + _L, _L)] = lo1
        ov[pl.ds(obase + 2 * _L, _L)] = hi0
        ov[pl.ds(obase + 3 * _L, _L)] = hi1

    pend_g = [None, None]
    pend_o = [None, None]
    pend_g[0] = gather_start(0, 0)
    for g in range(nch):
      b = g & 1
      if g + 1 < nch:
        pend_g[1 - b] = gather_start(g + 1, 1 - b)
      pend_g[b].wait()
      if pend_o[b] is not None:
        pend_o[b].wait()
      compute(b)
      pend_o[b] = out_start(g, b)
    pend_o[0].wait()
    pend_o[1].wait()

  fn = pl.kernel(
      body,
      out_type=jax.ShapeDtypeStruct((B * D,), jnp.float32),
      mesh=mesh,
      compiler_params=pltpu.CompilerParams(use_tc_tiling_on_sc=False),
      scratch_types=[
          pltpu.VMEM((rows_per_w,), jnp.int32),
          pltpu.VMEM((_L,), jnp.float32),
          pltpu.VMEM((_CHUNK, W), jnp.uint32),
          pltpu.VMEM((_CHUNK, W), jnp.uint32),
          pltpu.VMEM((_CHUNK * D,), jnp.float32),
          pltpu.VMEM((_CHUNK * D,), jnp.float32),
          pltpu.SemaphoreType.DMA,
          pltpu.SemaphoreType.DMA,
          pltpu.SemaphoreType.DMA,
          pltpu.SemaphoreType.DMA,
      ],
  )
  return fn


def kernel(x, weight_quant, c):
  V, D = weight_quant.shape
  B = x.size
  h = D // 2
  w_perm = jnp.swapaxes(weight_quant.reshape(V, 2, h), 1, 2)
  table = lax.bitcast_convert_type(w_perm, jnp.uint32)
  idx = x.reshape(B)
  magic = (jnp.float32(2.0) ** 112) / c.astype(jnp.float32)
  magic_v = jnp.broadcast_to(magic, (_L,))
  out = _make_sc_gather_dequant(V, D, B)(table, idx, magic_v)
  return out.reshape(x.shape + (D,))

# --- scband reference (transcript-rebuilt; emitter-appended) ---
"""Pipeline reference for scband-cpu16bit-absmax-embedding-78855599555222 (READ-ONLY COPY).

The authoritative reference and input builder live on the scoring server;
editing this copy changes nothing except your own understanding.
"""

import jax, jax.numpy as jnp
import numpy as np

NUM_EMB = 100000
DIM = 64
B = 4096
NFIELDS = 26

def setup_inputs(seed: int = 0) -> dict:
    key = jax.random.key(seed)
    k1, k2 = jax.random.split(key)
    # source_layer weight (float32), as in the torch constructor
    X = jax.random.normal(k1, (NUM_EMB, DIM), dtype=jnp.float32)
    absmax = jnp.abs(X).max() + 1e-08
    c = (65504.0 / absmax).astype(jnp.float32)
    weight_quant = (c * X).astype(jnp.float16)
    x = jax.random.randint(k2, (B, NFIELDS), 0, NUM_EMB, dtype=jnp.int32)
    return {"x": x, "weight_quant": weight_quant, "c": c}

def reference(x, weight_quant, c):
    # F.embedding(x, weight_quant).float() / c
    emb = jnp.take(weight_quant, x, axis=0)
    return emb.astype(jnp.float32) / c

if __name__ == "__main__":
    import jax
    _d = setup_inputs()
    print(jax.jit(kernel)(*tuple(_d.values())))

</pallas_src>

<mosaic_0001>
#map = affine_map<(d0, d1) -> (0, 0)>
#map1 = affine_map<(d0, d1) -> (0)>
module attributes {stable_mosaic.version = 14 : i64} {
  func.func @body(%arg0: i32, %arg1: i32, %arg2: memref<100000x32xi32, #tpu.memory_space<hbm>>, %arg3: memref<106496xi32, #tpu.memory_space<hbm>>, %arg4: memref<16xf32, #tpu.memory_space<hbm>>, %arg5: memref<6815744xf32, #tpu.memory_space<hbm>>, %arg6: memref<3328xi32, #tpu.memory_space<vmem>>, %arg7: memref<16xf32, #tpu.memory_space<vmem>>, %arg8: memref<128x32xi32, #tpu.memory_space<vmem>>, %arg9: memref<128x32xi32, #tpu.memory_space<vmem>>, %arg10: memref<8192xf32, #tpu.memory_space<vmem>>, %arg11: memref<8192xf32, #tpu.memory_space<vmem>>, %arg12: memref<!tpu.dma_semaphore, #tpu.memory_space<semaphore_mem>>, %arg13: memref<!tpu.dma_semaphore, #tpu.memory_space<semaphore_mem>>, %arg14: memref<!tpu.dma_semaphore, #tpu.memory_space<semaphore_mem>>, %arg15: memref<!tpu.dma_semaphore, #tpu.memory_space<semaphore_mem>>) attributes {dimension_semantics = [#tpu.dimension_semantics<core_parallel>, #tpu.dimension_semantics<subcore_parallel>], iteration_bounds = array<i64: 2, 16>, scalar_prefetch = 0 : i64, scratch_operands = 10 : i64, tpu.core_type = #tpu.core_type<sc_vector_subcore>, window_params = [{transform_indices = #map}, {transform_indices = #map1}, {transform_indices = #map1}, {transform_indices = #map1}]} {
    %mul3A = arith.constant 2 : i32
    %mul3A_0 = arith.muli %arg1, %mul3A : i32
    %add3A = arith.addi %mul3A_0, %arg0 : i32
    %mul3A_1 = arith.constant 26 : i32
    %mul3A_2 = arith.muli %add3A, %mul3A_1 : i32
    %mul3A_3 = arith.constant 3328 : i32
    %mul3A_4 = arith.muli %add3A, %mul3A_3 : i32
    "tpu.region"() ({
      %run_scoped3A = tpu.sem_alloc : memref<!tpu.dma_semaphore, #tpu.memory_space<semaphore_mem>>
      %dma_start3A_550 = tpu.memref_slice %arg3[%mul3A_4] : memref<106496xi32, #tpu.memory_space<hbm>> -> memref<3328xi32, #tpu.memory_space<hbm>>
      %dma_start3A_551 = tpu.memref_slice %arg3[%mul3A_4] : memref<106496xi32, #tpu.memory_space<hbm>> -> memref<3328xi32, #tpu.memory_space<hbm>>
      tpu.enqueue_dma source(%dma_start3A_551 : memref<3328xi32, #tpu.memory_space<hbm>>) target(%arg6 : memref<3328xi32, #tpu.memory_space<vmem>>) target_semaphore(%run_scoped3A : memref<!tpu.dma_semaphore, #tpu.memory_space<semaphore_mem>>)
      %dma_wait3A_552 = tpu.memref_slice %arg3[%mul3A_4] : memref<106496xi32, #tpu.memory_space<hbm>> -> memref<3328xi32, #tpu.memory_space<hbm>>
      %dma_wait3A_553 = tpu.memref_slice %arg3[%mul3A_4] : memref<106496xi32, #tpu.memory_space<hbm>> -> memref<3328xi32, #tpu.memory_space<hbm>>
      tpu.wait_dma2 semaphore(%run_scoped3A : memref<!tpu.dma_semaphore, #tpu.memory_space<semaphore_mem>>) src(%dma_wait3A_553 : memref<3328xi32, #tpu.memory_space<hbm>>) dst(%arg6 : memref<3328xi32, #tpu.memory_space<vmem>>)
      tpu.yield
    }) : () -> ()
    "tpu.region"() ({
      %run_scoped3A = tpu.sem_alloc : memref<!tpu.dma_semaphore, #tpu.memory_space<semaphore_mem>>
      tpu.enqueue_dma source(%arg4 : memref<16xf32, #tpu.memory_space<hbm>>) target(%arg7 : memref<16xf32, #tpu.memory_space<vmem>>) target_semaphore(%run_scoped3A : memref<!tpu.dma_semaphore, #tpu.memory_space<semaphore_mem>>)
      tpu.wait_dma2 semaphore(%run_scoped3A : memref<!tpu.dma_semaphore, #tpu.memory_space<semaphore_mem>>) src(%arg4 : memref<16xf32, #tpu.memory_space<hbm>>) dst(%arg7 : memref<16xf32, #tpu.memory_space<vmem>>)
      tpu.yield
    }) : () -> ()
    %get3A = arith.constant 0 : index
    %get3A_5 = tpu.vector_load %arg7[%get3A] {strides = array<i32>} : memref<16xf32, #tpu.memory_space<vmem>>, vector<16xf32>,
    %get3A_6 = vector.shape_cast %get3A_5 : vector<16xf32> to vector<16xf32>
    %dma_start3A = arith.constant 0 : i32
    %dma_start3A_7 = tpu.memref_slice %arg6[%dma_start3A] : memref<3328xi32, #tpu.memory_space<vmem>> -> memref<128xi32, #tpu.memory_space<vmem>>
    %dma_start3A_8 = arith.constant 0 : i32
    %dma_start3A_9 = arith.constant 0 : i32
    %dma_start3A_10 = tpu.memref_slice %arg2[%dma_start3A_8, %dma_start3A_9] : memref<100000x32xi32, #tpu.memory_space<hbm>> -> memref<100000x32xi32, #tpu.memory_space<hbm>>
    tpu.enqueue_indirect_dma source(%dma_start3A_10 : memref<100000x32xi32, #tpu.memory_space<hbm>>) target(%arg8 : memref<128x32xi32, #tpu.memory_space<vmem>>) offsets(%dma_start3A_7 : memref<128xi32, #tpu.memory_space<vmem>>) semaphore(%arg12 : memref<!tpu.dma_semaphore, #tpu.memory_space<semaphore_mem>>)
    %dma_start3A_11 = arith.constant 128 : i32
    %dma_start3A_12 = tpu.memref_slice %arg6[%dma_start3A_11] : memref<3328xi32, #tpu.memory_space<vmem>> -> memref<128xi32, #tpu.memory_space<vmem>>
    %dma_start3A_13 = arith.constant 0 : i32
    %dma_start3A_14 = arith.constant 0 : i32
    %dma_start3A_15 = tpu.memref_slice %arg2[%dma_start3A_13, %dma_start3A_14] : memref<100000x32xi32, #tpu.memory_space<hbm>> -> memref<100000x32xi32, #tpu.memory_space<hbm>>
    tpu.enqueue_indirect_dma source(%dma_start3A_15 : memref<100000x32xi32, #tpu.memory_space<hbm>>) target(%arg9 : memref<128x32xi32, #tpu.memory_space<vmem>>) offsets(%dma_start3A_12 : memref<128xi32, #tpu.memory_space<vmem>>) semaphore(%arg13 : memref<!tpu.dma_semaphore, #tpu.memory_space<semaphore_mem>>)
    %dma_wait3A = arith.constant 0 : i32
    %dma_wait3A_16 = tpu.memref_slice %arg6[%dma_wait3A] : memref<3328xi32, #tpu.memory_space<vmem>> -> memref<128xi32, #tpu.memory_space<vmem>>
    %dma_wait3A_17 = arith.constant 0 : i32
    %dma_wait3A_18 = arith.constant 0 : i32
    %dma_wait3A_19 = tpu.memref_slice %arg2[%dma_wait3A_17, %dma_wait3A_18] : memref<100000x32xi32, #tpu.memory_space<hbm>> -> memref<100000x32xi32, #tpu.memory_space<hbm>>
    tpu.wait_indirect_dma semaphore(%arg12 : memref<!tpu.dma_semaphore, #tpu.memory_space<semaphore_mem>>) src(%dma_wait3A_19 : memref<100000x32xi32, #tpu.memory_space<hbm>>) dst(%arg8 : memref<128x32xi32, #tpu.memory_space<vmem>>)
    %parallel_loop3A = arith.constant 0 : i32
    %parallel_loop3A_20 = arith.constant 128 : i32
    %parallel_loop3A_21 = arith.constant 1 : i32
    scf.for %parallel_loop3A_550 = %parallel_loop3A to %parallel_loop3A_20 step %parallel_loop3A_21  : i32 {
      %parallel_loop3A_551 = arith.constant 64 : i32
      %parallel_loop3A_552 = arith.muli %parallel_loop3A_550, %parallel_loop3A_551 : i32
      %parallel_loop3A_553 = arith.index_cast %parallel_loop3A_550 : i32 to index
      %parallel_loop3A_554 = arith.constant 0 : index
      %parallel_loop3A_555 = tpu.vector_load %arg8[%parallel_loop3A_553, %parallel_loop3A_554] {strides = array<i32>} : memref<128x32xi32, #tpu.memory_space<vmem>>, vector<1x16xi32>,
      %parallel_loop3A_556 = vector.shape_cast %parallel_loop3A_555 : vector<1x16xi32> to vector<16xi32>
      %parallel_loop3A_557 = arith.index_cast %parallel_loop3A_550 : i32 to index
      %parallel_loop3A_558 = arith.constant 16 : index
      %parallel_loop3A_559 = tpu.vector_load %arg8[%parallel_loop3A_557, %parallel_loop3A_558] {strides = array<i32>} : memref<128x32xi32, #tpu.memory_space<vmem>>, vector<1x16xi32>,
      %parallel_loop3A_560 = vector.shape_cast %parallel_loop3A_559 : vector<1x16xi32> to vector<16xi32>
      %parallel_loop3A_561 = arith.constant 32767 : i32
      %parallel_loop3A_562 = vector.broadcast %parallel_loop3A_561 : i32 to vector<16xi32>
      %parallel_loop3A_563 = arith.andi %parallel_loop3A_556, %parallel_loop3A_562 : vector<16xi32>
      %parallel_loop3A_564 = arith.constant 13 : i32
      %parallel_loop3A_565 = vector.broadcast %parallel_loop3A_564 : i32 to vector<16xi32>
      %parallel_loop3A_566 = arith.shli %parallel_loop3A_563, %parallel_loop3A_565 : vector<16xi32>
      %parallel_loop3A_567 = tpu.bitcast %parallel_loop3A_566 : vector<16xi32> -> vector<16xf32>
      %parallel_loop3A_568 = arith.mulf %parallel_loop3A_567, %get3A_6 : vector<16xf32>
      %parallel_loop3A_569 = arith.constant 16 : i32
      %parallel_loop3A_570 = vector.broadcast %parallel_loop3A_569 : i32 to vector<16xi32>
      %parallel_loop3A_571 = arith.shli %parallel_loop3A_556, %parallel_loop3A_570 : vector<16xi32>
      %parallel_loop3A_572 = arith.constant -2147483648 : i32
      %parallel_loop3A_573 = vector.broadcast %parallel_loop3A_572 : i32 to vector<16xi32>
      %parallel_loop3A_574 = arith.andi %parallel_loop3A_571, %parallel_loop3A_573 : vector<16xi32>
      %parallel_loop3A_575 = tpu.bitcast %parallel_loop3A_568 : vector<16xf32> -> vector<16xi32>
      %parallel_loop3A_576 = arith.ori %parallel_loop3A_575, %parallel_loop3A_574 : vector<16xi32>
      %parallel_loop3A_577 = tpu.bitcast %parallel_loop3A_576 : vector<16xi32> -> vector<16xf32>
      %parallel_loop3A_578 = arith.constant 2147418112 : i32
      %parallel_loop3A_579 = vector.broadcast %parallel_loop3A_578 : i32 to vector<16xi32>
      %parallel_loop3A_580 = arith.andi %parallel_loop3A_556, %parallel_loop3A_579 : vector<16xi32>
      %parallel_loop3A_581 = arith.constant 3 : i32
      %parallel_loop3A_582 = vector.broadcast %parallel_loop3A_581 : i32 to vector<16xi32>
      %parallel_loop3A_583 = arith.shrui %parallel_loop3A_580, %parallel_loop3A_582 : vector<16xi32>
      %parallel_loop3A_584 = tpu.bitcast %parallel_loop3A_583 : vector<16xi32> -> vector<16xf32>
      %parallel_loop3A_585 = arith.mulf %parallel_loop3A_584, %get3A_6 : vector<16xf32>
      %parallel_loop3A_586 = arith.constant -2147483648 : i32
      %parallel_loop3A_587 = vector.broadcast %parallel_loop3A_586 : i32 to vector<16xi32>
      %parallel_loop3A_588 = arith.andi %parallel_loop3A_556, %parallel_loop3A_587 : vector<16xi32>
      %parallel_loop3A_589 = tpu.bitcast %parallel_loop3A_585 : vector<16xf32> -> vector<16xi32>
      %parallel_loop3A_590 = arith.ori %parallel_loop3A_589, %parallel_loop3A_588 : vector<16xi32>
      %parallel_loop3A_591 = tpu.bitcast %parallel_loop3A_590 : vector<16xi32> -> vector<16xf32>
      %parallel_loop3A_592 = arith.constant 32767 : i32
      %parallel_loop3A_593 = vector.broadcast %parallel_loop3A_592 : i32 to vector<16xi32>
      %parallel_loop3A_594 = arith.andi %parallel_loop3A_560, %parallel_loop3A_593 : vector<16xi32>
      %parallel_loop3A_595 = arith.constant 13 : i32
      %parallel_loop3A_596 = vector.broadcast %parallel_loop3A_595 : i32 to vector<16xi32>
      %parallel_loop3A_597 = arith.shli %parallel_loop3A_594, %parallel_loop3A_596 : vector<16xi32>
      %parallel_loop3A_598 = tpu.bitcast %parallel_loop3A_597 : vector<16xi32> -> vector<16xf32>
      %parallel_loop3A_599 = arith.mulf %parallel_loop3A_598, %get3A_6 : vector<16xf32>
      %parallel_loop3A_600 = arith.constant 16 : i32
      %parallel_loop3A_601 = vector.broadcast %parallel_loop3A_600 : i32 to vector<16xi32>
      %parallel_loop3A_602 = arith.shli %parallel_loop3A_560, %parallel_loop3A_601 : vector<16xi32>
      %parallel_loop3A_603 = arith.constant -2147483648 : i32
      %parallel_loop3A_604 = vector.broadcast %parallel_loop3A_603 : i32 to vector<16xi32>
      %parallel_loop3A_605 = arith.andi %parallel_loop3A_602, %parallel_loop3A_604 : vector<16xi32>
      %parallel_loop3A_606 = tpu.bitcast %parallel_loop3A_599 : vector<16xf32> -> vector<16xi32>
      %parallel_loop3A_607 = arith.ori %parallel_loop3A_606, %parallel_loop3A_605 : vector<16xi32>
      %parallel_loop3A_608 = tpu.bitcast %parallel_loop3A_607 : vector<16xi32> -> vector<16xf32>
      %parallel_loop3A_609 = arith.constant 2147418112 : i32
      %parallel_loop3A_610 = vector.broadcast %parallel_loop3A_609 : i32 to vector<16xi32>
      %parallel_loop3A_611 = arith.andi %parallel_loop3A_560, %parallel_loop3A_610 : vector<16xi32>
      %parallel_loop3A_612 = arith.constant 3 : i32
      %parallel_loop3A_613 = vector.broadcast %parallel_loop3A_612 : i32 to vector<16xi32>
      %parallel_loop3A_614 = arith.shrui %parallel_loop3A_611, %parallel_loop3A_613 : vector<16xi32>
      %parallel_loop3A_615 = tpu.bitcast %parallel_loop3A_614 : vector<16xi32> -> vector<16xf32>
      %parallel_loop3A_616 = arith.mulf %parallel_loop3A_615, %get3A_6 : vector<16xf32>
      %parallel_loop3A_617 = arith.constant -2147483648 : i32
      %parallel_loop3A_618 = vector.broadcast %parallel_loop3A_617 : i32 to vector<16xi32>
      %parallel_loop3A_619 = arith.andi %parallel_loop3A_560, %parallel_loop3A_618 : vector<16xi32>
      %parallel_loop3A_620 = tpu.bitcast %parallel_loop3A_616 : vector<16xf32> -> vector<16xi32>
      %parallel_loop3A_621 = arith.ori %parallel_loop3A_620, %parallel_loop3A_619 : vector<16xi32>
      %parallel_loop3A_622 = tpu.bitcast %parallel_loop3A_621 : vector<16xi32> -> vector<16xf32>
      %parallel_loop3A_623 = arith.index_cast %parallel_loop3A_552 : i32 to index
      %parallel_loop3A_624 = tpu.vector_load %arg10[%parallel_loop3A_623] {strides = array<i32>} : memref<8192xf32, #tpu.memory_space<vmem>>, vector<16xf32>,
      %parallel_loop3A_625 = vector.shape_cast %parallel_loop3A_624 : vector<16xf32> to vector<16xf32>
      %parallel_loop3A_626 = vector.shape_cast %parallel_loop3A_577 : vector<16xf32> to vector<16xf32>
      tpu.vector_store %arg10[%parallel_loop3A_623], %parallel_loop3A_626 {strides = array<i32>} : memref<8192xf32, #tpu.memory_space<vmem>>, vector<16xf32>,
      %parallel_loop3A_627 = arith.constant 16 : i32
      %parallel_loop3A_628 = arith.addi %parallel_loop3A_552, %parallel_loop3A_627 : i32
      %parallel_loop3A_629 = arith.index_cast %parallel_loop3A_628 : i32 to index
      %parallel_loop3A_630 = tpu.vector_load %arg10[%parallel_loop3A_629] {strides = array<i32>} : memref<8192xf32, #tpu.memory_space<vmem>>, vector<16xf32>,
      %parallel_loop3A_631 = vector.shape_cast %parallel_loop3A_630 : vector<16xf32> to vector<16xf32>
      %parallel_loop3A_632 = vector.shape_cast %parallel_loop3A_608 : vector<16xf32> to vector<16xf32>
      tpu.vector_store %arg10[%parallel_loop3A_629], %parallel_loop3A_632 {strides = array<i32>} : memref<8192xf32, #tpu.memory_space<vmem>>, vector<16xf32>,
      %parallel_loop3A_633 = arith.constant 32 : i32
      %parallel_loop3A_634 = arith.addi %parallel_loop3A_552, %parallel_loop3A_633 : i32
      %parallel_loop3A_635 = arith.index_cast %parallel_loop3A_634 : i32 to index
      %parallel_loop3A_636 = tpu.vector_load %arg10[%parallel_loop3A_635] {strides = array<i32>} : memref<8192xf32, #tpu.memory_space<vmem>>, vector<16xf32>,
      %parallel_loop3A_637 = vector.shape_cast %parallel_loop3A_636 : vector<16xf32> to vector<16xf32>
      %parallel_loop3A_638 = vector.shape_cast %parallel_loop3A_591 : vector<16xf32> to vector<16xf32>
      tpu.vector_store %arg10[%parallel_loop3A_635], %parallel_loop3A_638 {strides = array<i32>} : memref<8192xf32, #tpu.memory_space<vmem>>, vector<16xf32>,
      %parallel_loop3A_639 = arith.constant 48 : i32
      %parallel_loop3A_640 = arith.addi %parallel_loop3A_552, %parallel_loop3A_639 : i32
      %parallel_loop3A_641 = arith.index_cast %parallel_loop3A_640 : i32 to index
      %parallel_loop3A_642 = tpu.vector_load %arg10[%parallel_loop3A_641] {strides = array<i32>} : memref<8192xf32, #tpu.memory_space<vmem>>, vector<16xf32>,
      %parallel_loop3A_643 = vector.shape_cast %parallel_loop3A_642 : vector<16xf32> to vector<16xf32>
      %parallel_loop3A_644 = vector.shape_cast %parallel_loop3A_622 : vector<16xf32> to vector<16xf32>
      tpu.vector_store %arg10[%parallel_loop3A_641], %parallel_loop3A_644 {strides = array<i32>} : memref<8192xf32, #tpu.memory_space<vmem>>, vector<16xf32>,
    } {sc.loop_unroll_factor = 2 : i64, sc.parallel_access}
    %add3A_22 = arith.constant 0 : i32
    %add3A_23 = arith.addi %mul3A_2, %add3A_22 : i32
    %mul3A_24 = arith.constant 8192 : i32
    %mul3A_25 = arith.muli %add3A_23, %mul3A_24 : i32
    %dma_start3A_26 = tpu.memref_slice %arg5[%mul3A_25] : memref<6815744xf32, #tpu.memory_space<hbm>> -> memref<8192xf32, #tpu.memory_space<hbm>>
    %dma_start3A_27 = tpu.memref_slice %arg5[%mul3A_25] : memref<6815744xf32, #tpu.memory_space<hbm>> -> memref<8192xf32, #tpu.memory_space<hbm>>
    tpu.enqueue_dma source(%arg10 : memref<8192xf32, #tpu.memory_space<vmem>>) target(%dma_start3A_27 : memref<8192xf32, #tpu.memory_space<hbm>>) target_semaphore(%arg14 : memref<!tpu.dma_semaphore, #tpu.memory_space<semaphore_mem>>)
    %dma_start3A_28 = arith.constant 256 : i32
    %dma_start3A_29 = tpu.memref_slice %arg6[%dma_start3A_28] : memref<3328xi32, #tpu.memory_space<vmem>> -> memref<128xi32, #tpu.memory_space<vmem>>
    %dma_start3A_30 = arith.constant 0 : i32
    %dma_start3A_31 = arith.constant 0 : i32
    %dma_start3A_32 = tpu.memref_slice %arg2[%dma_start3A_30, %dma_start3A_31] : memref<100000x32xi32, #tpu.memory_space<hbm>> -> memref<100000x32xi32, #tpu.memory_space<hbm>>
    tpu.enqueue_indirect_dma source(%dma_start3A_32 : memref<100000x32xi32, #tpu.memory_space<hbm>>) target(%arg8 : memref<128x32xi32, #tpu.memory_space<vmem>>) offsets(%dma_start3A_29 : memref<128xi32, #tpu.memory_space<vmem>>) semaphore(%arg12 : memref<!tpu.dma_semaphore, #tpu.memory_space<semaphore_mem>>)
    %dma_wait3A_33 = arith.constant 128 : i32
    %dma_wait3A_34 = tpu.memref_slice %arg6[%dma_wait3A_33] : memref<3328xi32, #tpu.memory_space<vmem>> -> memref<128xi32, #tpu.memory_space<vmem>>
    %dma_wait3A_35 = arith.constant 0 : i32
    %dma_wait3A_36 = arith.constant 0 : i32
    %dma_wait3A_37 = tpu.memref_slice %arg2[%dma_wait3A_35, %dma_wait3A_36] : memref<100000x32xi32, #tpu.memory_space<hbm>> -> memref<100000x32xi32, #tpu.memory_space<hbm>>
    tpu.wait_indirect_dma semaphore(%arg13 : memref<!tpu.dma_semaphore, #tpu.memory_space<semaphore_mem>>) src(%dma_wait3A_37 : memref<100000x32xi32, #tpu.memory_space<hbm>>) dst(%arg9 : memref<128x32xi32, #tpu.memory_space<vmem>>)
    %parallel_loop3A_38 = arith.constant 0 : i32
    %parallel_loop3A_39 = arith.constant 128 : i32
    %parallel_loop3A_40 = arith.constant 1 : i32
    scf.for %parallel_loop3A_550 = %parallel_loop3A_38 to %parallel_loop3A_39 step %parallel_loop3A_40  : i32 {
      %parallel_loop3A_551 = arith.constant 64 : i32
      %parallel_loop3A_552 = arith.muli %parallel_loop3A_550, %parallel_loop3A_551 : i32
      %parallel_loop3A_553 = arith.index_cast %parallel_loop3A_550 : i32 to index
      %parallel_loop3A_554 = arith.constant 0 : index
      %parallel_loop3A_555 = tpu.vector_load %arg9[%parallel_loop3A_553, %parallel_loop3A_554] {strides = array<i32>} : memref<128x32xi32, #tpu.memory_space<vmem>>, vector<1x16xi32>,
      %parallel_loop3A_556 = vector.shape_cast %parallel_loop3A_555 : vector<1x16xi32> to vector<16xi32>
      %parallel_loop3A_557 = arith.index_cast %parallel_loop3A_550 : i32 to index
      %parallel_loop3A_558 = arith.constant 16 : index
      %parallel_loop3A_559 = tpu.vector_load %arg9[%parallel_loop3A_557, %parallel_loop3A_558] {strides = array<i32>} : memref<128x32xi32, #tpu.memory_space<vmem>>, vector<1x16xi32>,
      %parallel_loop3A_560 = vector.shape_cast %parallel_loop3A_559 : vector<1x16xi32> to vector<16xi32>
      %parallel_loop3A_561 = arith.constant 32767 : i32
      %parallel_loop3A_562 = vector.broadcast %parallel_loop3A_561 : i32 to vector<16xi32>
      %parallel_loop3A_563 = arith.andi %parallel_loop3A_556, %parallel_loop3A_562 : vector<16xi32>
      %parallel_loop3A_564 = arith.constant 13 : i32
      %parallel_loop3A_565 = vector.broadcast %parallel_loop3A_564 : i32 to vector<16xi32>
      %parallel_loop3A_566 = arith.shli %parallel_loop3A_563, %parallel_loop3A_565 : vector<16xi32>
      %parallel_loop3A_567 = tpu.bitcast %parallel_loop3A_566 : vector<16xi32> -> vector<16xf32>
      %parallel_loop3A_568 = arith.mulf %parallel_loop3A_567, %get3A_6 : vector<16xf32>
      %parallel_loop3A_569 = arith.constant 16 : i32
      %parallel_loop3A_570 = vector.broadcast %parallel_loop3A_569 : i32 to vector<16xi32>
      %parallel_loop3A_571 = arith.shli %parallel_loop3A_556, %parallel_loop3A_570 : vector<16xi32>
      %parallel_loop3A_572 = arith.constant -2147483648 : i32
      %parallel_loop3A_573 = vector.broadcast %parallel_loop3A_572 : i32 to vector<16xi32>
      %parallel_loop3A_574 = arith.andi %parallel_loop3A_571, %parallel_loop3A_573 : vector<16xi32>
      %parallel_loop3A_575 = tpu.bitcast %parallel_loop3A_568 : vector<16xf32> -> vector<16xi32>
      %parallel_loop3A_576 = arith.ori %parallel_loop3A_575, %parallel_loop3A_574 : vector<16xi32>
      %parallel_loop3A_577 = tpu.bitcast %parallel_loop3A_576 : vector<16xi32> -> vector<16xf32>
      %parallel_loop3A_578 = arith.constant 2147418112 : i32
      %parallel_loop3A_579 = vector.broadcast %parallel_loop3A_578 : i32 to vector<16xi32>
      %parallel_loop3A_580 = arith.andi %parallel_loop3A_556, %parallel_loop3A_579 : vector<16xi32>
      %parallel_loop3A_581 = arith.constant 3 : i32
      %parallel_loop3A_582 = vector.broadcast %parallel_loop3A_581 : i32 to vector<16xi32>
      %parallel_loop3A_583 = arith.shrui %parallel_loop3A_580, %parallel_loop3A_582 : vector<16xi32>
      %parallel_loop3A_584 = tpu.bitcast %parallel_loop3A_583 : vector<16xi32> -> vector<16xf32>
      %parallel_loop3A_585 = arith.mulf %parallel_loop3A_584, %get3A_6 : vector<16xf32>
      %parallel_loop3A_586 = arith.constant -2147483648 : i32
      %parallel_loop3A_587 = vector.broadcast %parallel_loop3A_586 : i32 to vector<16xi32>
      %parallel_loop3A_588 = arith.andi %parallel_loop3A_556, %parallel_loop3A_587 : vector<16xi32>
      %parallel_loop3A_589 = tpu.bitcast %parallel_loop3A_585 : vector<16xf32> -> vector<16xi32>
      %parallel_loop3A_590 = arith.ori %parallel_loop3A_589, %parallel_loop3A_588 : vector<16xi32>
      %parallel_loop3A_591 = tpu.bitcast %parallel_loop3A_590 : vector<16xi32> -> vector<16xf32>
      %parallel_loop3A_592 = arith.constant 32767 : i32
      %parallel_loop3A_593 = vector.broadcast %parallel_loop3A_592 : i32 to vector<16xi32>
      %parallel_loop3A_594 = arith.andi %parallel_loop3A_560, %parallel_loop3A_593 : vector<16xi32>
      %parallel_loop3A_595 = arith.constant 13 : i32
      %parallel_loop3A_596 = vector.broadcast %parallel_loop3A_595 : i32 to vector<16xi32>
      %parallel_loop3A_597 = arith.shli %parallel_loop3A_594, %parallel_loop3A_596 : vector<16xi32>
      %parallel_loop3A_598 = tpu.bitcast %parallel_loop3A_597 : vector<16xi32> -> vector<16xf32>
      %parallel_loop3A_599 = arith.mulf %parallel_loop3A_598, %get3A_6 : vector<16xf32>
      %parallel_loop3A_600 = arith.constant 16 : i32
      %parallel_loop3A_601 = vector.broadcast %parallel_loop3A_600 : i32 to vector<16xi32>
      %parallel_loop3A_602 = arith.shli %parallel_loop3A_560, %parallel_loop3A_601 : vector<16xi32>
      %parallel_loop3A_603 = arith.constant -2147483648 : i32
      %parallel_loop3A_604 = vector.broadcast %parallel_loop3A_603 : i32 to vector<16xi32>
      %parallel_loop3A_605 = arith.andi %parallel_loop3A_602, %parallel_loop3A_604 : vector<16xi32>
      %parallel_loop3A_606 = tpu.bitcast %parallel_loop3A_599 : vector<16xf32> -> vector<16xi32>
      %parallel_loop3A_607 = arith.ori %parallel_loop3A_606, %parallel_loop3A_605 : vector<16xi32>
      %parallel_loop3A_608 = tpu.bitcast %parallel_loop3A_607 : vector<16xi32> -> vector<16xf32>
      %parallel_loop3A_609 = arith.constant 2147418112 : i32
      %parallel_loop3A_610 = vector.broadcast %parallel_loop3A_609 : i32 to vector<16xi32>
      %parallel_loop3A_611 = arith.andi %parallel_loop3A_560, %parallel_loop3A_610 : vector<16xi32>
      %parallel_loop3A_612 = arith.constant 3 : i32
      %parallel_loop3A_613 = vector.broadcast %parallel_loop3A_612 : i32 to vector<16xi32>
      %parallel_loop3A_614 = arith.shrui %parallel_loop3A_611, %parallel_loop3A_613 : vector<16xi32>
      %parallel_loop3A_615 = tpu.bitcast %parallel_loop3A_614 : vector<16xi32> -> vector<16xf32>
      %parallel_loop3A_616 = arith.mulf %parallel_loop3A_615, %get3A_6 : vector<16xf32>
      %parallel_loop3A_617 = arith.constant -2147483648 : i32
      %parallel_loop3A_618 = vector.broadcast %parallel_loop3A_617 : i32 to vector<16xi32>
      %parallel_loop3A_619 = arith.andi %parallel_loop3A_560, %parallel_loop3A_618 : vector<16xi32>
      %parallel_loop3A_620 = tpu.bitcast %parallel_loop3A_616 : vector<16xf32> -> vector<16xi32>
      %parallel_loop3A_621 = arith.ori %parallel_loop3A_620, %parallel_loop3A_619 : vector<16xi32>
      %parallel_loop3A_622 = tpu.bitcast %parallel_loop3A_621 : vector<16xi32> -> vector<16xf32>
      %parallel_loop3A_623 = arith.index_cast %parallel_loop3A_552 : i32 to index
      %parallel_loop3A_624 = tpu.vector_load %arg11[%parallel_loop3A_623] {strides = array<i32>} : memref<8192xf32, #tpu.memory_space<vmem>>, vector<16xf32>,
      %parallel_loop3A_625 = vector.shape_cast %parallel_loop3A_624 : vector<16xf32> to vector<16xf32>
      %parallel_loop3A_626 = vector.shape_cast %parallel_loop3A_577 : vector<16xf32> to vector<16xf32>
      tpu.vector_store %arg11[%parallel_loop3A_623], %parallel_loop3A_626 {strides = array<i32>} : memref<8192xf32, #tpu.memory_space<vmem>>, vector<16xf32>,
      %parallel_loop3A_627 = arith.constant 16 : i32
      %parallel_loop3A_628 = arith.addi %parallel_loop3A_552, %parallel_loop3A_627 : i32
      %parallel_loop3A_629 = arith.index_cast %parallel_loop3A_628 : i32 to index
      %parallel_loop3A_630 = tpu.vector_load %arg11[%parallel_loop3A_629] {strides = array<i32>} : memref<8192xf32, #tpu.memory_space<vmem>>, vector<16xf32>,
      %parallel_loop3A_631 = vector.shape_cast %parallel_loop3A_630 : vector<16xf32> to vector<16xf32>
      %parallel_loop3A_632 = vector.shape_cast %parallel_loop3A_608 : vector<16xf32> to vector<16xf32>
      tpu.vector_store %arg11[%parallel_loop3A_629], %parallel_loop3A_632 {strides = array<i32>} : memref<8192xf32, #tpu.memory_space<vmem>>, vector<16xf32>,
      %parallel_loop3A_633 = arith.constant 32 : i32
      %parallel_loop3A_634 = arith.addi %parallel_loop3A_552, %parallel_loop3A_633 : i32
      %parallel_loop3A_635 = arith.index_cast %parallel_loop3A_634 : i32 to index
      %parallel_loop3A_636 = tpu.vector_load %arg11[%parallel_loop3A_635] {strides = array<i32>} : memref<8192xf32, #tpu.memory_space<vmem>>, vector<16xf32>,
      %parallel_loop3A_637 = vector.shape_cast %parallel_loop3A_636 : vector<16xf32> to vector<16xf32>
      %parallel_loop3A_638 = vector.shape_cast %parallel_loop3A_591 : vector<16xf32> to vector<16xf32>
      tpu.vector_store %arg11[%parallel_loop3A_635], %parallel_loop3A_638 {strides = array<i32>} : memref<8192xf32, #tpu.memory_space<vmem>>, vector<16xf32>,
      %parallel_loop3A_639 = arith.constant 48 : i32
      %parallel_loop3A_640 = arith.addi %parallel_loop3A_552, %parallel_loop3A_639 : i32
      %parallel_loop3A_641 = arith.index_cast %parallel_loop3A_640 : i32 to index
      %parallel_loop3A_642 = tpu.vector_load %arg11[%parallel_loop3A_641] {strides = array<i32>} : memref<8192xf32, #tpu.memory_space<vmem>>, vector<16xf32>,
      %parallel_loop3A_643 = vector.shape_cast %parallel_loop3A_642 : vector<16xf32> to vector<16xf32>
      %parallel_loop3A_644 = vector.shape_cast %parallel_loop3A_622 : vector<16xf32> to vector<16xf32>
      tpu.vector_store %arg11[%parallel_loop3A_641], %parallel_loop3A_644 {strides = array<i32>} : memref<8192xf32, #tpu.memory_space<vmem>>, vector<16xf32>,
    } {sc.loop_unroll_factor = 2 : i64, sc.parallel_access}
    %add3A_41 = arith.constant 1 : i32
    %add3A_42 = arith.addi %mul3A_2, %add3A_41 : i32
    %mul3A_43 = arith.constant 8192 : i32
    %mul3A_44 = arith.muli %add3A_42, %mul3A_43 : i32
    %dma_start3A_45 = tpu.memref_slice %arg5[%mul3A_44] : memref<6815744xf32, #tpu.memory_space<hbm>> -> memref<8192xf32, #tpu.memory_space<hbm>>
    %dma_start3A_46 = tpu.memref_slice %arg5[%mul3A_44] : memref<6815744xf32, #tpu.memory_space<hbm>> -> memref<8192xf32, #tpu.memory_space<hbm>>
    tpu.enqueue_dma source(%arg11 : memref<8192xf32, #tpu.memory_space<vmem>>) target(%dma_start3A_46 : memref<8192xf32, #tpu.memory_space<hbm>>) target_semaphore(%arg15 : memref<!tpu.dma_semaphore, #tpu.memory_space<semaphore_mem>>)
    %dma_start3A_47 = arith.constant 384 : i32
    %dma_start3A_48 = tpu.memref_slice %arg6[%dma_start3A_47] : memref<3328xi32, #tpu.memory_space<vmem>> -> memref<128xi32, #tpu.memory_space<vmem>>
    %dma_start3A_49 = arith.constant 0 : i32
    %dma_start3A_50 = arith.constant 0 : i32
    %dma_start3A_51 = tpu.memref_slice %arg2[%dma_start3A_49, %dma_start3A_50] : memref<100000x32xi32, #tpu.memory_space<hbm>> -> memref<100000x32xi32, #tpu.memory_space<hbm>>
    tpu.enqueue_indirect_dma source(%dma_start3A_51 : memref<100000x32xi32, #tpu.memory_space<hbm>>) target(%arg9 : memref<128x32xi32, #tpu.memory_space<vmem>>) offsets(%dma_start3A_48 : memref<128xi32, #tpu.memory_space<vmem>>) semaphore(%arg13 : memref<!tpu.dma_semaphore, #tpu.memory_space<semaphore_mem>>)
    %dma_wait3A_52 = arith.constant 256 : i32
    %dma_wait3A_53 = tpu.memref_slice %arg6[%dma_wait3A_52] : memref<3328xi32, #tpu.memory_space<vmem>> -> memref<128xi32, #tpu.memory_space<vmem>>
    %dma_wait3A_54 = arith.constant 0 : i32
    %dma_wait3A_55 = arith.constant 0 : i32
    %dma_wait3A_56 = tpu.memref_slice %arg2[%dma_wait3A_54, %dma_wait3A_55] : memref<100000x32xi32, #tpu.memory_space<hbm>> -> memref<100000x32xi32, #tpu.memory_space<hbm>>
    tpu.wait_indirect_dma semaphore(%arg12 : memref<!tpu.dma_semaphore, #tpu.memory_space<semaphore_mem>>) src(%dma_wait3A_56 : memref<100000x32xi32, #tpu.memory_space<hbm>>) dst(%arg8 : memref<128x32xi32, #tpu.memory_space<vmem>>)
    %dma_wait3A_57 = tpu.memref_slice %arg5[%mul3A_25] : memref<6815744xf32, #tpu.memory_space<hbm>> -> memref<8192xf32, #tpu.memory_space<hbm>>
    %dma_wait3A_58 = tpu.memref_slice %arg5[%mul3A_25] : memref<6815744xf32, #tpu.memory_space<hbm>> -> memref<8192xf32, #tpu.memory_space<hbm>>
    tpu.wait_dma2 semaphore(%arg14 : memref<!tpu.dma_semaphore, #tpu.memory_space<semaphore_mem>>) src(%arg10 : memref<8192xf32, #tpu.memory_space<vmem>>) dst(%dma_wait3A_58 : memref<8192xf32, #tpu.memory_space<hbm>>)
    %parallel_loop3A_59 = arith.constant 0 : i32
    %parallel_loop3A_60 = arith.constant 128 : i32
    %parallel_loop3A_61 = arith.constant 1 : i32
    scf.for %parallel_loop3A_550 = %parallel_loop3A_59 to %parallel_loop3A_60 step %parallel_loop3A_61  : i32 {
      %parallel_loop3A_551 = arith.constant 64 : i32
      %parallel_loop3A_552 = arith.muli %parallel_loop3A_550, %parallel_loop3A_551 : i32
      %parallel_loop3A_553 = arith.index_cast %parallel_loop3A_550 : i32 to index
      %parallel_loop3A_554 = arith.constant 0 : index
      %parallel_loop3A_555 = tpu.vector_load %arg8[%parallel_loop3A_553, %parallel_loop3A_554] {strides = array<i32>} : memref<128x32xi32, #tpu.memory_space<vmem>>, vector<1x16xi32>,
      %parallel_loop3A_556 = vector.shape_cast %parallel_loop3A_555 : vector<1x16xi32> to vector<16xi32>
      %parallel_loop3A_557 = arith.index_cast %parallel_loop3A_550 : i32 to index
      %parallel_loop3A_558 = arith.constant 16 : index
      %parallel_loop3A_559 = tpu.vector_load %arg8[%parallel_loop3A_557, %parallel_loop3A_558] {strides = array<i32>} : memref<128x32xi32, #tpu.memory_space<vmem>>, vector<1x16xi32>,
      %parallel_loop3A_560 = vector.shape_cast %parallel_loop3A_559 : vector<1x16xi32> to vector<16xi32>
      %parallel_loop3A_561 = arith.constant 32767 : i32
      %parallel_loop3A_562 = vector.broadcast %parallel_loop3A_561 : i32 to vector<16xi32>
      %parallel_loop3A_563 = arith.andi %parallel_loop3A_556, %parallel_loop3A_562 : vector<16xi32>
      %parallel_loop3A_564 = arith.constant 13 : i32
      %parallel_loop3A_565 = vector.broadcast %parallel_loop3A_564 : i32 to vector<16xi32>
      %parallel_loop3A_566 = arith.shli %parallel_loop3A_563, %parallel_loop3A_565 : vector<16xi32>
      %parallel_loop3A_567 = tpu.bitcast %parallel_loop3A_566 : vector<16xi32> -> vector<16xf32>
      %parallel_loop3A_568 = arith.mulf %parallel_loop3A_567, %get3A_6 : vector<16xf32>
      %parallel_loop3A_569 = arith.constant 16 : i32
      %parallel_loop3A_570 = vector.broadcast %parallel_loop3A_569 : i32 to vector<16xi32>
      %parallel_loop3A_571 = arith.shli %parallel_loop3A_556, %parallel_loop3A_570 : vector<16xi32>
      %parallel_loop3A_572 = arith.constant -2147483648 : i32
      %parallel_loop3A_573 = vector.broadcast %parallel_loop3A_572 : i32 to vector<16xi32>
      %parallel_loop3A_574 = arith.andi %parallel_loop3A_571, %parallel_loop3A_573 : vector<16xi32>
      %parallel_loop3A_575 = tpu.bitcast %parallel_loop3A_568 : vector<16xf32> -> vector<16xi32>
      %parallel_loop3A_576 = arith.ori %parallel_loop3A_575, %parallel_loop3A_574 : vector<16xi32>
      %parallel_loop3A_577 = tpu.bitcast %parallel_loop3A_576 : vector<16xi32> -> vector<16xf32>
      %parallel_loop3A_578 = arith.constant 2147418112 : i32
      %parallel_loop3A_579 = vector.broadcast %parallel_loop3A_578 : i32 to vector<16xi32>
      %parallel_loop3A_580 = arith.andi %parallel_loop3A_556, %parallel_loop3A_579 : vector<16xi32>
      %parallel_loop3A_581 = arith.constant 3 : i32
      %parallel_loop3A_582 = vector.broadcast %parallel_loop3A_581 : i32 to vector<16xi32>
      %parallel_loop3A_583 = arith.shrui %parallel_loop3A_580, %parallel_loop3A_582 : vector<16xi32>
      %parallel_loop3A_584 = tpu.bitcast %parallel_loop3A_583 : vector<16xi32> -> vector<16xf32>
      %parallel_loop3A_585 = arith.mulf %parallel_loop3A_584, %get3A_6 : vector<16xf32>
      %parallel_loop3A_586 = arith.constant -2147483648 : i32
      %parallel_loop3A_587 = vector.broadcast %parallel_loop3A_586 : i32 to vector<16xi32>
      %parallel_loop3A_588 = arith.andi %parallel_loop3A_556, %parallel_loop3A_587 : vector<16xi32>
      %parallel_loop3A_589 = tpu.bitcast %parallel_loop3A_585 : vector<16xf32> -> vector<16xi32>
      %parallel_loop3A_590 = arith.ori %parallel_loop3A_589, %parallel_loop3A_588 : vector<16xi32>
      %parallel_loop3A_591 = tpu.bitcast %parallel_loop3A_590 : vector<16xi32> -> vector<16xf32>
      %parallel_loop3A_592 = arith.constant 32767 : i32
      %parallel_loop3A_593 = vector.broadcast %parallel_loop3A_592 : i32 to vector<16xi32>
      %parallel_loop3A_594 = arith.andi %parallel_loop3A_560, %parallel_loop3A_593 : vector<16xi32>
      %parallel_loop3A_595 = arith.constant 13 : i32
      %parallel_loop3A_596 = vector.broadcast %parallel_loop3A_595 : i32 to vector<16xi32>
      %parallel_loop3A_597 = arith.shli %parallel_loop3A_594, %parallel_loop3A_596 : vector<16xi32>
      %parallel_loop3A_598 = tpu.bitcast %parallel_loop3A_597 : vector<16xi32> -> vector<16xf32>
      %parallel_loop3A_599 = arith.mulf %parallel_loop3A_598, %get3A_6 : vector<16xf32>
      %parallel_loop3A_600 = arith.constant 16 : i32
      %parallel_loop3A_601 = vector.broadcast %parallel_loop3A_600 : i32 to vector<16xi32>
      %parallel_loop3A_602 = arith.shli %parallel_loop3A_560, %parallel_loop3A_601 : vector<16xi32>
      %parallel_loop3A_603 = arith.constant -2147483648 : i32
      %parallel_loop3A_604 = vector.broadcast %parallel_loop3A_603 : i32 to vector<16xi32>
      %parallel_loop3A_605 = arith.andi %parallel_loop3A_602, %parallel_loop3A_604 : vector<16xi32>
      %parallel_loop3A_606 = tpu.bitcast %parallel_loop3A_599 : vector<16xf32> -> vector<16xi32>
      %parallel_loop3A_607 = arith.ori %parallel_loop3A_606, %parallel_loop3A_605 : vector<16xi32>
      %parallel_loop3A_608 = tpu.bitcast %parallel_loop3A_607 : vector<16xi32> -> vector<16xf32>
      %parallel_loop3A_609 = arith.constant 2147418112 : i32
      %parallel_loop3A_610 = vector.broadcast %parallel_loop3A_609 : i32 to vector<16xi32>
      %parallel_loop3A_611 = arith.andi %parallel_loop3A_560, %parallel_loop3A_610 : vector<16xi32>
      %parallel_loop3A_612 = arith.constant 3 : i32
      %parallel_loop3A_613 = vector.broadcast %parallel_loop3A_612 : i32 to vector<16xi32>
      %parallel_loop3A_614 = arith.shrui %parallel_loop3A_611, %parallel_loop3A_613 : vector<16xi32>
      %parallel_loop3A_615 = tpu.bitcast %parallel_loop3A_614 : vector<16xi32> -> vector<16xf32>
      %parallel_loop3A_616 = arith.mulf %parallel_loop3A_615, %get3A_6 : vector<16xf32>
      %parallel_loop3A_617 = arith.constant -2147483648 : i32
      %parallel_loop3A_618 = vector.broadcast %parallel_loop3A_617 : i32 to vector<16xi32>
      %parallel_loop3A_619 = arith.andi %parallel_loop3A_560, %parallel_loop3A_618 : vector<16xi32>
      %parallel_loop3A_620 = tpu.bitcast %parallel_loop3A_616 : vector<16xf32> -> vector<16xi32>
      %parallel_loop3A_621 = arith.ori %parallel_loop3A_620, %parallel_loop3A_619 : vector<16xi32>
      %parallel_loop3A_622 = tpu.bitcast %parallel_loop3A_621 : vector<16xi32> -> vector<16xf32>
      %parallel_loop3A_623 = arith.index_cast %parallel_loop3A_552 : i32 to index
      %parallel_loop3A_624 = tpu.vector_load %arg10[%parallel_loop3A_623] {strides = array<i32>} : memref<8192xf32, #tpu.memory_space<vmem>>, vector<16xf32>,
      %parallel_loop3A_625 = vector.shape_cast %parallel_loop3A_624 : vector<16xf32> to vector<16xf32>
      %parallel_loop3A_626 = vector.shape_cast %parallel_loop3A_577 : vector<16xf32> to vector<16xf32>
      tpu.vector_store %arg10[%parallel_loop3A_623], %parallel_loop3A_626 {strides = array<i32>} : memref<8192xf32, #tpu.memory_space<vmem>>, vector<16xf32>,
      %parallel_loop3A_627 = arith.constant 16 : i32
      %parallel_loop3A_628 = arith.addi %parallel_loop3A_552, %parallel_loop3A_627 : i32
      %parallel_loop3A_629 = arith.index_cast %parallel_loop3A_628 : i32 to index
      %parallel_loop3A_630 = tpu.vector_load %arg10[%parallel_loop3A_629] {strides = array<i32>} : memref<8192xf32, #tpu.memory_space<vmem>>, vector<16xf32>,
      %parallel_loop3A_631 = vector.shape_cast %parallel_loop3A_630 : vector<16xf32> to vector<16xf32>
      %parallel_loop3A_632 = vector.shape_cast %parallel_loop3A_608 : vector<16xf32> to vector<16xf32>
      tpu.vector_store %arg10[%parallel_loop3A_629], %parallel_loop3A_632 {strides = array<i32>} : memref<8192xf32, #tpu.memory_space<vmem>>, vector<16xf32>,
      %parallel_loop3A_633 = arith.constant 32 : i32
      %parallel_loop3A_634 = arith.addi %parallel_loop3A_552, %parallel_loop3A_633 : i32
      %parallel_loop3A_635 = arith.index_cast %parallel_loop3A_634 : i32 to index
      %parallel_loop3A_636 = tpu.vector_load %arg10[%parallel_loop3A_635] {strides = array<i32>} : memref<8192xf32, #tpu.memory_space<vmem>>, vector<16xf32>,
      %parallel_loop3A_637 = vector.shape_cast %parallel_loop3A_636 : vector<16xf32> to vector<16xf32>
      %parallel_loop3A_638 = vector.shape_cast %parallel_loop3A_591 : vector<16xf32> to vector<16xf32>
      tpu.vector_store %arg10[%parallel_loop3A_635], %parallel_loop3A_638 {strides = array<i32>} : memref<8192xf32, #tpu.memory_space<vmem>>, vector<16xf32>,
      %parallel_loop3A_639 = arith.constant 48 : i32
      %parallel_loop3A_640 = arith.addi %parallel_loop3A_552, %parallel_loop3A_639 : i32
      %parallel_loop3A_641 = arith.index_cast %parallel_loop3A_640 : i32 to index
      %parallel_loop3A_642 = tpu.vector_load %arg10[%parallel_loop3A_641] {strides = array<i32>} : memref<8192xf32, #tpu.memory_space<vmem>>, vector<16xf32>,
      %parallel_loop3A_643 = vector.shape_cast %parallel_loop3A_642 : vector<16xf32> to vector<16xf32>
      %parallel_loop3A_644 = vector.shape_cast %parallel_loop3A_622 : vector<16xf32> to vector<16xf32>
      tpu.vector_store %arg10[%parallel_loop3A_641], %parallel_loop3A_644 {strides = array<i32>} : memref<8192xf32, #tpu.memory_space<vmem>>, vector<16xf32>,
    } {sc.loop_unroll_factor = 2 : i64, sc.parallel_access}
    %add3A_62 = arith.constant 2 : i32
    %add3A_63 = arith.addi %mul3A_2, %add3A_62 : i32
    %mul3A_64 = arith.constant 8192 : i32
    %mul3A_65 = arith.muli %add3A_63, %mul3A_64 : i32
    %dma_start3A_66 = tpu.memref_slice %arg5[%mul3A_65] : memref<6815744xf32, #tpu.memory_space<hbm>> -> memref<8192xf32, #tpu.memory_space<hbm>>
    %dma_start3A_67 = tpu.memref_slice %arg5[%mul3A_65] : memref<6815744xf32, #tpu.memory_space<hbm>> -> memref<8192xf32, #tpu.memory_space<hbm>>
    tpu.enqueue_dma source(%arg10 : memref<8192xf32, #tpu.memory_space<vmem>>) target(%dma_start3A_67 : memref<8192xf32, #tpu.memory_space<hbm>>) target_semaphore(%arg14 : memref<!tpu.dma_semaphore, #tpu.memory_space<semaphore_mem>>)
    %dma_start3A_68 = arith.constant 512 : i32
    %dma_start3A_69 = tpu.memref_slice %arg6[%dma_start3A_68] : memref<3328xi32, #tpu.memory_space<vmem>> -> memref<128xi32, #tpu.memory_space<vmem>>
    %dma_start3A_70 = arith.constant 0 : i32
    %dma_start3A_71 = arith.constant 0 : i32
    %dma_start3A_72 = tpu.memref_slice %arg2[%dma_start3A_70, %dma_start3A_71] : memref<100000x32xi32, #tpu.memory_space<hbm>> -> memref<100000x32xi32, #tpu.memory_space<hbm>>
    tpu.enqueue_indirect_dma source(%dma_start3A_72 : memref<100000x32xi32, #tpu.memory_space<hbm>>) target(%arg8 : memref<128x32xi32, #tpu.memory_space<vmem>>) offsets(%dma_start3A_69 : memref<128xi32, #tpu.memory_space<vmem>>) semaphore(%arg12 : memref<!tpu.dma_semaphore, #tpu.memory_space<semaphore_mem>>)
    %dma_wait3A_73 = arith.constant 384 : i32
    %dma_wait3A_74 = tpu.memref_slice %arg6[%dma_wait3A_73] : memref<3328xi32, #tpu.memory_space<vmem>> -> memref<128xi32, #tpu.memory_space<vmem>>
    %dma_wait3A_75 = arith.constant 0 : i32
    %dma_wait3A_76 = arith.constant 0 : i32
    %dma_wait3A_77 = tpu.memref_slice %arg2[%dma_wait3A_75, %dma_wait3A_76] : memref<100000x32xi32, #tpu.memory_space<hbm>> -> memref<100000x32xi32, #tpu.memory_space<hbm>>
    tpu.wait_indirect_dma semaphore(%arg13 : memref<!tpu.dma_semaphore, #tpu.memory_space<semaphore_mem>>) src(%dma_wait3A_77 : memref<100000x32xi32, #tpu.memory_space<hbm>>) dst(%arg9 : memref<128x32xi32, #tpu.memory_space<vmem>>)
    %dma_wait3A_78 = tpu.memref_slice %arg5[%mul3A_44] : memref<6815744xf32, #tpu.memory_space<hbm>> -> memref<8192xf32, #tpu.memory_space<hbm>>
    %dma_wait3A_79 = tpu.memref_slice %arg5[%mul3A_44] : memref<6815744xf32, #tpu.memory_space<hbm>> -> memref<8192xf32, #tpu.memory_space<hbm>>
    tpu.wait_dma2 semaphore(%arg15 : memref<!tpu.dma_semaphore, #tpu.memory_space<semaphore_mem>>) src(%arg11 : memref<8192xf32, #tpu.memory_space<vmem>>) dst(%dma_wait3A_79 : memref<8192xf32, #tpu.memory_space<hbm>>)
    %parallel_loop3A_80 = arith.constant 0 : i32
    %parallel_loop3A_81 = arith.constant 128 : i32
    %parallel_loop3A_82 = arith.constant 1 : i32
    scf.for %parallel_loop3A_550 = %parallel_loop3A_80 to %parallel_loop3A_81 step %parallel_loop3A_82  : i32 {
      %parallel_loop3A_551 = arith.constant 64 : i32
      %parallel_loop3A_552 = arith.muli %parallel_loop3A_550, %parallel_loop3A_551 : i32
      %parallel_loop3A_553 = arith.index_cast %parallel_loop3A_550 : i32 to index
      %parallel_loop3A_554 = arith.constant 0 : index
      %parallel_loop3A_555 = tpu.vector_load %arg9[%parallel_loop3A_553, %parallel_loop3A_554] {strides = array<i32>} : memref<128x32xi32, #tpu.memory_space<vmem>>, vector<1x16xi32>,
      %parallel_loop3A_556 = vector.shape_cast %parallel_loop3A_555 : vector<1x16xi32> to vector<16xi32>
      %parallel_loop3A_557 = arith.index_cast %parallel_loop3A_550 : i32 to index
      %parallel_loop3A_558 = arith.constant 16 : index
      %parallel_loop3A_559 = tpu.vector_load %arg9[%parallel_loop3A_557, %parallel_loop3A_558] {strides = array<i32>} : memref<128x32xi32, #tpu.memory_space<vmem>>, vector<1x16xi32>,
      %parallel_loop3A_560 = vector.shape_cast %parallel_loop3A_559 : vector<1x16xi32> to vector<16xi32>
      %parallel_loop3A_561 = arith.constant 32767 : i32
      %parallel_loop3A_562 = vector.broadcast %parallel_loop3A_561 : i32 to vector<16xi32>
      %parallel_loop3A_563 = arith.andi %parallel_loop3A_556, %parallel_loop3A_562 : vector<16xi32>
      %parallel_loop3A_564 = arith.constant 13 : i32
      %parallel_loop3A_565 = vector.broadcast %parallel_loop3A_564 : i32 to vector<16xi32>
      %parallel_loop3A_566 = arith.shli %parallel_loop3A_563, %parallel_loop3A_565 : vector<16xi32>
      %parallel_loop3A_567 = tpu.bitcast %parallel_loop3A_566 : vector<16xi32> -> vector<16xf32>
      %parallel_loop3A_568 = arith.mulf %parallel_loop3A_567, %get3A_6 : vector<16xf32>
      %parallel_loop3A_569 = arith.constant 16 : i32
      %parallel_loop3A_570 = vector.broadcast %parallel_loop3A_569 : i32 to vector<16xi32>
      %parallel_loop3A_571 = arith.shli %parallel_loop3A_556, %parallel_loop3A_570 : vector<16xi32>
      %parallel_loop3A_572 = arith.constant -2147483648 : i32
      %parallel_loop3A_573 = vector.broadcast %parallel_loop3A_572 : i32 to vector<16xi32>
      %parallel_loop3A_574 = arith.andi %parallel_loop3A_571, %parallel_loop3A_573 : vector<16xi32>
      %parallel_loop3A_575 = tpu.bitcast %parallel_loop3A_568 : vector<16xf32> -> vector<16xi32>
      %parallel_loop3A_576 = arith.ori %parallel_loop3A_575, %parallel_loop3A_574 : vector<16xi32>
      %parallel_loop3A_577 = tpu.bitcast %parallel_loop3A_576 : vector<16xi32> -> vector<16xf32>
      %parallel_loop3A_578 = arith.constant 2147418112 : i32
      %parallel_loop3A_579 = vector.broadcast %parallel_loop3A_578 : i32 to vector<16xi32>
      %parallel_loop3A_580 = arith.andi %parallel_loop3A_556, %parallel_loop3A_579 : vector<16xi32>
      %parallel_loop3A_581 = arith.constant 3 : i32
      %parallel_loop3A_582 = vector.broadcast %parallel_loop3A_581 : i32 to vector<16xi32>
      %parallel_loop3A_583 = arith.shrui %parallel_loop3A_580, %parallel_loop3A_582 : vector<16xi32>
      %parallel_loop3A_584 = tpu.bitcast %parallel_loop3A_583 : vector<16xi32> -> vector<16xf32>
      %parallel_loop3A_585 = arith.mulf %parallel_loop3A_584, %get3A_6 : vector<16xf32>
      %parallel_loop3A_586 = arith.constant -2147483648 : i32
      %parallel_loop3A_587 = vector.broadcast %parallel_loop3A_586 : i32 to vector<16xi32>
      %parallel_loop3A_588 = arith.andi %parallel_loop3A_556, %parallel_loop3A_587 : vector<16xi32>
      %parallel_loop3A_589 = tpu.bitcast %parallel_loop3A_585 : vector<16xf32> -> vector<16xi32>
      %parallel_loop3A_590 = arith.ori %parallel_loop3A_589, %parallel_loop3A_588 : vector<16xi32>
      %parallel_loop3A_591 = tpu.bitcast %parallel_loop3A_590 : vector<16xi32> -> vector<16xf32>
      %parallel_loop3A_592 = arith.constant 32767 : i32
      %parallel_loop3A_593 = vector.broadcast %parallel_loop3A_592 : i32 to vector<16xi32>
      %parallel_loop3A_594 = arith.andi %parallel_loop3A_560, %parallel_loop3A_593 : vector<16xi32>
      %parallel_loop3A_595 = arith.constant 13 : i32
      %parallel_loop3A_596 = vector.broadcast %parallel_loop3A_595 : i32 to vector<16xi32>
      %parallel_loop3A_597 = arith.shli %parallel_loop3A_594, %parallel_loop3A_596 : vector<16xi32>
      %parallel_loop3A_598 = tpu.bitcast %parallel_loop3A_597 : vector<16xi32> -> vector<16xf32>
      %parallel_loop3A_599 = arith.mulf %parallel_loop3A_598, %get3A_6 : vector<16xf32>
      %parallel_loop3A_600 = arith.constant 16 : i32
      %parallel_loop3A_601 = vector.broadcast %parallel_loop3A_600 : i32 to vector<16xi32>
      %parallel_loop3A_602 = arith.shli %parallel_loop3A_560, %parallel_loop3A_601 : vector<16xi32>
      %parallel_loop3A_603 = arith.constant -2147483648 : i32
      %parallel_loop3A_604 = vector.broadcast %parallel_loop3A_603 : i32 to vector<16xi32>
      %parallel_loop3A_605 = arith.andi %parallel_loop3A_602, %parallel_loop3A_604 : vector<16xi32>
      %parallel_loop3A_606 = tpu.bitcast %parallel_loop3A_599 : vector<16xf32> -> vector<16xi32>
      %parallel_loop3A_607 = arith.ori %parallel_loop3A_606, %parallel_loop3A_605 : vector<16xi32>
      %parallel_loop3A_608 = tpu.bitcast %parallel_loop3A_607 : vector<16xi32> -> vector<16xf32>
      %parallel_loop3A_609 = arith.constant 2147418112 : i32
      %parallel_loop3A_610 = vector.broadcast %parallel_loop3A_609 : i32 to vector<16xi32>
      %parallel_loop3A_611 = arith.andi %parallel_loop3A_560, %parallel_loop3A_610 : vector<16xi32>
      %parallel_loop3A_612 = arith.constant 3 : i32
      %parallel_loop3A_613 = vector.broadcast %parallel_loop3A_612 : i32 to vector<16xi32>
      %parallel_loop3A_614 = arith.shrui %parallel_loop3A_611, %parallel_loop3A_613 : vector<16xi32>
      %parallel_loop3A_615 = tpu.bitcast %parallel_loop3A_614 : vector<16xi32> -> vector<16xf32>
      %parallel_loop3A_616 = arith.mulf %parallel_loop3A_615, %get3A_6 : vector<16xf32>
      %parallel_loop3A_617 = arith.constant -2147483648 : i32
      %parallel_loop3A_618 = vector.broadcast %parallel_loop3A_617 : i32 to vector<16xi32>
      %parallel_loop3A_619 = arith.andi %parallel_loop3A_560, %parallel_loop3A_618 : vector<16xi32>
      %parallel_loop3A_620 = tpu.bitcast %parallel_loop3A_616 : vector<16xf32> -> vector<16xi32>
      %parallel_loop3A_621 = arith.ori %parallel_loop3A_620, %parallel_loop3A_619 : vector<16xi32>
      %parallel_loop3A_622 = tpu.bitcast %parallel_loop3A_621 : vector<16xi32> -> vector<16xf32>
      %parallel_loop3A_623 = arith.index_cast %parallel_loop3A_552 : i32 to index
      %parallel_loop3A_624 = tpu.vector_load %arg11[%parallel_loop3A_623] {strides = array<i32>} : memref<8192xf32, #tpu.memory_space<vmem>>, vector<16xf32>,
      %parallel_loop3A_625 = vector.shape_cast %parallel_loop3A_624 : vector<16xf32> to vector<16xf32>
      %parallel_loop3A_626 = vector.shape_cast %parallel_loop3A_577 : vector<16xf32> to vector<16xf32>
      tpu.vector_store %arg11[%parallel_loop3A_623], %parallel_loop3A_626 {strides = array<i32>} : memref<8192xf32, #tpu.memory_space<vmem>>, vector<16xf32>,
      %parallel_loop3A_627 = arith.constant 16 : i32
      %parallel_loop3A_628 = arith.addi %parallel_loop3A_552, %parallel_loop3A_627 : i32
      %parallel_loop3A_629 = arith.index_cast %parallel_loop3A_628 : i32 to index
      %parallel_loop3A_630 = tpu.vector_load %arg11[%parallel_loop3A_629] {strides = array<i32>} : memref<8192xf32, #tpu.memory_space<vmem>>, vector<16xf32>,
      %parallel_loop3A_631 = vector.shape_cast %parallel_loop3A_630 : vector<16xf32> to vector<16xf32>
      %parallel_loop3A_632 = vector.shape_cast %parallel_loop3A_608 : vector<16xf32> to vector<16xf32>
      tpu.vector_store %arg11[%parallel_loop3A_629], %parallel_loop3A_632 {strides = array<i32>} : memref<8192xf32, #tpu.memory_space<vmem>>, vector<16xf32>,
      %parallel_loop3A_633 = arith.constant 32 : i32
      %parallel_loop3A_634 = arith.addi %parallel_loop3A_552, %parallel_loop3A_633 : i32
      %parallel_loop3A_635 = arith.index_cast %parallel_loop3A_634 : i32 to index
      %parallel_loop3A_636 = tpu.vector_load %arg11[%parallel_loop3A_635] {strides = array<i32>} : memref<8192xf32, #tpu.memory_space<vmem>>, vector<16xf32>,
      %parallel_loop3A_637 = vector.shape_cast %parallel_loop3A_636 : vector<16xf32> to vector<16xf32>
      %parallel_loop3A_638 = vector.shape_cast %parallel_loop3A_591 : vector<16xf32> to vector<16xf32>
      tpu.vector_store %arg11[%parallel_loop3A_635], %parallel_loop3A_638 {strides = array<i32>} : memref<8192xf32, #tpu.memory_space<vmem>>, vector<16xf32>,
      %parallel_loop3A_639 = arith.constant 48 : i32
      %parallel_loop3A_640 = arith.addi %parallel_loop3A_552, %parallel_loop3A_639 : i32
      %parallel_loop3A_641 = arith.index_cast %parallel_loop3A_640 : i32 to index
      %parallel_loop3A_642 = tpu.vector_load %arg11[%parallel_loop3A_641] {strides = array<i32>} : memref<8192xf32, #tpu.memory_space<vmem>>, vector<16xf32>,
      %parallel_loop3A_643 = vector.shape_cast %parallel_loop3A_642 : vector<16xf32> to vector<16xf32>
      %parallel_loop3A_644 = vector.shape_cast %parallel_loop3A_622 : vector<16xf32> to vector<16xf32>
      tpu.vector_store %arg11[%parallel_loop3A_641], %parallel_loop3A_644 {strides = array<i32>} : memref<8192xf32, #tpu.memory_space<vmem>>, vector<16xf32>,
    } {sc.loop_unroll_factor = 2 : i64, sc.parallel_access}
    %add3A_83 = arith.constant 3 : i32
    %add3A_84 = arith.addi %mul3A_2, %add3A_83 : i32
    %mul3A_85 = arith.constant 8192 : i32
    %mul3A_86 = arith.muli %add3A_84, %mul3A_85 : i32
    %dma_start3A_87 = tpu.memref_slice %arg5[%mul3A_86] : memref<6815744xf32, #tpu.memory_space<hbm>> -> memref<8192xf32, #tpu.memory_space<hbm>>
    %dma_start3A_88 = tpu.memref_slice %arg5[%mul3A_86] : memref<6815744xf32, #tpu.memory_space<hbm>> -> memref<8192xf32, #tpu.memory_space<hbm>>
    tpu.enqueue_dma source(%arg11 : memref<8192xf32, #tpu.memory_space<vmem>>) target(%dma_start3A_88 : memref<8192xf32, #tpu.memory_space<hbm>>) target_semaphore(%arg15 : memref<!tpu.dma_semaphore, #tpu.memory_space<semaphore_mem>>)
    %dma_start3A_89 = arith.constant 640 : i32
    %dma_start3A_90 = tpu.memref_slice %arg6[%dma_start3A_89] : memref<3328xi32, #tpu.memory_space<vmem>> -> memref<128xi32, #tpu.memory_space<vmem>>
    %dma_start3A_91 = arith.constant 0 : i32
    %dma_start3A_92 = arith.constant 0 : i32
    %dma_start3A_93 = tpu.memref_slice %arg2[%dma_start3A_91, %dma_start3A_92] : memref<100000x32xi32, #tpu.memory_space<hbm>> -> memref<100000x32xi32, #tpu.memory_space<hbm>>
    tpu.enqueue_indirect_dma source(%dma_start3A_93 : memref<100000x32xi32, #tpu.memory_space<hbm>>) target(%arg9 : memref<128x32xi32, #tpu.memory_space<vmem>>) offsets(%dma_start3A_90 : memref<128xi32, #tpu.memory_space<vmem>>) semaphore(%arg13 : memref<!tpu.dma_semaphore, #tpu.memory_space<semaphore_mem>>)
    %dma_wait3A_94 = arith.constant 512 : i32
    %dma_wait3A_95 = tpu.memref_slice %arg6[%dma_wait3A_94] : memref<3328xi32, #tpu.memory_space<vmem>> -> memref<128xi32, #tpu.memory_space<vmem>>
    %dma_wait3A_96 = arith.constant 0 : i32
    %dma_wait3A_97 = arith.constant 0 : i32
    %dma_wait3A_98 = tpu.memref_slice %arg2[%dma_wait3A_96, %dma_wait3A_97] : memref<100000x32xi32, #tpu.memory_space<hbm>> -> memref<100000x32xi32, #tpu.memory_space<hbm>>
    tpu.wait_indirect_dma semaphore(%arg12 : memref<!tpu.dma_semaphore, #tpu.memory_space<semaphore_mem>>) src(%dma_wait3A_98 : memref<100000x32xi32, #tpu.memory_space<hbm>>) dst(%arg8 : memref<128x32xi32, #tpu.memory_space<vmem>>)
    %dma_wait3A_99 = tpu.memref_slice %arg5[%mul3A_65] : memref<6815744xf32, #tpu.memory_space<hbm>> -> memref<8192xf32, #tpu.memory_space<hbm>>
    %dma_wait3A_100 = tpu.memref_slice %arg5[%mul3A_65] : memref<6815744xf32, #tpu.memory_space<hbm>> -> memref<8192xf32, #tpu.memory_space<hbm>>
    tpu.wait_dma2 semaphore(%arg14 : memref<!tpu.dma_semaphore, #tpu.memory_space<semaphore_mem>>) src(%arg10 : memref<8192xf32, #tpu.memory_space<vmem>>) dst(%dma_wait3A_100 : memref<8192xf32, #tpu.memory_space<hbm>>)
    %parallel_loop3A_101 = arith.constant 0 : i32
    %parallel_loop3A_102 = arith.constant 128 : i32
    %parallel_loop3A_103 = arith.constant 1 : i32
    scf.for %parallel_loop3A_550 = %parallel_loop3A_101 to %parallel_loop3A_102 step %parallel_loop3A_103  : i32 {
      %parallel_loop3A_551 = arith.constant 64 : i32
      %parallel_loop3A_552 = arith.muli %parallel_loop3A_550, %parallel_loop3A_551 : i32
      %parallel_loop3A_553 = arith.index_cast %parallel_loop3A_550 : i32 to index
      %parallel_loop3A_554 = arith.constant 0 : index
      %parallel_loop3A_555 = tpu.vector_load %arg8[%parallel_loop3A_553, %parallel_loop3A_554] {strides = array<i32>} : memref<128x32xi32, #tpu.memory_space<vmem>>, vector<1x16xi32>,
      %parallel_loop3A_556 = vector.shape_cast %parallel_loop3A_555 : vector<1x16xi32> to vector<16xi32>
      %parallel_loop3A_557 = arith.index_cast %parallel_loop3A_550 : i32 to index
      %parallel_loop3A_558 = arith.constant 16 : index
      %parallel_loop3A_559 = tpu.vector_load %arg8[%parallel_loop3A_557, %parallel_loop3A_558] {strides = array<i32>} : memref<128x32xi32, #tpu.memory_space<vmem>>, vector<1x16xi32>,
      %parallel_loop3A_560 = vector.shape_cast %parallel_loop3A_559 : vector<1x16xi32> to vector<16xi32>
      %parallel_loop3A_561 = arith.constant 32767 : i32
      %parallel_loop3A_562 = vector.broadcast %parallel_loop3A_561 : i32 to vector<16xi32>
      %parallel_loop3A_563 = arith.andi %parallel_loop3A_556, %parallel_loop3A_562 : vector<16xi32>
      %parallel_loop3A_564 = arith.constant 13 : i32
      %parallel_loop3A_565 = vector.broadcast %parallel_loop3A_564 : i32 to vector<16xi32>
      %parallel_loop3A_566 = arith.shli %parallel_loop3A_563, %parallel_loop3A_565 : vector<16xi32>
      %parallel_loop3A_567 = tpu.bitcast %parallel_loop3A_566 : vector<16xi32> -> vector<16xf32>
      %parallel_loop3A_568 = arith.mulf %parallel_loop3A_567, %get3A_6 : vector<16xf32>
      %parallel_loop3A_569 = arith.constant 16 : i32
      %parallel_loop3A_570 = vector.broadcast %parallel_loop3A_569 : i32 to vector<16xi32>
      %parallel_loop3A_571 = arith.shli %parallel_loop3A_556, %parallel_loop3A_570 : vector<16xi32>
      %parallel_loop3A_572 = arith.constant -2147483648 : i32
      %parallel_loop3A_573 = vector.broadcast %parallel_loop3A_572 : i32 to vector<16xi32>
      %parallel_loop3A_574 = arith.andi %parallel_loop3A_571, %parallel_loop3A_573 : vector<16xi32>
      %parallel_loop3A_575 = tpu.bitcast %parallel_loop3A_568 : vector<16xf32> -> vector<16xi32>
      %parallel_loop3A_576 = arith.ori %parallel_loop3A_575, %parallel_loop3A_574 : vector<16xi32>
      %parallel_loop3A_577 = tpu.bitcast %parallel_loop3A_576 : vector<16xi32> -> vector<16xf32>
      %parallel_loop3A_578 = arith.constant 2147418112 : i32
      %parallel_loop3A_579 = vector.broadcast %parallel_loop3A_578 : i32 to vector<16xi32>
      %parallel_loop3A_580 = arith.andi %parallel_loop3A_556, %parallel_loop3A_579 : vector<16xi32>
      %parallel_loop3A_581 = arith.constant 3 : i32
      %parallel_loop3A_582 = vector.broadcast %parallel_loop3A_581 : i32 to vector<16xi32>
      %parallel_loop3A_583 = arith.shrui %parallel_loop3A_580, %parallel_loop3A_582 : vector<16xi32>
      %parallel_loop3A_584 = tpu.bitcast %parallel_loop3A_583 : vector<16xi32> -> vector<16xf32>
      %parallel_loop3A_585 = arith.mulf %parallel_loop3A_584, %get3A_6 : vector<16xf32>
      %parallel_loop3A_586 = arith.constant -2147483648 : i32
      %parallel_loop3A_587 = vector.broadcast %parallel_loop3A_586 : i32 to vector<16xi32>
      %parallel_loop3A_588 = arith.andi %parallel_loop3A_556, %parallel_loop3A_587 : vector<16xi32>
      %parallel_loop3A_589 = tpu.bitcast %parallel_loop3A_585 : vector<16xf32> -> vector<16xi32>
      %parallel_loop3A_590 = arith.ori %parallel_loop3A_589, %parallel_loop3A_588 : vector<16xi32>
      %parallel_loop3A_591 = tpu.bitcast %parallel_loop3A_590 : vector<16xi32> -> vector<16xf32>
      %parallel_loop3A_592 = arith.constant 32767 : i32
      %parallel_loop3A_593 = vector.broadcast %parallel_loop3A_592 : i32 to vector<16xi32>
      %parallel_loop3A_594 = arith.andi %parallel_loop3A_560, %parallel_loop3A_593 : vector<16xi32>
      %parallel_loop3A_595 = arith.constant 13 : i32
      %parallel_loop3A_596 = vector.broadcast %parallel_loop3A_595 : i32 to vector<16xi32>
      %parallel_loop3A_597 = arith.shli %parallel_loop3A_594, %parallel_loop3A_596 : vector<16xi32>
      %parallel_loop3A_598 = tpu.bitcast %parallel_loop3A_597 : vector<16xi32> -> vector<16xf32>
      %parallel_loop3A_599 = arith.mulf %parallel_loop3A_598, %get3A_6 : vector<16xf32>
      %parallel_loop3A_600 = arith.constant 16 : i32
      %parallel_loop3A_601 = vector.broadcast %parallel_loop3A_600 : i32 to vector<16xi32>
      %parallel_loop3A_602 = arith.shli %parallel_loop3A_560, %parallel_loop3A_601 : vector<16xi32>
      %parallel_loop3A_603 = arith.constant -2147483648 : i32
      %parallel_loop3A_604 = vector.broadcast %parallel_loop3A_603 : i32 to vector<16xi32>
      %parallel_loop3A_605 = arith.andi %parallel_loop3A_602, %parallel_loop3A_604 : vector<16xi32>
      %parallel_loop3A_606 = tpu.bitcast %parallel_loop3A_599 : vector<16xf32> -> vector<16xi32>
      %parallel_loop3A_607 = arith.ori %parallel_loop3A_606, %parallel_loop3A_605 : vector<16xi32>
      %parallel_loop3A_608 = tpu.bitcast %parallel_loop3A_607 : vector<16xi32> -> vector<16xf32>
      %parallel_loop3A_609 = arith.constant 2147418112 : i32
      %parallel_loop3A_610 = vector.broadcast %parallel_loop3A_609 : i32 to vector<16xi32>
      %parallel_loop3A_611 = arith.andi %parallel_loop3A_560, %parallel_loop3A_610 : vector<16xi32>
      %parallel_loop3A_612 = arith.constant 3 : i32
      %parallel_loop3A_613 = vector.broadcast %parallel_loop3A_612 : i32 to vector<16xi32>
      %parallel_loop3A_614 = arith.shrui %parallel_loop3A_611, %parallel_loop3A_613 : vector<16xi32>
      %parallel_loop3A_615 = tpu.bitcast %parallel_loop3A_614 : vector<16xi32> -> vector<16xf32>
      %parallel_loop3A_616 = arith.mulf %parallel_loop3A_615, %get3A_6 : vector<16xf32>
      %parallel_loop3A_617 = arith.constant -2147483648 : i32
      %parallel_loop3A_618 = vector.broadcast %parallel_loop3A_617 : i32 to vector<16xi32>
      %parallel_loop3A_619 = arith.andi %parallel_loop3A_560, %parallel_loop3A_618 : vector<16xi32>
      %parallel_loop3A_620 = tpu.bitcast %parallel_loop3A_616 : vector<16xf32> -> vector<16xi32>
      %parallel_loop3A_621 = arith.ori %parallel_loop3A_620, %parallel_loop3A_619 : vector<16xi32>
      %parallel_loop3A_622 = tpu.bitcast %parallel_loop3A_621 : vector<16xi32> -> vector<16xf32>
      %parallel_loop3A_623 = arith.index_cast %parallel_loop3A_552 : i32 to index
      %parallel_loop3A_624 = tpu.vector_load %arg10[%parallel_loop3A_623] {strides = array<i32>} : memref<8192xf32, #tpu.memory_space<vmem>>, vector<16xf32>,
      %parallel_loop3A_625 = vector.shape_cast %parallel_loop3A_624 : vector<16xf32> to vector<16xf32>
      %parallel_loop3A_626 = vector.shape_cast %parallel_loop3A_577 : vector<16xf32> to vector<16xf32>
      tpu.vector_store %arg10[%parallel_loop3A_623], %parallel_loop3A_626 {strides = array<i32>} : memref<8192xf32, #tpu.memory_space<vmem>>, vector<16xf32>,
      %parallel_loop3A_627 = arith.constant 16 : i32
      %parallel_loop3A_628 = arith.addi %parallel_loop3A_552, %parallel_loop3A_627 : i32
      %parallel_loop3A_629 = arith.index_cast %parallel_loop3A_628 : i32 to index
      %parallel_loop3A_630 = tpu.vector_load %arg10[%parallel_loop3A_629] {strides = array<i32>} : memref<8192xf32, #tpu.memory_space<vmem>>, vector<16xf32>,
      %parallel_loop3A_631 = vector.shape_cast %parallel_loop3A_630 : vector<16xf32> to vector<16xf32>
      %parallel_loop3A_632 = vector.shape_cast %parallel_loop3A_608 : vector<16xf32> to vector<16xf32>
      tpu.vector_store %arg10[%parallel_loop3A_629], %parallel_loop3A_632 {strides = array<i32>} : memref<8192xf32, #tpu.memory_space<vmem>>, vector<16xf32>,
      %parallel_loop3A_633 = arith.constant 32 : i32
      %parallel_loop3A_634 = arith.addi %parallel_loop3A_552, %parallel_loop3A_633 : i32
      %parallel_loop3A_635 = arith.index_cast %parallel_loop3A_634 : i32 to index
      %parallel_loop3A_636 = tpu.vector_load %arg10[%parallel_loop3A_635] {strides = array<i32>} : memref<8192xf32, #tpu.memory_space<vmem>>, vector<16xf32>,
      %parallel_loop3A_637 = vector.shape_cast %parallel_loop3A_636 : vector<16xf32> to vector<16xf32>
      %parallel_loop3A_638 = vector.shape_cast %parallel_loop3A_591 : vector<16xf32> to vector<16xf32>
      tpu.vector_store %arg10[%parallel_loop3A_635], %parallel_loop3A_638 {strides = array<i32>} : memref<8192xf32, #tpu.memory_space<vmem>>, vector<16xf32>,
      %parallel_loop3A_639 = arith.constant 48 : i32
      %parallel_loop3A_640 = arith.addi %parallel_loop3A_552, %parallel_loop3A_639 : i32
      %parallel_loop3A_641 = arith.index_cast %parallel_loop3A_640 : i32 to index
      %parallel_loop3A_642 = tpu.vector_load %arg10[%parallel_loop3A_641] {strides = array<i32>} : memref<8192xf32, #tpu.memory_space<vmem>>, vector<16xf32>,
      %parallel_loop3A_643 = vector.shape_cast %parallel_loop3A_642 : vector<16xf32> to vector<16xf32>
      %parallel_loop3A_644 = vector.shape_cast %parallel_loop3A_622 : vector<16xf32> to vector<16xf32>
      tpu.vector_store %arg10[%parallel_loop3A_641], %parallel_loop3A_644 {strides = array<i32>} : memref<8192xf32, #tpu.memory_space<vmem>>, vector<16xf32>,
    } {sc.loop_unroll_factor = 2 : i64, sc.parallel_access}
    %add3A_104 = arith.constant 4 : i32
    %add3A_105 = arith.addi %mul3A_2, %add3A_104 : i32
    %mul3A_106 = arith.constant 8192 : i32
    %mul3A_107 = arith.muli %add3A_105, %mul3A_106 : i32
    %dma_start3A_108 = tpu.memref_slice %arg5[%mul3A_107] : memref<6815744xf32, #tpu.memory_space<hbm>> -> memref<8192xf32, #tpu.memory_space<hbm>>
    %dma_start3A_109 = tpu.memref_slice %arg5[%mul3A_107] : memref<6815744xf32, #tpu.memory_space<hbm>> -> memref<8192xf32, #tpu.memory_space<hbm>>
    tpu.enqueue_dma source(%arg10 : memref<8192xf32, #tpu.memory_space<vmem>>) target(%dma_start3A_109 : memref<8192xf32, #tpu.memory_space<hbm>>) target_semaphore(%arg14 : memref<!tpu.dma_semaphore, #tpu.memory_space<semaphore_mem>>)
    %dma_start3A_110 = arith.constant 768 : i32
    %dma_start3A_111 = tpu.memref_slice %arg6[%dma_start3A_110] : memref<3328xi32, #tpu.memory_space<vmem>> -> memref<128xi32, #tpu.memory_space<vmem>>
    %dma_start3A_112 = arith.constant 0 : i32
    %dma_start3A_113 = arith.constant 0 : i32
    %dma_start3A_114 = tpu.memref_slice %arg2[%dma_start3A_112, %dma_start3A_113] : memref<100000x32xi32, #tpu.memory_space<hbm>> -> memref<100000x32xi32, #tpu.memory_space<hbm>>
    tpu.enqueue_indirect_dma source(%dma_start3A_114 : memref<100000x32xi32, #tpu.memory_space<hbm>>) target(%arg8 : memref<128x32xi32, #tpu.memory_space<vmem>>) offsets(%dma_start3A_111 : memref<128xi32, #tpu.memory_space<vmem>>) semaphore(%arg12 : memref<!tpu.dma_semaphore, #tpu.memory_space<semaphore_mem>>)
    %dma_wait3A_115 = arith.constant 640 : i32
    %dma_wait3A_116 = tpu.memref_slice %arg6[%dma_wait3A_115] : memref<3328xi32, #tpu.memory_space<vmem>> -> memref<128xi32, #tpu.memory_space<vmem>>
    %dma_wait3A_117 = arith.constant 0 : i32
    %dma_wait3A_118 = arith.constant 0 : i32
    %dma_wait3A_119 = tpu.memref_slice %arg2[%dma_wait3A_117, %dma_wait3A_118] : memref<100000x32xi32, #tpu.memory_space<hbm>> -> memref<100000x32xi32, #tpu.memory_space<hbm>>
    tpu.wait_indirect_dma semaphore(%arg13 : memref<!tpu.dma_semaphore, #tpu.memory_space<semaphore_mem>>) src(%dma_wait3A_119 : memref<100000x32xi32, #tpu.memory_space<hbm>>) dst(%arg9 : memref<128x32xi32, #tpu.memory_space<vmem>>)
    %dma_wait3A_120 = tpu.memref_slice %arg5[%mul3A_86] : memref<6815744xf32, #tpu.memory_space<hbm>> -> memref<8192xf32, #tpu.memory_space<hbm>>
    %dma_wait3A_121 = tpu.memref_slice %arg5[%mul3A_86] : memref<6815744xf32, #tpu.memory_space<hbm>> -> memref<8192xf32, #tpu.memory_space<hbm>>
    tpu.wait_dma2 semaphore(%arg15 : memref<!tpu.dma_semaphore, #tpu.memory_space<semaphore_mem>>) src(%arg11 : memref<8192xf32, #tpu.memory_space<vmem>>) dst(%dma_wait3A_121 : memref<8192xf32, #tpu.memory_space<hbm>>)
    %parallel_loop3A_122 = arith.constant 0 : i32
    %parallel_loop3A_123 = arith.constant 128 : i32
    %parallel_loop3A_124 = arith.constant 1 : i32
    scf.for %parallel_loop3A_550 = %parallel_loop3A_122 to %parallel_loop3A_123 step %parallel_loop3A_124  : i32 {
      %parallel_loop3A_551 = arith.constant 64 : i32
      %parallel_loop3A_552 = arith.muli %parallel_loop3A_550, %parallel_loop3A_551 : i32
      %parallel_loop3A_553 = arith.index_cast %parallel_loop3A_550 : i32 to index
      %parallel_loop3A_554 = arith.constant 0 : index
      %parallel_loop3A_555 = tpu.vector_load %arg9[%parallel_loop3A_553, %parallel_loop3A_554] {strides = array<i32>} : memref<128x32xi32, #tpu.memory_space<vmem>>, vector<1x16xi32>,
      %parallel_loop3A_556 = vector.shape_cast %parallel_loop3A_555 : vector<1x16xi32> to vector<16xi32>
      %parallel_loop3A_557 = arith.index_cast %parallel_loop3A_550 : i32 to index
      %parallel_loop3A_558 = arith.constant 16 : index
      %parallel_loop3A_559 = tpu.vector_load %arg9[%parallel_loop3A_557, %parallel_loop3A_558] {strides = array<i32>} : memref<128x32xi32, #tpu.memory_space<vmem>>, vector<1x16xi32>,
      %parallel_loop3A_560 = vector.shape_cast %parallel_loop3A_559 : vector<1x16xi32> to vector<16xi32>
      %parallel_loop3A_561 = arith.constant 32767 : i32
      %parallel_loop3A_562 = vector.broadcast %parallel_loop3A_561 : i32 to vector<16xi32>
      %parallel_loop3A_563 = arith.andi %parallel_loop3A_556, %parallel_loop3A_562 : vector<16xi32>
      %parallel_loop3A_564 = arith.constant 13 : i32
      %parallel_loop3A_565 = vector.broadcast %parallel_loop3A_564 : i32 to vector<16xi32>
      %parallel_loop3A_566 = arith.shli %parallel_loop3A_563, %parallel_loop3A_565 : vector<16xi32>
      %parallel_loop3A_567 = tpu.bitcast %parallel_loop3A_566 : vector<16xi32> -> vector<16xf32>
      %parallel_loop3A_568 = arith.mulf %parallel_loop3A_567, %get3A_6 : vector<16xf32>
      %parallel_loop3A_569 = arith.constant 16 : i32
      %parallel_loop3A_570 = vector.broadcast %parallel_loop3A_569 : i32 to vector<16xi32>
      %parallel_loop3A_571 = arith.shli %parallel_loop3A_556, %parallel_loop3A_570 : vector<16xi32>
      %parallel_loop3A_572 = arith.constant -2147483648 : i32
      %parallel_loop3A_573 = vector.broadcast %parallel_loop3A_572 : i32 to vector<16xi32>
      %parallel_loop3A_574 = arith.andi %parallel_loop3A_571, %parallel_loop3A_573 : vector<16xi32>
      %parallel_loop3A_575 = tpu.bitcast %parallel_loop3A_568 : vector<16xf32> -> vector<16xi32>
      %parallel_loop3A_576 = arith.ori %parallel_loop3A_575, %parallel_loop3A_574 : vector<16xi32>
      %parallel_loop3A_577 = tpu.bitcast %parallel_loop3A_576 : vector<16xi32> -> vector<16xf32>
      %parallel_loop3A_578 = arith.constant 2147418112 : i32
      %parallel_loop3A_579 = vector.broadcast %parallel_loop3A_578 : i32 to vector<16xi32>
      %parallel_loop3A_580 = arith.andi %parallel_loop3A_556, %parallel_loop3A_579 : vector<16xi32>
      %parallel_loop3A_581 = arith.constant 3 : i32
      %parallel_loop3A_582 = vector.broadcast %parallel_loop3A_581 : i32 to vector<16xi32>
      %parallel_loop3A_583 = arith.shrui %parallel_loop3A_580, %parallel_loop3A_582 : vector<16xi32>
      %parallel_loop3A_584 = tpu.bitcast %parallel_loop3A_583 : vector<16xi32> -> vector<16xf32>
      %parallel_loop3A_585 = arith.mulf %parallel_loop3A_584, %get3A_6 : vector<16xf32>
      %parallel_loop3A_586 = arith.constant -2147483648 : i32
      %parallel_loop3A_587 = vector.broadcast %parallel_loop3A_586 : i32 to vector<16xi32>
      %parallel_loop3A_588 = arith.andi %parallel_loop3A_556, %parallel_loop3A_587 : vector<16xi32>
      %parallel_loop3A_589 = tpu.bitcast %parallel_loop3A_585 : vector<16xf32> -> vector<16xi32>
      %parallel_loop3A_590 = arith.ori %parallel_loop3A_589, %parallel_loop3A_588 : vector<16xi32>
      %parallel_loop3A_591 = tpu.bitcast %parallel_loop3A_590 : vector<16xi32> -> vector<16xf32>
      %parallel_loop3A_592 = arith.constant 32767 : i32
      %parallel_loop3A_593 = vector.broadcast %parallel_loop3A_592 : i32 to vector<16xi32>
      %parallel_loop3A_594 = arith.andi %parallel_loop3A_560, %parallel_loop3A_593 : vector<16xi32>
      %parallel_loop3A_595 = arith.constant 13 : i32
      %parallel_loop3A_596 = vector.broadcast %parallel_loop3A_595 : i32 to vector<16xi32>
      %parallel_loop3A_597 = arith.shli %parallel_loop3A_594, %parallel_loop3A_596 : vector<16xi32>
      %parallel_loop3A_598 = tpu.bitcast %parallel_loop3A_597 : vector<16xi32> -> vector<16xf32>
      %parallel_loop3A_599 = arith.mulf %parallel_loop3A_598, %get3A_6 : vector<16xf32>
      %parallel_loop3A_600 = arith.constant 16 : i32
      %parallel_loop3A_601 = vector.broadcast %parallel_loop3A_600 : i32 to vector<16xi32>
      %parallel_loop3A_602 = arith.shli %parallel_loop3A_560, %parallel_loop3A_601 : vector<16xi32>
      %parallel_loop3A_603 = arith.constant -2147483648 : i32
      %parallel_loop3A_604 = vector.broadcast %parallel_loop3A_603 : i32 to vector<16xi32>
      %parallel_loop3A_605 = arith.andi %parallel_loop3A_602, %parallel_loop3A_604 : vector<16xi32>
      %parallel_loop3A_606 = tpu.bitcast %parallel_loop3A_599 : vector<16xf32> -> vector<16xi32>
      %parallel_loop3A_607 = arith.ori %parallel_loop3A_606, %parallel_loop3A_605 : vector<16xi32>
      %parallel_loop3A_608 = tpu.bitcast %parallel_loop3A_607 : vector<16xi32> -> vector<16xf32>
      %parallel_loop3A_609 = arith.constant 2147418112 : i32
      %parallel_loop3A_610 = vector.broadcast %parallel_loop3A_609 : i32 to vector<16xi32>
      %parallel_loop3A_611 = arith.andi %parallel_loop3A_560, %parallel_loop3A_610 : vector<16xi32>
      %parallel_loop3A_612 = arith.constant 3 : i32
      %parallel_loop3A_613 = vector.broadcast %parallel_loop3A_612 : i32 to vector<16xi32>
      %parallel_loop3A_614 = arith.shrui %parallel_loop3A_611, %parallel_loop3A_613 : vector<16xi32>
      %parallel_loop3A_615 = tpu.bitcast %parallel_loop3A_614 : vector<16xi32> -> vector<16xf32>
      %parallel_loop3A_616 = arith.mulf %parallel_loop3A_615, %get3A_6 : vector<16xf32>
      %parallel_loop3A_617 = arith.constant -2147483648 : i32
      %parallel_loop3A_618 = vector.broadcast %parallel_loop3A_617 : i32 to vector<16xi32>
      %parallel_loop3A_619 = arith.andi %parallel_loop3A_560, %parallel_loop3A_618 : vector<16xi32>
      %parallel_loop3A_620 = tpu.bitcast %parallel_loop3A_616 : vector<16xf32> -> vector<16xi32>
      %parallel_loop3A_621 = arith.ori %parallel_loop3A_620, %parallel_loop3A_619 : vector<16xi32>
      %parallel_loop3A_622 = tpu.bitcast %parallel_loop3A_621 : vector<16xi32> -> vector<16xf32>
      %parallel_loop3A_623 = arith.index_cast %parallel_loop3A_552 : i32 to index
      %parallel_loop3A_624 = tpu.vector_load %arg11[%parallel_loop3A_623] {strides = array<i32>} : memref<8192xf32, #tpu.memory_space<vmem>>, vector<16xf32>,
      %parallel_loop3A_625 = vector.shape_cast %parallel_loop3A_624 : vector<16xf32> to vector<16xf32>
      %parallel_loop3A_626 = vector.shape_cast %parallel_loop3A_577 : vector<16xf32> to vector<16xf32>
      tpu.vector_store %arg11[%parallel_loop3A_623], %parallel_loop3A_626 {strides = array<i32>} : memref<8192xf32, #tpu.memory_space<vmem>>, vector<16xf32>,
      %parallel_loop3A_627 = arith.constant 16 : i32
      %parallel_loop3A_628 = arith.addi %parallel_loop3A_552, %parallel_loop3A_627 : i32
      %parallel_loop3A_629 = arith.index_cast %parallel_loop3A_628 : i32 to index
      %parallel_loop3A_630 = tpu.vector_load %arg11[%parallel_loop3A_629] {strides = array<i32>} : memref<8192xf32, #tpu.memory_space<vmem>>, vector<16xf32>,
      %parallel_loop3A_631 = vector.shape_cast %parallel_loop3A_630 : vector<16xf32> to vector<16xf32>
      %parallel_loop3A_632 = vector.shape_cast %parallel_loop3A_608 : vector<16xf32> to vector<16xf32>
      tpu.vector_store %arg11[%parallel_loop3A_629], %parallel_loop3A_632 {strides = array<i32>} : memref<8192xf32, #tpu.memory_space<vmem>>, vector<16xf32>,
      %parallel_loop3A_633 = arith.constant 32 : i32
      %parallel_loop3A_634 = arith.addi %parallel_loop3A_552, %parallel_loop3A_633 : i32
      %parallel_loop3A_635 = arith.index_cast %parallel_loop3A_634 : i32 to index
      %parallel_loop3A_636 = tpu.vector_load %arg11[%parallel_loop3A_635] {strides = array<i32>} : memref<8192xf32, #tpu.memory_space<vmem>>, vector<16xf32>,
      %parallel_loop3A_637 = vector.shape_cast %parallel_loop3A_636 : vector<16xf32> to vector<16xf32>
      %parallel_loop3A_638 = vector.shape_cast %parallel_loop3A_591 : vector<16xf32> to vector<16xf32>
      tpu.vector_store %arg11[%parallel_loop3A_635], %parallel_loop3A_638 {strides = array<i32>} : memref<8192xf32, #tpu.memory_space<vmem>>, vector<16xf32>,
      %parallel_loop3A_639 = arith.constant 48 : i32
      %parallel_loop3A_640 = arith.addi %parallel_loop3A_552, %parallel_loop3A_639 : i32
      %parallel_loop3A_641 = arith.index_cast %parallel_loop3A_640 : i32 to index
      %parallel_loop3A_642 = tpu.vector_load %arg11[%parallel_loop3A_641] {strides = array<i32>} : memref<8192xf32, #tpu.memory_space<vmem>>, vector<16xf32>,
      %parallel_loop3A_643 = vector.shape_cast %parallel_loop3A_642 : vector<16xf32> to vector<16xf32>
      %parallel_loop3A_644 = vector.shape_cast %parallel_loop3A_622 : vector<16xf32> to vector<16xf32>
      tpu.vector_store %arg11[%parallel_loop3A_641], %parallel_loop3A_644 {strides = array<i32>} : memref<8192xf32, #tpu.memory_space<vmem>>, vector<16xf32>,
    } {sc.loop_unroll_factor = 2 : i64, sc.parallel_access}
    %add3A_125 = arith.constant 5 : i32
    %add3A_126 = arith.addi %mul3A_2, %add3A_125 : i32
    %mul3A_127 = arith.constant 8192 : i32
    %mul3A_128 = arith.muli %add3A_126, %mul3A_127 : i32
    %dma_start3A_129 = tpu.memref_slice %arg5[%mul3A_128] : memref<6815744xf32, #tpu.memory_space<hbm>> -> memref<8192xf32, #tpu.memory_space<hbm>>
    %dma_start3A_130 = tpu.memref_slice %arg5[%mul3A_128] : memref<6815744xf32, #tpu.memory_space<hbm>> -> memref<8192xf32, #tpu.memory_space<hbm>>
    tpu.enqueue_dma source(%arg11 : memref<8192xf32, #tpu.memory_space<vmem>>) target(%dma_start3A_130 : memref<8192xf32, #tpu.memory_space<hbm>>) target_semaphore(%arg15 : memref<!tpu.dma_semaphore, #tpu.memory_space<semaphore_mem>>)
    %dma_start3A_131 = arith.constant 896 : i32
    %dma_start3A_132 = tpu.memref_slice %arg6[%dma_start3A_131] : memref<3328xi32, #tpu.memory_space<vmem>> -> memref<128xi32, #tpu.memory_space<vmem>>
    %dma_start3A_133 = arith.constant 0 : i32
    %dma_start3A_134 = arith.constant 0 : i32
    %dma_start3A_135 = tpu.memref_slice %arg2[%dma_start3A_133, %dma_start3A_134] : memref<100000x32xi32, #tpu.memory_space<hbm>> -> memref<100000x32xi32, #tpu.memory_space<hbm>>
    tpu.enqueue_indirect_dma source(%dma_start3A_135 : memref<100000x32xi32, #tpu.memory_space<hbm>>) target(%arg9 : memref<128x32xi32, #tpu.memory_space<vmem>>) offsets(%dma_start3A_132 : memref<128xi32, #tpu.memory_space<vmem>>) semaphore(%arg13 : memref<!tpu.dma_semaphore, #tpu.memory_space<semaphore_mem>>)
    %dma_wait3A_136 = arith.constant 768 : i32
    %dma_wait3A_137 = tpu.memref_slice %arg6[%dma_wait3A_136] : memref<3328xi32, #tpu.memory_space<vmem>> -> memref<128xi32, #tpu.memory_space<vmem>>
    %dma_wait3A_138 = arith.constant 0 : i32
    %dma_wait3A_139 = arith.constant 0 : i32
    %dma_wait3A_140 = tpu.memref_slice %arg2[%dma_wait3A_138, %dma_wait3A_139] : memref<100000x32xi32, #tpu.memory_space<hbm>> -> memref<100000x32xi32, #tpu.memory_space<hbm>>
    tpu.wait_indirect_dma semaphore(%arg12 : memref<!tpu.dma_semaphore, #tpu.memory_space<semaphore_mem>>) src(%dma_wait3A_140 : memref<100000x32xi32, #tpu.memory_space<hbm>>) dst(%arg8 : memref<128x32xi32, #tpu.memory_space<vmem>>)
    %dma_wait3A_141 = tpu.memref_slice %arg5[%mul3A_107] : memref<6815744xf32, #tpu.memory_space<hbm>> -> memref<8192xf32, #tpu.memory_space<hbm>>
    %dma_wait3A_142 = tpu.memref_slice %arg5[%mul3A_107] : memref<6815744xf32, #tpu.memory_space<hbm>> -> memref<8192xf32, #tpu.memory_space<hbm>>
    tpu.wait_dma2 semaphore(%arg14 : memref<!tpu.dma_semaphore, #tpu.memory_space<semaphore_mem>>) src(%arg10 : memref<8192xf32, #tpu.memory_space<vmem>>) dst(%dma_wait3A_142 : memref<8192xf32, #tpu.memory_space<hbm>>)
    %parallel_loop3A_143 = arith.constant 0 : i32
    %parallel_loop3A_144 = arith.constant 128 : i32
    %parallel_loop3A_145 = arith.constant 1 : i32
    scf.for %parallel_loop3A_550 = %parallel_loop3A_143 to %parallel_loop3A_144 step %parallel_loop3A_145  : i32 {
      %parallel_loop3A_551 = arith.constant 64 : i32
      %parallel_loop3A_552 = arith.muli %parallel_loop3A_550, %parallel_loop3A_551 : i32
      %parallel_loop3A_553 = arith.index_cast %parallel_loop3A_550 : i32 to index
      %parallel_loop3A_554 = arith.constant 0 : index
      %parallel_loop3A_555 = tpu.vector_load %arg8[%parallel_loop3A_553, %parallel_loop3A_554] {strides = array<i32>} : memref<128x32xi32, #tpu.memory_space<vmem>>, vector<1x16xi32>,
      %parallel_loop3A_556 = vector.shape_cast %parallel_loop3A_555 : vector<1x16xi32> to vector<16xi32>
      %parallel_loop3A_557 = arith.index_cast %parallel_loop3A_550 : i32 to index
      %parallel_loop3A_558 = arith.constant 16 : index
      %parallel_loop3A_559 = tpu.vector_load %arg8[%parallel_loop3A_557, %parallel_loop3A_558] {strides = array<i32>} : memref<128x32xi32, #tpu.memory_space<vmem>>, vector<1x16xi32>,
      %parallel_loop3A_560 = vector.shape_cast %parallel_loop3A_559 : vector<1x16xi32> to vector<16xi32>
      %parallel_loop3A_561 = arith.constant 32767 : i32
      %parallel_loop3A_562 = vector.broadcast %parallel_loop3A_561 : i32 to vector<16xi32>
      %parallel_loop3A_563 = arith.andi %parallel_loop3A_556, %parallel_loop3A_562 : vector<16xi32>
      %parallel_loop3A_564 = arith.constant 13 : i32
      %parallel_loop3A_565 = vector.broadcast %parallel_loop3A_564 : i32 to vector<16xi32>
      %parallel_loop3A_566 = arith.shli %parallel_loop3A_563, %parallel_loop3A_565 : vector<16xi32>
      %parallel_loop3A_567 = tpu.bitcast %parallel_loop3A_566 : vector<16xi32> -> vector<16xf32>
      %parallel_loop3A_568 = arith.mulf %parallel_loop3A_567, %get3A_6 : vector<16xf32>
      %parallel_loop3A_569 = arith.constant 16 : i32
      %parallel_loop3A_570 = vector.broadcast %parallel_loop3A_569 : i32 to vector<16xi32>
      %parallel_loop3A_571 = arith.shli %parallel_loop3A_556, %parallel_loop3A_570 : vector<16xi32>
      %parallel_loop3A_572 = arith.constant -2147483648 : i32
      %parallel_loop3A_573 = vector.broadcast %parallel_loop3A_572 : i32 to vector<16xi32>
      %parallel_loop3A_574 = arith.andi %parallel_loop3A_571, %parallel_loop3A_573 : vector<16xi32>
      %parallel_loop3A_575 = tpu.bitcast %parallel_loop3A_568 : vector<16xf32> -> vector<16xi32>
      %parallel_loop3A_576 = arith.ori %parallel_loop3A_575, %parallel_loop3A_574 : vector<16xi32>
      %parallel_loop3A_577 = tpu.bitcast %parallel_loop3A_576 : vector<16xi32> -> vector<16xf32>
      %parallel_loop3A_578 = arith.constant 2147418112 : i32
      %parallel_loop3A_579 = vector.broadcast %parallel_loop3A_578 : i32 to vector<16xi32>
      %parallel_loop3A_580 = arith.andi %parallel_loop3A_556, %parallel_loop3A_579 : vector<16xi32>
      %parallel_loop3A_581 = arith.constant 3 : i32
      %parallel_loop3A_582 = vector.broadcast %parallel_loop3A_581 : i32 to vector<16xi32>
      %parallel_loop3A_583 = arith.shrui %parallel_loop3A_580, %parallel_loop3A_582 : vector<16xi32>
      %parallel_loop3A_584 = tpu.bitcast %parallel_loop3A_583 : vector<16xi32> -> vector<16xf32>
      %parallel_loop3A_585 = arith.mulf %parallel_loop3A_584, %get3A_6 : vector<16xf32>
      %parallel_loop3A_586 = arith.constant -2147483648 : i32
      %parallel_loop3A_587 = vector.broadcast %parallel_loop3A_586 : i32 to vector<16xi32>
      %parallel_loop3A_588 = arith.andi %parallel_loop3A_556, %parallel_loop3A_587 : vector<16xi32>
      %parallel_loop3A_589 = tpu.bitcast %parallel_loop3A_585 : vector<16xf32> -> vector<16xi32>
      %parallel_loop3A_590 = arith.ori %parallel_loop3A_589, %parallel_loop3A_588 : vector<16xi32>
      %parallel_loop3A_591 = tpu.bitcast %parallel_loop3A_590 : vector<16xi32> -> vector<16xf32>
      %parallel_loop3A_592 = arith.constant 32767 : i32
      %parallel_loop3A_593 = vector.broadcast %parallel_loop3A_592 : i32 to vector<16xi32>
      %parallel_loop3A_594 = arith.andi %parallel_loop3A_560, %parallel_loop3A_593 : vector<16xi32>
      %parallel_loop3A_595 = arith.constant 13 : i32
      %parallel_loop3A_596 = vector.broadcast %parallel_loop3A_595 : i32 to vector<16xi32>
      %parallel_loop3A_597 = arith.shli %parallel_loop3A_594, %parallel_loop3A_596 : vector<16xi32>
      %parallel_loop3A_598 = tpu.bitcast %parallel_loop3A_597 : vector<16xi32> -> vector<16xf32>
      %parallel_loop3A_599 = arith.mulf %parallel_loop3A_598, %get3A_6 : vector<16xf32>
      %parallel_loop3A_600 = arith.constant 16 : i32
      %parallel_loop3A_601 = vector.broadcast %parallel_loop3A_600 : i32 to vector<16xi32>
      %parallel_loop3A_602 = arith.shli %parallel_loop3A_560, %parallel_loop3A_601 : vector<16xi32>
      %parallel_loop3A_603 = arith.constant -2147483648 : i32
      %parallel_loop3A_604 = vector.broadcast %parallel_loop3A_603 : i32 to vector<16xi32>
      %parallel_loop3A_605 = arith.andi %parallel_loop3A_602, %parallel_loop3A_604 : vector<16xi32>
      %parallel_loop3A_606 = tpu.bitcast %parallel_loop3A_599 : vector<16xf32> -> vector<16xi32>
      %parallel_loop3A_607 = arith.ori %parallel_loop3A_606, %parallel_loop3A_605 : vector<16xi32>
      %parallel_loop3A_608 = tpu.bitcast %parallel_loop3A_607 : vector<16xi32> -> vector<16xf32>
      %parallel_loop3A_609 = arith.constant 2147418112 : i32
      %parallel_loop3A_610 = vector.broadcast %parallel_loop3A_609 : i32 to vector<16xi32>
      %parallel_loop3A_611 = arith.andi %parallel_loop3A_560, %parallel_loop3A_610 : vector<16xi32>
      %parallel_loop3A_612 = arith.constant 3 : i32
      %parallel_loop3A_613 = vector.broadcast %parallel_loop3A_612 : i32 to vector<16xi32>
      %parallel_loop3A_614 = arith.shrui %parallel_loop3A_611, %parallel_loop3A_613 : vector<16xi32>
      %parallel_loop3A_615 = tpu.bitcast %parallel_loop3A_614 : vector<16xi32> -> vector<16xf32>
      %parallel_loop3A_616 = arith.mulf %parallel_loop3A_615, %get3A_6 : vector<16xf32>
      %parallel_loop3A_617 = arith.constant -2147483648 : i32
      %parallel_loop3A_618 = vector.broadcast %parallel_loop3A_617 : i32 to vector<16xi32>
      %parallel_loop3A_619 = arith.andi %parallel_loop3A_560, %parallel_loop3A_618 : vector<16xi32>
      %parallel_loop3A_620 = tpu.bitcast %parallel_loop3A_616 : vector<16xf32> -> vector<16xi32>
      %parallel_loop3A_621 = arith.ori %parallel_loop3A_620, %parallel_loop3A_619 : vector<16xi32>
      %parallel_loop3A_622 = tpu.bitcast %parallel_loop3A_621 : vector<16xi32> -> vector<16xf32>
      %parallel_loop3A_623 = arith.index_cast %parallel_loop3A_552 : i32 to index
      %parallel_loop3A_624 = tpu.vector_load %arg10[%parallel_loop3A_623] {strides = array<i32>} : memref<8192xf32, #tpu.memory_space<vmem>>, vector<16xf32>,
      %parallel_loop3A_625 = vector.shape_cast %parallel_loop3A_624 : vector<16xf32> to vector<16xf32>
      %parallel_loop3A_626 = vector.shape_cast %parallel_loop3A_577 : vector<16xf32> to vector<16xf32>
      tpu.vector_store %arg10[%parallel_loop3A_623], %parallel_loop3A_626 {strides = array<i32>} : memref<8192xf32, #tpu.memory_space<vmem>>, vector<16xf32>,
      %parallel_loop3A_627 = arith.constant 16 : i32
      %parallel_loop3A_628 = arith.addi %parallel_loop3A_552, %parallel_loop3A_627 : i32
      %parallel_loop3A_629 = arith.index_cast %parallel_loop3A_628 : i32 to index
      %parallel_loop3A_630 = tpu.vector_load %arg10[%parallel_loop3A_629] {strides = array<i32>} : memref<8192xf32, #tpu.memory_space<vmem>>, vector<16xf32>,
      %parallel_loop3A_631 = vector.shape_cast %parallel_loop3A_630 : vector<16xf32> to vector<16xf32>
      %parallel_loop3A_632 = vector.shape_cast %parallel_loop3A_608 : vector<16xf32> to vector<16xf32>
      tpu.vector_store %arg10[%parallel_loop3A_629], %parallel_loop3A_632 {strides = array<i32>} : memref<8192xf32, #tpu.memory_space<vmem>>, vector<16xf32>,
      %parallel_loop3A_633 = arith.constant 32 : i32
      %parallel_loop3A_634 = arith.addi %parallel_loop3A_552, %parallel_loop3A_633 : i32
      %parallel_loop3A_635 = arith.index_cast %parallel_loop3A_634 : i32 to index
      %parallel_loop3A_636 = tpu.vector_load %arg10[%parallel_loop3A_635] {strides = array<i32>} : memref<8192xf32, #tpu.memory_space<vmem>>, vector<16xf32>,
      %parallel_loop3A_637 = vector.shape_cast %parallel_loop3A_636 : vector<16xf32> to vector<16xf32>
      %parallel_loop3A_638 = vector.shape_cast %parallel_loop3A_591 : vector<16xf32> to vector<16xf32>
      tpu.vector_store %arg10[%parallel_loop3A_635], %parallel_loop3A_638 {strides = array<i32>} : memref<8192xf32, #tpu.memory_space<vmem>>, vector<16xf32>,
      %parallel_loop3A_639 = arith.constant 48 : i32
      %parallel_loop3A_640 = arith.addi %parallel_loop3A_552, %parallel_loop3A_639 : i32
      %parallel_loop3A_641 = arith.index_cast %parallel_loop3A_640 : i32 to index
      %parallel_loop3A_642 = tpu.vector_load %arg10[%parallel_loop3A_641] {strides = array<i32>} : memref<8192xf32, #tpu.memory_space<vmem>>, vector<16xf32>,
      %parallel_loop3A_643 = vector.shape_cast %parallel_loop3A_642 : vector<16xf32> to vector<16xf32>
      %parallel_loop3A_644 = vector.shape_cast %parallel_loop3A_622 : vector<16xf32> to vector<16xf32>
      tpu.vector_store %arg10[%parallel_loop3A_641], %parallel_loop3A_644 {strides = array<i32>} : memref<8192xf32, #tpu.memory_space<vmem>>, vector<16xf32>,
    } {sc.loop_unroll_factor = 2 : i64, sc.parallel_access}
    %add3A_146 = arith.constant 6 : i32
    %add3A_147 = arith.addi %mul3A_2, %add3A_146 : i32
    %mul3A_148 = arith.constant 8192 : i32
    %mul3A_149 = arith.muli %add3A_147, %mul3A_148 : i32
    %dma_start3A_150 = tpu.memref_slice %arg5[%mul3A_149] : memref<6815744xf32, #tpu.memory_space<hbm>> -> memref<8192xf32, #tpu.memory_space<hbm>>
    %dma_start3A_151 = tpu.memref_slice %arg5[%mul3A_149] : memref<6815744xf32, #tpu.memory_space<hbm>> -> memref<8192xf32, #tpu.memory_space<hbm>>
    tpu.enqueue_dma source(%arg10 : memref<8192xf32, #tpu.memory_space<vmem>>) target(%dma_start3A_151 : memref<8192xf32, #tpu.memory_space<hbm>>) target_semaphore(%arg14 : memref<!tpu.dma_semaphore, #tpu.memory_space<semaphore_mem>>)
    %dma_start3A_152 = arith.constant 1024 : i32
    %dma_start3A_153 = tpu.memref_slice %arg6[%dma_start3A_152] : memref<3328xi32, #tpu.memory_space<vmem>> -> memref<128xi32, #tpu.memory_space<vmem>>
    %dma_start3A_154 = arith.constant 0 : i32
    %dma_start3A_155 = arith.constant 0 : i32
    %dma_start3A_156 = tpu.memref_slice %arg2[%dma_start3A_154, %dma_start3A_155] : memref<100000x32xi32, #tpu.memory_space<hbm>> -> memref<100000x32xi32, #tpu.memory_space<hbm>>
    tpu.enqueue_indirect_dma source(%dma_start3A_156 : memref<100000x32xi32, #tpu.memory_space<hbm>>) target(%arg8 : memref<128x32xi32, #tpu.memory_space<vmem>>) offsets(%dma_start3A_153 : memref<128xi32, #tpu.memory_space<vmem>>) semaphore(%arg12 : memref<!tpu.dma_semaphore, #tpu.memory_space<semaphore_mem>>)
    %dma_wait3A_157 = arith.constant 896 : i32
    %dma_wait3A_158 = tpu.memref_slice %arg6[%dma_wait3A_157] : memref<3328xi32, #tpu.memory_space<vmem>> -> memref<128xi32, #tpu.memory_space<vmem>>
    %dma_wait3A_159 = arith.constant 0 : i32
    %dma_wait3A_160 = arith.constant 0 : i32
    %dma_wait3A_161 = tpu.memref_slice %arg2[%dma_wait3A_159, %dma_wait3A_160] : memref<100000x32xi32, #tpu.memory_space<hbm>> -> memref<100000x32xi32, #tpu.memory_space<hbm>>
    tpu.wait_indirect_dma semaphore(%arg13 : memref<!tpu.dma_semaphore, #tpu.memory_space<semaphore_mem>>) src(%dma_wait3A_161 : memref<100000x32xi32, #tpu.memory_space<hbm>>) dst(%arg9 : memref<128x32xi32, #tpu.memory_space<vmem>>)
    %dma_wait3A_162 = tpu.memref_slice %arg5[%mul3A_128] : memref<6815744xf32, #tpu.memory_space<hbm>> -> memref<8192xf32, #tpu.memory_space<hbm>>
    %dma_wait3A_163 = tpu.memref_slice %arg5[%mul3A_128] : memref<6815744xf32, #tpu.memory_space<hbm>> -> memref<8192xf32, #tpu.memory_space<hbm>>
    tpu.wait_dma2 semaphore(%arg15 : memref<!tpu.dma_semaphore, #tpu.memory_space<semaphore_mem>>) src(%arg11 : memref<8192xf32, #tpu.memory_space<vmem>>) dst(%dma_wait3A_163 : memref<8192xf32, #tpu.memory_space<hbm>>)
    %parallel_loop3A_164 = arith.constant 0 : i32
    %parallel_loop3A_165 = arith.constant 128 : i32
    %parallel_loop3A_166 = arith.constant 1 : i32
    scf.for %parallel_loop3A_550 = %parallel_loop3A_164 to %parallel_loop3A_165 step %parallel_loop3A_166  : i32 {
      %parallel_loop3A_551 = arith.constant 64 : i32
      %parallel_loop3A_552 = arith.muli %parallel_loop3A_550, %parallel_loop3A_551 : i32
      %parallel_loop3A_553 = arith.index_cast %parallel_loop3A_550 : i32 to index
      %parallel_loop3A_554 = arith.constant 0 : index
      %parallel_loop3A_555 = tpu.vector_load %arg9[%parallel_loop3A_553, %parallel_loop3A_554] {strides = array<i32>} : memref<128x32xi32, #tpu.memory_space<vmem>>, vector<1x16xi32>,
      %parallel_loop3A_556 = vector.shape_cast %parallel_loop3A_555 : vector<1x16xi32> to vector<16xi32>
      %parallel_loop3A_557 = arith.index_cast %parallel_loop3A_550 : i32 to index
      %parallel_loop3A_558 = arith.constant 16 : index
      %parallel_loop3A_559 = tpu.vector_load %arg9[%parallel_loop3A_557, %parallel_loop3A_558] {strides = array<i32>} : memref<128x32xi32, #tpu.memory_space<vmem>>, vector<1x16xi32>,
      %parallel_loop3A_560 = vector.shape_cast %parallel_loop3A_559 : vector<1x16xi32> to vector<16xi32>
      %parallel_loop3A_561 = arith.constant 32767 : i32
      %parallel_loop3A_562 = vector.broadcast %parallel_loop3A_561 : i32 to vector<16xi32>
      %parallel_loop3A_563 = arith.andi %parallel_loop3A_556, %parallel_loop3A_562 : vector<16xi32>
      %parallel_loop3A_564 = arith.constant 13 : i32
      %parallel_loop3A_565 = vector.broadcast %parallel_loop3A_564 : i32 to vector<16xi32>
      %parallel_loop3A_566 = arith.shli %parallel_loop3A_563, %parallel_loop3A_565 : vector<16xi32>
      %parallel_loop3A_567 = tpu.bitcast %parallel_loop3A_566 : vector<16xi32> -> vector<16xf32>
      %parallel_loop3A_568 = arith.mulf %parallel_loop3A_567, %get3A_6 : vector<16xf32>
      %parallel_loop3A_569 = arith.constant 16 : i32
      %parallel_loop3A_570 = vector.broadcast %parallel_loop3A_569 : i32 to vector<16xi32>
      %parallel_loop3A_571 = arith.shli %parallel_loop3A_556, %parallel_loop3A_570 : vector<16xi32>
      %parallel_loop3A_572 = arith.constant -2147483648 : i32
      %parallel_loop3A_573 = vector.broadcast %parallel_loop3A_572 : i32 to vector<16xi32>
      %parallel_loop3A_574 = arith.andi %parallel_loop3A_571, %parallel_loop3A_573 : vector<16xi32>
      %parallel_loop3A_575 = tpu.bitcast %parallel_loop3A_568 : vector<16xf32> -> vector<16xi32>
      %parallel_loop3A_576 = arith.ori %parallel_loop3A_575, %parallel_loop3A_574 : vector<16xi32>
      %parallel_loop3A_577 = tpu.bitcast %parallel_loop3A_576 : vector<16xi32> -> vector<16xf32>
      %parallel_loop3A_578 = arith.constant 2147418112 : i32
      %parallel_loop3A_579 = vector.broadcast %parallel_loop3A_578 : i32 to vector<16xi32>
      %parallel_loop3A_580 = arith.andi %parallel_loop3A_556, %parallel_loop3A_579 : vector<16xi32>
      %parallel_loop3A_581 = arith.constant 3 : i32
      %parallel_loop3A_582 = vector.broadcast %parallel_loop3A_581 : i32 to vector<16xi32>
      %parallel_loop3A_583 = arith.shrui %parallel_loop3A_580, %parallel_loop3A_582 : vector<16xi32>
      %parallel_loop3A_584 = tpu.bitcast %parallel_loop3A_583 : vector<16xi32> -> vector<16xf32>
      %parallel_loop3A_585 = arith.mulf %parallel_loop3A_584, %get3A_6 : vector<16xf32>
      %parallel_loop3A_586 = arith.constant -2147483648 : i32
      %parallel_loop3A_587 = vector.broadcast %parallel_loop3A_586 : i32 to vector<16xi32>
      %parallel_loop3A_588 = arith.andi %parallel_loop3A_556, %parallel_loop3A_587 : vector<16xi32>
      %parallel_loop3A_589 = tpu.bitcast %parallel_loop3A_585 : vector<16xf32> -> vector<16xi32>
      %parallel_loop3A_590 = arith.ori %parallel_loop3A_589, %parallel_loop3A_588 : vector<16xi32>
      %parallel_loop3A_591 = tpu.bitcast %parallel_loop3A_590 : vector<16xi32> -> vector<16xf32>
      %parallel_loop3A_592 = arith.constant 32767 : i32
      %parallel_loop3A_593 = vector.broadcast %parallel_loop3A_592 : i32 to vector<16xi32>
      %parallel_loop3A_594 = arith.andi %parallel_loop3A_560, %parallel_loop3A_593 : vector<16xi32>
      %parallel_loop3A_595 = arith.constant 13 : i32
      %parallel_loop3A_596 = vector.broadcast %parallel_loop3A_595 : i32 to vector<16xi32>
      %parallel_loop3A_597 = arith.shli %parallel_loop3A_594, %parallel_loop3A_596 : vector<16xi32>
      %parallel_loop3A_598 = tpu.bitcast %parallel_loop3A_597 : vector<16xi32> -> vector<16xf32>
      %parallel_loop3A_599 = arith.mulf %parallel_loop3A_598, %get3A_6 : vector<16xf32>
      %parallel_loop3A_600 = arith.constant 16 : i32
      %parallel_loop3A_601 = vector.broadcast %parallel_loop3A_600 : i32 to vector<16xi32>
      %parallel_loop3A_602 = arith.shli %parallel_loop3A_560, %parallel_loop3A_601 : vector<16xi32>
      %parallel_loop3A_603 = arith.constant -2147483648 : i32
      %parallel_loop3A_604 = vector.broadcast %parallel_loop3A_603 : i32 to vector<16xi32>
      %parallel_loop3A_605 = arith.andi %parallel_loop3A_602, %parallel_loop3A_604 : vector<16xi32>
      %parallel_loop3A_606 = tpu.bitcast %parallel_loop3A_599 : vector<16xf32> -> vector<16xi32>
      %parallel_loop3A_607 = arith.ori %parallel_loop3A_606, %parallel_loop3A_605 : vector<16xi32>
      %parallel_loop3A_608 = tpu.bitcast %parallel_loop3A_607 : vector<16xi32> -> vector<16xf32>
      %parallel_loop3A_609 = arith.constant 2147418112 : i32
      %parallel_loop3A_610 = vector.broadcast %parallel_loop3A_609 : i32 to vector<16xi32>
      %parallel_loop3A_611 = arith.andi %parallel_loop3A_560, %parallel_loop3A_610 : vector<16xi32>
      %parallel_loop3A_612 = arith.constant 3 : i32
      %parallel_loop3A_613 = vector.broadcast %parallel_loop3A_612 : i32 to vector<16xi32>
      %parallel_loop3A_614 = arith.shrui %parallel_loop3A_611, %parallel_loop3A_613 : vector<16xi32>
      %parallel_loop3A_615 = tpu.bitcast %parallel_loop3A_614 : vector<16xi32> -> vector<16xf32>
      %parallel_loop3A_616 = arith.mulf %parallel_loop3A_615, %get3A_6 : vector<16xf32>
      %parallel_loop3A_617 = arith.constant -2147483648 : i32
      %parallel_loop3A_618 = vector.broadcast %parallel_loop3A_617 : i32 to vector<16xi32>
      %parallel_loop3A_619 = arith.andi %parallel_loop3A_560, %parallel_loop3A_618 : vector<16xi32>
      %parallel_loop3A_620 = tpu.bitcast %parallel_loop3A_616 : vector<16xf32> -> vector<16xi32>
      %parallel_loop3A_621 = arith.ori %parallel_loop3A_620, %parallel_loop3A_619 : vector<16xi32>
      %parallel_loop3A_622 = tpu.bitcast %parallel_loop3A_621 : vector<16xi32> -> vector<16xf32>
      %parallel_loop3A_623 = arith.index_cast %parallel_loop3A_552 : i32 to index
      %parallel_loop3A_624 = tpu.vector_load %arg11[%parallel_loop3A_623] {strides = array<i32>} : memref<8192xf32, #tpu.memory_space<vmem>>, vector<16xf32>,
      %parallel_loop3A_625 = vector.shape_cast %parallel_loop3A_624 : vector<16xf32> to vector<16xf32>
      %parallel_loop3A_626 = vector.shape_cast %parallel_loop3A_577 : vector<16xf32> to vector<16xf32>
      tpu.vector_store %arg11[%parallel_loop3A_623], %parallel_loop3A_626 {strides = array<i32>} : memref<8192xf32, #tpu.memory_space<vmem>>, vector<16xf32>,
      %parallel_loop3A_627 = arith.constant 16 : i32
      %parallel_loop3A_628 = arith.addi %parallel_loop3A_552, %parallel_loop3A_627 : i32
      %parallel_loop3A_629 = arith.index_cast %parallel_loop3A_628 : i32 to index
      %parallel_loop3A_630 = tpu.vector_load %arg11[%parallel_loop3A_629] {strides = array<i32>} : memref<8192xf32, #tpu.memory_space<vmem>>, vector<16xf32>,
      %parallel_loop3A_631 = vector.shape_cast %parallel_loop3A_630 : vector<16xf32> to vector<16xf32>
      %parallel_loop3A_632 = vector.shape_cast %parallel_loop3A_608 : vector<16xf32> to vector<16xf32>
      tpu.vector_store %arg11[%parallel_loop3A_629], %parallel_loop3A_632 {strides = array<i32>} : memref<8192xf32, #tpu.memory_space<vmem>>, vector<16xf32>,
      %parallel_loop3A_633 = arith.constant 32 : i32
      %parallel_loop3A_634 = arith.addi %parallel_loop3A_552, %parallel_loop3A_633 : i32
      %parallel_loop3A_635 = arith.index_cast %parallel_loop3A_634 : i32 to index
      %parallel_loop3A_636 = tpu.vector_load %arg11[%parallel_loop3A_635] {strides = array<i32>} : memref<8192xf32, #tpu.memory_space<vmem>>, vector<16xf32>,
      %parallel_loop3A_637 = vector.shape_cast %parallel_loop3A_636 : vector<16xf32> to vector<16xf32>
      %parallel_loop3A_638 = vector.shape_cast %parallel_loop3A_591 : vector<16xf32> to vector<16xf32>
      tpu.vector_store %arg11[%parallel_loop3A_635], %parallel_loop3A_638 {strides = array<i32>} : memref<8192xf32, #tpu.memory_space<vmem>>, vector<16xf32>,
      %parallel_loop3A_639 = arith.constant 48 : i32
      %parallel_loop3A_640 = arith.addi %parallel_loop3A_552, %parallel_loop3A_639 : i32
      %parallel_loop3A_641 = arith.index_cast %parallel_loop3A_640 : i32 to index
      %parallel_loop3A_642 = tpu.vector_load %arg11[%parallel_loop3A_641] {strides = array<i32>} : memref<8192xf32, #tpu.memory_space<vmem>>, vector<16xf32>,
      %parallel_loop3A_643 = vector.shape_cast %parallel_loop3A_642 : vector<16xf32> to vector<16xf32>
      %parallel_loop3A_644 = vector.shape_cast %parallel_loop3A_622 : vector<16xf32> to vector<16xf32>
      tpu.vector_store %arg11[%parallel_loop3A_641], %parallel_loop3A_644 {strides = array<i32>} : memref<8192xf32, #tpu.memory_space<vmem>>, vector<16xf32>,
    } {sc.loop_unroll_factor = 2 : i64, sc.parallel_access}
    %add3A_167 = arith.constant 7 : i32
    %add3A_168 = arith.addi %mul3A_2, %add3A_167 : i32
    %mul3A_169 = arith.constant 8192 : i32
    %mul3A_170 = arith.muli %add3A_168, %mul3A_169 : i32
    %dma_start3A_171 = tpu.memref_slice %arg5[%mul3A_170] : memref<6815744xf32, #tpu.memory_space<hbm>> -> memref<8192xf32, #tpu.memory_space<hbm>>
    %dma_start3A_172 = tpu.memref_slice %arg5[%mul3A_170] : memref<6815744xf32, #tpu.memory_space<hbm>> -> memref<8192xf32, #tpu.memory_space<hbm>>
    tpu.enqueue_dma source(%arg11 : memref<8192xf32, #tpu.memory_space<vmem>>) target(%dma_start3A_172 : memref<8192xf32, #tpu.memory_space<hbm>>) target_semaphore(%arg15 : memref<!tpu.dma_semaphore, #tpu.memory_space<semaphore_mem>>)
    %dma_start3A_173 = arith.constant 1152 : i32
    %dma_start3A_174 = tpu.memref_slice %arg6[%dma_start3A_173] : memref<3328xi32, #tpu.memory_space<vmem>> -> memref<128xi32, #tpu.memory_space<vmem>>
    %dma_start3A_175 = arith.constant 0 : i32
    %dma_start3A_176 = arith.constant 0 : i32
    %dma_start3A_177 = tpu.memref_slice %arg2[%dma_start3A_175, %dma_start3A_176] : memref<100000x32xi32, #tpu.memory_space<hbm>> -> memref<100000x32xi32, #tpu.memory_space<hbm>>
    tpu.enqueue_indirect_dma source(%dma_start3A_177 : memref<100000x32xi32, #tpu.memory_space<hbm>>) target(%arg9 : memref<128x32xi32, #tpu.memory_space<vmem>>) offsets(%dma_start3A_174 : memref<128xi32, #tpu.memory_space<vmem>>) semaphore(%arg13 : memref<!tpu.dma_semaphore, #tpu.memory_space<semaphore_mem>>)
    %dma_wait3A_178 = arith.constant 1024 : i32
    %dma_wait3A_179 = tpu.memref_slice %arg6[%dma_wait3A_178] : memref<3328xi32, #tpu.memory_space<vmem>> -> memref<128xi32, #tpu.memory_space<vmem>>
    %dma_wait3A_180 = arith.constant 0 : i32
    %dma_wait3A_181 = arith.constant 0 : i32
    %dma_wait3A_182 = tpu.memref_slice %arg2[%dma_wait3A_180, %dma_wait3A_181] : memref<100000x32xi32, #tpu.memory_space<hbm>> -> memref<100000x32xi32, #tpu.memory_space<hbm>>
    tpu.wait_indirect_dma semaphore(%arg12 : memref<!tpu.dma_semaphore, #tpu.memory_space<semaphore_mem>>) src(%dma_wait3A_182 : memref<100000x32xi32, #tpu.memory_space<hbm>>) dst(%arg8 : memref<128x32xi32, #tpu.memory_space<vmem>>)
    %dma_wait3A_183 = tpu.memref_slice %arg5[%mul3A_149] : memref<6815744xf32, #tpu.memory_space<hbm>> -> memref<8192xf32, #tpu.memory_space<hbm>>
    %dma_wait3A_184 = tpu.memref_slice %arg5[%mul3A_149] : memref<6815744xf32, #tpu.memory_space<hbm>> -> memref<8192xf32, #tpu.memory_space<hbm>>
    tpu.wait_dma2 semaphore(%arg14 : memref<!tpu.dma_semaphore, #tpu.memory_space<semaphore_mem>>) src(%arg10 : memref<8192xf32, #tpu.memory_space<vmem>>) dst(%dma_wait3A_184 : memref<8192xf32, #tpu.memory_space<hbm>>)
    %parallel_loop3A_185 = arith.constant 0 : i32
    %parallel_loop3A_186 = arith.constant 128 : i32
    %parallel_loop3A_187 = arith.constant 1 : i32
    scf.for %parallel_loop3A_550 = %parallel_loop3A_185 to %parallel_loop3A_186 step %parallel_loop3A_187  : i32 {
      %parallel_loop3A_551 = arith.constant 64 : i32
      %parallel_loop3A_552 = arith.muli %parallel_loop3A_550, %parallel_loop3A_551 : i32
      %parallel_loop3A_553 = arith.index_cast %parallel_loop3A_550 : i32 to index
      %parallel_loop3A_554 = arith.constant 0 : index
      %parallel_loop3A_555 = tpu.vector_load %arg8[%parallel_loop3A_553, %parallel_loop3A_554] {strides = array<i32>} : memref<128x32xi32, #tpu.memory_space<vmem>>, vector<1x16xi32>,
      %parallel_loop3A_556 = vector.shape_cast %parallel_loop3A_555 : vector<1x16xi32> to vector<16xi32>
      %parallel_loop3A_557 = arith.index_cast %parallel_loop3A_550 : i32 to index
      %parallel_loop3A_558 = arith.constant 16 : index
      %parallel_loop3A_559 = tpu.vector_load %arg8[%parallel_loop3A_557, %parallel_loop3A_558] {strides = array<i32>} : memref<128x32xi32, #tpu.memory_space<vmem>>, vector<1x16xi32>,
      %parallel_loop3A_560 = vector.shape_cast %parallel_loop3A_559 : vector<1x16xi32> to vector<16xi32>
      %parallel_loop3A_561 = arith.constant 32767 : i32
      %parallel_loop3A_562 = vector.broadcast %parallel_loop3A_561 : i32 to vector<16xi32>
      %parallel_loop3A_563 = arith.andi %parallel_loop3A_556, %parallel_loop3A_562 : vector<16xi32>
      %parallel_loop3A_564 = arith.constant 13 : i32
      %parallel_loop3A_565 = vector.broadcast %parallel_loop3A_564 : i32 to vector<16xi32>
      %parallel_loop3A_566 = arith.shli %parallel_loop3A_563, %parallel_loop3A_565 : vector<16xi32>
      %parallel_loop3A_567 = tpu.bitcast %parallel_loop3A_566 : vector<16xi32> -> vector<16xf32>
      %parallel_loop3A_568 = arith.mulf %parallel_loop3A_567, %get3A_6 : vector<16xf32>
      %parallel_loop3A_569 = arith.constant 16 : i32
      %parallel_loop3A_570 = vector.broadcast %parallel_loop3A_569 : i32 to vector<16xi32>
      %parallel_loop3A_571 = arith.shli %parallel_loop3A_556, %parallel_loop3A_570 : vector<16xi32>
      %parallel_loop3A_572 = arith.constant -2147483648 : i32
      %parallel_loop3A_573 = vector.broadcast %parallel_loop3A_572 : i32 to vector<16xi32>
      %parallel_loop3A_574 = arith.andi %parallel_loop3A_571, %parallel_loop3A_573 : vector<16xi32>
      %parallel_loop3A_575 = tpu.bitcast %parallel_loop3A_568 : vector<16xf32> -> vector<16xi32>
      %parallel_loop3A_576 = arith.ori %parallel_loop3A_575, %parallel_loop3A_574 : vector<16xi32>
      %parallel_loop3A_577 = tpu.bitcast %parallel_loop3A_576 : vector<16xi32> -> vector<16xf32>
      %parallel_loop3A_578 = arith.constant 2147418112 : i32
      %parallel_loop3A_579 = vector.broadcast %parallel_loop3A_578 : i32 to vector<16xi32>
      %parallel_loop3A_580 = arith.andi %parallel_loop3A_556, %parallel_loop3A_579 : vector<16xi32>
      %parallel_loop3A_581 = arith.constant 3 : i32
      %parallel_loop3A_582 = vector.broadcast %parallel_loop3A_581 : i32 to vector<16xi32>
      %parallel_loop3A_583 = arith.shrui %parallel_loop3A_580, %parallel_loop3A_582 : vector<16xi32>
      %parallel_loop3A_584 = tpu.bitcast %parallel_loop3A_583 : vector<16xi32> -> vector<16xf32>
      %parallel_loop3A_585 = arith.mulf %parallel_loop3A_584, %get3A_6 : vector<16xf32>
      %parallel_loop3A_586 = arith.constant -2147483648 : i32
      %parallel_loop3A_587 = vector.broadcast %parallel_loop3A_586 : i32 to vector<16xi32>
      %parallel_loop3A_588 = arith.andi %parallel_loop3A_556, %parallel_loop3A_587 : vector<16xi32>
      %parallel_loop3A_589 = tpu.bitcast %parallel_loop3A_585 : vector<16xf32> -> vector<16xi32>
      %parallel_loop3A_590 = arith.ori %parallel_loop3A_589, %parallel_loop3A_588 : vector<16xi32>
      %parallel_loop3A_591 = tpu.bitcast %parallel_loop3A_590 : vector<16xi32> -> vector<16xf32>
      %parallel_loop3A_592 = arith.constant 32767 : i32
      %parallel_loop3A_593 = vector.broadcast %parallel_loop3A_592 : i32 to vector<16xi32>
      %parallel_loop3A_594 = arith.andi %parallel_loop3A_560, %parallel_loop3A_593 : vector<16xi32>
      %parallel_loop3A_595 = arith.constant 13 : i32
      %parallel_loop3A_596 = vector.broadcast %parallel_loop3A_595 : i32 to vector<16xi32>
      %parallel_loop3A_597 = arith.shli %parallel_loop3A_594, %parallel_loop3A_596 : vector<16xi32>
      %parallel_loop3A_598 = tpu.bitcast %parallel_loop3A_597 : vector<16xi32> -> vector<16xf32>
      %parallel_loop3A_599 = arith.mulf %parallel_loop3A_598, %get3A_6 : vector<16xf32>
      %parallel_loop3A_600 = arith.constant 16 : i32
      %parallel_loop3A_601 = vector.broadcast %parallel_loop3A_600 : i32 to vector<16xi32>
      %parallel_loop3A_602 = arith.shli %parallel_loop3A_560, %parallel_loop3A_601 : vector<16xi32>
      %parallel_loop3A_603 = arith.constant -2147483648 : i32
      %parallel_loop3A_604 = vector.broadcast %parallel_loop3A_603 : i32 to vector<16xi32>
      %parallel_loop3A_605 = arith.andi %parallel_loop3A_602, %parallel_loop3A_604 : vector<16xi32>
      %parallel_loop3A_606 = tpu.bitcast %parallel_loop3A_599 : vector<16xf32> -> vector<16xi32>
      %parallel_loop3A_607 = arith.ori %parallel_loop3A_606, %parallel_loop3A_605 : vector<16xi32>
      %parallel_loop3A_608 = tpu.bitcast %parallel_loop3A_607 : vector<16xi32> -> vector<16xf32>
      %parallel_loop3A_609 = arith.constant 2147418112 : i32
      %parallel_loop3A_610 = vector.broadcast %parallel_loop3A_609 : i32 to vector<16xi32>
      %parallel_loop3A_611 = arith.andi %parallel_loop3A_560, %parallel_loop3A_610 : vector<16xi32>
      %parallel_loop3A_612 = arith.constant 3 : i32
      %parallel_loop3A_613 = vector.broadcast %parallel_loop3A_612 : i32 to vector<16xi32>
      %parallel_loop3A_614 = arith.shrui %parallel_loop3A_611, %parallel_loop3A_613 : vector<16xi32>
      %parallel_loop3A_615 = tpu.bitcast %parallel_loop3A_614 : vector<16xi32> -> vector<16xf32>
      %parallel_loop3A_616 = arith.mulf %parallel_loop3A_615, %get3A_6 : vector<16xf32>
      %parallel_loop3A_617 = arith.constant -2147483648 : i32
      %parallel_loop3A_618 = vector.broadcast %parallel_loop3A_617 : i32 to vector<16xi32>
      %parallel_loop3A_619 = arith.andi %parallel_loop3A_560, %parallel_loop3A_618 : vector<16xi32>
      %parallel_loop3A_620 = tpu.bitcast %parallel_loop3A_616 : vector<16xf32> -> vector<16xi32>
      %parallel_loop3A_621 = arith.ori %parallel_loop3A_620, %parallel_loop3A_619 : vector<16xi32>
      %parallel_loop3A_622 = tpu.bitcast %parallel_loop3A_621 : vector<16xi32> -> vector<16xf32>
      %parallel_loop3A_623 = arith.index_cast %parallel_loop3A_552 : i32 to index
      %parallel_loop3A_624 = tpu.vector_load %arg10[%parallel_loop3A_623] {strides = array<i32>} : memref<8192xf32, #tpu.memory_space<vmem>>, vector<16xf32>,
      %parallel_loop3A_625 = vector.shape_cast %parallel_loop3A_624 : vector<16xf32> to vector<16xf32>
      %parallel_loop3A_626 = vector.shape_cast %parallel_loop3A_577 : vector<16xf32> to vector<16xf32>
      tpu.vector_store %arg10[%parallel_loop3A_623], %parallel_loop3A_626 {strides = array<i32>} : memref<8192xf32, #tpu.memory_space<vmem>>, vector<16xf32>,
      %parallel_loop3A_627 = arith.constant 16 : i32
      %parallel_loop3A_628 = arith.addi %parallel_loop3A_552, %parallel_loop3A_627 : i32
      %parallel_loop3A_629 = arith.index_cast %parallel_loop3A_628 : i32 to index
      %parallel_loop3A_630 = tpu.vector_load %arg10[%parallel_loop3A_629] {strides = array<i32>} : memref<8192xf32, #tpu.memory_space<vmem>>, vector<16xf32>,
      %parallel_loop3A_631 = vector.shape_cast %parallel_loop3A_630 : vector<16xf32> to vector<16xf32>
      %parallel_loop3A_632 = vector.shape_cast %parallel_loop3A_608 : vector<16xf32> to vector<16xf32>
      tpu.vector_store %arg10[%parallel_loop3A_629], %parallel_loop3A_632 {strides = array<i32>} : memref<8192xf32, #tpu.memory_space<vmem>>, vector<16xf32>,
      %parallel_loop3A_633 = arith.constant 32 : i32
      %parallel_loop3A_634 = arith.addi %parallel_loop3A_552, %parallel_loop3A_633 : i32
      %parallel_loop3A_635 = arith.index_cast %parallel_loop3A_634 : i32 to index
      %parallel_loop3A_636 = tpu.vector_load %arg10[%parallel_loop3A_635] {strides = array<i32>} : memref<8192xf32, #tpu.memory_space<vmem>>, vector<16xf32>,
      %parallel_loop3A_637 = vector.shape_cast %parallel_loop3A_636 : vector<16xf32> to vector<16xf32>
      %parallel_loop3A_638 = vector.shape_cast %parallel_loop3A_591 : vector<16xf32> to vector<16xf32>
      tpu.vector_store %arg10[%parallel_loop3A_635], %parallel_loop3A_638 {strides = array<i32>} : memref<8192xf32, #tpu.memory_space<vmem>>, vector<16xf32>,
      %parallel_loop3A_639 = arith.constant 48 : i32
      %parallel_loop3A_640 = arith.addi %parallel_loop3A_552, %parallel_loop3A_639 : i32
      %parallel_loop3A_641 = arith.index_cast %parallel_loop3A_640 : i32 to index
      %parallel_loop3A_642 = tpu.vector_load %arg10[%parallel_loop3A_641] {strides = array<i32>} : memref<8192xf32, #tpu.memory_space<vmem>>, vector<16xf32>,
      %parallel_loop3A_643 = vector.shape_cast %parallel_loop3A_642 : vector<16xf32> to vector<16xf32>
      %parallel_loop3A_644 = vector.shape_cast %parallel_loop3A_622 : vector<16xf32> to vector<16xf32>
      tpu.vector_store %arg10[%parallel_loop3A_641], %parallel_loop3A_644 {strides = array<i32>} : memref<8192xf32, #tpu.memory_space<vmem>>, vector<16xf32>,
    } {sc.loop_unroll_factor = 2 : i64, sc.parallel_access}
    %add3A_188 = arith.constant 8 : i32
    %add3A_189 = arith.addi %mul3A_2, %add3A_188 : i32
    %mul3A_190 = arith.constant 8192 : i32
    %mul3A_191 = arith.muli %add3A_189, %mul3A_190 : i32
    %dma_start3A_192 = tpu.memref_slice %arg5[%mul3A_191] : memref<6815744xf32, #tpu.memory_space<hbm>> -> memref<8192xf32, #tpu.memory_space<hbm>>
    %dma_start3A_193 = tpu.memref_slice %arg5[%mul3A_191] : memref<6815744xf32, #tpu.memory_space<hbm>> -> memref<8192xf32, #tpu.memory_space<hbm>>
    tpu.enqueue_dma source(%arg10 : memref<8192xf32, #tpu.memory_space<vmem>>) target(%dma_start3A_193 : memref<8192xf32, #tpu.memory_space<hbm>>) target_semaphore(%arg14 : memref<!tpu.dma_semaphore, #tpu.memory_space<semaphore_mem>>)
    %dma_start3A_194 = arith.constant 1280 : i32
    %dma_start3A_195 = tpu.memref_slice %arg6[%dma_start3A_194] : memref<3328xi32, #tpu.memory_space<vmem>> -> memref<128xi32, #tpu.memory_space<vmem>>
    %dma_start3A_196 = arith.constant 0 : i32
    %dma_start3A_197 = arith.constant 0 : i32
    %dma_start3A_198 = tpu.memref_slice %arg2[%dma_start3A_196, %dma_start3A_197] : memref<100000x32xi32, #tpu.memory_space<hbm>> -> memref<100000x32xi32, #tpu.memory_space<hbm>>
    tpu.enqueue_indirect_dma source(%dma_start3A_198 : memref<100000x32xi32, #tpu.memory_space<hbm>>) target(%arg8 : memref<128x32xi32, #tpu.memory_space<vmem>>) offsets(%dma_start3A_195 : memref<128xi32, #tpu.memory_space<vmem>>) semaphore(%arg12 : memref<!tpu.dma_semaphore, #tpu.memory_space<semaphore_mem>>)
    %dma_wait3A_199 = arith.constant 1152 : i32
    %dma_wait3A_200 = tpu.memref_slice %arg6[%dma_wait3A_199] : memref<3328xi32, #tpu.memory_space<vmem>> -> memref<128xi32, #tpu.memory_space<vmem>>
    %dma_wait3A_201 = arith.constant 0 : i32
    %dma_wait3A_202 = arith.constant 0 : i32
    %dma_wait3A_203 = tpu.memref_slice %arg2[%dma_wait3A_201, %dma_wait3A_202] : memref<100000x32xi32, #tpu.memory_space<hbm>> -> memref<100000x32xi32, #tpu.memory_space<hbm>>
    tpu.wait_indirect_dma semaphore(%arg13 : memref<!tpu.dma_semaphore, #tpu.memory_space<semaphore_mem>>) src(%dma_wait3A_203 : memref<100000x32xi32, #tpu.memory_space<hbm>>) dst(%arg9 : memref<128x32xi32, #tpu.memory_space<vmem>>)
    %dma_wait3A_204 = tpu.memref_slice %arg5[%mul3A_170] : memref<6815744xf32, #tpu.memory_space<hbm>> -> memref<8192xf32, #tpu.memory_space<hbm>>
    %dma_wait3A_205 = tpu.memref_slice %arg5[%mul3A_170] : memref<6815744xf32, #tpu.memory_space<hbm>> -> memref<8192xf32, #tpu.memory_space<hbm>>
    tpu.wait_dma2 semaphore(%arg15 : memref<!tpu.dma_semaphore, #tpu.memory_space<semaphore_mem>>) src(%arg11 : memref<8192xf32, #tpu.memory_space<vmem>>) dst(%dma_wait3A_205 : memref<8192xf32, #tpu.memory_space<hbm>>)
    %parallel_loop3A_206 = arith.constant 0 : i32
    %parallel_loop3A_207 = arith.constant 128 : i32
    %parallel_loop3A_208 = arith.constant 1 : i32
    scf.for %parallel_loop3A_550 = %parallel_loop3A_206 to %parallel_loop3A_207 step %parallel_loop3A_208  : i32 {
      %parallel_loop3A_551 = arith.constant 64 : i32
      %parallel_loop3A_552 = arith.muli %parallel_loop3A_550, %parallel_loop3A_551 : i32
      %parallel_loop3A_553 = arith.index_cast %parallel_loop3A_550 : i32 to index
      %parallel_loop3A_554 = arith.constant 0 : index
      %parallel_loop3A_555 = tpu.vector_load %arg9[%parallel_loop3A_553, %parallel_loop3A_554] {strides = array<i32>} : memref<128x32xi32, #tpu.memory_space<vmem>>, vector<1x16xi32>,
      %parallel_loop3A_556 = vector.shape_cast %parallel_loop3A_555 : vector<1x16xi32> to vector<16xi32>
      %parallel_loop3A_557 = arith.index_cast %parallel_loop3A_550 : i32 to index
      %parallel_loop3A_558 = arith.constant 16 : index
      %parallel_loop3A_559 = tpu.vector_load %arg9[%parallel_loop3A_557, %parallel_loop3A_558] {strides = array<i32>} : memref<128x32xi32, #tpu.memory_space<vmem>>, vector<1x16xi32>,
      %parallel_loop3A_560 = vector.shape_cast %parallel_loop3A_559 : vector<1x16xi32> to vector<16xi32>
      %parallel_loop3A_561 = arith.constant 32767 : i32
      %parallel_loop3A_562 = vector.broadcast %parallel_loop3A_561 : i32 to vector<16xi32>
      %parallel_loop3A_563 = arith.andi %parallel_loop3A_556, %parallel_loop3A_562 : vector<16xi32>
      %parallel_loop3A_564 = arith.constant 13 : i32
      %parallel_loop3A_565 = vector.broadcast %parallel_loop3A_564 : i32 to vector<16xi32>
      %parallel_loop3A_566 = arith.shli %parallel_loop3A_563, %parallel_loop3A_565 : vector<16xi32>
      %parallel_loop3A_567 = tpu.bitcast %parallel_loop3A_566 : vector<16xi32> -> vector<16xf32>
      %parallel_loop3A_568 = arith.mulf %parallel_loop3A_567, %get3A_6 : vector<16xf32>
      %parallel_loop3A_569 = arith.constant 16 : i32
      %parallel_loop3A_570 = vector.broadcast %parallel_loop3A_569 : i32 to vector<16xi32>
      %parallel_loop3A_571 = arith.shli %parallel_loop3A_556, %parallel_loop3A_570 : vector<16xi32>
      %parallel_loop3A_572 = arith.constant -2147483648 : i32
      %parallel_loop3A_573 = vector.broadcast %parallel_loop3A_572 : i32 to vector<16xi32>
      %parallel_loop3A_574 = arith.andi %parallel_loop3A_571, %parallel_loop3A_573 : vector<16xi32>
      %parallel_loop3A_575 = tpu.bitcast %parallel_loop3A_568 : vector<16xf32> -> vector<16xi32>
      %parallel_loop3A_576 = arith.ori %parallel_loop3A_575, %parallel_loop3A_574 : vector<16xi32>
      %parallel_loop3A_577 = tpu.bitcast %parallel_loop3A_576 : vector<16xi32> -> vector<16xf32>
      %parallel_loop3A_578 = arith.constant 2147418112 : i32
      %parallel_loop3A_579 = vector.broadcast %parallel_loop3A_578 : i32 to vector<16xi32>
      %parallel_loop3A_580 = arith.andi %parallel_loop3A_556, %parallel_loop3A_579 : vector<16xi32>
      %parallel_loop3A_581 = arith.constant 3 : i32
      %parallel_loop3A_582 = vector.broadcast %parallel_loop3A_581 : i32 to vector<16xi32>
      %parallel_loop3A_583 = arith.shrui %parallel_loop3A_580, %parallel_loop3A_582 : vector<16xi32>
      %parallel_loop3A_584 = tpu.bitcast %parallel_loop3A_583 : vector<16xi32> -> vector<16xf32>
      %parallel_loop3A_585 = arith.mulf %parallel_loop3A_584, %get3A_6 : vector<16xf32>
      %parallel_loop3A_586 = arith.constant -2147483648 : i32
      %parallel_loop3A_587 = vector.broadcast %parallel_loop3A_586 : i32 to vector<16xi32>
      %parallel_loop3A_588 = arith.andi %parallel_loop3A_556, %parallel_loop3A_587 : vector<16xi32>
      %parallel_loop3A_589 = tpu.bitcast %parallel_loop3A_585 : vector<16xf32> -> vector<16xi32>
      %parallel_loop3A_590 = arith.ori %parallel_loop3A_589, %parallel_loop3A_588 : vector<16xi32>
      %parallel_loop3A_591 = tpu.bitcast %parallel_loop3A_590 : vector<16xi32> -> vector<16xf32>
      %parallel_loop3A_592 = arith.constant 32767 : i32
      %parallel_loop3A_593 = vector.broadcast %parallel_loop3A_592 : i32 to vector<16xi32>
      %parallel_loop3A_594 = arith.andi %parallel_loop3A_560, %parallel_loop3A_593 : vector<16xi32>
      %parallel_loop3A_595 = arith.constant 13 : i32
      %parallel_loop3A_596 = vector.broadcast %parallel_loop3A_595 : i32 to vector<16xi32>
      %parallel_loop3A_597 = arith.shli %parallel_loop3A_594, %parallel_loop3A_596 : vector<16xi32>
      %parallel_loop3A_598 = tpu.bitcast %parallel_loop3A_597 : vector<16xi32> -> vector<16xf32>
      %parallel_loop3A_599 = arith.mulf %parallel_loop3A_598, %get3A_6 : vector<16xf32>
      %parallel_loop3A_600 = arith.constant 16 : i32
      %parallel_loop3A_601 = vector.broadcast %parallel_loop3A_600 : i32 to vector<16xi32>
      %parallel_loop3A_602 = arith.shli %parallel_loop3A_560, %parallel_loop3A_601 : vector<16xi32>
      %parallel_loop3A_603 = arith.constant -2147483648 : i32
      %parallel_loop3A_604 = vector.broadcast %parallel_loop3A_603 : i32 to vector<16xi32>
      %parallel_loop3A_605 = arith.andi %parallel_loop3A_602, %parallel_loop3A_604 : vector<16xi32>
      %parallel_loop3A_606 = tpu.bitcast %parallel_loop3A_599 : vector<16xf32> -> vector<16xi32>
      %parallel_loop3A_607 = arith.ori %parallel_loop3A_606, %parallel_loop3A_605 : vector<16xi32>
      %parallel_loop3A_608 = tpu.bitcast %parallel_loop3A_607 : vector<16xi32> -> vector<16xf32>
      %parallel_loop3A_609 = arith.constant 2147418112 : i32
      %parallel_loop3A_610 = vector.broadcast %parallel_loop3A_609 : i32 to vector<16xi32>
      %parallel_loop3A_611 = arith.andi %parallel_loop3A_560, %parallel_loop3A_610 : vector<16xi32>
      %parallel_loop3A_612 = arith.constant 3 : i32
      %parallel_loop3A_613 = vector.broadcast %parallel_loop3A_612 : i32 to vector<16xi32>
      %parallel_loop3A_614 = arith.shrui %parallel_loop3A_611, %parallel_loop3A_613 : vector<16xi32>
      %parallel_loop3A_615 = tpu.bitcast %parallel_loop3A_614 : vector<16xi32> -> vector<16xf32>
      %parallel_loop3A_616 = arith.mulf %parallel_loop3A_615, %get3A_6 : vector<16xf32>
      %parallel_loop3A_617 = arith.constant -2147483648 : i32
      %parallel_loop3A_618 = vector.broadcast %parallel_loop3A_617 : i32 to vector<16xi32>
      %parallel_loop3A_619 = arith.andi %parallel_loop3A_560, %parallel_loop3A_618 : vector<16xi32>
      %parallel_loop3A_620 = tpu.bitcast %parallel_loop3A_616 : vector<16xf32> -> vector<16xi32>
      %parallel_loop3A_621 = arith.ori %parallel_loop3A_620, %parallel_loop3A_619 : vector<16xi32>
      %parallel_loop3A_622 = tpu.bitcast %parallel_loop3A_621 : vector<16xi32> -> vector<16xf32>
      %parallel_loop3A_623 = arith.index_cast %parallel_loop3A_552 : i32 to index
      %parallel_loop3A_624 = tpu.vector_load %arg11[%parallel_loop3A_623] {strides = array<i32>} : memref<8192xf32, #tpu.memory_space<vmem>>, vector<16xf32>,
      %parallel_loop3A_625 = vector.shape_cast %parallel_loop3A_624 : vector<16xf32> to vector<16xf32>
      %parallel_loop3A_626 = vector.shape_cast %parallel_loop3A_577 : vector<16xf32> to vector<16xf32>
      tpu.vector_store %arg11[%parallel_loop3A_623], %parallel_loop3A_626 {strides = array<i32>} : memref<8192xf32, #tpu.memory_space<vmem>>, vector<16xf32>,
      %parallel_loop3A_627 = arith.constant 16 : i32
      %parallel_loop3A_628 = arith.addi %parallel_loop3A_552, %parallel_loop3A_627 : i32
      %parallel_loop3A_629 = arith.index_cast %parallel_loop3A_628 : i32 to index
      %parallel_loop3A_630 = tpu.vector_load %arg11[%parallel_loop3A_629] {strides = array<i32>} : memref<8192xf32, #tpu.memory_space<vmem>>, vector<16xf32>,
      %parallel_loop3A_631 = vector.shape_cast %parallel_loop3A_630 : vector<16xf32> to vector<16xf32>
      %parallel_loop3A_632 = vector.shape_cast %parallel_loop3A_608 : vector<16xf32> to vector<16xf32>
      tpu.vector_store %arg11[%parallel_loop3A_629], %parallel_loop3A_632 {strides = array<i32>} : memref<8192xf32, #tpu.memory_space<vmem>>, vector<16xf32>,
      %parallel_loop3A_633 = arith.constant 32 : i32
      %parallel_loop3A_634 = arith.addi %parallel_loop3A_552, %parallel_loop3A_633 : i32
      %parallel_loop3A_635 = arith.index_cast %parallel_loop3A_634 : i32 to index
      %parallel_loop3A_636 = tpu.vector_load %arg11[%parallel_loop3A_635] {strides = array<i32>} : memref<8192xf32, #tpu.memory_space<vmem>>, vector<16xf32>,
      %parallel_loop3A_637 = vector.shape_cast %parallel_loop3A_636 : vector<16xf32> to vector<16xf32>
      %parallel_loop3A_638 = vector.shape_cast %parallel_loop3A_591 : vector<16xf32> to vector<16xf32>
      tpu.vector_store %arg11[%parallel_loop3A_635], %parallel_loop3A_638 {strides = array<i32>} : memref<8192xf32, #tpu.memory_space<vmem>>, vector<16xf32>,
      %parallel_loop3A_639 = arith.constant 48 : i32
      %parallel_loop3A_640 = arith.addi %parallel_loop3A_552, %parallel_loop3A_639 : i32
      %parallel_loop3A_641 = arith.index_cast %parallel_loop3A_640 : i32 to index
      %parallel_loop3A_642 = tpu.vector_load %arg11[%parallel_loop3A_641] {strides = array<i32>} : memref<8192xf32, #tpu.memory_space<vmem>>, vector<16xf32>,
      %parallel_loop3A_643 = vector.shape_cast %parallel_loop3A_642 : vector<16xf32> to vector<16xf32>
      %parallel_loop3A_644 = vector.shape_cast %parallel_loop3A_622 : vector<16xf32> to vector<16xf32>
      tpu.vector_store %arg11[%parallel_loop3A_641], %parallel_loop3A_644 {strides = array<i32>} : memref<8192xf32, #tpu.memory_space<vmem>>, vector<16xf32>,
    } {sc.loop_unroll_factor = 2 : i64, sc.parallel_access}
    %add3A_209 = arith.constant 9 : i32
    %add3A_210 = arith.addi %mul3A_2, %add3A_209 : i32
    %mul3A_211 = arith.constant 8192 : i32
    %mul3A_212 = arith.muli %add3A_210, %mul3A_211 : i32
    %dma_start3A_213 = tpu.memref_slice %arg5[%mul3A_212] : memref<6815744xf32, #tpu.memory_space<hbm>> -> memref<8192xf32, #tpu.memory_space<hbm>>
    %dma_start3A_214 = tpu.memref_slice %arg5[%mul3A_212] : memref<6815744xf32, #tpu.memory_space<hbm>> -> memref<8192xf32, #tpu.memory_space<hbm>>
    tpu.enqueue_dma source(%arg11 : memref<8192xf32, #tpu.memory_space<vmem>>) target(%dma_start3A_214 : memref<8192xf32, #tpu.memory_space<hbm>>) target_semaphore(%arg15 : memref<!tpu.dma_semaphore, #tpu.memory_space<semaphore_mem>>)
    %dma_start3A_215 = arith.constant 1408 : i32
    %dma_start3A_216 = tpu.memref_slice %arg6[%dma_start3A_215] : memref<3328xi32, #tpu.memory_space<vmem>> -> memref<128xi32, #tpu.memory_space<vmem>>
    %dma_start3A_217 = arith.constant 0 : i32
    %dma_start3A_218 = arith.constant 0 : i32
    %dma_start3A_219 = tpu.memref_slice %arg2[%dma_start3A_217, %dma_start3A_218] : memref<100000x32xi32, #tpu.memory_space<hbm>> -> memref<100000x32xi32, #tpu.memory_space<hbm>>
    tpu.enqueue_indirect_dma source(%dma_start3A_219 : memref<100000x32xi32, #tpu.memory_space<hbm>>) target(%arg9 : memref<128x32xi32, #tpu.memory_space<vmem>>) offsets(%dma_start3A_216 : memref<128xi32, #tpu.memory_space<vmem>>) semaphore(%arg13 : memref<!tpu.dma_semaphore, #tpu.memory_space<semaphore_mem>>)
    %dma_wait3A_220 = arith.constant 1280 : i32
    %dma_wait3A_221 = tpu.memref_slice %arg6[%dma_wait3A_220] : memref<3328xi32, #tpu.memory_space<vmem>> -> memref<128xi32, #tpu.memory_space<vmem>>
    %dma_wait3A_222 = arith.constant 0 : i32
    %dma_wait3A_223 = arith.constant 0 : i32
    %dma_wait3A_224 = tpu.memref_slice %arg2[%dma_wait3A_222, %dma_wait3A_223] : memref<100000x32xi32, #tpu.memory_space<hbm>> -> memref<100000x32xi32, #tpu.memory_space<hbm>>
    tpu.wait_indirect_dma semaphore(%arg12 : memref<!tpu.dma_semaphore, #tpu.memory_space<semaphore_mem>>) src(%dma_wait3A_224 : memref<100000x32xi32, #tpu.memory_space<hbm>>) dst(%arg8 : memref<128x32xi32, #tpu.memory_space<vmem>>)
    %dma_wait3A_225 = tpu.memref_slice %arg5[%mul3A_191] : memref<6815744xf32, #tpu.memory_space<hbm>> -> memref<8192xf32, #tpu.memory_space<hbm>>
    %dma_wait3A_226 = tpu.memref_slice %arg5[%mul3A_191] : memref<6815744xf32, #tpu.memory_space<hbm>> -> memref<8192xf32, #tpu.memory_space<hbm>>
    tpu.wait_dma2 semaphore(%arg14 : memref<!tpu.dma_semaphore, #tpu.memory_space<semaphore_mem>>) src(%arg10 : memref<8192xf32, #tpu.memory_space<vmem>>) dst(%dma_wait3A_226 : memref<8192xf32, #tpu.memory_space<hbm>>)
    %parallel_loop3A_227 = arith.constant 0 : i32
    %parallel_loop3A_228 = arith.constant 128 : i32
    %parallel_loop3A_229 = arith.constant 1 : i32
    scf.for %parallel_loop3A_550 = %parallel_loop3A_227 to %parallel_loop3A_228 step %parallel_loop3A_229  : i32 {
      %parallel_loop3A_551 = arith.constant 64 : i32
      %parallel_loop3A_552 = arith.muli %parallel_loop3A_550, %parallel_loop3A_551 : i32
      %parallel_loop3A_553 = arith.index_cast %parallel_loop3A_550 : i32 to index
      %parallel_loop3A_554 = arith.constant 0 : index
      %parallel_loop3A_555 = tpu.vector_load %arg8[%parallel_loop3A_553, %parallel_loop3A_554] {strides = array<i32>} : memref<128x32xi32, #tpu.memory_space<vmem>>, vector<1x16xi32>,
      %parallel_loop3A_556 = vector.shape_cast %parallel_loop3A_555 : vector<1x16xi32> to vector<16xi32>
      %parallel_loop3A_557 = arith.index_cast %parallel_loop3A_550 : i32 to index
      %parallel_loop3A_558 = arith.constant 16 : index
      %parallel_loop3A_559 = tpu.vector_load %arg8[%parallel_loop3A_557, %parallel_loop3A_558] {strides = array<i32>} : memref<128x32xi32, #tpu.memory_space<vmem>>, vector<1x16xi32>,
      %parallel_loop3A_560 = vector.shape_cast %parallel_loop3A_559 : vector<1x16xi32> to vector<16xi32>
      %parallel_loop3A_561 = arith.constant 32767 : i32
      %parallel_loop3A_562 = vector.broadcast %parallel_loop3A_561 : i32 to vector<16xi32>
      %parallel_loop3A_563 = arith.andi %parallel_loop3A_556, %parallel_loop3A_562 : vector<16xi32>
      %parallel_loop3A_564 = arith.constant 13 : i32
      %parallel_loop3A_565 = vector.broadcast %parallel_loop3A_564 : i32 to vector<16xi32>
      %parallel_loop3A_566 = arith.shli %parallel_loop3A_563, %parallel_loop3A_565 : vector<16xi32>
      %parallel_loop3A_567 = tpu.bitcast %parallel_loop3A_566 : vector<16xi32> -> vector<16xf32>
      %parallel_loop3A_568 = arith.mulf %parallel_loop3A_567, %get3A_6 : vector<16xf32>
      %parallel_loop3A_569 = arith.constant 16 : i32
      %parallel_loop3A_570 = vector.broadcast %parallel_loop3A_569 : i32 to vector<16xi32>
      %parallel_loop3A_571 = arith.shli %parallel_loop3A_556, %parallel_loop3A_570 : vector<16xi32>
      %parallel_loop3A_572 = arith.constant -2147483648 : i32
      %parallel_loop3A_573 = vector.broadcast %parallel_loop3A_572 : i32 to vector<16xi32>
      %parallel_loop3A_574 = arith.andi %parallel_loop3A_571, %parallel_loop3A_573 : vector<16xi32>
      %parallel_loop3A_575 = tpu.bitcast %parallel_loop3A_568 : vector<16xf32> -> vector<16xi32>
      %parallel_loop3A_576 = arith.ori %parallel_loop3A_575, %parallel_loop3A_574 : vector<16xi32>
      %parallel_loop3A_577 = tpu.bitcast %parallel_loop3A_576 : vector<16xi32> -> vector<16xf32>
      %parallel_loop3A_578 = arith.constant 2147418112 : i32
      %parallel_loop3A_579 = vector.broadcast %parallel_loop3A_578 : i32 to vector<16xi32>
      %parallel_loop3A_580 = arith.andi %parallel_loop3A_556, %parallel_loop3A_579 : vector<16xi32>
      %parallel_loop3A_581 = arith.constant 3 : i32
      %parallel_loop3A_582 = vector.broadcast %parallel_loop3A_581 : i32 to vector<16xi32>
      %parallel_loop3A_583 = arith.shrui %parallel_loop3A_580, %parallel_loop3A_582 : vector<16xi32>
      %parallel_loop3A_584 = tpu.bitcast %parallel_loop3A_583 : vector<16xi32> -> vector<16xf32>
      %parallel_loop3A_585 = arith.mulf %parallel_loop3A_584, %get3A_6 : vector<16xf32>
      %parallel_loop3A_586 = arith.constant -2147483648 : i32
      %parallel_loop3A_587 = vector.broadcast %parallel_loop3A_586 : i32 to vector<16xi32>
      %parallel_loop3A_588 = arith.andi %parallel_loop3A_556, %parallel_loop3A_587 : vector<16xi32>
      %parallel_loop3A_589 = tpu.bitcast %parallel_loop3A_585 : vector<16xf32> -> vector<16xi32>
      %parallel_loop3A_590 = arith.ori %parallel_loop3A_589, %parallel_loop3A_588 : vector<16xi32>
      %parallel_loop3A_591 = tpu.bitcast %parallel_loop3A_590 : vector<16xi32> -> vector<16xf32>
      %parallel_loop3A_592 = arith.constant 32767 : i32
      %parallel_loop3A_593 = vector.broadcast %parallel_loop3A_592 : i32 to vector<16xi32>
      %parallel_loop3A_594 = arith.andi %parallel_loop3A_560, %parallel_loop3A_593 : vector<16xi32>
      %parallel_loop3A_595 = arith.constant 13 : i32
      %parallel_loop3A_596 = vector.broadcast %parallel_loop3A_595 : i32 to vector<16xi32>
      %parallel_loop3A_597 = arith.shli %parallel_loop3A_594, %parallel_loop3A_596 : vector<16xi32>
      %parallel_loop3A_598 = tpu.bitcast %parallel_loop3A_597 : vector<16xi32> -> vector<16xf32>
      %parallel_loop3A_599 = arith.mulf %parallel_loop3A_598, %get3A_6 : vector<16xf32>
      %parallel_loop3A_600 = arith.constant 16 : i32
      %parallel_loop3A_601 = vector.broadcast %parallel_loop3A_600 : i32 to vector<16xi32>
      %parallel_loop3A_602 = arith.shli %parallel_loop3A_560, %parallel_loop3A_601 : vector<16xi32>
      %parallel_loop3A_603 = arith.constant -2147483648 : i32
      %parallel_loop3A_604 = vector.broadcast %parallel_loop3A_603 : i32 to vector<16xi32>
      %parallel_loop3A_605 = arith.andi %parallel_loop3A_602, %parallel_loop3A_604 : vector<16xi32>
      %parallel_loop3A_606 = tpu.bitcast %parallel_loop3A_599 : vector<16xf32> -> vector<16xi32>
      %parallel_loop3A_607 = arith.ori %parallel_loop3A_606, %parallel_loop3A_605 : vector<16xi32>
      %parallel_loop3A_608 = tpu.bitcast %parallel_loop3A_607 : vector<16xi32> -> vector<16xf32>
      %parallel_loop3A_609 = arith.constant 2147418112 : i32
      %parallel_loop3A_610 = vector.broadcast %parallel_loop3A_609 : i32 to vector<16xi32>
      %parallel_loop3A_611 = arith.andi %parallel_loop3A_560, %parallel_loop3A_610 : vector<16xi32>
      %parallel_loop3A_612 = arith.constant 3 : i32
      %parallel_loop3A_613 = vector.broadcast %parallel_loop3A_612 : i32 to vector<16xi32>
      %parallel_loop3A_614 = arith.shrui %parallel_loop3A_611, %parallel_loop3A_613 : vector<16xi32>
      %parallel_loop3A_615 = tpu.bitcast %parallel_loop3A_614 : vector<16xi32> -> vector<16xf32>
      %parallel_loop3A_616 = arith.mulf %parallel_loop3A_615, %get3A_6 : vector<16xf32>
      %parallel_loop3A_617 = arith.constant -2147483648 : i32
      %parallel_loop3A_618 = vector.broadcast %parallel_loop3A_617 : i32 to vector<16xi32>
      %parallel_loop3A_619 = arith.andi %parallel_loop3A_560, %parallel_loop3A_618 : vector<16xi32>
      %parallel_loop3A_620 = tpu.bitcast %parallel_loop3A_616 : vector<16xf32> -> vector<16xi32>
      %parallel_loop3A_621 = arith.ori %parallel_loop3A_620, %parallel_loop3A_619 : vector<16xi32>
      %parallel_loop3A_622 = tpu.bitcast %parallel_loop3A_621 : vector<16xi32> -> vector<16xf32>
      %parallel_loop3A_623 = arith.index_cast %parallel_loop3A_552 : i32 to index
      %parallel_loop3A_624 = tpu.vector_load %arg10[%parallel_loop3A_623] {strides = array<i32>} : memref<8192xf32, #tpu.memory_space<vmem>>, vector<16xf32>,
      %parallel_loop3A_625 = vector.shape_cast %parallel_loop3A_624 : vector<16xf32> to vector<16xf32>
      %parallel_loop3A_626 = vector.shape_cast %parallel_loop3A_577 : vector<16xf32> to vector<16xf32>
      tpu.vector_store %arg10[%parallel_loop3A_623], %parallel_loop3A_626 {strides = array<i32>} : memref<8192xf32, #tpu.memory_space<vmem>>, vector<16xf32>,
      %parallel_loop3A_627 = arith.constant 16 : i32
      %parallel_loop3A_628 = arith.addi %parallel_loop3A_552, %parallel_loop3A_627 : i32
      %parallel_loop3A_629 = arith.index_cast %parallel_loop3A_628 : i32 to index
      %parallel_loop3A_630 = tpu.vector_load %arg10[%parallel_loop3A_629] {strides = array<i32>} : memref<8192xf32, #tpu.memory_space<vmem>>, vector<16xf32>,
      %parallel_loop3A_631 = vector.shape_cast %parallel_loop3A_630 : vector<16xf32> to vector<16xf32>
      %parallel_loop3A_632 = vector.shape_cast %parallel_loop3A_608 : vector<16xf32> to vector<16xf32>
      tpu.vector_store %arg10[%parallel_loop3A_629], %parallel_loop3A_632 {strides = array<i32>} : memref<8192xf32, #tpu.memory_space<vmem>>, vector<16xf32>,
      %parallel_loop3A_633 = arith.constant 32 : i32
      %parallel_loop3A_634 = arith.addi %parallel_loop3A_552, %parallel_loop3A_633 : i32
      %parallel_loop3A_635 = arith.index_cast %parallel_loop3A_634 : i32 to index
      %parallel_loop3A_636 = tpu.vector_load %arg10[%parallel_loop3A_635] {strides = array<i32>} : memref<8192xf32, #tpu.memory_space<vmem>>, vector<16xf32>,
      %parallel_loop3A_637 = vector.shape_cast %parallel_loop3A_636 : vector<16xf32> to vector<16xf32>
      %parallel_loop3A_638 = vector.shape_cast %parallel_loop3A_591 : vector<16xf32> to vector<16xf32>
      tpu.vector_store %arg10[%parallel_loop3A_635], %parallel_loop3A_638 {strides = array<i32>} : memref<8192xf32, #tpu.memory_space<vmem>>, vector<16xf32>,
      %parallel_loop3A_639 = arith.constant 48 : i32
      %parallel_loop3A_640 = arith.addi %parallel_loop3A_552, %parallel_loop3A_639 : i32
      %parallel_loop3A_641 = arith.index_cast %parallel_loop3A_640 : i32 to index
      %parallel_loop3A_642 = tpu.vector_load %arg10[%parallel_loop3A_641] {strides = array<i32>} : memref<8192xf32, #tpu.memory_space<vmem>>, vector<16xf32>,
      %parallel_loop3A_643 = vector.shape_cast %parallel_loop3A_642 : vector<16xf32> to vector<16xf32>
      %parallel_loop3A_644 = vector.shape_cast %parallel_loop3A_622 : vector<16xf32> to vector<16xf32>
      tpu.vector_store %arg10[%parallel_loop3A_641], %parallel_loop3A_644 {strides = array<i32>} : memref<8192xf32, #tpu.memory_space<vmem>>, vector<16xf32>,
    } {sc.loop_unroll_factor = 2 : i64, sc.parallel_access}
    %add3A_230 = arith.constant 10 : i32
    %add3A_231 = arith.addi %mul3A_2, %add3A_230 : i32
    %mul3A_232 = arith.constant 8192 : i32
    %mul3A_233 = arith.muli %add3A_231, %mul3A_232 : i32
    %dma_start3A_234 = tpu.memref_slice %arg5[%mul3A_233] : memref<6815744xf32, #tpu.memory_space<hbm>> -> memref<8192xf32, #tpu.memory_space<hbm>>
    %dma_start3A_235 = tpu.memref_slice %arg5[%mul3A_233] : memref<6815744xf32, #tpu.memory_space<hbm>> -> memref<8192xf32, #tpu.memory_space<hbm>>
    tpu.enqueue_dma source(%arg10 : memref<8192xf32, #tpu.memory_space<vmem>>) target(%dma_start3A_235 : memref<8192xf32, #tpu.memory_space<hbm>>) target_semaphore(%arg14 : memref<!tpu.dma_semaphore, #tpu.memory_space<semaphore_mem>>)
    %dma_start3A_236 = arith.constant 1536 : i32
    %dma_start3A_237 = tpu.memref_slice %arg6[%dma_start3A_236] : memref<3328xi32, #tpu.memory_space<vmem>> -> memref<128xi32, #tpu.memory_space<vmem>>
    %dma_start3A_238 = arith.constant 0 : i32
    %dma_start3A_239 = arith.constant 0 : i32
    %dma_start3A_240 = tpu.memref_slice %arg2[%dma_start3A_238, %dma_start3A_239] : memref<100000x32xi32, #tpu.memory_space<hbm>> -> memref<100000x32xi32, #tpu.memory_space<hbm>>
    tpu.enqueue_indirect_dma source(%dma_start3A_240 : memref<100000x32xi32, #tpu.memory_space<hbm>>) target(%arg8 : memref<128x32xi32, #tpu.memory_space<vmem>>) offsets(%dma_start3A_237 : memref<128xi32, #tpu.memory_space<vmem>>) semaphore(%arg12 : memref<!tpu.dma_semaphore, #tpu.memory_space<semaphore_mem>>)
    %dma_wait3A_241 = arith.constant 1408 : i32
    %dma_wait3A_242 = tpu.memref_slice %arg6[%dma_wait3A_241] : memref<3328xi32, #tpu.memory_space<vmem>> -> memref<128xi32, #tpu.memory_space<vmem>>
    %dma_wait3A_243 = arith.constant 0 : i32
    %dma_wait3A_244 = arith.constant 0 : i32
    %dma_wait3A_245 = tpu.memref_slice %arg2[%dma_wait3A_243, %dma_wait3A_244] : memref<100000x32xi32, #tpu.memory_space<hbm>> -> memref<100000x32xi32, #tpu.memory_space<hbm>>
    tpu.wait_indirect_dma semaphore(%arg13 : memref<!tpu.dma_semaphore, #tpu.memory_space<semaphore_mem>>) src(%dma_wait3A_245 : memref<100000x32xi32, #tpu.memory_space<hbm>>) dst(%arg9 : memref<128x32xi32, #tpu.memory_space<vmem>>)
    %dma_wait3A_246 = tpu.memref_slice %arg5[%mul3A_212] : memref<6815744xf32, #tpu.memory_space<hbm>> -> memref<8192xf32, #tpu.memory_space<hbm>>
    %dma_wait3A_247 = tpu.memref_slice %arg5[%mul3A_212] : memref<6815744xf32, #tpu.memory_space<hbm>> -> memref<8192xf32, #tpu.memory_space<hbm>>
    tpu.wait_dma2 semaphore(%arg15 : memref<!tpu.dma_semaphore, #tpu.memory_space<semaphore_mem>>) src(%arg11 : memref<8192xf32, #tpu.memory_space<vmem>>) dst(%dma_wait3A_247 : memref<8192xf32, #tpu.memory_space<hbm>>)
    %parallel_loop3A_248 = arith.constant 0 : i32
    %parallel_loop3A_249 = arith.constant 128 : i32
    %parallel_loop3A_250 = arith.constant 1 : i32
    scf.for %parallel_loop3A_550 = %parallel_loop3A_248 to %parallel_loop3A_249 step %parallel_loop3A_250  : i32 {
      %parallel_loop3A_551 = arith.constant 64 : i32
      %parallel_loop3A_552 = arith.muli %parallel_loop3A_550, %parallel_loop3A_551 : i32
      %parallel_loop3A_553 = arith.index_cast %parallel_loop3A_550 : i32 to index
      %parallel_loop3A_554 = arith.constant 0 : index
      %parallel_loop3A_555 = tpu.vector_load %arg9[%parallel_loop3A_553, %parallel_loop3A_554] {strides = array<i32>} : memref<128x32xi32, #tpu.memory_space<vmem>>, vector<1x16xi32>,
      %parallel_loop3A_556 = vector.shape_cast %parallel_loop3A_555 : vector<1x16xi32> to vector<16xi32>
      %parallel_loop3A_557 = arith.index_cast %parallel_loop3A_550 : i32 to index
      %parallel_loop3A_558 = arith.constant 16 : index
      %parallel_loop3A_559 = tpu.vector_load %arg9[%parallel_loop3A_557, %parallel_loop3A_558] {strides = array<i32>} : memref<128x32xi32, #tpu.memory_space<vmem>>, vector<1x16xi32>,
      %parallel_loop3A_560 = vector.shape_cast %parallel_loop3A_559 : vector<1x16xi32> to vector<16xi32>
      %parallel_loop3A_561 = arith.constant 32767 : i32
      %parallel_loop3A_562 = vector.broadcast %parallel_loop3A_561 : i32 to vector<16xi32>
      %parallel_loop3A_563 = arith.andi %parallel_loop3A_556, %parallel_loop3A_562 : vector<16xi32>
      %parallel_loop3A_564 = arith.constant 13 : i32
      %parallel_loop3A_565 = vector.broadcast %parallel_loop3A_564 : i32 to vector<16xi32>
      %parallel_loop3A_566 = arith.shli %parallel_loop3A_563, %parallel_loop3A_565 : vector<16xi32>
      %parallel_loop3A_567 = tpu.bitcast %parallel_loop3A_566 : vector<16xi32> -> vector<16xf32>
      %parallel_loop3A_568 = arith.mulf %parallel_loop3A_567, %get3A_6 : vector<16xf32>
      %parallel_loop3A_569 = arith.constant 16 : i32
      %parallel_loop3A_570 = vector.broadcast %parallel_loop3A_569 : i32 to vector<16xi32>
      %parallel_loop3A_571 = arith.shli %parallel_loop3A_556, %parallel_loop3A_570 : vector<16xi32>
      %parallel_loop3A_572 = arith.constant -2147483648 : i32
      %parallel_loop3A_573 = vector.broadcast %parallel_loop3A_572 : i32 to vector<16xi32>
      %parallel_loop3A_574 = arith.andi %parallel_loop3A_571, %parallel_loop3A_573 : vector<16xi32>
      %parallel_loop3A_575 = tpu.bitcast %parallel_loop3A_568 : vector<16xf32> -> vector<16xi32>
      %parallel_loop3A_576 = arith.ori %parallel_loop3A_575, %parallel_loop3A_574 : vector<16xi32>
      %parallel_loop3A_577 = tpu.bitcast %parallel_loop3A_576 : vector<16xi32> -> vector<16xf32>
      %parallel_loop3A_578 = arith.constant 2147418112 : i32
      %parallel_loop3A_579 = vector.broadcast %parallel_loop3A_578 : i32 to vector<16xi32>
      %parallel_loop3A_580 = arith.andi %parallel_loop3A_556, %parallel_loop3A_579 : vector<16xi32>
      %parallel_loop3A_581 = arith.constant 3 : i32
      %parallel_loop3A_582 = vector.broadcast %parallel_loop3A_581 : i32 to vector<16xi32>
      %parallel_loop3A_583 = arith.shrui %parallel_loop3A_580, %parallel_loop3A_582 : vector<16xi32>
      %parallel_loop3A_584 = tpu.bitcast %parallel_loop3A_583 : vector<16xi32> -> vector<16xf32>
      %parallel_loop3A_585 = arith.mulf %parallel_loop3A_584, %get3A_6 : vector<16xf32>
      %parallel_loop3A_586 = arith.constant -2147483648 : i32
      %parallel_loop3A_587 = vector.broadcast %parallel_loop3A_586 : i32 to vector<16xi32>
      %parallel_loop3A_588 = arith.andi %parallel_loop3A_556, %parallel_loop3A_587 : vector<16xi32>
      %parallel_loop3A_589 = tpu.bitcast %parallel_loop3A_585 : vector<16xf32> -> vector<16xi32>
      %parallel_loop3A_590 = arith.ori %parallel_loop3A_589, %parallel_loop3A_588 : vector<16xi32>
      %parallel_loop3A_591 = tpu.bitcast %parallel_loop3A_590 : vector<16xi32> -> vector<16xf32>
      %parallel_loop3A_592 = arith.constant 32767 : i32
      %parallel_loop3A_593 = vector.broadcast %parallel_loop3A_592 : i32 to vector<16xi32>
      %parallel_loop3A_594 = arith.andi %parallel_loop3A_560, %parallel_loop3A_593 : vector<16xi32>
      %parallel_loop3A_595 = arith.constant 13 : i32
      %parallel_loop3A_596 = vector.broadcast %parallel_loop3A_595 : i32 to vector<16xi32>
      %parallel_loop3A_597 = arith.shli %parallel_loop3A_594, %parallel_loop3A_596 : vector<16xi32>
      %parallel_loop3A_598 = tpu.bitcast %parallel_loop3A_597 : vector<16xi32> -> vector<16xf32>
      %parallel_loop3A_599 = arith.mulf %parallel_loop3A_598, %get3A_6 : vector<16xf32>
      %parallel_loop3A_600 = arith.constant 16 : i32
      %parallel_loop3A_601 = vector.broadcast %parallel_loop3A_600 : i32 to vector<16xi32>
      %parallel_loop3A_602 = arith.shli %parallel_loop3A_560, %parallel_loop3A_601 : vector<16xi32>
      %parallel_loop3A_603 = arith.constant -2147483648 : i32
      %parallel_loop3A_604 = vector.broadcast %parallel_loop3A_603 : i32 to vector<16xi32>
      %parallel_loop3A_605 = arith.andi %parallel_loop3A_602, %parallel_loop3A_604 : vector<16xi32>
      %parallel_loop3A_606 = tpu.bitcast %parallel_loop3A_599 : vector<16xf32> -> vector<16xi32>
      %parallel_loop3A_607 = arith.ori %parallel_loop3A_606, %parallel_loop3A_605 : vector<16xi32>
      %parallel_loop3A_608 = tpu.bitcast %parallel_loop3A_607 : vector<16xi32> -> vector<16xf32>
      %parallel_loop3A_609 = arith.constant 2147418112 : i32
      %parallel_loop3A_610 = vector.broadcast %parallel_loop3A_609 : i32 to vector<16xi32>
      %parallel_loop3A_611 = arith.andi %parallel_loop3A_560, %parallel_loop3A_610 : vector<16xi32>
      %parallel_loop3A_612 = arith.constant 3 : i32
      %parallel_loop3A_613 = vector.broadcast %parallel_loop3A_612 : i32 to vector<16xi32>
      %parallel_loop3A_614 = arith.shrui %parallel_loop3A_611, %parallel_loop3A_613 : vector<16xi32>
      %parallel_loop3A_615 = tpu.bitcast %parallel_loop3A_614 : vector<16xi32> -> vector<16xf32>
      %parallel_loop3A_616 = arith.mulf %parallel_loop3A_615, %get3A_6 : vector<16xf32>
      %parallel_loop3A_617 = arith.constant -2147483648 : i32
      %parallel_loop3A_618 = vector.broadcast %parallel_loop3A_617 : i32 to vector<16xi32>
      %parallel_loop3A_619 = arith.andi %parallel_loop3A_560, %parallel_loop3A_618 : vector<16xi32>
      %parallel_loop3A_620 = tpu.bitcast %parallel_loop3A_616 : vector<16xf32> -> vector<16xi32>
      %parallel_loop3A_621 = arith.ori %parallel_loop3A_620, %parallel_loop3A_619 : vector<16xi32>
      %parallel_loop3A_622 = tpu.bitcast %parallel_loop3A_621 : vector<16xi32> -> vector<16xf32>
      %parallel_loop3A_623 = arith.index_cast %parallel_loop3A_552 : i32 to index
      %parallel_loop3A_624 = tpu.vector_load %arg11[%parallel_loop3A_623] {strides = array<i32>} : memref<8192xf32, #tpu.memory_space<vmem>>, vector<16xf32>,
      %parallel_loop3A_625 = vector.shape_cast %parallel_loop3A_624 : vector<16xf32> to vector<16xf32>
      %parallel_loop3A_626 = vector.shape_cast %parallel_loop3A_577 : vector<16xf32> to vector<16xf32>
      tpu.vector_store %arg11[%parallel_loop3A_623], %parallel_loop3A_626 {strides = array<i32>} : memref<8192xf32, #tpu.memory_space<vmem>>, vector<16xf32>,
      %parallel_loop3A_627 = arith.constant 16 : i32
      %parallel_loop3A_628 = arith.addi %parallel_loop3A_552, %parallel_loop3A_627 : i32
      %parallel_loop3A_629 = arith.index_cast %parallel_loop3A_628 : i32 to index
      %parallel_loop3A_630 = tpu.vector_load %arg11[%parallel_loop3A_629] {strides = array<i32>} : memref<8192xf32, #tpu.memory_space<vmem>>, vector<16xf32>,
      %parallel_loop3A_631 = vector.shape_cast %parallel_loop3A_630 : vector<16xf32> to vector<16xf32>
      %parallel_loop3A_632 = vector.shape_cast %parallel_loop3A_608 : vector<16xf32> to vector<16xf32>
      tpu.vector_store %arg11[%parallel_loop3A_629], %parallel_loop3A_632 {strides = array<i32>} : memref<8192xf32, #tpu.memory_space<vmem>>, vector<16xf32>,
      %parallel_loop3A_633 = arith.constant 32 : i32
      %parallel_loop3A_634 = arith.addi %parallel_loop3A_552, %parallel_loop3A_633 : i32
      %parallel_loop3A_635 = arith.index_cast %parallel_loop3A_634 : i32 to index
      %parallel_loop3A_636 = tpu.vector_load %arg11[%parallel_loop3A_635] {strides = array<i32>} : memref<8192xf32, #tpu.memory_space<vmem>>, vector<16xf32>,
      %parallel_loop3A_637 = vector.shape_cast %parallel_loop3A_636 : vector<16xf32> to vector<16xf32>
      %parallel_loop3A_638 = vector.shape_cast %parallel_loop3A_591 : vector<16xf32> to vector<16xf32>
      tpu.vector_store %arg11[%parallel_loop3A_635], %parallel_loop3A_638 {strides = array<i32>} : memref<8192xf32, #tpu.memory_space<vmem>>, vector<16xf32>,
      %parallel_loop3A_639 = arith.constant 48 : i32
      %parallel_loop3A_640 = arith.addi %parallel_loop3A_552, %parallel_loop3A_639 : i32
      %parallel_loop3A_641 = arith.index_cast %parallel_loop3A_640 : i32 to index
      %parallel_loop3A_642 = tpu.vector_load %arg11[%parallel_loop3A_641] {strides = array<i32>} : memref<8192xf32, #tpu.memory_space<vmem>>, vector<16xf32>,
      %parallel_loop3A_643 = vector.shape_cast %parallel_loop3A_642 : vector<16xf32> to vector<16xf32>
      %parallel_loop3A_644 = vector.shape_cast %parallel_loop3A_622 : vector<16xf32> to vector<16xf32>
      tpu.vector_store %arg11[%parallel_loop3A_641], %parallel_loop3A_644 {strides = array<i32>} : memref<8192xf32, #tpu.memory_space<vmem>>, vector<16xf32>,
    } {sc.loop_unroll_factor = 2 : i64, sc.parallel_access}
    %add3A_251 = arith.constant 11 : i32
    %add3A_252 = arith.addi %mul3A_2, %add3A_251 : i32
    %mul3A_253 = arith.constant 8192 : i32
    %mul3A_254 = arith.muli %add3A_252, %mul3A_253 : i32
    %dma_start3A_255 = tpu.memref_slice %arg5[%mul3A_254] : memref<6815744xf32, #tpu.memory_space<hbm>> -> memref<8192xf32, #tpu.memory_space<hbm>>
    %dma_start3A_256 = tpu.memref_slice %arg5[%mul3A_254] : memref<6815744xf32, #tpu.memory_space<hbm>> -> memref<8192xf32, #tpu.memory_space<hbm>>
    tpu.enqueue_dma source(%arg11 : memref<8192xf32, #tpu.memory_space<vmem>>) target(%dma_start3A_256 : memref<8192xf32, #tpu.memory_space<hbm>>) target_semaphore(%arg15 : memref<!tpu.dma_semaphore, #tpu.memory_space<semaphore_mem>>)
    %dma_start3A_257 = arith.constant 1664 : i32
    %dma_start3A_258 = tpu.memref_slice %arg6[%dma_start3A_257] : memref<3328xi32, #tpu.memory_space<vmem>> -> memref<128xi32, #tpu.memory_space<vmem>>
    %dma_start3A_259 = arith.constant 0 : i32
    %dma_start3A_260 = arith.constant 0 : i32
    %dma_start3A_261 = tpu.memref_slice %arg2[%dma_start3A_259, %dma_start3A_260] : memref<100000x32xi32, #tpu.memory_space<hbm>> -> memref<100000x32xi32, #tpu.memory_space<hbm>>
    tpu.enqueue_indirect_dma source(%dma_start3A_261 : memref<100000x32xi32, #tpu.memory_space<hbm>>) target(%arg9 : memref<128x32xi32, #tpu.memory_space<vmem>>) offsets(%dma_start3A_258 : memref<128xi32, #tpu.memory_space<vmem>>) semaphore(%arg13 : memref<!tpu.dma_semaphore, #tpu.memory_space<semaphore_mem>>)
    %dma_wait3A_262 = arith.constant 1536 : i32
    %dma_wait3A_263 = tpu.memref_slice %arg6[%dma_wait3A_262] : memref<3328xi32, #tpu.memory_space<vmem>> -> memref<128xi32, #tpu.memory_space<vmem>>
    %dma_wait3A_264 = arith.constant 0 : i32
    %dma_wait3A_265 = arith.constant 0 : i32
    %dma_wait3A_266 = tpu.memref_slice %arg2[%dma_wait3A_264, %dma_wait3A_265] : memref<100000x32xi32, #tpu.memory_space<hbm>> -> memref<100000x32xi32, #tpu.memory_space<hbm>>
    tpu.wait_indirect_dma semaphore(%arg12 : memref<!tpu.dma_semaphore, #tpu.memory_space<semaphore_mem>>) src(%dma_wait3A_266 : memref<100000x32xi32, #tpu.memory_space<hbm>>) dst(%arg8 : memref<128x32xi32, #tpu.memory_space<vmem>>)
    %dma_wait3A_267 = tpu.memref_slice %arg5[%mul3A_233] : memref<6815744xf32, #tpu.memory_space<hbm>> -> memref<8192xf32, #tpu.memory_space<hbm>>
    %dma_wait3A_268 = tpu.memref_slice %arg5[%mul3A_233] : memref<6815744xf32, #tpu.memory_space<hbm>> -> memref<8192xf32, #tpu.memory_space<hbm>>
    tpu.wait_dma2 semaphore(%arg14 : memref<!tpu.dma_semaphore, #tpu.memory_space<semaphore_mem>>) src(%arg10 : memref<8192xf32, #tpu.memory_space<vmem>>) dst(%dma_wait3A_268 : memref<8192xf32, #tpu.memory_space<hbm>>)
    %parallel_loop3A_269 = arith.constant 0 : i32
    %parallel_loop3A_270 = arith.constant 128 : i32
    %parallel_loop3A_271 = arith.constant 1 : i32
    scf.for %parallel_loop3A_550 = %parallel_loop3A_269 to %parallel_loop3A_270 step %parallel_loop3A_271  : i32 {
      %parallel_loop3A_551 = arith.constant 64 : i32
      %parallel_loop3A_552 = arith.muli %parallel_loop3A_550, %parallel_loop3A_551 : i32
      %parallel_loop3A_553 = arith.index_cast %parallel_loop3A_550 : i32 to index
      %parallel_loop3A_554 = arith.constant 0 : index
      %parallel_loop3A_555 = tpu.vector_load %arg8[%parallel_loop3A_553, %parallel_loop3A_554] {strides = array<i32>} : memref<128x32xi32, #tpu.memory_space<vmem>>, vector<1x16xi32>,
      %parallel_loop3A_556 = vector.shape_cast %parallel_loop3A_555 : vector<1x16xi32> to vector<16xi32>
      %parallel_loop3A_557 = arith.index_cast %parallel_loop3A_550 : i32 to index
      %parallel_loop3A_558 = arith.constant 16 : index
      %parallel_loop3A_559 = tpu.vector_load %arg8[%parallel_loop3A_557, %parallel_loop3A_558] {strides = array<i32>} : memref<128x32xi32, #tpu.memory_space<vmem>>, vector<1x16xi32>,
      %parallel_loop3A_560 = vector.shape_cast %parallel_loop3A_559 : vector<1x16xi32> to vector<16xi32>
      %parallel_loop3A_561 = arith.constant 32767 : i32
      %parallel_loop3A_562 = vector.broadcast %parallel_loop3A_561 : i32 to vector<16xi32>
      %parallel_loop3A_563 = arith.andi %parallel_loop3A_556, %parallel_loop3A_562 : vector<16xi32>
      %parallel_loop3A_564 = arith.constant 13 : i32
      %parallel_loop3A_565 = vector.broadcast %parallel_loop3A_564 : i32 to vector<16xi32>
      %parallel_loop3A_566 = arith.shli %parallel_loop3A_563, %parallel_loop3A_565 : vector<16xi32>
      %parallel_loop3A_567 = tpu.bitcast %parallel_loop3A_566 : vector<16xi32> -> vector<16xf32>
      %parallel_loop3A_568 = arith.mulf %parallel_loop3A_567, %get3A_6 : vector<16xf32>
      %parallel_loop3A_569 = arith.constant 16 : i32
      %parallel_loop3A_570 = vector.broadcast %parallel_loop3A_569 : i32 to vector<16xi32>
      %parallel_loop3A_571 = arith.shli %parallel_loop3A_556, %parallel_loop3A_570 : vector<16xi32>
      %parallel_loop3A_572 = arith.constant -2147483648 : i32
      %parallel_loop3A_573 = vector.broadcast %parallel_loop3A_572 : i32 to vector<16xi32>
      %parallel_loop3A_574 = arith.andi %parallel_loop3A_571, %parallel_loop3A_573 : vector<16xi32>
      %parallel_loop3A_575 = tpu.bitcast %parallel_loop3A_568 : vector<16xf32> -> vector<16xi32>
      %parallel_loop3A_576 = arith.ori %parallel_loop3A_575, %parallel_loop3A_574 : vector<16xi32>
      %parallel_loop3A_577 = tpu.bitcast %parallel_loop3A_576 : vector<16xi32> -> vector<16xf32>
      %parallel_loop3A_578 = arith.constant 2147418112 : i32
      %parallel_loop3A_579 = vector.broadcast %parallel_loop3A_578 : i32 to vector<16xi32>
      %parallel_loop3A_580 = arith.andi %parallel_loop3A_556, %parallel_loop3A_579 : vector<16xi32>
      %parallel_loop3A_581 = arith.constant 3 : i32
      %parallel_loop3A_582 = vector.broadcast %parallel_loop3A_581 : i32 to vector<16xi32>
      %parallel_loop3A_583 = arith.shrui %parallel_loop3A_580, %parallel_loop3A_582 : vector<16xi32>
      %parallel_loop3A_584 = tpu.bitcast %parallel_loop3A_583 : vector<16xi32> -> vector<16xf32>
      %parallel_loop3A_585 = arith.mulf %parallel_loop3A_584, %get3A_6 : vector<16xf32>
      %parallel_loop3A_586 = arith.constant -2147483648 : i32
      %parallel_loop3A_587 = vector.broadcast %parallel_loop3A_586 : i32 to vector<16xi32>
      %parallel_loop3A_588 = arith.andi %parallel_loop3A_556, %parallel_loop3A_587 : vector<16xi32>
      %parallel_loop3A_589 = tpu.bitcast %parallel_loop3A_585 : vector<16xf32> -> vector<16xi32>
      %parallel_loop3A_590 = arith.ori %parallel_loop3A_589, %parallel_loop3A_588 : vector<16xi32>
      %parallel_loop3A_591 = tpu.bitcast %parallel_loop3A_590 : vector<16xi32> -> vector<16xf32>
      %parallel_loop3A_592 = arith.constant 32767 : i32
      %parallel_loop3A_593 = vector.broadcast %parallel_loop3A_592 : i32 to vector<16xi32>
      %parallel_loop3A_594 = arith.andi %parallel_loop3A_560, %parallel_loop3A_593 : vector<16xi32>
      %parallel_loop3A_595 = arith.constant 13 : i32
      %parallel_loop3A_596 = vector.broadcast %parallel_loop3A_595 : i32 to vector<16xi32>
      %parallel_loop3A_597 = arith.shli %parallel_loop3A_594, %parallel_loop3A_596 : vector<16xi32>
      %parallel_loop3A_598 = tpu.bitcast %parallel_loop3A_597 : vector<16xi32> -> vector<16xf32>
      %parallel_loop3A_599 = arith.mulf %parallel_loop3A_598, %get3A_6 : vector<16xf32>
      %parallel_loop3A_600 = arith.constant 16 : i32
      %parallel_loop3A_601 = vector.broadcast %parallel_loop3A_600 : i32 to vector<16xi32>
      %parallel_loop3A_602 = arith.shli %parallel_loop3A_560, %parallel_loop3A_601 : vector<16xi32>
      %parallel_loop3A_603 = arith.constant -2147483648 : i32
      %parallel_loop3A_604 = vector.broadcast %parallel_loop3A_603 : i32 to vector<16xi32>
      %parallel_loop3A_605 = arith.andi %parallel_loop3A_602, %parallel_loop3A_604 : vector<16xi32>
      %parallel_loop3A_606 = tpu.bitcast %parallel_loop3A_599 : vector<16xf32> -> vector<16xi32>
      %parallel_loop3A_607 = arith.ori %parallel_loop3A_606, %parallel_loop3A_605 : vector<16xi32>
      %parallel_loop3A_608 = tpu.bitcast %parallel_loop3A_607 : vector<16xi32> -> vector<16xf32>
      %parallel_loop3A_609 = arith.constant 2147418112 : i32
      %parallel_loop3A_610 = vector.broadcast %parallel_loop3A_609 : i32 to vector<16xi32>
      %parallel_loop3A_611 = arith.andi %parallel_loop3A_560, %parallel_loop3A_610 : vector<16xi32>
      %parallel_loop3A_612 = arith.constant 3 : i32
      %parallel_loop3A_613 = vector.broadcast %parallel_loop3A_612 : i32 to vector<16xi32>
      %parallel_loop3A_614 = arith.shrui %parallel_loop3A_611, %parallel_loop3A_613 : vector<16xi32>
      %parallel_loop3A_615 = tpu.bitcast %parallel_loop3A_614 : vector<16xi32> -> vector<16xf32>
      %parallel_loop3A_616 = arith.mulf %parallel_loop3A_615, %get3A_6 : vector<16xf32>
      %parallel_loop3A_617 = arith.constant -2147483648 : i32
      %parallel_loop3A_618 = vector.broadcast %parallel_loop3A_617 : i32 to vector<16xi32>
      %parallel_loop3A_619 = arith.andi %parallel_loop3A_560, %parallel_loop3A_618 : vector<16xi32>
      %parallel_loop3A_620 = tpu.bitcast %parallel_loop3A_616 : vector<16xf32> -> vector<16xi32>
      %parallel_loop3A_621 = arith.ori %parallel_loop3A_620, %parallel_loop3A_619 : vector<16xi32>
      %parallel_loop3A_622 = tpu.bitcast %parallel_loop3A_621 : vector<16xi32> -> vector<16xf32>
      %parallel_loop3A_623 = arith.index_cast %parallel_loop3A_552 : i32 to index
      %parallel_loop3A_624 = tpu.vector_load %arg10[%parallel_loop3A_623] {strides = array<i32>} : memref<8192xf32, #tpu.memory_space<vmem>>, vector<16xf32>,
      %parallel_loop3A_625 = vector.shape_cast %parallel_loop3A_624 : vector<16xf32> to vector<16xf32>
      %parallel_loop3A_626 = vector.shape_cast %parallel_loop3A_577 : vector<16xf32> to vector<16xf32>
      tpu.vector_store %arg10[%parallel_loop3A_623], %parallel_loop3A_626 {strides = array<i32>} : memref<8192xf32, #tpu.memory_space<vmem>>, vector<16xf32>,
      %parallel_loop3A_627 = arith.constant 16 : i32
      %parallel_loop3A_628 = arith.addi %parallel_loop3A_552, %parallel_loop3A_627 : i32
      %parallel_loop3A_629 = arith.index_cast %parallel_loop3A_628 : i32 to index
      %parallel_loop3A_630 = tpu.vector_load %arg10[%parallel_loop3A_629] {strides = array<i32>} : memref<8192xf32, #tpu.memory_space<vmem>>, vector<16xf32>,
      %parallel_loop3A_631 = vector.shape_cast %parallel_loop3A_630 : vector<16xf32> to vector<16xf32>
      %parallel_loop3A_632 = vector.shape_cast %parallel_loop3A_608 : vector<16xf32> to vector<16xf32>
      tpu.vector_store %arg10[%parallel_loop3A_629], %parallel_loop3A_632 {strides = array<i32>} : memref<8192xf32, #tpu.memory_space<vmem>>, vector<16xf32>,
      %parallel_loop3A_633 = arith.constant 32 : i32
      %parallel_loop3A_634 = arith.addi %parallel_loop3A_552, %parallel_loop3A_633 : i32
      %parallel_loop3A_635 = arith.index_cast %parallel_loop3A_634 : i32 to index
      %parallel_loop3A_636 = tpu.vector_load %arg10[%parallel_loop3A_635] {strides = array<i32>} : memref<8192xf32, #tpu.memory_space<vmem>>, vector<16xf32>,
      %parallel_loop3A_637 = vector.shape_cast %parallel_loop3A_636 : vector<16xf32> to vector<16xf32>
      %parallel_loop3A_638 = vector.shape_cast %parallel_loop3A_591 : vector<16xf32> to vector<16xf32>
      tpu.vector_store %arg10[%parallel_loop3A_635], %parallel_loop3A_638 {strides = array<i32>} : memref<8192xf32, #tpu.memory_space<vmem>>, vector<16xf32>,
      %parallel_loop3A_639 = arith.constant 48 : i32
      %parallel_loop3A_640 = arith.addi %parallel_loop3A_552, %parallel_loop3A_639 : i32
      %parallel_loop3A_641 = arith.index_cast %parallel_loop3A_640 : i32 to index
      %parallel_loop3A_642 = tpu.vector_load %arg10[%parallel_loop3A_641] {strides = array<i32>} : memref<8192xf32, #tpu.memory_space<vmem>>, vector<16xf32>,
      %parallel_loop3A_643 = vector.shape_cast %parallel_loop3A_642 : vector<16xf32> to vector<16xf32>
      %parallel_loop3A_644 = vector.shape_cast %parallel_loop3A_622 : vector<16xf32> to vector<16xf32>
      tpu.vector_store %arg10[%parallel_loop3A_641], %parallel_loop3A_644 {strides = array<i32>} : memref<8192xf32, #tpu.memory_space<vmem>>, vector<16xf32>,
    } {sc.loop_unroll_factor = 2 : i64, sc.parallel_access}
    %add3A_272 = arith.constant 12 : i32
    %add3A_273 = arith.addi %mul3A_2, %add3A_272 : i32
    %mul3A_274 = arith.constant 8192 : i32
    %mul3A_275 = arith.muli %add3A_273, %mul3A_274 : i32
    %dma_start3A_276 = tpu.memref_slice %arg5[%mul3A_275] : memref<6815744xf32, #tpu.memory_space<hbm>> -> memref<8192xf32, #tpu.memory_space<hbm>>
    %dma_start3A_277 = tpu.memref_slice %arg5[%mul3A_275] : memref<6815744xf32, #tpu.memory_space<hbm>> -> memref<8192xf32, #tpu.memory_space<hbm>>
    tpu.enqueue_dma source(%arg10 : memref<8192xf32, #tpu.memory_space<vmem>>) target(%dma_start3A_277 : memref<8192xf32, #tpu.memory_space<hbm>>) target_semaphore(%arg14 : memref<!tpu.dma_semaphore, #tpu.memory_space<semaphore_mem>>)
    %dma_start3A_278 = arith.constant 1792 : i32
    %dma_start3A_279 = tpu.memref_slice %arg6[%dma_start3A_278] : memref<3328xi32, #tpu.memory_space<vmem>> -> memref<128xi32, #tpu.memory_space<vmem>>
    %dma_start3A_280 = arith.constant 0 : i32
    %dma_start3A_281 = arith.constant 0 : i32
    %dma_start3A_282 = tpu.memref_slice %arg2[%dma_start3A_280, %dma_start3A_281] : memref<100000x32xi32, #tpu.memory_space<hbm>> -> memref<100000x32xi32, #tpu.memory_space<hbm>>
    tpu.enqueue_indirect_dma source(%dma_start3A_282 : memref<100000x32xi32, #tpu.memory_space<hbm>>) target(%arg8 : memref<128x32xi32, #tpu.memory_space<vmem>>) offsets(%dma_start3A_279 : memref<128xi32, #tpu.memory_space<vmem>>) semaphore(%arg12 : memref<!tpu.dma_semaphore, #tpu.memory_space<semaphore_mem>>)
    %dma_wait3A_283 = arith.constant 1664 : i32
    %dma_wait3A_284 = tpu.memref_slice %arg6[%dma_wait3A_283] : memref<3328xi32, #tpu.memory_space<vmem>> -> memref<128xi32, #tpu.memory_space<vmem>>
    %dma_wait3A_285 = arith.constant 0 : i32
    %dma_wait3A_286 = arith.constant 0 : i32
    %dma_wait3A_287 = tpu.memref_slice %arg2[%dma_wait3A_285, %dma_wait3A_286] : memref<100000x32xi32, #tpu.memory_space<hbm>> -> memref<100000x32xi32, #tpu.memory_space<hbm>>
    tpu.wait_indirect_dma semaphore(%arg13 : memref<!tpu.dma_semaphore, #tpu.memory_space<semaphore_mem>>) src(%dma_wait3A_287 : memref<100000x32xi32, #tpu.memory_space<hbm>>) dst(%arg9 : memref<128x32xi32, #tpu.memory_space<vmem>>)
    %dma_wait3A_288 = tpu.memref_slice %arg5[%mul3A_254] : memref<6815744xf32, #tpu.memory_space<hbm>> -> memref<8192xf32, #tpu.memory_space<hbm>>
    %dma_wait3A_289 = tpu.memref_slice %arg5[%mul3A_254] : memref<6815744xf32, #tpu.memory_space<hbm>> -> memref<8192xf32, #tpu.memory_space<hbm>>
    tpu.wait_dma2 semaphore(%arg15 : memref<!tpu.dma_semaphore, #tpu.memory_space<semaphore_mem>>) src(%arg11 : memref<8192xf32, #tpu.memory_space<vmem>>) dst(%dma_wait3A_289 : memref<8192xf32, #tpu.memory_space<hbm>>)
    %parallel_loop3A_290 = arith.constant 0 : i32
    %parallel_loop3A_291 = arith.constant 128 : i32
    %parallel_loop3A_292 = arith.constant 1 : i32
    scf.for %parallel_loop3A_550 = %parallel_loop3A_290 to %parallel_loop3A_291 step %parallel_loop3A_292  : i32 {
      %parallel_loop3A_551 = arith.constant 64 : i32
      %parallel_loop3A_552 = arith.muli %parallel_loop3A_550, %parallel_loop3A_551 : i32
      %parallel_loop3A_553 = arith.index_cast %parallel_loop3A_550 : i32 to index
      %parallel_loop3A_554 = arith.constant 0 : index
      %parallel_loop3A_555 = tpu.vector_load %arg9[%parallel_loop3A_553, %parallel_loop3A_554] {strides = array<i32>} : memref<128x32xi32, #tpu.memory_space<vmem>>, vector<1x16xi32>,
      %parallel_loop3A_556 = vector.shape_cast %parallel_loop3A_555 : vector<1x16xi32> to vector<16xi32>
      %parallel_loop3A_557 = arith.index_cast %parallel_loop3A_550 : i32 to index
      %parallel_loop3A_558 = arith.constant 16 : index
      %parallel_loop3A_559 = tpu.vector_load %arg9[%parallel_loop3A_557, %parallel_loop3A_558] {strides = array<i32>} : memref<128x32xi32, #tpu.memory_space<vmem>>, vector<1x16xi32>,
      %parallel_loop3A_560 = vector.shape_cast %parallel_loop3A_559 : vector<1x16xi32> to vector<16xi32>
      %parallel_loop3A_561 = arith.constant 32767 : i32
      %parallel_loop3A_562 = vector.broadcast %parallel_loop3A_561 : i32 to vector<16xi32>
      %parallel_loop3A_563 = arith.andi %parallel_loop3A_556, %parallel_loop3A_562 : vector<16xi32>
      %parallel_loop3A_564 = arith.constant 13 : i32
      %parallel_loop3A_565 = vector.broadcast %parallel_loop3A_564 : i32 to vector<16xi32>
      %parallel_loop3A_566 = arith.shli %parallel_loop3A_563, %parallel_loop3A_565 : vector<16xi32>
      %parallel_loop3A_567 = tpu.bitcast %parallel_loop3A_566 : vector<16xi32> -> vector<16xf32>
      %parallel_loop3A_568 = arith.mulf %parallel_loop3A_567, %get3A_6 : vector<16xf32>
      %parallel_loop3A_569 = arith.constant 16 : i32
      %parallel_loop3A_570 = vector.broadcast %parallel_loop3A_569 : i32 to vector<16xi32>
      %parallel_loop3A_571 = arith.shli %parallel_loop3A_556, %parallel_loop3A_570 : vector<16xi32>
      %parallel_loop3A_572 = arith.constant -2147483648 : i32
      %parallel_loop3A_573 = vector.broadcast %parallel_loop3A_572 : i32 to vector<16xi32>
      %parallel_loop3A_574 = arith.andi %parallel_loop3A_571, %parallel_loop3A_573 : vector<16xi32>
      %parallel_loop3A_575 = tpu.bitcast %parallel_loop3A_568 : vector<16xf32> -> vector<16xi32>
      %parallel_loop3A_576 = arith.ori %parallel_loop3A_575, %parallel_loop3A_574 : vector<16xi32>
      %parallel_loop3A_577 = tpu.bitcast %parallel_loop3A_576 : vector<16xi32> -> vector<16xf32>
      %parallel_loop3A_578 = arith.constant 2147418112 : i32
      %parallel_loop3A_579 = vector.broadcast %parallel_loop3A_578 : i32 to vector<16xi32>
      %parallel_loop3A_580 = arith.andi %parallel_loop3A_556, %parallel_loop3A_579 : vector<16xi32>
      %parallel_loop3A_581 = arith.constant 3 : i32
      %parallel_loop3A_582 = vector.broadcast %parallel_loop3A_581 : i32 to vector<16xi32>
      %parallel_loop3A_583 = arith.shrui %parallel_loop3A_580, %parallel_loop3A_582 : vector<16xi32>
      %parallel_loop3A_584 = tpu.bitcast %parallel_loop3A_583 : vector<16xi32> -> vector<16xf32>
      %parallel_loop3A_585 = arith.mulf %parallel_loop3A_584, %get3A_6 : vector<16xf32>
      %parallel_loop3A_586 = arith.constant -2147483648 : i32
      %parallel_loop3A_587 = vector.broadcast %parallel_loop3A_586 : i32 to vector<16xi32>
      %parallel_loop3A_588 = arith.andi %parallel_loop3A_556, %parallel_loop3A_587 : vector<16xi32>
      %parallel_loop3A_589 = tpu.bitcast %parallel_loop3A_585 : vector<16xf32> -> vector<16xi32>
      %parallel_loop3A_590 = arith.ori %parallel_loop3A_589, %parallel_loop3A_588 : vector<16xi32>
      %parallel_loop3A_591 = tpu.bitcast %parallel_loop3A_590 : vector<16xi32> -> vector<16xf32>
      %parallel_loop3A_592 = arith.constant 32767 : i32
      %parallel_loop3A_593 = vector.broadcast %parallel_loop3A_592 : i32 to vector<16xi32>
      %parallel_loop3A_594 = arith.andi %parallel_loop3A_560, %parallel_loop3A_593 : vector<16xi32>
      %parallel_loop3A_595 = arith.constant 13 : i32
      %parallel_loop3A_596 = vector.broadcast %parallel_loop3A_595 : i32 to vector<16xi32>
      %parallel_loop3A_597 = arith.shli %parallel_loop3A_594, %parallel_loop3A_596 : vector<16xi32>
      %parallel_loop3A_598 = tpu.bitcast %parallel_loop3A_597 : vector<16xi32> -> vector<16xf32>
      %parallel_loop3A_599 = arith.mulf %parallel_loop3A_598, %get3A_6 : vector<16xf32>
      %parallel_loop3A_600 = arith.constant 16 : i32
      %parallel_loop3A_601 = vector.broadcast %parallel_loop3A_600 : i32 to vector<16xi32>
      %parallel_loop3A_602 = arith.shli %parallel_loop3A_560, %parallel_loop3A_601 : vector<16xi32>
      %parallel_loop3A_603 = arith.constant -2147483648 : i32
      %parallel_loop3A_604 = vector.broadcast %parallel_loop3A_603 : i32 to vector<16xi32>
      %parallel_loop3A_605 = arith.andi %parallel_loop3A_602, %parallel_loop3A_604 : vector<16xi32>
      %parallel_loop3A_606 = tpu.bitcast %parallel_loop3A_599 : vector<16xf32> -> vector<16xi32>
      %parallel_loop3A_607 = arith.ori %parallel_loop3A_606, %parallel_loop3A_605 : vector<16xi32>
      %parallel_loop3A_608 = tpu.bitcast %parallel_loop3A_607 : vector<16xi32> -> vector<16xf32>
      %parallel_loop3A_609 = arith.constant 2147418112 : i32
      %parallel_loop3A_610 = vector.broadcast %parallel_loop3A_609 : i32 to vector<16xi32>
      %parallel_loop3A_611 = arith.andi %parallel_loop3A_560, %parallel_loop3A_610 : vector<16xi32>
      %parallel_loop3A_612 = arith.constant 3 : i32
      %parallel_loop3A_613 = vector.broadcast %parallel_loop3A_612 : i32 to vector<16xi32>
      %parallel_loop3A_614 = arith.shrui %parallel_loop3A_611, %parallel_loop3A_613 : vector<16xi32>
      %parallel_loop3A_615 = tpu.bitcast %parallel_loop3A_614 : vector<16xi32> -> vector<16xf32>
      %parallel_loop3A_616 = arith.mulf %parallel_loop3A_615, %get3A_6 : vector<16xf32>
      %parallel_loop3A_617 = arith.constant -2147483648 : i32
      %parallel_loop3A_618 = vector.broadcast %parallel_loop3A_617 : i32 to vector<16xi32>
      %parallel_loop3A_619 = arith.andi %parallel_loop3A_560, %parallel_loop3A_618 : vector<16xi32>
      %parallel_loop3A_620 = tpu.bitcast %parallel_loop3A_616 : vector<16xf32> -> vector<16xi32>
      %parallel_loop3A_621 = arith.ori %parallel_loop3A_620, %parallel_loop3A_619 : vector<16xi32>
      %parallel_loop3A_622 = tpu.bitcast %parallel_loop3A_621 : vector<16xi32> -> vector<16xf32>
      %parallel_loop3A_623 = arith.index_cast %parallel_loop3A_552 : i32 to index
      %parallel_loop3A_624 = tpu.vector_load %arg11[%parallel_loop3A_623] {strides = array<i32>} : memref<8192xf32, #tpu.memory_space<vmem>>, vector<16xf32>,
      %parallel_loop3A_625 = vector.shape_cast %parallel_loop3A_624 : vector<16xf32> to vector<16xf32>
      %parallel_loop3A_626 = vector.shape_cast %parallel_loop3A_577 : vector<16xf32> to vector<16xf32>
      tpu.vector_store %arg11[%parallel_loop3A_623], %parallel_loop3A_626 {strides = array<i32>} : memref<8192xf32, #tpu.memory_space<vmem>>, vector<16xf32>,
      %parallel_loop3A_627 = arith.constant 16 : i32
      %parallel_loop3A_628 = arith.addi %parallel_loop3A_552, %parallel_loop3A_627 : i32
      %parallel_loop3A_629 = arith.index_cast %parallel_loop3A_628 : i32 to index
      %parallel_loop3A_630 = tpu.vector_load %arg11[%parallel_loop3A_629] {strides = array<i32>} : memref<8192xf32, #tpu.memory_space<vmem>>, vector<16xf32>,
      %parallel_loop3A_631 = vector.shape_cast %parallel_loop3A_630 : vector<16xf32> to vector<16xf32>
      %parallel_loop3A_632 = vector.shape_cast %parallel_loop3A_608 : vector<16xf32> to vector<16xf32>
      tpu.vector_store %arg11[%parallel_loop3A_629], %parallel_loop3A_632 {strides = array<i32>} : memref<8192xf32, #tpu.memory_space<vmem>>, vector<16xf32>,
      %parallel_loop3A_633 = arith.constant 32 : i32
      %parallel_loop3A_634 = arith.addi %parallel_loop3A_552, %parallel_loop3A_633 : i32
      %parallel_loop3A_635 = arith.index_cast %parallel_loop3A_634 : i32 to index
      %parallel_loop3A_636 = tpu.vector_load %arg11[%parallel_loop3A_635] {strides = array<i32>} : memref<8192xf32, #tpu.memory_space<vmem>>, vector<16xf32>,
      %parallel_loop3A_637 = vector.shape_cast %parallel_loop3A_636 : vector<16xf32> to vector<16xf32>
      %parallel_loop3A_638 = vector.shape_cast %parallel_loop3A_591 : vector<16xf32> to vector<16xf32>
      tpu.vector_store %arg11[%parallel_loop3A_635], %parallel_loop3A_638 {strides = array<i32>} : memref<8192xf32, #tpu.memory_space<vmem>>, vector<16xf32>,
      %parallel_loop3A_639 = arith.constant 48 : i32
      %parallel_loop3A_640 = arith.addi %parallel_loop3A_552, %parallel_loop3A_639 : i32
      %parallel_loop3A_641 = arith.index_cast %parallel_loop3A_640 : i32 to index
      %parallel_loop3A_642 = tpu.vector_load %arg11[%parallel_loop3A_641] {strides = array<i32>} : memref<8192xf32, #tpu.memory_space<vmem>>, vector<16xf32>,
      %parallel_loop3A_643 = vector.shape_cast %parallel_loop3A_642 : vector<16xf32> to vector<16xf32>
      %parallel_loop3A_644 = vector.shape_cast %parallel_loop3A_622 : vector<16xf32> to vector<16xf32>
      tpu.vector_store %arg11[%parallel_loop3A_641], %parallel_loop3A_644 {strides = array<i32>} : memref<8192xf32, #tpu.memory_space<vmem>>, vector<16xf32>,
    } {sc.loop_unroll_factor = 2 : i64, sc.parallel_access}
    %add3A_293 = arith.constant 13 : i32
    %add3A_294 = arith.addi %mul3A_2, %add3A_293 : i32
    %mul3A_295 = arith.constant 8192 : i32
    %mul3A_296 = arith.muli %add3A_294, %mul3A_295 : i32
    %dma_start3A_297 = tpu.memref_slice %arg5[%mul3A_296] : memref<6815744xf32, #tpu.memory_space<hbm>> -> memref<8192xf32, #tpu.memory_space<hbm>>
    %dma_start3A_298 = tpu.memref_slice %arg5[%mul3A_296] : memref<6815744xf32, #tpu.memory_space<hbm>> -> memref<8192xf32, #tpu.memory_space<hbm>>
    tpu.enqueue_dma source(%arg11 : memref<8192xf32, #tpu.memory_space<vmem>>) target(%dma_start3A_298 : memref<8192xf32, #tpu.memory_space<hbm>>) target_semaphore(%arg15 : memref<!tpu.dma_semaphore, #tpu.memory_space<semaphore_mem>>)
    %dma_start3A_299 = arith.constant 1920 : i32
    %dma_start3A_300 = tpu.memref_slice %arg6[%dma_start3A_299] : memref<3328xi32, #tpu.memory_space<vmem>> -> memref<128xi32, #tpu.memory_space<vmem>>
    %dma_start3A_301 = arith.constant 0 : i32
    %dma_start3A_302 = arith.constant 0 : i32
    %dma_start3A_303 = tpu.memref_slice %arg2[%dma_start3A_301, %dma_start3A_302] : memref<100000x32xi32, #tpu.memory_space<hbm>> -> memref<100000x32xi32, #tpu.memory_space<hbm>>
    tpu.enqueue_indirect_dma source(%dma_start3A_303 : memref<100000x32xi32, #tpu.memory_space<hbm>>) target(%arg9 : memref<128x32xi32, #tpu.memory_space<vmem>>) offsets(%dma_start3A_300 : memref<128xi32, #tpu.memory_space<vmem>>) semaphore(%arg13 : memref<!tpu.dma_semaphore, #tpu.memory_space<semaphore_mem>>)
    %dma_wait3A_304 = arith.constant 1792 : i32
    %dma_wait3A_305 = tpu.memref_slice %arg6[%dma_wait3A_304] : memref<3328xi32, #tpu.memory_space<vmem>> -> memref<128xi32, #tpu.memory_space<vmem>>
    %dma_wait3A_306 = arith.constant 0 : i32
    %dma_wait3A_307 = arith.constant 0 : i32
    %dma_wait3A_308 = tpu.memref_slice %arg2[%dma_wait3A_306, %dma_wait3A_307] : memref<100000x32xi32, #tpu.memory_space<hbm>> -> memref<100000x32xi32, #tpu.memory_space<hbm>>
    tpu.wait_indirect_dma semaphore(%arg12 : memref<!tpu.dma_semaphore, #tpu.memory_space<semaphore_mem>>) src(%dma_wait3A_308 : memref<100000x32xi32, #tpu.memory_space<hbm>>) dst(%arg8 : memref<128x32xi32, #tpu.memory_space<vmem>>)
    %dma_wait3A_309 = tpu.memref_slice %arg5[%mul3A_275] : memref<6815744xf32, #tpu.memory_space<hbm>> -> memref<8192xf32, #tpu.memory_space<hbm>>
    %dma_wait3A_310 = tpu.memref_slice %arg5[%mul3A_275] : memref<6815744xf32, #tpu.memory_space<hbm>> -> memref<8192xf32, #tpu.memory_space<hbm>>
    tpu.wait_dma2 semaphore(%arg14 : memref<!tpu.dma_semaphore, #tpu.memory_space<semaphore_mem>>) src(%arg10 : memref<8192xf32, #tpu.memory_space<vmem>>) dst(%dma_wait3A_310 : memref<8192xf32, #tpu.memory_space<hbm>>)
    %parallel_loop3A_311 = arith.constant 0 : i32
    %parallel_loop3A_312 = arith.constant 128 : i32
    %parallel_loop3A_313 = arith.constant 1 : i32
    scf.for %parallel_loop3A_550 = %parallel_loop3A_311 to %parallel_loop3A_312 step %parallel_loop3A_313  : i32 {
      %parallel_loop3A_551 = arith.constant 64 : i32
      %parallel_loop3A_552 = arith.muli %parallel_loop3A_550, %parallel_loop3A_551 : i32
      %parallel_loop3A_553 = arith.index_cast %parallel_loop3A_550 : i32 to index
      %parallel_loop3A_554 = arith.constant 0 : index
      %parallel_loop3A_555 = tpu.vector_load %arg8[%parallel_loop3A_553, %parallel_loop3A_554] {strides = array<i32>} : memref<128x32xi32, #tpu.memory_space<vmem>>, vector<1x16xi32>,
      %parallel_loop3A_556 = vector.shape_cast %parallel_loop3A_555 : vector<1x16xi32> to vector<16xi32>
      %parallel_loop3A_557 = arith.index_cast %parallel_loop3A_550 : i32 to index
      %parallel_loop3A_558 = arith.constant 16 : index
      %parallel_loop3A_559 = tpu.vector_load %arg8[%parallel_loop3A_557, %parallel_loop3A_558] {strides = array<i32>} : memref<128x32xi32, #tpu.memory_space<vmem>>, vector<1x16xi32>,
      %parallel_loop3A_560 = vector.shape_cast %parallel_loop3A_559 : vector<1x16xi32> to vector<16xi32>
      %parallel_loop3A_561 = arith.constant 32767 : i32
      %parallel_loop3A_562 = vector.broadcast %parallel_loop3A_561 : i32 to vector<16xi32>
      %parallel_loop3A_563 = arith.andi %parallel_loop3A_556, %parallel_loop3A_562 : vector<16xi32>
      %parallel_loop3A_564 = arith.constant 13 : i32
      %parallel_loop3A_565 = vector.broadcast %parallel_loop3A_564 : i32 to vector<16xi32>
      %parallel_loop3A_566 = arith.shli %parallel_loop3A_563, %parallel_loop3A_565 : vector<16xi32>
      %parallel_loop3A_567 = tpu.bitcast %parallel_loop3A_566 : vector<16xi32> -> vector<16xf32>
      %parallel_loop3A_568 = arith.mulf %parallel_loop3A_567, %get3A_6 : vector<16xf32>
      %parallel_loop3A_569 = arith.constant 16 : i32
      %parallel_loop3A_570 = vector.broadcast %parallel_loop3A_569 : i32 to vector<16xi32>
      %parallel_loop3A_571 = arith.shli %parallel_loop3A_556, %parallel_loop3A_570 : vector<16xi32>
      %parallel_loop3A_572 = arith.constant -2147483648 : i32
      %parallel_loop3A_573 = vector.broadcast %parallel_loop3A_572 : i32 to vector<16xi32>
      %parallel_loop3A_574 = arith.andi %parallel_loop3A_571, %parallel_loop3A_573 : vector<16xi32>
      %parallel_loop3A_575 = tpu.bitcast %parallel_loop3A_568 : vector<16xf32> -> vector<16xi32>
      %parallel_loop3A_576 = arith.ori %parallel_loop3A_575, %parallel_loop3A_574 : vector<16xi32>
      %parallel_loop3A_577 = tpu.bitcast %parallel_loop3A_576 : vector<16xi32> -> vector<16xf32>
      %parallel_loop3A_578 = arith.constant 2147418112 : i32
      %parallel_loop3A_579 = vector.broadcast %parallel_loop3A_578 : i32 to vector<16xi32>
      %parallel_loop3A_580 = arith.andi %parallel_loop3A_556, %parallel_loop3A_579 : vector<16xi32>
      %parallel_loop3A_581 = arith.constant 3 : i32
      %parallel_loop3A_582 = vector.broadcast %parallel_loop3A_581 : i32 to vector<16xi32>
      %parallel_loop3A_583 = arith.shrui %parallel_loop3A_580, %parallel_loop3A_582 : vector<16xi32>
      %parallel_loop3A_584 = tpu.bitcast %parallel_loop3A_583 : vector<16xi32> -> vector<16xf32>
      %parallel_loop3A_585 = arith.mulf %parallel_loop3A_584, %get3A_6 : vector<16xf32>
      %parallel_loop3A_586 = arith.constant -2147483648 : i32
      %parallel_loop3A_587 = vector.broadcast %parallel_loop3A_586 : i32 to vector<16xi32>
      %parallel_loop3A_588 = arith.andi %parallel_loop3A_556, %parallel_loop3A_587 : vector<16xi32>
      %parallel_loop3A_589 = tpu.bitcast %parallel_loop3A_585 : vector<16xf32> -> vector<16xi32>
      %parallel_loop3A_590 = arith.ori %parallel_loop3A_589, %parallel_loop3A_588 : vector<16xi32>
      %parallel_loop3A_591 = tpu.bitcast %parallel_loop3A_590 : vector<16xi32> -> vector<16xf32>
      %parallel_loop3A_592 = arith.constant 32767 : i32
      %parallel_loop3A_593 = vector.broadcast %parallel_loop3A_592 : i32 to vector<16xi32>
      %parallel_loop3A_594 = arith.andi %parallel_loop3A_560, %parallel_loop3A_593 : vector<16xi32>
      %parallel_loop3A_595 = arith.constant 13 : i32
      %parallel_loop3A_596 = vector.broadcast %parallel_loop3A_595 : i32 to vector<16xi32>
      %parallel_loop3A_597 = arith.shli %parallel_loop3A_594, %parallel_loop3A_596 : vector<16xi32>
      %parallel_loop3A_598 = tpu.bitcast %parallel_loop3A_597 : vector<16xi32> -> vector<16xf32>
      %parallel_loop3A_599 = arith.mulf %parallel_loop3A_598, %get3A_6 : vector<16xf32>
      %parallel_loop3A_600 = arith.constant 16 : i32
      %parallel_loop3A_601 = vector.broadcast %parallel_loop3A_600 : i32 to vector<16xi32>
      %parallel_loop3A_602 = arith.shli %parallel_loop3A_560, %parallel_loop3A_601 : vector<16xi32>
      %parallel_loop3A_603 = arith.constant -2147483648 : i32
      %parallel_loop3A_604 = vector.broadcast %parallel_loop3A_603 : i32 to vector<16xi32>
      %parallel_loop3A_605 = arith.andi %parallel_loop3A_602, %parallel_loop3A_604 : vector<16xi32>
      %parallel_loop3A_606 = tpu.bitcast %parallel_loop3A_599 : vector<16xf32> -> vector<16xi32>
      %parallel_loop3A_607 = arith.ori %parallel_loop3A_606, %parallel_loop3A_605 : vector<16xi32>
      %parallel_loop3A_608 = tpu.bitcast %parallel_loop3A_607 : vector<16xi32> -> vector<16xf32>
      %parallel_loop3A_609 = arith.constant 2147418112 : i32
      %parallel_loop3A_610 = vector.broadcast %parallel_loop3A_609 : i32 to vector<16xi32>
      %parallel_loop3A_611 = arith.andi %parallel_loop3A_560, %parallel_loop3A_610 : vector<16xi32>
      %parallel_loop3A_612 = arith.constant 3 : i32
      %parallel_loop3A_613 = vector.broadcast %parallel_loop3A_612 : i32 to vector<16xi32>
      %parallel_loop3A_614 = arith.shrui %parallel_loop3A_611, %parallel_loop3A_613 : vector<16xi32>
      %parallel_loop3A_615 = tpu.bitcast %parallel_loop3A_614 : vector<16xi32> -> vector<16xf32>
      %parallel_loop3A_616 = arith.mulf %parallel_loop3A_615, %get3A_6 : vector<16xf32>
      %parallel_loop3A_617 = arith.constant -2147483648 : i32
      %parallel_loop3A_618 = vector.broadcast %parallel_loop3A_617 : i32 to vector<16xi32>
      %parallel_loop3A_619 = arith.andi %parallel_loop3A_560, %parallel_loop3A_618 : vector<16xi32>
      %parallel_loop3A_620 = tpu.bitcast %parallel_loop3A_616 : vector<16xf32> -> vector<16xi32>
      %parallel_loop3A_621 = arith.ori %parallel_loop3A_620, %parallel_loop3A_619 : vector<16xi32>
      %parallel_loop3A_622 = tpu.bitcast %parallel_loop3A_621 : vector<16xi32> -> vector<16xf32>
      %parallel_loop3A_623 = arith.index_cast %parallel_loop3A_552 : i32 to index
      %parallel_loop3A_624 = tpu.vector_load %arg10[%parallel_loop3A_623] {strides = array<i32>} : memref<8192xf32, #tpu.memory_space<vmem>>, vector<16xf32>,
      %parallel_loop3A_625 = vector.shape_cast %parallel_loop3A_624 : vector<16xf32> to vector<16xf32>
      %parallel_loop3A_626 = vector.shape_cast %parallel_loop3A_577 : vector<16xf32> to vector<16xf32>
      tpu.vector_store %arg10[%parallel_loop3A_623], %parallel_loop3A_626 {strides = array<i32>} : memref<8192xf32, #tpu.memory_space<vmem>>, vector<16xf32>,
      %parallel_loop3A_627 = arith.constant 16 : i32
      %parallel_loop3A_628 = arith.addi %parallel_loop3A_552, %parallel_loop3A_627 : i32
      %parallel_loop3A_629 = arith.index_cast %parallel_loop3A_628 : i32 to index
      %parallel_loop3A_630 = tpu.vector_load %arg10[%parallel_loop3A_629] {strides = array<i32>} : memref<8192xf32, #tpu.memory_space<vmem>>, vector<16xf32>,
      %parallel_loop3A_631 = vector.shape_cast %parallel_loop3A_630 : vector<16xf32> to vector<16xf32>
      %parallel_loop3A_632 = vector.shape_cast %parallel_loop3A_608 : vector<16xf32> to vector<16xf32>
      tpu.vector_store %arg10[%parallel_loop3A_629], %parallel_loop3A_632 {strides = array<i32>} : memref<8192xf32, #tpu.memory_space<vmem>>, vector<16xf32>,
      %parallel_loop3A_633 = arith.constant 32 : i32
      %parallel_loop3A_634 = arith.addi %parallel_loop3A_552, %parallel_loop3A_633 : i32
      %parallel_loop3A_635 = arith.index_cast %parallel_loop3A_634 : i32 to index
      %parallel_loop3A_636 = tpu.vector_load %arg10[%parallel_loop3A_635] {strides = array<i32>} : memref<8192xf32, #tpu.memory_space<vmem>>, vector<16xf32>,
      %parallel_loop3A_637 = vector.shape_cast %parallel_loop3A_636 : vector<16xf32> to vector<16xf32>
      %parallel_loop3A_638 = vector.shape_cast %parallel_loop3A_591 : vector<16xf32> to vector<16xf32>
      tpu.vector_store %arg10[%parallel_loop3A_635], %parallel_loop3A_638 {strides = array<i32>} : memref<8192xf32, #tpu.memory_space<vmem>>, vector<16xf32>,
      %parallel_loop3A_639 = arith.constant 48 : i32
      %parallel_loop3A_640 = arith.addi %parallel_loop3A_552, %parallel_loop3A_639 : i32
      %parallel_loop3A_641 = arith.index_cast %parallel_loop3A_640 : i32 to index
      %parallel_loop3A_642 = tpu.vector_load %arg10[%parallel_loop3A_641] {strides = array<i32>} : memref<8192xf32, #tpu.memory_space<vmem>>, vector<16xf32>,
      %parallel_loop3A_643 = vector.shape_cast %parallel_loop3A_642 : vector<16xf32> to vector<16xf32>
      %parallel_loop3A_644 = vector.shape_cast %parallel_loop3A_622 : vector<16xf32> to vector<16xf32>
      tpu.vector_store %arg10[%parallel_loop3A_641], %parallel_loop3A_644 {strides = array<i32>} : memref<8192xf32, #tpu.memory_space<vmem>>, vector<16xf32>,
    } {sc.loop_unroll_factor = 2 : i64, sc.parallel_access}
    %add3A_314 = arith.constant 14 : i32
    %add3A_315 = arith.addi %mul3A_2, %add3A_314 : i32
    %mul3A_316 = arith.constant 8192 : i32
    %mul3A_317 = arith.muli %add3A_315, %mul3A_316 : i32
    %dma_start3A_318 = tpu.memref_slice %arg5[%mul3A_317] : memref<6815744xf32, #tpu.memory_space<hbm>> -> memref<8192xf32, #tpu.memory_space<hbm>>
    %dma_start3A_319 = tpu.memref_slice %arg5[%mul3A_317] : memref<6815744xf32, #tpu.memory_space<hbm>> -> memref<8192xf32, #tpu.memory_space<hbm>>
    tpu.enqueue_dma source(%arg10 : memref<8192xf32, #tpu.memory_space<vmem>>) target(%dma_start3A_319 : memref<8192xf32, #tpu.memory_space<hbm>>) target_semaphore(%arg14 : memref<!tpu.dma_semaphore, #tpu.memory_space<semaphore_mem>>)
    %dma_start3A_320 = arith.constant 2048 : i32
    %dma_start3A_321 = tpu.memref_slice %arg6[%dma_start3A_320] : memref<3328xi32, #tpu.memory_space<vmem>> -> memref<128xi32, #tpu.memory_space<vmem>>
    %dma_start3A_322 = arith.constant 0 : i32
    %dma_start3A_323 = arith.constant 0 : i32
    %dma_start3A_324 = tpu.memref_slice %arg2[%dma_start3A_322, %dma_start3A_323] : memref<100000x32xi32, #tpu.memory_space<hbm>> -> memref<100000x32xi32, #tpu.memory_space<hbm>>
    tpu.enqueue_indirect_dma source(%dma_start3A_324 : memref<100000x32xi32, #tpu.memory_space<hbm>>) target(%arg8 : memref<128x32xi32, #tpu.memory_space<vmem>>) offsets(%dma_start3A_321 : memref<128xi32, #tpu.memory_space<vmem>>) semaphore(%arg12 : memref<!tpu.dma_semaphore, #tpu.memory_space<semaphore_mem>>)
    %dma_wait3A_325 = arith.constant 1920 : i32
    %dma_wait3A_326 = tpu.memref_slice %arg6[%dma_wait3A_325] : memref<3328xi32, #tpu.memory_space<vmem>> -> memref<128xi32, #tpu.memory_space<vmem>>
    %dma_wait3A_327 = arith.constant 0 : i32
    %dma_wait3A_328 = arith.constant 0 : i32
    %dma_wait3A_329 = tpu.memref_slice %arg2[%dma_wait3A_327, %dma_wait3A_328] : memref<100000x32xi32, #tpu.memory_space<hbm>> -> memref<100000x32xi32, #tpu.memory_space<hbm>>
    tpu.wait_indirect_dma semaphore(%arg13 : memref<!tpu.dma_semaphore, #tpu.memory_space<semaphore_mem>>) src(%dma_wait3A_329 : memref<100000x32xi32, #tpu.memory_space<hbm>>) dst(%arg9 : memref<128x32xi32, #tpu.memory_space<vmem>>)
    %dma_wait3A_330 = tpu.memref_slice %arg5[%mul3A_296] : memref<6815744xf32, #tpu.memory_space<hbm>> -> memref<8192xf32, #tpu.memory_space<hbm>>
    %dma_wait3A_331 = tpu.memref_slice %arg5[%mul3A_296] : memref<6815744xf32, #tpu.memory_space<hbm>> -> memref<8192xf32, #tpu.memory_space<hbm>>
    tpu.wait_dma2 semaphore(%arg15 : memref<!tpu.dma_semaphore, #tpu.memory_space<semaphore_mem>>) src(%arg11 : memref<8192xf32, #tpu.memory_space<vmem>>) dst(%dma_wait3A_331 : memref<8192xf32, #tpu.memory_space<hbm>>)
    %parallel_loop3A_332 = arith.constant 0 : i32
    %parallel_loop3A_333 = arith.constant 128 : i32
    %parallel_loop3A_334 = arith.constant 1 : i32
    scf.for %parallel_loop3A_550 = %parallel_loop3A_332 to %parallel_loop3A_333 step %parallel_loop3A_334  : i32 {
      %parallel_loop3A_551 = arith.constant 64 : i32
      %parallel_loop3A_552 = arith.muli %parallel_loop3A_550, %parallel_loop3A_551 : i32
      %parallel_loop3A_553 = arith.index_cast %parallel_loop3A_550 : i32 to index
      %parallel_loop3A_554 = arith.constant 0 : index
      %parallel_loop3A_555 = tpu.vector_load %arg9[%parallel_loop3A_553, %parallel_loop3A_554] {strides = array<i32>} : memref<128x32xi32, #tpu.memory_space<vmem>>, vector<1x16xi32>,
      %parallel_loop3A_556 = vector.shape_cast %parallel_loop3A_555 : vector<1x16xi32> to vector<16xi32>
      %parallel_loop3A_557 = arith.index_cast %parallel_loop3A_550 : i32 to index
      %parallel_loop3A_558 = arith.constant 16 : index
      %parallel_loop3A_559 = tpu.vector_load %arg9[%parallel_loop3A_557, %parallel_loop3A_558] {strides = array<i32>} : memref<128x32xi32, #tpu.memory_space<vmem>>, vector<1x16xi32>,
      %parallel_loop3A_560 = vector.shape_cast %parallel_loop3A_559 : vector<1x16xi32> to vector<16xi32>
      %parallel_loop3A_561 = arith.constant 32767 : i32
      %parallel_loop3A_562 = vector.broadcast %parallel_loop3A_561 : i32 to vector<16xi32>
      %parallel_loop3A_563 = arith.andi %parallel_loop3A_556, %parallel_loop3A_562 : vector<16xi32>
      %parallel_loop3A_564 = arith.constant 13 : i32
      %parallel_loop3A_565 = vector.broadcast %parallel_loop3A_564 : i32 to vector<16xi32>
      %parallel_loop3A_566 = arith.shli %parallel_loop3A_563, %parallel_loop3A_565 : vector<16xi32>
      %parallel_loop3A_567 = tpu.bitcast %parallel_loop3A_566 : vector<16xi32> -> vector<16xf32>
      %parallel_loop3A_568 = arith.mulf %parallel_loop3A_567, %get3A_6 : vector<16xf32>
      %parallel_loop3A_569 = arith.constant 16 : i32
      %parallel_loop3A_570 = vector.broadcast %parallel_loop3A_569 : i32 to vector<16xi32>
      %parallel_loop3A_571 = arith.shli %parallel_loop3A_556, %parallel_loop3A_570 : vector<16xi32>
      %parallel_loop3A_572 = arith.constant -2147483648 : i32
      %parallel_loop3A_573 = vector.broadcast %parallel_loop3A_572 : i32 to vector<16xi32>
      %parallel_loop3A_574 = arith.andi %parallel_loop3A_571, %parallel_loop3A_573 : vector<16xi32>
      %parallel_loop3A_575 = tpu.bitcast %parallel_loop3A_568 : vector<16xf32> -> vector<16xi32>
      %parallel_loop3A_576 = arith.ori %parallel_loop3A_575, %parallel_loop3A_574 : vector<16xi32>
      %parallel_loop3A_577 = tpu.bitcast %parallel_loop3A_576 : vector<16xi32> -> vector<16xf32>
      %parallel_loop3A_578 = arith.constant 2147418112 : i32
      %parallel_loop3A_579 = vector.broadcast %parallel_loop3A_578 : i32 to vector<16xi32>
      %parallel_loop3A_580 = arith.andi %parallel_loop3A_556, %parallel_loop3A_579 : vector<16xi32>
      %parallel_loop3A_581 = arith.constant 3 : i32
      %parallel_loop3A_582 = vector.broadcast %parallel_loop3A_581 : i32 to vector<16xi32>
      %parallel_loop3A_583 = arith.shrui %parallel_loop3A_580, %parallel_loop3A_582 : vector<16xi32>
      %parallel_loop3A_584 = tpu.bitcast %parallel_loop3A_583 : vector<16xi32> -> vector<16xf32>
      %parallel_loop3A_585 = arith.mulf %parallel_loop3A_584, %get3A_6 : vector<16xf32>
      %parallel_loop3A_586 = arith.constant -2147483648 : i32
      %parallel_loop3A_587 = vector.broadcast %parallel_loop3A_586 : i32 to vector<16xi32>
      %parallel_loop3A_588 = arith.andi %parallel_loop3A_556, %parallel_loop3A_587 : vector<16xi32>
      %parallel_loop3A_589 = tpu.bitcast %parallel_loop3A_585 : vector<16xf32> -> vector<16xi32>
      %parallel_loop3A_590 = arith.ori %parallel_loop3A_589, %parallel_loop3A_588 : vector<16xi32>
      %parallel_loop3A_591 = tpu.bitcast %parallel_loop3A_590 : vector<16xi32> -> vector<16xf32>
      %parallel_loop3A_592 = arith.constant 32767 : i32
      %parallel_loop3A_593 = vector.broadcast %parallel_loop3A_592 : i32 to vector<16xi32>
      %parallel_loop3A_594 = arith.andi %parallel_loop3A_560, %parallel_loop3A_593 : vector<16xi32>
      %parallel_loop3A_595 = arith.constant 13 : i32
      %parallel_loop3A_596 = vector.broadcast %parallel_loop3A_595 : i32 to vector<16xi32>
      %parallel_loop3A_597 = arith.shli %parallel_loop3A_594, %parallel_loop3A_596 : vector<16xi32>
      %parallel_loop3A_598 = tpu.bitcast %parallel_loop3A_597 : vector<16xi32> -> vector<16xf32>
      %parallel_loop3A_599 = arith.mulf %parallel_loop3A_598, %get3A_6 : vector<16xf32>
      %parallel_loop3A_600 = arith.constant 16 : i32
      %parallel_loop3A_601 = vector.broadcast %parallel_loop3A_600 : i32 to vector<16xi32>
      %parallel_loop3A_602 = arith.shli %parallel_loop3A_560, %parallel_loop3A_601 : vector<16xi32>
      %parallel_loop3A_603 = arith.constant -2147483648 : i32
      %parallel_loop3A_604 = vector.broadcast %parallel_loop3A_603 : i32 to vector<16xi32>
      %parallel_loop3A_605 = arith.andi %parallel_loop3A_602, %parallel_loop3A_604 : vector<16xi32>
      %parallel_loop3A_606 = tpu.bitcast %parallel_loop3A_599 : vector<16xf32> -> vector<16xi32>
      %parallel_loop3A_607 = arith.ori %parallel_loop3A_606, %parallel_loop3A_605 : vector<16xi32>
      %parallel_loop3A_608 = tpu.bitcast %parallel_loop3A_607 : vector<16xi32> -> vector<16xf32>
      %parallel_loop3A_609 = arith.constant 2147418112 : i32
      %parallel_loop3A_610 = vector.broadcast %parallel_loop3A_609 : i32 to vector<16xi32>
      %parallel_loop3A_611 = arith.andi %parallel_loop3A_560, %parallel_loop3A_610 : vector<16xi32>
      %parallel_loop3A_612 = arith.constant 3 : i32
      %parallel_loop3A_613 = vector.broadcast %parallel_loop3A_612 : i32 to vector<16xi32>
      %parallel_loop3A_614 = arith.shrui %parallel_loop3A_611, %parallel_loop3A_613 : vector<16xi32>
      %parallel_loop3A_615 = tpu.bitcast %parallel_loop3A_614 : vector<16xi32> -> vector<16xf32>
      %parallel_loop3A_616 = arith.mulf %parallel_loop3A_615, %get3A_6 : vector<16xf32>
      %parallel_loop3A_617 = arith.constant -2147483648 : i32
      %parallel_loop3A_618 = vector.broadcast %parallel_loop3A_617 : i32 to vector<16xi32>
      %parallel_loop3A_619 = arith.andi %parallel_loop3A_560, %parallel_loop3A_618 : vector<16xi32>
      %parallel_loop3A_620 = tpu.bitcast %parallel_loop3A_616 : vector<16xf32> -> vector<16xi32>
      %parallel_loop3A_621 = arith.ori %parallel_loop3A_620, %parallel_loop3A_619 : vector<16xi32>
      %parallel_loop3A_622 = tpu.bitcast %parallel_loop3A_621 : vector<16xi32> -> vector<16xf32>
      %parallel_loop3A_623 = arith.index_cast %parallel_loop3A_552 : i32 to index
      %parallel_loop3A_624 = tpu.vector_load %arg11[%parallel_loop3A_623] {strides = array<i32>} : memref<8192xf32, #tpu.memory_space<vmem>>, vector<16xf32>,
      %parallel_loop3A_625 = vector.shape_cast %parallel_loop3A_624 : vector<16xf32> to vector<16xf32>
      %parallel_loop3A_626 = vector.shape_cast %parallel_loop3A_577 : vector<16xf32> to vector<16xf32>
      tpu.vector_store %arg11[%parallel_loop3A_623], %parallel_loop3A_626 {strides = array<i32>} : memref<8192xf32, #tpu.memory_space<vmem>>, vector<16xf32>,
      %parallel_loop3A_627 = arith.constant 16 : i32
      %parallel_loop3A_628 = arith.addi %parallel_loop3A_552, %parallel_loop3A_627 : i32
      %parallel_loop3A_629 = arith.index_cast %parallel_loop3A_628 : i32 to index
      %parallel_loop3A_630 = tpu.vector_load %arg11[%parallel_loop3A_629] {strides = array<i32>} : memref<8192xf32, #tpu.memory_space<vmem>>, vector<16xf32>,
      %parallel_loop3A_631 = vector.shape_cast %parallel_loop3A_630 : vector<16xf32> to vector<16xf32>
      %parallel_loop3A_632 = vector.shape_cast %parallel_loop3A_608 : vector<16xf32> to vector<16xf32>
      tpu.vector_store %arg11[%parallel_loop3A_629], %parallel_loop3A_632 {strides = array<i32>} : memref<8192xf32, #tpu.memory_space<vmem>>, vector<16xf32>,
      %parallel_loop3A_633 = arith.constant 32 : i32
      %parallel_loop3A_634 = arith.addi %parallel_loop3A_552, %parallel_loop3A_633 : i32
      %parallel_loop3A_635 = arith.index_cast %parallel_loop3A_634 : i32 to index
      %parallel_loop3A_636 = tpu.vector_load %arg11[%parallel_loop3A_635] {strides = array<i32>} : memref<8192xf32, #tpu.memory_space<vmem>>, vector<16xf32>,
      %parallel_loop3A_637 = vector.shape_cast %parallel_loop3A_636 : vector<16xf32> to vector<16xf32>
      %parallel_loop3A_638 = vector.shape_cast %parallel_loop3A_591 : vector<16xf32> to vector<16xf32>
      tpu.vector_store %arg11[%parallel_loop3A_635], %parallel_loop3A_638 {strides = array<i32>} : memref<8192xf32, #tpu.memory_space<vmem>>, vector<16xf32>,
      %parallel_loop3A_639 = arith.constant 48 : i32
      %parallel_loop3A_640 = arith.addi %parallel_loop3A_552, %parallel_loop3A_639 : i32
      %parallel_loop3A_641 = arith.index_cast %parallel_loop3A_640 : i32 to index
      %parallel_loop3A_642 = tpu.vector_load %arg11[%parallel_loop3A_641] {strides = array<i32>} : memref<8192xf32, #tpu.memory_space<vmem>>, vector<16xf32>,
      %parallel_loop3A_643 = vector.shape_cast %parallel_loop3A_642 : vector<16xf32> to vector<16xf32>
      %parallel_loop3A_644 = vector.shape_cast %parallel_loop3A_622 : vector<16xf32> to vector<16xf32>
      tpu.vector_store %arg11[%parallel_loop3A_641], %parallel_loop3A_644 {strides = array<i32>} : memref<8192xf32, #tpu.memory_space<vmem>>, vector<16xf32>,
    } {sc.loop_unroll_factor = 2 : i64, sc.parallel_access}
    %add3A_335 = arith.constant 15 : i32
    %add3A_336 = arith.addi %mul3A_2, %add3A_335 : i32
    %mul3A_337 = arith.constant 8192 : i32
    %mul3A_338 = arith.muli %add3A_336, %mul3A_337 : i32
    %dma_start3A_339 = tpu.memref_slice %arg5[%mul3A_338] : memref<6815744xf32, #tpu.memory_space<hbm>> -> memref<8192xf32, #tpu.memory_space<hbm>>
    %dma_start3A_340 = tpu.memref_slice %arg5[%mul3A_338] : memref<6815744xf32, #tpu.memory_space<hbm>> -> memref<8192xf32, #tpu.memory_space<hbm>>
    tpu.enqueue_dma source(%arg11 : memref<8192xf32, #tpu.memory_space<vmem>>) target(%dma_start3A_340 : memref<8192xf32, #tpu.memory_space<hbm>>) target_semaphore(%arg15 : memref<!tpu.dma_semaphore, #tpu.memory_space<semaphore_mem>>)
    %dma_start3A_341 = arith.constant 2176 : i32
    %dma_start3A_342 = tpu.memref_slice %arg6[%dma_start3A_341] : memref<3328xi32, #tpu.memory_space<vmem>> -> memref<128xi32, #tpu.memory_space<vmem>>
    %dma_start3A_343 = arith.constant 0 : i32
    %dma_start3A_344 = arith.constant 0 : i32
    %dma_start3A_345 = tpu.memref_slice %arg2[%dma_start3A_343, %dma_start3A_344] : memref<100000x32xi32, #tpu.memory_space<hbm>> -> memref<100000x32xi32, #tpu.memory_space<hbm>>
    tpu.enqueue_indirect_dma source(%dma_start3A_345 : memref<100000x32xi32, #tpu.memory_space<hbm>>) target(%arg9 : memref<128x32xi32, #tpu.memory_space<vmem>>) offsets(%dma_start3A_342 : memref<128xi32, #tpu.memory_space<vmem>>) semaphore(%arg13 : memref<!tpu.dma_semaphore, #tpu.memory_space<semaphore_mem>>)
    %dma_wait3A_346 = arith.constant 2048 : i32
    %dma_wait3A_347 = tpu.memref_slice %arg6[%dma_wait3A_346] : memref<3328xi32, #tpu.memory_space<vmem>> -> memref<128xi32, #tpu.memory_space<vmem>>
    %dma_wait3A_348 = arith.constant 0 : i32
    %dma_wait3A_349 = arith.constant 0 : i32
    %dma_wait3A_350 = tpu.memref_slice %arg2[%dma_wait3A_348, %dma_wait3A_349] : memref<100000x32xi32, #tpu.memory_space<hbm>> -> memref<100000x32xi32, #tpu.memory_space<hbm>>
    tpu.wait_indirect_dma semaphore(%arg12 : memref<!tpu.dma_semaphore, #tpu.memory_space<semaphore_mem>>) src(%dma_wait3A_350 : memref<100000x32xi32, #tpu.memory_space<hbm>>) dst(%arg8 : memref<128x32xi32, #tpu.memory_space<vmem>>)
    %dma_wait3A_351 = tpu.memref_slice %arg5[%mul3A_317] : memref<6815744xf32, #tpu.memory_space<hbm>> -> memref<8192xf32, #tpu.memory_space<hbm>>
    %dma_wait3A_352 = tpu.memref_slice %arg5[%mul3A_317] : memref<6815744xf32, #tpu.memory_space<hbm>> -> memref<8192xf32, #tpu.memory_space<hbm>>
    tpu.wait_dma2 semaphore(%arg14 : memref<!tpu.dma_semaphore, #tpu.memory_space<semaphore_mem>>) src(%arg10 : memref<8192xf32, #tpu.memory_space<vmem>>) dst(%dma_wait3A_352 : memref<8192xf32, #tpu.memory_space<hbm>>)
    %parallel_loop3A_353 = arith.constant 0 : i32
    %parallel_loop3A_354 = arith.constant 128 : i32
    %parallel_loop3A_355 = arith.constant 1 : i32
    scf.for %parallel_loop3A_550 = %parallel_loop3A_353 to %parallel_loop3A_354 step %parallel_loop3A_355  : i32 {
      %parallel_loop3A_551 = arith.constant 64 : i32
      %parallel_loop3A_552 = arith.muli %parallel_loop3A_550, %parallel_loop3A_551 : i32
      %parallel_loop3A_553 = arith.index_cast %parallel_loop3A_550 : i32 to index
      %parallel_loop3A_554 = arith.constant 0 : index
      %parallel_loop3A_555 = tpu.vector_load %arg8[%parallel_loop3A_553, %parallel_loop3A_554] {strides = array<i32>} : memref<128x32xi32, #tpu.memory_space<vmem>>, vector<1x16xi32>,
      %parallel_loop3A_556 = vector.shape_cast %parallel_loop3A_555 : vector<1x16xi32> to vector<16xi32>
      %parallel_loop3A_557 = arith.index_cast %parallel_loop3A_550 : i32 to index
      %parallel_loop3A_558 = arith.constant 16 : index
      %parallel_loop3A_559 = tpu.vector_load %arg8[%parallel_loop3A_557, %parallel_loop3A_558] {strides = array<i32>} : memref<128x32xi32, #tpu.memory_space<vmem>>, vector<1x16xi32>,
      %parallel_loop3A_560 = vector.shape_cast %parallel_loop3A_559 : vector<1x16xi32> to vector<16xi32>
      %parallel_loop3A_561 = arith.constant 32767 : i32
      %parallel_loop3A_562 = vector.broadcast %parallel_loop3A_561 : i32 to vector<16xi32>
      %parallel_loop3A_563 = arith.andi %parallel_loop3A_556, %parallel_loop3A_562 : vector<16xi32>
      %parallel_loop3A_564 = arith.constant 13 : i32
      %parallel_loop3A_565 = vector.broadcast %parallel_loop3A_564 : i32 to vector<16xi32>
      %parallel_loop3A_566 = arith.shli %parallel_loop3A_563, %parallel_loop3A_565 : vector<16xi32>
      %parallel_loop3A_567 = tpu.bitcast %parallel_loop3A_566 : vector<16xi32> -> vector<16xf32>
      %parallel_loop3A_568 = arith.mulf %parallel_loop3A_567, %get3A_6 : vector<16xf32>
      %parallel_loop3A_569 = arith.constant 16 : i32
      %parallel_loop3A_570 = vector.broadcast %parallel_loop3A_569 : i32 to vector<16xi32>
      %parallel_loop3A_571 = arith.shli %parallel_loop3A_556, %parallel_loop3A_570 : vector<16xi32>
      %parallel_loop3A_572 = arith.constant -2147483648 : i32
      %parallel_loop3A_573 = vector.broadcast %parallel_loop3A_572 : i32 to vector<16xi32>
      %parallel_loop3A_574 = arith.andi %parallel_loop3A_571, %parallel_loop3A_573 : vector<16xi32>
      %parallel_loop3A_575 = tpu.bitcast %parallel_loop3A_568 : vector<16xf32> -> vector<16xi32>
      %parallel_loop3A_576 = arith.ori %parallel_loop3A_575, %parallel_loop3A_574 : vector<16xi32>
      %parallel_loop3A_577 = tpu.bitcast %parallel_loop3A_576 : vector<16xi32> -> vector<16xf32>
      %parallel_loop3A_578 = arith.constant 2147418112 : i32
      %parallel_loop3A_579 = vector.broadcast %parallel_loop3A_578 : i32 to vector<16xi32>
      %parallel_loop3A_580 = arith.andi %parallel_loop3A_556, %parallel_loop3A_579 : vector<16xi32>
      %parallel_loop3A_581 = arith.constant 3 : i32
      %parallel_loop3A_582 = vector.broadcast %parallel_loop3A_581 : i32 to vector<16xi32>
      %parallel_loop3A_583 = arith.shrui %parallel_loop3A_580, %parallel_loop3A_582 : vector<16xi32>
      %parallel_loop3A_584 = tpu.bitcast %parallel_loop3A_583 : vector<16xi32> -> vector<16xf32>
      %parallel_loop3A_585 = arith.mulf %parallel_loop3A_584, %get3A_6 : vector<16xf32>
      %parallel_loop3A_586 = arith.constant -2147483648 : i32
      %parallel_loop3A_587 = vector.broadcast %parallel_loop3A_586 : i32 to vector<16xi32>
      %parallel_loop3A_588 = arith.andi %parallel_loop3A_556, %parallel_loop3A_587 : vector<16xi32>
      %parallel_loop3A_589 = tpu.bitcast %parallel_loop3A_585 : vector<16xf32> -> vector<16xi32>
      %parallel_loop3A_590 = arith.ori %parallel_loop3A_589, %parallel_loop3A_588 : vector<16xi32>
      %parallel_loop3A_591 = tpu.bitcast %parallel_loop3A_590 : vector<16xi32> -> vector<16xf32>
      %parallel_loop3A_592 = arith.constant 32767 : i32
      %parallel_loop3A_593 = vector.broadcast %parallel_loop3A_592 : i32 to vector<16xi32>
      %parallel_loop3A_594 = arith.andi %parallel_loop3A_560, %parallel_loop3A_593 : vector<16xi32>
      %parallel_loop3A_595 = arith.constant 13 : i32
      %parallel_loop3A_596 = vector.broadcast %parallel_loop3A_595 : i32 to vector<16xi32>
      %parallel_loop3A_597 = arith.shli %parallel_loop3A_594, %parallel_loop3A_596 : vector<16xi32>
      %parallel_loop3A_598 = tpu.bitcast %parallel_loop3A_597 : vector<16xi32> -> vector<16xf32>
      %parallel_loop3A_599 = arith.mulf %parallel_loop3A_598, %get3A_6 : vector<16xf32>
      %parallel_loop3A_600 = arith.constant 16 : i32
      %parallel_loop3A_601 = vector.broadcast %parallel_loop3A_600 : i32 to vector<16xi32>
      %parallel_loop3A_602 = arith.shli %parallel_loop3A_560, %parallel_loop3A_601 : vector<16xi32>
      %parallel_loop3A_603 = arith.constant -2147483648 : i32
      %parallel_loop3A_604 = vector.broadcast %parallel_loop3A_603 : i32 to vector<16xi32>
      %parallel_loop3A_605 = arith.andi %parallel_loop3A_602, %parallel_loop3A_604 : vector<16xi32>
      %parallel_loop3A_606 = tpu.bitcast %parallel_loop3A_599 : vector<16xf32> -> vector<16xi32>
      %parallel_loop3A_607 = arith.ori %parallel_loop3A_606, %parallel_loop3A_605 : vector<16xi32>
      %parallel_loop3A_608 = tpu.bitcast %parallel_loop3A_607 : vector<16xi32> -> vector<16xf32>
      %parallel_loop3A_609 = arith.constant 2147418112 : i32
      %parallel_loop3A_610 = vector.broadcast %parallel_loop3A_609 : i32 to vector<16xi32>
      %parallel_loop3A_611 = arith.andi %parallel_loop3A_560, %parallel_loop3A_610 : vector<16xi32>
      %parallel_loop3A_612 = arith.constant 3 : i32
      %parallel_loop3A_613 = vector.broadcast %parallel_loop3A_612 : i32 to vector<16xi32>
      %parallel_loop3A_614 = arith.shrui %parallel_loop3A_611, %parallel_loop3A_613 : vector<16xi32>
      %parallel_loop3A_615 = tpu.bitcast %parallel_loop3A_614 : vector<16xi32> -> vector<16xf32>
      %parallel_loop3A_616 = arith.mulf %parallel_loop3A_615, %get3A_6 : vector<16xf32>
      %parallel_loop3A_617 = arith.constant -2147483648 : i32
      %parallel_loop3A_618 = vector.broadcast %parallel_loop3A_617 : i32 to vector<16xi32>
      %parallel_loop3A_619 = arith.andi %parallel_loop3A_560, %parallel_loop3A_618 : vector<16xi32>
      %parallel_loop3A_620 = tpu.bitcast %parallel_loop3A_616 : vector<16xf32> -> vector<16xi32>
      %parallel_loop3A_621 = arith.ori %parallel_loop3A_620, %parallel_loop3A_619 : vector<16xi32>
      %parallel_loop3A_622 = tpu.bitcast %parallel_loop3A_621 : vector<16xi32> -> vector<16xf32>
      %parallel_loop3A_623 = arith.index_cast %parallel_loop3A_552 : i32 to index
      %parallel_loop3A_624 = tpu.vector_load %arg10[%parallel_loop3A_623] {strides = array<i32>} : memref<8192xf32, #tpu.memory_space<vmem>>, vector<16xf32>,
      %parallel_loop3A_625 = vector.shape_cast %parallel_loop3A_624 : vector<16xf32> to vector<16xf32>
      %parallel_loop3A_626 = vector.shape_cast %parallel_loop3A_577 : vector<16xf32> to vector<16xf32>
      tpu.vector_store %arg10[%parallel_loop3A_623], %parallel_loop3A_626 {strides = array<i32>} : memref<8192xf32, #tpu.memory_space<vmem>>, vector<16xf32>,
      %parallel_loop3A_627 = arith.constant 16 : i32
      %parallel_loop3A_628 = arith.addi %parallel_loop3A_552, %parallel_loop3A_627 : i32
      %parallel_loop3A_629 = arith.index_cast %parallel_loop3A_628 : i32 to index
      %parallel_loop3A_630 = tpu.vector_load %arg10[%parallel_loop3A_629] {strides = array<i32>} : memref<8192xf32, #tpu.memory_space<vmem>>, vector<16xf32>,
      %parallel_loop3A_631 = vector.shape_cast %parallel_loop3A_630 : vector<16xf32> to vector<16xf32>
      %parallel_loop3A_632 = vector.shape_cast %parallel_loop3A_608 : vector<16xf32> to vector<16xf32>
      tpu.vector_store %arg10[%parallel_loop3A_629], %parallel_loop3A_632 {strides = array<i32>} : memref<8192xf32, #tpu.memory_space<vmem>>, vector<16xf32>,
      %parallel_loop3A_633 = arith.constant 32 : i32
      %parallel_loop3A_634 = arith.addi %parallel_loop3A_552, %parallel_loop3A_633 : i32
      %parallel_loop3A_635 = arith.index_cast %parallel_loop3A_634 : i32 to index
      %parallel_loop3A_636 = tpu.vector_load %arg10[%parallel_loop3A_635] {strides = array<i32>} : memref<8192xf32, #tpu.memory_space<vmem>>, vector<16xf32>,
      %parallel_loop3A_637 = vector.shape_cast %parallel_loop3A_636 : vector<16xf32> to vector<16xf32>
      %parallel_loop3A_638 = vector.shape_cast %parallel_loop3A_591 : vector<16xf32> to vector<16xf32>
      tpu.vector_store %arg10[%parallel_loop3A_635], %parallel_loop3A_638 {strides = array<i32>} : memref<8192xf32, #tpu.memory_space<vmem>>, vector<16xf32>,
      %parallel_loop3A_639 = arith.constant 48 : i32
      %parallel_loop3A_640 = arith.addi %parallel_loop3A_552, %parallel_loop3A_639 : i32
      %parallel_loop3A_641 = arith.index_cast %parallel_loop3A_640 : i32 to index
      %parallel_loop3A_642 = tpu.vector_load %arg10[%parallel_loop3A_641] {strides = array<i32>} : memref<8192xf32, #tpu.memory_space<vmem>>, vector<16xf32>,
      %parallel_loop3A_643 = vector.shape_cast %parallel_loop3A_642 : vector<16xf32> to vector<16xf32>
      %parallel_loop3A_644 = vector.shape_cast %parallel_loop3A_622 : vector<16xf32> to vector<16xf32>
      tpu.vector_store %arg10[%parallel_loop3A_641], %parallel_loop3A_644 {strides = array<i32>} : memref<8192xf32, #tpu.memory_space<vmem>>, vector<16xf32>,
    } {sc.loop_unroll_factor = 2 : i64, sc.parallel_access}
    %add3A_356 = arith.constant 16 : i32
    %add3A_357 = arith.addi %mul3A_2, %add3A_356 : i32
    %mul3A_358 = arith.constant 8192 : i32
    %mul3A_359 = arith.muli %add3A_357, %mul3A_358 : i32
    %dma_start3A_360 = tpu.memref_slice %arg5[%mul3A_359] : memref<6815744xf32, #tpu.memory_space<hbm>> -> memref<8192xf32, #tpu.memory_space<hbm>>
    %dma_start3A_361 = tpu.memref_slice %arg5[%mul3A_359] : memref<6815744xf32, #tpu.memory_space<hbm>> -> memref<8192xf32, #tpu.memory_space<hbm>>
    tpu.enqueue_dma source(%arg10 : memref<8192xf32, #tpu.memory_space<vmem>>) target(%dma_start3A_361 : memref<8192xf32, #tpu.memory_space<hbm>>) target_semaphore(%arg14 : memref<!tpu.dma_semaphore, #tpu.memory_space<semaphore_mem>>)
    %dma_start3A_362 = arith.constant 2304 : i32
    %dma_start3A_363 = tpu.memref_slice %arg6[%dma_start3A_362] : memref<3328xi32, #tpu.memory_space<vmem>> -> memref<128xi32, #tpu.memory_space<vmem>>
    %dma_start3A_364 = arith.constant 0 : i32
    %dma_start3A_365 = arith.constant 0 : i32
    %dma_start3A_366 = tpu.memref_slice %arg2[%dma_start3A_364, %dma_start3A_365] : memref<100000x32xi32, #tpu.memory_space<hbm>> -> memref<100000x32xi32, #tpu.memory_space<hbm>>
    tpu.enqueue_indirect_dma source(%dma_start3A_366 : memref<100000x32xi32, #tpu.memory_space<hbm>>) target(%arg8 : memref<128x32xi32, #tpu.memory_space<vmem>>) offsets(%dma_start3A_363 : memref<128xi32, #tpu.memory_space<vmem>>) semaphore(%arg12 : memref<!tpu.dma_semaphore, #tpu.memory_space<semaphore_mem>>)
    %dma_wait3A_367 = arith.constant 2176 : i32
    %dma_wait3A_368 = tpu.memref_slice %arg6[%dma_wait3A_367] : memref<3328xi32, #tpu.memory_space<vmem>> -> memref<128xi32, #tpu.memory_space<vmem>>
    %dma_wait3A_369 = arith.constant 0 : i32
    %dma_wait3A_370 = arith.constant 0 : i32
    %dma_wait3A_371 = tpu.memref_slice %arg2[%dma_wait3A_369, %dma_wait3A_370] : memref<100000x32xi32, #tpu.memory_space<hbm>> -> memref<100000x32xi32, #tpu.memory_space<hbm>>
    tpu.wait_indirect_dma semaphore(%arg13 : memref<!tpu.dma_semaphore, #tpu.memory_space<semaphore_mem>>) src(%dma_wait3A_371 : memref<100000x32xi32, #tpu.memory_space<hbm>>) dst(%arg9 : memref<128x32xi32, #tpu.memory_space<vmem>>)
    %dma_wait3A_372 = tpu.memref_slice %arg5[%mul3A_338] : memref<6815744xf32, #tpu.memory_space<hbm>> -> memref<8192xf32, #tpu.memory_space<hbm>>
    %dma_wait3A_373 = tpu.memref_slice %arg5[%mul3A_338] : memref<6815744xf32, #tpu.memory_space<hbm>> -> memref<8192xf32, #tpu.memory_space<hbm>>
    tpu.wait_dma2 semaphore(%arg15 : memref<!tpu.dma_semaphore, #tpu.memory_space<semaphore_mem>>) src(%arg11 : memref<8192xf32, #tpu.memory_space<vmem>>) dst(%dma_wait3A_373 : memref<8192xf32, #tpu.memory_space<hbm>>)
    %parallel_loop3A_374 = arith.constant 0 : i32
    %parallel_loop3A_375 = arith.constant 128 : i32
    %parallel_loop3A_376 = arith.constant 1 : i32
    scf.for %parallel_loop3A_550 = %parallel_loop3A_374 to %parallel_loop3A_375 step %parallel_loop3A_376  : i32 {
      %parallel_loop3A_551 = arith.constant 64 : i32
      %parallel_loop3A_552 = arith.muli %parallel_loop3A_550, %parallel_loop3A_551 : i32
      %parallel_loop3A_553 = arith.index_cast %parallel_loop3A_550 : i32 to index
      %parallel_loop3A_554 = arith.constant 0 : index
      %parallel_loop3A_555 = tpu.vector_load %arg9[%parallel_loop3A_553, %parallel_loop3A_554] {strides = array<i32>} : memref<128x32xi32, #tpu.memory_space<vmem>>, vector<1x16xi32>,
      %parallel_loop3A_556 = vector.shape_cast %parallel_loop3A_555 : vector<1x16xi32> to vector<16xi32>
      %parallel_loop3A_557 = arith.index_cast %parallel_loop3A_550 : i32 to index
      %parallel_loop3A_558 = arith.constant 16 : index
      %parallel_loop3A_559 = tpu.vector_load %arg9[%parallel_loop3A_557, %parallel_loop3A_558] {strides = array<i32>} : memref<128x32xi32, #tpu.memory_space<vmem>>, vector<1x16xi32>,
      %parallel_loop3A_560 = vector.shape_cast %parallel_loop3A_559 : vector<1x16xi32> to vector<16xi32>
      %parallel_loop3A_561 = arith.constant 32767 : i32
      %parallel_loop3A_562 = vector.broadcast %parallel_loop3A_561 : i32 to vector<16xi32>
      %parallel_loop3A_563 = arith.andi %parallel_loop3A_556, %parallel_loop3A_562 : vector<16xi32>
      %parallel_loop3A_564 = arith.constant 13 : i32
      %parallel_loop3A_565 = vector.broadcast %parallel_loop3A_564 : i32 to vector<16xi32>
      %parallel_loop3A_566 = arith.shli %parallel_loop3A_563, %parallel_loop3A_565 : vector<16xi32>
      %parallel_loop3A_567 = tpu.bitcast %parallel_loop3A_566 : vector<16xi32> -> vector<16xf32>
      %parallel_loop3A_568 = arith.mulf %parallel_loop3A_567, %get3A_6 : vector<16xf32>
      %parallel_loop3A_569 = arith.constant 16 : i32
      %parallel_loop3A_570 = vector.broadcast %parallel_loop3A_569 : i32 to vector<16xi32>
      %parallel_loop3A_571 = arith.shli %parallel_loop3A_556, %parallel_loop3A_570 : vector<16xi32>
      %parallel_loop3A_572 = arith.constant -2147483648 : i32
      %parallel_loop3A_573 = vector.broadcast %parallel_loop3A_572 : i32 to vector<16xi32>
      %parallel_loop3A_574 = arith.andi %parallel_loop3A_571, %parallel_loop3A_573 : vector<16xi32>
      %parallel_loop3A_575 = tpu.bitcast %parallel_loop3A_568 : vector<16xf32> -> vector<16xi32>
      %parallel_loop3A_576 = arith.ori %parallel_loop3A_575, %parallel_loop3A_574 : vector<16xi32>
      %parallel_loop3A_577 = tpu.bitcast %parallel_loop3A_576 : vector<16xi32> -> vector<16xf32>
      %parallel_loop3A_578 = arith.constant 2147418112 : i32
      %parallel_loop3A_579 = vector.broadcast %parallel_loop3A_578 : i32 to vector<16xi32>
      %parallel_loop3A_580 = arith.andi %parallel_loop3A_556, %parallel_loop3A_579 : vector<16xi32>
      %parallel_loop3A_581 = arith.constant 3 : i32
      %parallel_loop3A_582 = vector.broadcast %parallel_loop3A_581 : i32 to vector<16xi32>
      %parallel_loop3A_583 = arith.shrui %parallel_loop3A_580, %parallel_loop3A_582 : vector<16xi32>
      %parallel_loop3A_584 = tpu.bitcast %parallel_loop3A_583 : vector<16xi32> -> vector<16xf32>
      %parallel_loop3A_585 = arith.mulf %parallel_loop3A_584, %get3A_6 : vector<16xf32>
      %parallel_loop3A_586 = arith.constant -2147483648 : i32
      %parallel_loop3A_587 = vector.broadcast %parallel_loop3A_586 : i32 to vector<16xi32>
      %parallel_loop3A_588 = arith.andi %parallel_loop3A_556, %parallel_loop3A_587 : vector<16xi32>
      %parallel_loop3A_589 = tpu.bitcast %parallel_loop3A_585 : vector<16xf32> -> vector<16xi32>
      %parallel_loop3A_590 = arith.ori %parallel_loop3A_589, %parallel_loop3A_588 : vector<16xi32>
      %parallel_loop3A_591 = tpu.bitcast %parallel_loop3A_590 : vector<16xi32> -> vector<16xf32>
      %parallel_loop3A_592 = arith.constant 32767 : i32
      %parallel_loop3A_593 = vector.broadcast %parallel_loop3A_592 : i32 to vector<16xi32>
      %parallel_loop3A_594 = arith.andi %parallel_loop3A_560, %parallel_loop3A_593 : vector<16xi32>
      %parallel_loop3A_595 = arith.constant 13 : i32
      %parallel_loop3A_596 = vector.broadcast %parallel_loop3A_595 : i32 to vector<16xi32>
      %parallel_loop3A_597 = arith.shli %parallel_loop3A_594, %parallel_loop3A_596 : vector<16xi32>
      %parallel_loop3A_598 = tpu.bitcast %parallel_loop3A_597 : vector<16xi32> -> vector<16xf32>
      %parallel_loop3A_599 = arith.mulf %parallel_loop3A_598, %get3A_6 : vector<16xf32>
      %parallel_loop3A_600 = arith.constant 16 : i32
      %parallel_loop3A_601 = vector.broadcast %parallel_loop3A_600 : i32 to vector<16xi32>
      %parallel_loop3A_602 = arith.shli %parallel_loop3A_560, %parallel_loop3A_601 : vector<16xi32>
      %parallel_loop3A_603 = arith.constant -2147483648 : i32
      %parallel_loop3A_604 = vector.broadcast %parallel_loop3A_603 : i32 to vector<16xi32>
      %parallel_loop3A_605 = arith.andi %parallel_loop3A_602, %parallel_loop3A_604 : vector<16xi32>
      %parallel_loop3A_606 = tpu.bitcast %parallel_loop3A_599 : vector<16xf32> -> vector<16xi32>
      %parallel_loop3A_607 = arith.ori %parallel_loop3A_606, %parallel_loop3A_605 : vector<16xi32>
      %parallel_loop3A_608 = tpu.bitcast %parallel_loop3A_607 : vector<16xi32> -> vector<16xf32>
      %parallel_loop3A_609 = arith.constant 2147418112 : i32
      %parallel_loop3A_610 = vector.broadcast %parallel_loop3A_609 : i32 to vector<16xi32>
      %parallel_loop3A_611 = arith.andi %parallel_loop3A_560, %parallel_loop3A_610 : vector<16xi32>
      %parallel_loop3A_612 = arith.constant 3 : i32
      %parallel_loop3A_613 = vector.broadcast %parallel_loop3A_612 : i32 to vector<16xi32>
      %parallel_loop3A_614 = arith.shrui %parallel_loop3A_611, %parallel_loop3A_613 : vector<16xi32>
      %parallel_loop3A_615 = tpu.bitcast %parallel_loop3A_614 : vector<16xi32> -> vector<16xf32>
      %parallel_loop3A_616 = arith.mulf %parallel_loop3A_615, %get3A_6 : vector<16xf32>
      %parallel_loop3A_617 = arith.constant -2147483648 : i32
      %parallel_loop3A_618 = vector.broadcast %parallel_loop3A_617 : i32 to vector<16xi32>
      %parallel_loop3A_619 = arith.andi %parallel_loop3A_560, %parallel_loop3A_618 : vector<16xi32>
      %parallel_loop3A_620 = tpu.bitcast %parallel_loop3A_616 : vector<16xf32> -> vector<16xi32>
      %parallel_loop3A_621 = arith.ori %parallel_loop3A_620, %parallel_loop3A_619 : vector<16xi32>
      %parallel_loop3A_622 = tpu.bitcast %parallel_loop3A_621 : vector<16xi32> -> vector<16xf32>
      %parallel_loop3A_623 = arith.index_cast %parallel_loop3A_552 : i32 to index
      %parallel_loop3A_624 = tpu.vector_load %arg11[%parallel_loop3A_623] {strides = array<i32>} : memref<8192xf32, #tpu.memory_space<vmem>>, vector<16xf32>,
      %parallel_loop3A_625 = vector.shape_cast %parallel_loop3A_624 : vector<16xf32> to vector<16xf32>
      %parallel_loop3A_626 = vector.shape_cast %parallel_loop3A_577 : vector<16xf32> to vector<16xf32>
      tpu.vector_store %arg11[%parallel_loop3A_623], %parallel_loop3A_626 {strides = array<i32>} : memref<8192xf32, #tpu.memory_space<vmem>>, vector<16xf32>,
      %parallel_loop3A_627 = arith.constant 16 : i32
      %parallel_loop3A_628 = arith.addi %parallel_loop3A_552, %parallel_loop3A_627 : i32
      %parallel_loop3A_629 = arith.index_cast %parallel_loop3A_628 : i32 to index
      %parallel_loop3A_630 = tpu.vector_load %arg11[%parallel_loop3A_629] {strides = array<i32>} : memref<8192xf32, #tpu.memory_space<vmem>>, vector<16xf32>,
      %parallel_loop3A_631 = vector.shape_cast %parallel_loop3A_630 : vector<16xf32> to vector<16xf32>
      %parallel_loop3A_632 = vector.shape_cast %parallel_loop3A_608 : vector<16xf32> to vector<16xf32>
      tpu.vector_store %arg11[%parallel_loop3A_629], %parallel_loop3A_632 {strides = array<i32>} : memref<8192xf32, #tpu.memory_space<vmem>>, vector<16xf32>,
      %parallel_loop3A_633 = arith.constant 32 : i32
      %parallel_loop3A_634 = arith.addi %parallel_loop3A_552, %parallel_loop3A_633 : i32
      %parallel_loop3A_635 = arith.index_cast %parallel_loop3A_634 : i32 to index
      %parallel_loop3A_636 = tpu.vector_load %arg11[%parallel_loop3A_635] {strides = array<i32>} : memref<8192xf32, #tpu.memory_space<vmem>>, vector<16xf32>,
      %parallel_loop3A_637 = vector.shape_cast %parallel_loop3A_636 : vector<16xf32> to vector<16xf32>
      %parallel_loop3A_638 = vector.shape_cast %parallel_loop3A_591 : vector<16xf32> to vector<16xf32>
      tpu.vector_store %arg11[%parallel_loop3A_635], %parallel_loop3A_638 {strides = array<i32>} : memref<8192xf32, #tpu.memory_space<vmem>>, vector<16xf32>,
      %parallel_loop3A_639 = arith.constant 48 : i32
      %parallel_loop3A_640 = arith.addi %parallel_loop3A_552, %parallel_loop3A_639 : i32
      %parallel_loop3A_641 = arith.index_cast %parallel_loop3A_640 : i32 to index
      %parallel_loop3A_642 = tpu.vector_load %arg11[%parallel_loop3A_641] {strides = array<i32>} : memref<8192xf32, #tpu.memory_space<vmem>>, vector<16xf32>,
      %parallel_loop3A_643 = vector.shape_cast %parallel_loop3A_642 : vector<16xf32> to vector<16xf32>
      %parallel_loop3A_644 = vector.shape_cast %parallel_loop3A_622 : vector<16xf32> to vector<16xf32>
      tpu.vector_store %arg11[%parallel_loop3A_641], %parallel_loop3A_644 {strides = array<i32>} : memref<8192xf32, #tpu.memory_space<vmem>>, vector<16xf32>,
    } {sc.loop_unroll_factor = 2 : i64, sc.parallel_access}
    %add3A_377 = arith.constant 17 : i32
    %add3A_378 = arith.addi %mul3A_2, %add3A_377 : i32
    %mul3A_379 = arith.constant 8192 : i32
    %mul3A_380 = arith.muli %add3A_378, %mul3A_379 : i32
    %dma_start3A_381 = tpu.memref_slice %arg5[%mul3A_380] : memref<6815744xf32, #tpu.memory_space<hbm>> -> memref<8192xf32, #tpu.memory_space<hbm>>
    %dma_start3A_382 = tpu.memref_slice %arg5[%mul3A_380] : memref<6815744xf32, #tpu.memory_space<hbm>> -> memref<8192xf32, #tpu.memory_space<hbm>>
    tpu.enqueue_dma source(%arg11 : memref<8192xf32, #tpu.memory_space<vmem>>) target(%dma_start3A_382 : memref<8192xf32, #tpu.memory_space<hbm>>) target_semaphore(%arg15 : memref<!tpu.dma_semaphore, #tpu.memory_space<semaphore_mem>>)
    %dma_start3A_383 = arith.constant 2432 : i32
    %dma_start3A_384 = tpu.memref_slice %arg6[%dma_start3A_383] : memref<3328xi32, #tpu.memory_space<vmem>> -> memref<128xi32, #tpu.memory_space<vmem>>
    %dma_start3A_385 = arith.constant 0 : i32
    %dma_start3A_386 = arith.constant 0 : i32
    %dma_start3A_387 = tpu.memref_slice %arg2[%dma_start3A_385, %dma_start3A_386] : memref<100000x32xi32, #tpu.memory_space<hbm>> -> memref<100000x32xi32, #tpu.memory_space<hbm>>
    tpu.enqueue_indirect_dma source(%dma_start3A_387 : memref<100000x32xi32, #tpu.memory_space<hbm>>) target(%arg9 : memref<128x32xi32, #tpu.memory_space<vmem>>) offsets(%dma_start3A_384 : memref<128xi32, #tpu.memory_space<vmem>>) semaphore(%arg13 : memref<!tpu.dma_semaphore, #tpu.memory_space<semaphore_mem>>)
    %dma_wait3A_388 = arith.constant 2304 : i32
    %dma_wait3A_389 = tpu.memref_slice %arg6[%dma_wait3A_388] : memref<3328xi32, #tpu.memory_space<vmem>> -> memref<128xi32, #tpu.memory_space<vmem>>
    %dma_wait3A_390 = arith.constant 0 : i32
    %dma_wait3A_391 = arith.constant 0 : i32
    %dma_wait3A_392 = tpu.memref_slice %arg2[%dma_wait3A_390, %dma_wait3A_391] : memref<100000x32xi32, #tpu.memory_space<hbm>> -> memref<100000x32xi32, #tpu.memory_space<hbm>>
    tpu.wait_indirect_dma semaphore(%arg12 : memref<!tpu.dma_semaphore, #tpu.memory_space<semaphore_mem>>) src(%dma_wait3A_392 : memref<100000x32xi32, #tpu.memory_space<hbm>>) dst(%arg8 : memref<128x32xi32, #tpu.memory_space<vmem>>)
    %dma_wait3A_393 = tpu.memref_slice %arg5[%mul3A_359] : memref<6815744xf32, #tpu.memory_space<hbm>> -> memref<8192xf32, #tpu.memory_space<hbm>>
    %dma_wait3A_394 = tpu.memref_slice %arg5[%mul3A_359] : memref<6815744xf32, #tpu.memory_space<hbm>> -> memref<8192xf32, #tpu.memory_space<hbm>>
    tpu.wait_dma2 semaphore(%arg14 : memref<!tpu.dma_semaphore, #tpu.memory_space<semaphore_mem>>) src(%arg10 : memref<8192xf32, #tpu.memory_space<vmem>>) dst(%dma_wait3A_394 : memref<8192xf32, #tpu.memory_space<hbm>>)
    %parallel_loop3A_395 = arith.constant 0 : i32
    %parallel_loop3A_396 = arith.constant 128 : i32
    %parallel_loop3A_397 = arith.constant 1 : i32
    scf.for %parallel_loop3A_550 = %parallel_loop3A_395 to %parallel_loop3A_396 step %parallel_loop3A_397  : i32 {
      %parallel_loop3A_551 = arith.constant 64 : i32
      %parallel_loop3A_552 = arith.muli %parallel_loop3A_550, %parallel_loop3A_551 : i32
      %parallel_loop3A_553 = arith.index_cast %parallel_loop3A_550 : i32 to index
      %parallel_loop3A_554 = arith.constant 0 : index
      %parallel_loop3A_555 = tpu.vector_load %arg8[%parallel_loop3A_553, %parallel_loop3A_554] {strides = array<i32>} : memref<128x32xi32, #tpu.memory_space<vmem>>, vector<1x16xi32>,
      %parallel_loop3A_556 = vector.shape_cast %parallel_loop3A_555 : vector<1x16xi32> to vector<16xi32>
      %parallel_loop3A_557 = arith.index_cast %parallel_loop3A_550 : i32 to index
      %parallel_loop3A_558 = arith.constant 16 : index
      %parallel_loop3A_559 = tpu.vector_load %arg8[%parallel_loop3A_557, %parallel_loop3A_558] {strides = array<i32>} : memref<128x32xi32, #tpu.memory_space<vmem>>, vector<1x16xi32>,
      %parallel_loop3A_560 = vector.shape_cast %parallel_loop3A_559 : vector<1x16xi32> to vector<16xi32>
      %parallel_loop3A_561 = arith.constant 32767 : i32
      %parallel_loop3A_562 = vector.broadcast %parallel_loop3A_561 : i32 to vector<16xi32>
      %parallel_loop3A_563 = arith.andi %parallel_loop3A_556, %parallel_loop3A_562 : vector<16xi32>
      %parallel_loop3A_564 = arith.constant 13 : i32
      %parallel_loop3A_565 = vector.broadcast %parallel_loop3A_564 : i32 to vector<16xi32>
      %parallel_loop3A_566 = arith.shli %parallel_loop3A_563, %parallel_loop3A_565 : vector<16xi32>
      %parallel_loop3A_567 = tpu.bitcast %parallel_loop3A_566 : vector<16xi32> -> vector<16xf32>
      %parallel_loop3A_568 = arith.mulf %parallel_loop3A_567, %get3A_6 : vector<16xf32>
      %parallel_loop3A_569 = arith.constant 16 : i32
      %parallel_loop3A_570 = vector.broadcast %parallel_loop3A_569 : i32 to vector<16xi32>
      %parallel_loop3A_571 = arith.shli %parallel_loop3A_556, %parallel_loop3A_570 : vector<16xi32>
      %parallel_loop3A_572 = arith.constant -2147483648 : i32
      %parallel_loop3A_573 = vector.broadcast %parallel_loop3A_572 : i32 to vector<16xi32>
      %parallel_loop3A_574 = arith.andi %parallel_loop3A_571, %parallel_loop3A_573 : vector<16xi32>
      %parallel_loop3A_575 = tpu.bitcast %parallel_loop3A_568 : vector<16xf32> -> vector<16xi32>
      %parallel_loop3A_576 = arith.ori %parallel_loop3A_575, %parallel_loop3A_574 : vector<16xi32>
      %parallel_loop3A_577 = tpu.bitcast %parallel_loop3A_576 : vector<16xi32> -> vector<16xf32>
      %parallel_loop3A_578 = arith.constant 2147418112 : i32
      %parallel_loop3A_579 = vector.broadcast %parallel_loop3A_578 : i32 to vector<16xi32>
      %parallel_loop3A_580 = arith.andi %parallel_loop3A_556, %parallel_loop3A_579 : vector<16xi32>
      %parallel_loop3A_581 = arith.constant 3 : i32
      %parallel_loop3A_582 = vector.broadcast %parallel_loop3A_581 : i32 to vector<16xi32>
      %parallel_loop3A_583 = arith.shrui %parallel_loop3A_580, %parallel_loop3A_582 : vector<16xi32>
      %parallel_loop3A_584 = tpu.bitcast %parallel_loop3A_583 : vector<16xi32> -> vector<16xf32>
      %parallel_loop3A_585 = arith.mulf %parallel_loop3A_584, %get3A_6 : vector<16xf32>
      %parallel_loop3A_586 = arith.constant -2147483648 : i32
      %parallel_loop3A_587 = vector.broadcast %parallel_loop3A_586 : i32 to vector<16xi32>
      %parallel_loop3A_588 = arith.andi %parallel_loop3A_556, %parallel_loop3A_587 : vector<16xi32>
      %parallel_loop3A_589 = tpu.bitcast %parallel_loop3A_585 : vector<16xf32> -> vector<16xi32>
      %parallel_loop3A_590 = arith.ori %parallel_loop3A_589, %parallel_loop3A_588 : vector<16xi32>
      %parallel_loop3A_591 = tpu.bitcast %parallel_loop3A_590 : vector<16xi32> -> vector<16xf32>
      %parallel_loop3A_592 = arith.constant 32767 : i32
      %parallel_loop3A_593 = vector.broadcast %parallel_loop3A_592 : i32 to vector<16xi32>
      %parallel_loop3A_594 = arith.andi %parallel_loop3A_560, %parallel_loop3A_593 : vector<16xi32>
      %parallel_loop3A_595 = arith.constant 13 : i32
      %parallel_loop3A_596 = vector.broadcast %parallel_loop3A_595 : i32 to vector<16xi32>
      %parallel_loop3A_597 = arith.shli %parallel_loop3A_594, %parallel_loop3A_596 : vector<16xi32>
      %parallel_loop3A_598 = tpu.bitcast %parallel_loop3A_597 : vector<16xi32> -> vector<16xf32>
      %parallel_loop3A_599 = arith.mulf %parallel_loop3A_598, %get3A_6 : vector<16xf32>
      %parallel_loop3A_600 = arith.constant 16 : i32
      %parallel_loop3A_601 = vector.broadcast %parallel_loop3A_600 : i32 to vector<16xi32>
      %parallel_loop3A_602 = arith.shli %parallel_loop3A_560, %parallel_loop3A_601 : vector<16xi32>
      %parallel_loop3A_603 = arith.constant -2147483648 : i32
      %parallel_loop3A_604 = vector.broadcast %parallel_loop3A_603 : i32 to vector<16xi32>
      %parallel_loop3A_605 = arith.andi %parallel_loop3A_602, %parallel_loop3A_604 : vector<16xi32>
      %parallel_loop3A_606 = tpu.bitcast %parallel_loop3A_599 : vector<16xf32> -> vector<16xi32>
      %parallel_loop3A_607 = arith.ori %parallel_loop3A_606, %parallel_loop3A_605 : vector<16xi32>
      %parallel_loop3A_608 = tpu.bitcast %parallel_loop3A_607 : vector<16xi32> -> vector<16xf32>
      %parallel_loop3A_609 = arith.constant 2147418112 : i32
      %parallel_loop3A_610 = vector.broadcast %parallel_loop3A_609 : i32 to vector<16xi32>
      %parallel_loop3A_611 = arith.andi %parallel_loop3A_560, %parallel_loop3A_610 : vector<16xi32>
      %parallel_loop3A_612 = arith.constant 3 : i32
      %parallel_loop3A_613 = vector.broadcast %parallel_loop3A_612 : i32 to vector<16xi32>
      %parallel_loop3A_614 = arith.shrui %parallel_loop3A_611, %parallel_loop3A_613 : vector<16xi32>
      %parallel_loop3A_615 = tpu.bitcast %parallel_loop3A_614 : vector<16xi32> -> vector<16xf32>
      %parallel_loop3A_616 = arith.mulf %parallel_loop3A_615, %get3A_6 : vector<16xf32>
      %parallel_loop3A_617 = arith.constant -2147483648 : i32
      %parallel_loop3A_618 = vector.broadcast %parallel_loop3A_617 : i32 to vector<16xi32>
      %parallel_loop3A_619 = arith.andi %parallel_loop3A_560, %parallel_loop3A_618 : vector<16xi32>
      %parallel_loop3A_620 = tpu.bitcast %parallel_loop3A_616 : vector<16xf32> -> vector<16xi32>
      %parallel_loop3A_621 = arith.ori %parallel_loop3A_620, %parallel_loop3A_619 : vector<16xi32>
      %parallel_loop3A_622 = tpu.bitcast %parallel_loop3A_621 : vector<16xi32> -> vector<16xf32>
      %parallel_loop3A_623 = arith.index_cast %parallel_loop3A_552 : i32 to index
      %parallel_loop3A_624 = tpu.vector_load %arg10[%parallel_loop3A_623] {strides = array<i32>} : memref<8192xf32, #tpu.memory_space<vmem>>, vector<16xf32>,
      %parallel_loop3A_625 = vector.shape_cast %parallel_loop3A_624 : vector<16xf32> to vector<16xf32>
      %parallel_loop3A_626 = vector.shape_cast %parallel_loop3A_577 : vector<16xf32> to vector<16xf32>
      tpu.vector_store %arg10[%parallel_loop3A_623], %parallel_loop3A_626 {strides = array<i32>} : memref<8192xf32, #tpu.memory_space<vmem>>, vector<16xf32>,
      %parallel_loop3A_627 = arith.constant 16 : i32
      %parallel_loop3A_628 = arith.addi %parallel_loop3A_552, %parallel_loop3A_627 : i32
      %parallel_loop3A_629 = arith.index_cast %parallel_loop3A_628 : i32 to index
      %parallel_loop3A_630 = tpu.vector_load %arg10[%parallel_loop3A_629] {strides = array<i32>} : memref<8192xf32, #tpu.memory_space<vmem>>, vector<16xf32>,
      %parallel_loop3A_631 = vector.shape_cast %parallel_loop3A_630 : vector<16xf32> to vector<16xf32>
      %parallel_loop3A_632 = vector.shape_cast %parallel_loop3A_608 : vector<16xf32> to vector<16xf32>
      tpu.vector_store %arg10[%parallel_loop3A_629], %parallel_loop3A_632 {strides = array<i32>} : memref<8192xf32, #tpu.memory_space<vmem>>, vector<16xf32>,
      %parallel_loop3A_633 = arith.constant 32 : i32
      %parallel_loop3A_634 = arith.addi %parallel_loop3A_552, %parallel_loop3A_633 : i32
      %parallel_loop3A_635 = arith.index_cast %parallel_loop3A_634 : i32 to index
      %parallel_loop3A_636 = tpu.vector_load %arg10[%parallel_loop3A_635] {strides = array<i32>} : memref<8192xf32, #tpu.memory_space<vmem>>, vector<16xf32>,
      %parallel_loop3A_637 = vector.shape_cast %parallel_loop3A_636 : vector<16xf32> to vector<16xf32>
      %parallel_loop3A_638 = vector.shape_cast %parallel_loop3A_591 : vector<16xf32> to vector<16xf32>
      tpu.vector_store %arg10[%parallel_loop3A_635], %parallel_loop3A_638 {strides = array<i32>} : memref<8192xf32, #tpu.memory_space<vmem>>, vector<16xf32>,
      %parallel_loop3A_639 = arith.constant 48 : i32
      %parallel_loop3A_640 = arith.addi %parallel_loop3A_552, %parallel_loop3A_639 : i32
      %parallel_loop3A_641 = arith.index_cast %parallel_loop3A_640 : i32 to index
      %parallel_loop3A_642 = tpu.vector_load %arg10[%parallel_loop3A_641] {strides = array<i32>} : memref<8192xf32, #tpu.memory_space<vmem>>, vector<16xf32>,
      %parallel_loop3A_643 = vector.shape_cast %parallel_loop3A_642 : vector<16xf32> to vector<16xf32>
      %parallel_loop3A_644 = vector.shape_cast %parallel_loop3A_622 : vector<16xf32> to vector<16xf32>
      tpu.vector_store %arg10[%parallel_loop3A_641], %parallel_loop3A_644 {strides = array<i32>} : memref<8192xf32, #tpu.memory_space<vmem>>, vector<16xf32>,
    } {sc.loop_unroll_factor = 2 : i64, sc.parallel_access}
    %add3A_398 = arith.constant 18 : i32
    %add3A_399 = arith.addi %mul3A_2, %add3A_398 : i32
    %mul3A_400 = arith.constant 8192 : i32
    %mul3A_401 = arith.muli %add3A_399, %mul3A_400 : i32
    %dma_start3A_402 = tpu.memref_slice %arg5[%mul3A_401] : memref<6815744xf32, #tpu.memory_space<hbm>> -> memref<8192xf32, #tpu.memory_space<hbm>>
    %dma_start3A_403 = tpu.memref_slice %arg5[%mul3A_401] : memref<6815744xf32, #tpu.memory_space<hbm>> -> memref<8192xf32, #tpu.memory_space<hbm>>
    tpu.enqueue_dma source(%arg10 : memref<8192xf32, #tpu.memory_space<vmem>>) target(%dma_start3A_403 : memref<8192xf32, #tpu.memory_space<hbm>>) target_semaphore(%arg14 : memref<!tpu.dma_semaphore, #tpu.memory_space<semaphore_mem>>)
    %dma_start3A_404 = arith.constant 2560 : i32
    %dma_start3A_405 = tpu.memref_slice %arg6[%dma_start3A_404] : memref<3328xi32, #tpu.memory_space<vmem>> -> memref<128xi32, #tpu.memory_space<vmem>>
    %dma_start3A_406 = arith.constant 0 : i32
    %dma_start3A_407 = arith.constant 0 : i32
    %dma_start3A_408 = tpu.memref_slice %arg2[%dma_start3A_406, %dma_start3A_407] : memref<100000x32xi32, #tpu.memory_space<hbm>> -> memref<100000x32xi32, #tpu.memory_space<hbm>>
    tpu.enqueue_indirect_dma source(%dma_start3A_408 : memref<100000x32xi32, #tpu.memory_space<hbm>>) target(%arg8 : memref<128x32xi32, #tpu.memory_space<vmem>>) offsets(%dma_start3A_405 : memref<128xi32, #tpu.memory_space<vmem>>) semaphore(%arg12 : memref<!tpu.dma_semaphore, #tpu.memory_space<semaphore_mem>>)
    %dma_wait3A_409 = arith.constant 2432 : i32
    %dma_wait3A_410 = tpu.memref_slice %arg6[%dma_wait3A_409] : memref<3328xi32, #tpu.memory_space<vmem>> -> memref<128xi32, #tpu.memory_space<vmem>>
    %dma_wait3A_411 = arith.constant 0 : i32
    %dma_wait3A_412 = arith.constant 0 : i32
    %dma_wait3A_413 = tpu.memref_slice %arg2[%dma_wait3A_411, %dma_wait3A_412] : memref<100000x32xi32, #tpu.memory_space<hbm>> -> memref<100000x32xi32, #tpu.memory_space<hbm>>
    tpu.wait_indirect_dma semaphore(%arg13 : memref<!tpu.dma_semaphore, #tpu.memory_space<semaphore_mem>>) src(%dma_wait3A_413 : memref<100000x32xi32, #tpu.memory_space<hbm>>) dst(%arg9 : memref<128x32xi32, #tpu.memory_space<vmem>>)
    %dma_wait3A_414 = tpu.memref_slice %arg5[%mul3A_380] : memref<6815744xf32, #tpu.memory_space<hbm>> -> memref<8192xf32, #tpu.memory_space<hbm>>
    %dma_wait3A_415 = tpu.memref_slice %arg5[%mul3A_380] : memref<6815744xf32, #tpu.memory_space<hbm>> -> memref<8192xf32, #tpu.memory_space<hbm>>
    tpu.wait_dma2 semaphore(%arg15 : memref<!tpu.dma_semaphore, #tpu.memory_space<semaphore_mem>>) src(%arg11 : memref<8192xf32, #tpu.memory_space<vmem>>) dst(%dma_wait3A_415 : memref<8192xf32, #tpu.memory_space<hbm>>)
    %parallel_loop3A_416 = arith.constant 0 : i32
    %parallel_loop3A_417 = arith.constant 128 : i32
    %parallel_loop3A_418 = arith.constant 1 : i32
    scf.for %parallel_loop3A_550 = %parallel_loop3A_416 to %parallel_loop3A_417 step %parallel_loop3A_418  : i32 {
      %parallel_loop3A_551 = arith.constant 64 : i32
      %parallel_loop3A_552 = arith.muli %parallel_loop3A_550, %parallel_loop3A_551 : i32
      %parallel_loop3A_553 = arith.index_cast %parallel_loop3A_550 : i32 to index
      %parallel_loop3A_554 = arith.constant 0 : index
      %parallel_loop3A_555 = tpu.vector_load %arg9[%parallel_loop3A_553, %parallel_loop3A_554] {strides = array<i32>} : memref<128x32xi32, #tpu.memory_space<vmem>>, vector<1x16xi32>,
      %parallel_loop3A_556 = vector.shape_cast %parallel_loop3A_555 : vector<1x16xi32> to vector<16xi32>
      %parallel_loop3A_557 = arith.index_cast %parallel_loop3A_550 : i32 to index
      %parallel_loop3A_558 = arith.constant 16 : index
      %parallel_loop3A_559 = tpu.vector_load %arg9[%parallel_loop3A_557, %parallel_loop3A_558] {strides = array<i32>} : memref<128x32xi32, #tpu.memory_space<vmem>>, vector<1x16xi32>,
      %parallel_loop3A_560 = vector.shape_cast %parallel_loop3A_559 : vector<1x16xi32> to vector<16xi32>
      %parallel_loop3A_561 = arith.constant 32767 : i32
      %parallel_loop3A_562 = vector.broadcast %parallel_loop3A_561 : i32 to vector<16xi32>
      %parallel_loop3A_563 = arith.andi %parallel_loop3A_556, %parallel_loop3A_562 : vector<16xi32>
      %parallel_loop3A_564 = arith.constant 13 : i32
      %parallel_loop3A_565 = vector.broadcast %parallel_loop3A_564 : i32 to vector<16xi32>
      %parallel_loop3A_566 = arith.shli %parallel_loop3A_563, %parallel_loop3A_565 : vector<16xi32>
      %parallel_loop3A_567 = tpu.bitcast %parallel_loop3A_566 : vector<16xi32> -> vector<16xf32>
      %parallel_loop3A_568 = arith.mulf %parallel_loop3A_567, %get3A_6 : vector<16xf32>
      %parallel_loop3A_569 = arith.constant 16 : i32
      %parallel_loop3A_570 = vector.broadcast %parallel_loop3A_569 : i32 to vector<16xi32>
      %parallel_loop3A_571 = arith.shli %parallel_loop3A_556, %parallel_loop3A_570 : vector<16xi32>
      %parallel_loop3A_572 = arith.constant -2147483648 : i32
      %parallel_loop3A_573 = vector.broadcast %parallel_loop3A_572 : i32 to vector<16xi32>
      %parallel_loop3A_574 = arith.andi %parallel_loop3A_571, %parallel_loop3A_573 : vector<16xi32>
      %parallel_loop3A_575 = tpu.bitcast %parallel_loop3A_568 : vector<16xf32> -> vector<16xi32>
      %parallel_loop3A_576 = arith.ori %parallel_loop3A_575, %parallel_loop3A_574 : vector<16xi32>
      %parallel_loop3A_577 = tpu.bitcast %parallel_loop3A_576 : vector<16xi32> -> vector<16xf32>
      %parallel_loop3A_578 = arith.constant 2147418112 : i32
      %parallel_loop3A_579 = vector.broadcast %parallel_loop3A_578 : i32 to vector<16xi32>
      %parallel_loop3A_580 = arith.andi %parallel_loop3A_556, %parallel_loop3A_579 : vector<16xi32>
      %parallel_loop3A_581 = arith.constant 3 : i32
      %parallel_loop3A_582 = vector.broadcast %parallel_loop3A_581 : i32 to vector<16xi32>
      %parallel_loop3A_583 = arith.shrui %parallel_loop3A_580, %parallel_loop3A_582 : vector<16xi32>
      %parallel_loop3A_584 = tpu.bitcast %parallel_loop3A_583 : vector<16xi32> -> vector<16xf32>
      %parallel_loop3A_585 = arith.mulf %parallel_loop3A_584, %get3A_6 : vector<16xf32>
      %parallel_loop3A_586 = arith.constant -2147483648 : i32
      %parallel_loop3A_587 = vector.broadcast %parallel_loop3A_586 : i32 to vector<16xi32>
      %parallel_loop3A_588 = arith.andi %parallel_loop3A_556, %parallel_loop3A_587 : vector<16xi32>
      %parallel_loop3A_589 = tpu.bitcast %parallel_loop3A_585 : vector<16xf32> -> vector<16xi32>
      %parallel_loop3A_590 = arith.ori %parallel_loop3A_589, %parallel_loop3A_588 : vector<16xi32>
      %parallel_loop3A_591 = tpu.bitcast %parallel_loop3A_590 : vector<16xi32> -> vector<16xf32>
      %parallel_loop3A_592 = arith.constant 32767 : i32
      %parallel_loop3A_593 = vector.broadcast %parallel_loop3A_592 : i32 to vector<16xi32>
      %parallel_loop3A_594 = arith.andi %parallel_loop3A_560, %parallel_loop3A_593 : vector<16xi32>
      %parallel_loop3A_595 = arith.constant 13 : i32
      %parallel_loop3A_596 = vector.broadcast %parallel_loop3A_595 : i32 to vector<16xi32>
      %parallel_loop3A_597 = arith.shli %parallel_loop3A_594, %parallel_loop3A_596 : vector<16xi32>
      %parallel_loop3A_598 = tpu.bitcast %parallel_loop3A_597 : vector<16xi32> -> vector<16xf32>
      %parallel_loop3A_599 = arith.mulf %parallel_loop3A_598, %get3A_6 : vector<16xf32>
      %parallel_loop3A_600 = arith.constant 16 : i32
      %parallel_loop3A_601 = vector.broadcast %parallel_loop3A_600 : i32 to vector<16xi32>
      %parallel_loop3A_602 = arith.shli %parallel_loop3A_560, %parallel_loop3A_601 : vector<16xi32>
      %parallel_loop3A_603 = arith.constant -2147483648 : i32
      %parallel_loop3A_604 = vector.broadcast %parallel_loop3A_603 : i32 to vector<16xi32>
      %parallel_loop3A_605 = arith.andi %parallel_loop3A_602, %parallel_loop3A_604 : vector<16xi32>
      %parallel_loop3A_606 = tpu.bitcast %parallel_loop3A_599 : vector<16xf32> -> vector<16xi32>
      %parallel_loop3A_607 = arith.ori %parallel_loop3A_606, %parallel_loop3A_605 : vector<16xi32>
      %parallel_loop3A_608 = tpu.bitcast %parallel_loop3A_607 : vector<16xi32> -> vector<16xf32>
      %parallel_loop3A_609 = arith.constant 2147418112 : i32
      %parallel_loop3A_610 = vector.broadcast %parallel_loop3A_609 : i32 to vector<16xi32>
      %parallel_loop3A_611 = arith.andi %parallel_loop3A_560, %parallel_loop3A_610 : vector<16xi32>
      %parallel_loop3A_612 = arith.constant 3 : i32
      %parallel_loop3A_613 = vector.broadcast %parallel_loop3A_612 : i32 to vector<16xi32>
      %parallel_loop3A_614 = arith.shrui %parallel_loop3A_611, %parallel_loop3A_613 : vector<16xi32>
      %parallel_loop3A_615 = tpu.bitcast %parallel_loop3A_614 : vector<16xi32> -> vector<16xf32>
      %parallel_loop3A_616 = arith.mulf %parallel_loop3A_615, %get3A_6 : vector<16xf32>
      %parallel_loop3A_617 = arith.constant -2147483648 : i32
      %parallel_loop3A_618 = vector.broadcast %parallel_loop3A_617 : i32 to vector<16xi32>
      %parallel_loop3A_619 = arith.andi %parallel_loop3A_560, %parallel_loop3A_618 : vector<16xi32>
      %parallel_loop3A_620 = tpu.bitcast %parallel_loop3A_616 : vector<16xf32> -> vector<16xi32>
      %parallel_loop3A_621 = arith.ori %parallel_loop3A_620, %parallel_loop3A_619 : vector<16xi32>
      %parallel_loop3A_622 = tpu.bitcast %parallel_loop3A_621 : vector<16xi32> -> vector<16xf32>
      %parallel_loop3A_623 = arith.index_cast %parallel_loop3A_552 : i32 to index
      %parallel_loop3A_624 = tpu.vector_load %arg11[%parallel_loop3A_623] {strides = array<i32>} : memref<8192xf32, #tpu.memory_space<vmem>>, vector<16xf32>,
      %parallel_loop3A_625 = vector.shape_cast %parallel_loop3A_624 : vector<16xf32> to vector<16xf32>
      %parallel_loop3A_626 = vector.shape_cast %parallel_loop3A_577 : vector<16xf32> to vector<16xf32>
      tpu.vector_store %arg11[%parallel_loop3A_623], %parallel_loop3A_626 {strides = array<i32>} : memref<8192xf32, #tpu.memory_space<vmem>>, vector<16xf32>,
      %parallel_loop3A_627 = arith.constant 16 : i32
      %parallel_loop3A_628 = arith.addi %parallel_loop3A_552, %parallel_loop3A_627 : i32
      %parallel_loop3A_629 = arith.index_cast %parallel_loop3A_628 : i32 to index
      %parallel_loop3A_630 = tpu.vector_load %arg11[%parallel_loop3A_629] {strides = array<i32>} : memref<8192xf32, #tpu.memory_space<vmem>>, vector<16xf32>,
      %parallel_loop3A_631 = vector.shape_cast %parallel_loop3A_630 : vector<16xf32> to vector<16xf32>
      %parallel_loop3A_632 = vector.shape_cast %parallel_loop3A_608 : vector<16xf32> to vector<16xf32>
      tpu.vector_store %arg11[%parallel_loop3A_629], %parallel_loop3A_632 {strides = array<i32>} : memref<8192xf32, #tpu.memory_space<vmem>>, vector<16xf32>,
      %parallel_loop3A_633 = arith.constant 32 : i32
      %parallel_loop3A_634 = arith.addi %parallel_loop3A_552, %parallel_loop3A_633 : i32
      %parallel_loop3A_635 = arith.index_cast %parallel_loop3A_634 : i32 to index
      %parallel_loop3A_636 = tpu.vector_load %arg11[%parallel_loop3A_635] {strides = array<i32>} : memref<8192xf32, #tpu.memory_space<vmem>>, vector<16xf32>,
      %parallel_loop3A_637 = vector.shape_cast %parallel_loop3A_636 : vector<16xf32> to vector<16xf32>
      %parallel_loop3A_638 = vector.shape_cast %parallel_loop3A_591 : vector<16xf32> to vector<16xf32>
      tpu.vector_store %arg11[%parallel_loop3A_635], %parallel_loop3A_638 {strides = array<i32>} : memref<8192xf32, #tpu.memory_space<vmem>>, vector<16xf32>,
      %parallel_loop3A_639 = arith.constant 48 : i32
      %parallel_loop3A_640 = arith.addi %parallel_loop3A_552, %parallel_loop3A_639 : i32
      %parallel_loop3A_641 = arith.index_cast %parallel_loop3A_640 : i32 to index
      %parallel_loop3A_642 = tpu.vector_load %arg11[%parallel_loop3A_641] {strides = array<i32>} : memref<8192xf32, #tpu.memory_space<vmem>>, vector<16xf32>,
      %parallel_loop3A_643 = vector.shape_cast %parallel_loop3A_642 : vector<16xf32> to vector<16xf32>
      %parallel_loop3A_644 = vector.shape_cast %parallel_loop3A_622 : vector<16xf32> to vector<16xf32>
      tpu.vector_store %arg11[%parallel_loop3A_641], %parallel_loop3A_644 {strides = array<i32>} : memref<8192xf32, #tpu.memory_space<vmem>>, vector<16xf32>,
    } {sc.loop_unroll_factor = 2 : i64, sc.parallel_access}
    %add3A_419 = arith.constant 19 : i32
    %add3A_420 = arith.addi %mul3A_2, %add3A_419 : i32
    %mul3A_421 = arith.constant 8192 : i32
    %mul3A_422 = arith.muli %add3A_420, %mul3A_421 : i32
    %dma_start3A_423 = tpu.memref_slice %arg5[%mul3A_422] : memref<6815744xf32, #tpu.memory_space<hbm>> -> memref<8192xf32, #tpu.memory_space<hbm>>
    %dma_start3A_424 = tpu.memref_slice %arg5[%mul3A_422] : memref<6815744xf32, #tpu.memory_space<hbm>> -> memref<8192xf32, #tpu.memory_space<hbm>>
    tpu.enqueue_dma source(%arg11 : memref<8192xf32, #tpu.memory_space<vmem>>) target(%dma_start3A_424 : memref<8192xf32, #tpu.memory_space<hbm>>) target_semaphore(%arg15 : memref<!tpu.dma_semaphore, #tpu.memory_space<semaphore_mem>>)
    %dma_start3A_425 = arith.constant 2688 : i32
    %dma_start3A_426 = tpu.memref_slice %arg6[%dma_start3A_425] : memref<3328xi32, #tpu.memory_space<vmem>> -> memref<128xi32, #tpu.memory_space<vmem>>
    %dma_start3A_427 = arith.constant 0 : i32
    %dma_start3A_428 = arith.constant 0 : i32
    %dma_start3A_429 = tpu.memref_slice %arg2[%dma_start3A_427, %dma_start3A_428] : memref<100000x32xi32, #tpu.memory_space<hbm>> -> memref<100000x32xi32, #tpu.memory_space<hbm>>
    tpu.enqueue_indirect_dma source(%dma_start3A_429 : memref<100000x32xi32, #tpu.memory_space<hbm>>) target(%arg9 : memref<128x32xi32, #tpu.memory_space<vmem>>) offsets(%dma_start3A_426 : memref<128xi32, #tpu.memory_space<vmem>>) semaphore(%arg13 : memref<!tpu.dma_semaphore, #tpu.memory_space<semaphore_mem>>)
    %dma_wait3A_430 = arith.constant 2560 : i32
    %dma_wait3A_431 = tpu.memref_slice %arg6[%dma_wait3A_430] : memref<3328xi32, #tpu.memory_space<vmem>> -> memref<128xi32, #tpu.memory_space<vmem>>
    %dma_wait3A_432 = arith.constant 0 : i32
    %dma_wait3A_433 = arith.constant 0 : i32
    %dma_wait3A_434 = tpu.memref_slice %arg2[%dma_wait3A_432, %dma_wait3A_433] : memref<100000x32xi32, #tpu.memory_space<hbm>> -> memref<100000x32xi32, #tpu.memory_space<hbm>>
    tpu.wait_indirect_dma semaphore(%arg12 : memref<!tpu.dma_semaphore, #tpu.memory_space<semaphore_mem>>) src(%dma_wait3A_434 : memref<100000x32xi32, #tpu.memory_space<hbm>>) dst(%arg8 : memref<128x32xi32, #tpu.memory_space<vmem>>)
    %dma_wait3A_435 = tpu.memref_slice %arg5[%mul3A_401] : memref<6815744xf32, #tpu.memory_space<hbm>> -> memref<8192xf32, #tpu.memory_space<hbm>>
    %dma_wait3A_436 = tpu.memref_slice %arg5[%mul3A_401] : memref<6815744xf32, #tpu.memory_space<hbm>> -> memref<8192xf32, #tpu.memory_space<hbm>>
    tpu.wait_dma2 semaphore(%arg14 : memref<!tpu.dma_semaphore, #tpu.memory_space<semaphore_mem>>) src(%arg10 : memref<8192xf32, #tpu.memory_space<vmem>>) dst(%dma_wait3A_436 : memref<8192xf32, #tpu.memory_space<hbm>>)
    %parallel_loop3A_437 = arith.constant 0 : i32
    %parallel_loop3A_438 = arith.constant 128 : i32
    %parallel_loop3A_439 = arith.constant 1 : i32
    scf.for %parallel_loop3A_550 = %parallel_loop3A_437 to %parallel_loop3A_438 step %parallel_loop3A_439  : i32 {
      %parallel_loop3A_551 = arith.constant 64 : i32
      %parallel_loop3A_552 = arith.muli %parallel_loop3A_550, %parallel_loop3A_551 : i32
      %parallel_loop3A_553 = arith.index_cast %parallel_loop3A_550 : i32 to index
      %parallel_loop3A_554 = arith.constant 0 : index
      %parallel_loop3A_555 = tpu.vector_load %arg8[%parallel_loop3A_553, %parallel_loop3A_554] {strides = array<i32>} : memref<128x32xi32, #tpu.memory_space<vmem>>, vector<1x16xi32>,
      %parallel_loop3A_556 = vector.shape_cast %parallel_loop3A_555 : vector<1x16xi32> to vector<16xi32>
      %parallel_loop3A_557 = arith.index_cast %parallel_loop3A_550 : i32 to index
      %parallel_loop3A_558 = arith.constant 16 : index
      %parallel_loop3A_559 = tpu.vector_load %arg8[%parallel_loop3A_557, %parallel_loop3A_558] {strides = array<i32>} : memref<128x32xi32, #tpu.memory_space<vmem>>, vector<1x16xi32>,
      %parallel_loop3A_560 = vector.shape_cast %parallel_loop3A_559 : vector<1x16xi32> to vector<16xi32>
      %parallel_loop3A_561 = arith.constant 32767 : i32
      %parallel_loop3A_562 = vector.broadcast %parallel_loop3A_561 : i32 to vector<16xi32>
      %parallel_loop3A_563 = arith.andi %parallel_loop3A_556, %parallel_loop3A_562 : vector<16xi32>
      %parallel_loop3A_564 = arith.constant 13 : i32
      %parallel_loop3A_565 = vector.broadcast %parallel_loop3A_564 : i32 to vector<16xi32>
      %parallel_loop3A_566 = arith.shli %parallel_loop3A_563, %parallel_loop3A_565 : vector<16xi32>
      %parallel_loop3A_567 = tpu.bitcast %parallel_loop3A_566 : vector<16xi32> -> vector<16xf32>
      %parallel_loop3A_568 = arith.mulf %parallel_loop3A_567, %get3A_6 : vector<16xf32>
      %parallel_loop3A_569 = arith.constant 16 : i32
      %parallel_loop3A_570 = vector.broadcast %parallel_loop3A_569 : i32 to vector<16xi32>
      %parallel_loop3A_571 = arith.shli %parallel_loop3A_556, %parallel_loop3A_570 : vector<16xi32>
      %parallel_loop3A_572 = arith.constant -2147483648 : i32
      %parallel_loop3A_573 = vector.broadcast %parallel_loop3A_572 : i32 to vector<16xi32>
      %parallel_loop3A_574 = arith.andi %parallel_loop3A_571, %parallel_loop3A_573 : vector<16xi32>
      %parallel_loop3A_575 = tpu.bitcast %parallel_loop3A_568 : vector<16xf32> -> vector<16xi32>
      %parallel_loop3A_576 = arith.ori %parallel_loop3A_575, %parallel_loop3A_574 : vector<16xi32>
      %parallel_loop3A_577 = tpu.bitcast %parallel_loop3A_576 : vector<16xi32> -> vector<16xf32>
      %parallel_loop3A_578 = arith.constant 2147418112 : i32
      %parallel_loop3A_579 = vector.broadcast %parallel_loop3A_578 : i32 to vector<16xi32>
      %parallel_loop3A_580 = arith.andi %parallel_loop3A_556, %parallel_loop3A_579 : vector<16xi32>
      %parallel_loop3A_581 = arith.constant 3 : i32
      %parallel_loop3A_582 = vector.broadcast %parallel_loop3A_581 : i32 to vector<16xi32>
      %parallel_loop3A_583 = arith.shrui %parallel_loop3A_580, %parallel_loop3A_582 : vector<16xi32>
      %parallel_loop3A_584 = tpu.bitcast %parallel_loop3A_583 : vector<16xi32> -> vector<16xf32>
      %parallel_loop3A_585 = arith.mulf %parallel_loop3A_584, %get3A_6 : vector<16xf32>
      %parallel_loop3A_586 = arith.constant -2147483648 : i32
      %parallel_loop3A_587 = vector.broadcast %parallel_loop3A_586 : i32 to vector<16xi32>
      %parallel_loop3A_588 = arith.andi %parallel_loop3A_556, %parallel_loop3A_587 : vector<16xi32>
      %parallel_loop3A_589 = tpu.bitcast %parallel_loop3A_585 : vector<16xf32> -> vector<16xi32>
      %parallel_loop3A_590 = arith.ori %parallel_loop3A_589, %parallel_loop3A_588 : vector<16xi32>
      %parallel_loop3A_591 = tpu.bitcast %parallel_loop3A_590 : vector<16xi32> -> vector<16xf32>
      %parallel_loop3A_592 = arith.constant 32767 : i32
      %parallel_loop3A_593 = vector.broadcast %parallel_loop3A_592 : i32 to vector<16xi32>
      %parallel_loop3A_594 = arith.andi %parallel_loop3A_560, %parallel_loop3A_593 : vector<16xi32>
      %parallel_loop3A_595 = arith.constant 13 : i32
      %parallel_loop3A_596 = vector.broadcast %parallel_loop3A_595 : i32 to vector<16xi32>
      %parallel_loop3A_597 = arith.shli %parallel_loop3A_594, %parallel_loop3A_596 : vector<16xi32>
      %parallel_loop3A_598 = tpu.bitcast %parallel_loop3A_597 : vector<16xi32> -> vector<16xf32>
      %parallel_loop3A_599 = arith.mulf %parallel_loop3A_598, %get3A_6 : vector<16xf32>
      %parallel_loop3A_600 = arith.constant 16 : i32
      %parallel_loop3A_601 = vector.broadcast %parallel_loop3A_600 : i32 to vector<16xi32>
      %parallel_loop3A_602 = arith.shli %parallel_loop3A_560, %parallel_loop3A_601 : vector<16xi32>
      %parallel_loop3A_603 = arith.constant -2147483648 : i32
      %parallel_loop3A_604 = vector.broadcast %parallel_loop3A_603 : i32 to vector<16xi32>
      %parallel_loop3A_605 = arith.andi %parallel_loop3A_602, %parallel_loop3A_604 : vector<16xi32>
      %parallel_loop3A_606 = tpu.bitcast %parallel_loop3A_599 : vector<16xf32> -> vector<16xi32>
      %parallel_loop3A_607 = arith.ori %parallel_loop3A_606, %parallel_loop3A_605 : vector<16xi32>
      %parallel_loop3A_608 = tpu.bitcast %parallel_loop3A_607 : vector<16xi32> -> vector<16xf32>
      %parallel_loop3A_609 = arith.constant 2147418112 : i32
      %parallel_loop3A_610 = vector.broadcast %parallel_loop3A_609 : i32 to vector<16xi32>
      %parallel_loop3A_611 = arith.andi %parallel_loop3A_560, %parallel_loop3A_610 : vector<16xi32>
      %parallel_loop3A_612 = arith.constant 3 : i32
      %parallel_loop3A_613 = vector.broadcast %parallel_loop3A_612 : i32 to vector<16xi32>
      %parallel_loop3A_614 = arith.shrui %parallel_loop3A_611, %parallel_loop3A_613 : vector<16xi32>
      %parallel_loop3A_615 = tpu.bitcast %parallel_loop3A_614 : vector<16xi32> -> vector<16xf32>
      %parallel_loop3A_616 = arith.mulf %parallel_loop3A_615, %get3A_6 : vector<16xf32>
      %parallel_loop3A_617 = arith.constant -2147483648 : i32
      %parallel_loop3A_618 = vector.broadcast %parallel_loop3A_617 : i32 to vector<16xi32>
      %parallel_loop3A_619 = arith.andi %parallel_loop3A_560, %parallel_loop3A_618 : vector<16xi32>
      %parallel_loop3A_620 = tpu.bitcast %parallel_loop3A_616 : vector<16xf32> -> vector<16xi32>
      %parallel_loop3A_621 = arith.ori %parallel_loop3A_620, %parallel_loop3A_619 : vector<16xi32>
      %parallel_loop3A_622 = tpu.bitcast %parallel_loop3A_621 : vector<16xi32> -> vector<16xf32>
      %parallel_loop3A_623 = arith.index_cast %parallel_loop3A_552 : i32 to index
      %parallel_loop3A_624 = tpu.vector_load %arg10[%parallel_loop3A_623] {strides = array<i32>} : memref<8192xf32, #tpu.memory_space<vmem>>, vector<16xf32>,
      %parallel_loop3A_625 = vector.shape_cast %parallel_loop3A_624 : vector<16xf32> to vector<16xf32>
      %parallel_loop3A_626 = vector.shape_cast %parallel_loop3A_577 : vector<16xf32> to vector<16xf32>
      tpu.vector_store %arg10[%parallel_loop3A_623], %parallel_loop3A_626 {strides = array<i32>} : memref<8192xf32, #tpu.memory_space<vmem>>, vector<16xf32>,
      %parallel_loop3A_627 = arith.constant 16 : i32
      %parallel_loop3A_628 = arith.addi %parallel_loop3A_552, %parallel_loop3A_627 : i32
      %parallel_loop3A_629 = arith.index_cast %parallel_loop3A_628 : i32 to index
      %parallel_loop3A_630 = tpu.vector_load %arg10[%parallel_loop3A_629] {strides = array<i32>} : memref<8192xf32, #tpu.memory_space<vmem>>, vector<16xf32>,
      %parallel_loop3A_631 = vector.shape_cast %parallel_loop3A_630 : vector<16xf32> to vector<16xf32>
      %parallel_loop3A_632 = vector.shape_cast %parallel_loop3A_608 : vector<16xf32> to vector<16xf32>
      tpu.vector_store %arg10[%parallel_loop3A_629], %parallel_loop3A_632 {strides = array<i32>} : memref<8192xf32, #tpu.memory_space<vmem>>, vector<16xf32>,
      %parallel_loop3A_633 = arith.constant 32 : i32
      %parallel_loop3A_634 = arith.addi %parallel_loop3A_552, %parallel_loop3A_633 : i32
      %parallel_loop3A_635 = arith.index_cast %parallel_loop3A_634 : i32 to index
      %parallel_loop3A_636 = tpu.vector_load %arg10[%parallel_loop3A_635] {strides = array<i32>} : memref<8192xf32, #tpu.memory_space<vmem>>, vector<16xf32>,
      %parallel_loop3A_637 = vector.shape_cast %parallel_loop3A_636 : vector<16xf32> to vector<16xf32>
      %parallel_loop3A_638 = vector.shape_cast %parallel_loop3A_591 : vector<16xf32> to vector<16xf32>
      tpu.vector_store %arg10[%parallel_loop3A_635], %parallel_loop3A_638 {strides = array<i32>} : memref<8192xf32, #tpu.memory_space<vmem>>, vector<16xf32>,
      %parallel_loop3A_639 = arith.constant 48 : i32
      %parallel_loop3A_640 = arith.addi %parallel_loop3A_552, %parallel_loop3A_639 : i32
      %parallel_loop3A_641 = arith.index_cast %parallel_loop3A_640 : i32 to index
      %parallel_loop3A_642 = tpu.vector_load %arg10[%parallel_loop3A_641] {strides = array<i32>} : memref<8192xf32, #tpu.memory_space<vmem>>, vector<16xf32>,
      %parallel_loop3A_643 = vector.shape_cast %parallel_loop3A_642 : vector<16xf32> to vector<16xf32>
      %parallel_loop3A_644 = vector.shape_cast %parallel_loop3A_622 : vector<16xf32> to vector<16xf32>
      tpu.vector_store %arg10[%parallel_loop3A_641], %parallel_loop3A_644 {strides = array<i32>} : memref<8192xf32, #tpu.memory_space<vmem>>, vector<16xf32>,
    } {sc.loop_unroll_factor = 2 : i64, sc.parallel_access}
    %add3A_440 = arith.constant 20 : i32
    %add3A_441 = arith.addi %mul3A_2, %add3A_440 : i32
    %mul3A_442 = arith.constant 8192 : i32
    %mul3A_443 = arith.muli %add3A_441, %mul3A_442 : i32
    %dma_start3A_444 = tpu.memref_slice %arg5[%mul3A_443] : memref<6815744xf32, #tpu.memory_space<hbm>> -> memref<8192xf32, #tpu.memory_space<hbm>>
    %dma_start3A_445 = tpu.memref_slice %arg5[%mul3A_443] : memref<6815744xf32, #tpu.memory_space<hbm>> -> memref<8192xf32, #tpu.memory_space<hbm>>
    tpu.enqueue_dma source(%arg10 : memref<8192xf32, #tpu.memory_space<vmem>>) target(%dma_start3A_445 : memref<8192xf32, #tpu.memory_space<hbm>>) target_semaphore(%arg14 : memref<!tpu.dma_semaphore, #tpu.memory_space<semaphore_mem>>)
    %dma_start3A_446 = arith.constant 2816 : i32
    %dma_start3A_447 = tpu.memref_slice %arg6[%dma_start3A_446] : memref<3328xi32, #tpu.memory_space<vmem>> -> memref<128xi32, #tpu.memory_space<vmem>>
    %dma_start3A_448 = arith.constant 0 : i32
    %dma_start3A_449 = arith.constant 0 : i32
    %dma_start3A_450 = tpu.memref_slice %arg2[%dma_start3A_448, %dma_start3A_449] : memref<100000x32xi32, #tpu.memory_space<hbm>> -> memref<100000x32xi32, #tpu.memory_space<hbm>>
    tpu.enqueue_indirect_dma source(%dma_start3A_450 : memref<100000x32xi32, #tpu.memory_space<hbm>>) target(%arg8 : memref<128x32xi32, #tpu.memory_space<vmem>>) offsets(%dma_start3A_447 : memref<128xi32, #tpu.memory_space<vmem>>) semaphore(%arg12 : memref<!tpu.dma_semaphore, #tpu.memory_space<semaphore_mem>>)
    %dma_wait3A_451 = arith.constant 2688 : i32
    %dma_wait3A_452 = tpu.memref_slice %arg6[%dma_wait3A_451] : memref<3328xi32, #tpu.memory_space<vmem>> -> memref<128xi32, #tpu.memory_space<vmem>>
    %dma_wait3A_453 = arith.constant 0 : i32
    %dma_wait3A_454 = arith.constant 0 : i32
    %dma_wait3A_455 = tpu.memref_slice %arg2[%dma_wait3A_453, %dma_wait3A_454] : memref<100000x32xi32, #tpu.memory_space<hbm>> -> memref<100000x32xi32, #tpu.memory_space<hbm>>
    tpu.wait_indirect_dma semaphore(%arg13 : memref<!tpu.dma_semaphore, #tpu.memory_space<semaphore_mem>>) src(%dma_wait3A_455 : memref<100000x32xi32, #tpu.memory_space<hbm>>) dst(%arg9 : memref<128x32xi32, #tpu.memory_space<vmem>>)
    %dma_wait3A_456 = tpu.memref_slice %arg5[%mul3A_422] : memref<6815744xf32, #tpu.memory_space<hbm>> -> memref<8192xf32, #tpu.memory_space<hbm>>
    %dma_wait3A_457 = tpu.memref_slice %arg5[%mul3A_422] : memref<6815744xf32, #tpu.memory_space<hbm>> -> memref<8192xf32, #tpu.memory_space<hbm>>
    tpu.wait_dma2 semaphore(%arg15 : memref<!tpu.dma_semaphore, #tpu.memory_space<semaphore_mem>>) src(%arg11 : memref<8192xf32, #tpu.memory_space<vmem>>) dst(%dma_wait3A_457 : memref<8192xf32, #tpu.memory_space<hbm>>)
    %parallel_loop3A_458 = arith.constant 0 : i32
    %parallel_loop3A_459 = arith.constant 128 : i32
    %parallel_loop3A_460 = arith.constant 1 : i32
    scf.for %parallel_loop3A_550 = %parallel_loop3A_458 to %parallel_loop3A_459 step %parallel_loop3A_460  : i32 {
      %parallel_loop3A_551 = arith.constant 64 : i32
      %parallel_loop3A_552 = arith.muli %parallel_loop3A_550, %parallel_loop3A_551 : i32
      %parallel_loop3A_553 = arith.index_cast %parallel_loop3A_550 : i32 to index
      %parallel_loop3A_554 = arith.constant 0 : index
      %parallel_loop3A_555 = tpu.vector_load %arg9[%parallel_loop3A_553, %parallel_loop3A_554] {strides = array<i32>} : memref<128x32xi32, #tpu.memory_space<vmem>>, vector<1x16xi32>,
      %parallel_loop3A_556 = vector.shape_cast %parallel_loop3A_555 : vector<1x16xi32> to vector<16xi32>
      %parallel_loop3A_557 = arith.index_cast %parallel_loop3A_550 : i32 to index
      %parallel_loop3A_558 = arith.constant 16 : index
      %parallel_loop3A_559 = tpu.vector_load %arg9[%parallel_loop3A_557, %parallel_loop3A_558] {strides = array<i32>} : memref<128x32xi32, #tpu.memory_space<vmem>>, vector<1x16xi32>,
      %parallel_loop3A_560 = vector.shape_cast %parallel_loop3A_559 : vector<1x16xi32> to vector<16xi32>
      %parallel_loop3A_561 = arith.constant 32767 : i32
      %parallel_loop3A_562 = vector.broadcast %parallel_loop3A_561 : i32 to vector<16xi32>
      %parallel_loop3A_563 = arith.andi %parallel_loop3A_556, %parallel_loop3A_562 : vector<16xi32>
      %parallel_loop3A_564 = arith.constant 13 : i32
      %parallel_loop3A_565 = vector.broadcast %parallel_loop3A_564 : i32 to vector<16xi32>
      %parallel_loop3A_566 = arith.shli %parallel_loop3A_563, %parallel_loop3A_565 : vector<16xi32>
      %parallel_loop3A_567 = tpu.bitcast %parallel_loop3A_566 : vector<16xi32> -> vector<16xf32>
      %parallel_loop3A_568 = arith.mulf %parallel_loop3A_567, %get3A_6 : vector<16xf32>
      %parallel_loop3A_569 = arith.constant 16 : i32
      %parallel_loop3A_570 = vector.broadcast %parallel_loop3A_569 : i32 to vector<16xi32>
      %parallel_loop3A_571 = arith.shli %parallel_loop3A_556, %parallel_loop3A_570 : vector<16xi32>
      %parallel_loop3A_572 = arith.constant -2147483648 : i32
      %parallel_loop3A_573 = vector.broadcast %parallel_loop3A_572 : i32 to vector<16xi32>
      %parallel_loop3A_574 = arith.andi %parallel_loop3A_571, %parallel_loop3A_573 : vector<16xi32>
      %parallel_loop3A_575 = tpu.bitcast %parallel_loop3A_568 : vector<16xf32> -> vector<16xi32>
      %parallel_loop3A_576 = arith.ori %parallel_loop3A_575, %parallel_loop3A_574 : vector<16xi32>
      %parallel_loop3A_577 = tpu.bitcast %parallel_loop3A_576 : vector<16xi32> -> vector<16xf32>
      %parallel_loop3A_578 = arith.constant 2147418112 : i32
      %parallel_loop3A_579 = vector.broadcast %parallel_loop3A_578 : i32 to vector<16xi32>
      %parallel_loop3A_580 = arith.andi %parallel_loop3A_556, %parallel_loop3A_579 : vector<16xi32>
      %parallel_loop3A_581 = arith.constant 3 : i32
      %parallel_loop3A_582 = vector.broadcast %parallel_loop3A_581 : i32 to vector<16xi32>
      %parallel_loop3A_583 = arith.shrui %parallel_loop3A_580, %parallel_loop3A_582 : vector<16xi32>
      %parallel_loop3A_584 = tpu.bitcast %parallel_loop3A_583 : vector<16xi32> -> vector<16xf32>
      %parallel_loop3A_585 = arith.mulf %parallel_loop3A_584, %get3A_6 : vector<16xf32>
      %parallel_loop3A_586 = arith.constant -2147483648 : i32
      %parallel_loop3A_587 = vector.broadcast %parallel_loop3A_586 : i32 to vector<16xi32>
      %parallel_loop3A_588 = arith.andi %parallel_loop3A_556, %parallel_loop3A_587 : vector<16xi32>
      %parallel_loop3A_589 = tpu.bitcast %parallel_loop3A_585 : vector<16xf32> -> vector<16xi32>
      %parallel_loop3A_590 = arith.ori %parallel_loop3A_589, %parallel_loop3A_588 : vector<16xi32>
      %parallel_loop3A_591 = tpu.bitcast %parallel_loop3A_590 : vector<16xi32> -> vector<16xf32>
      %parallel_loop3A_592 = arith.constant 32767 : i32
      %parallel_loop3A_593 = vector.broadcast %parallel_loop3A_592 : i32 to vector<16xi32>
      %parallel_loop3A_594 = arith.andi %parallel_loop3A_560, %parallel_loop3A_593 : vector<16xi32>
      %parallel_loop3A_595 = arith.constant 13 : i32
      %parallel_loop3A_596 = vector.broadcast %parallel_loop3A_595 : i32 to vector<16xi32>
      %parallel_loop3A_597 = arith.shli %parallel_loop3A_594, %parallel_loop3A_596 : vector<16xi32>
      %parallel_loop3A_598 = tpu.bitcast %parallel_loop3A_597 : vector<16xi32> -> vector<16xf32>
      %parallel_loop3A_599 = arith.mulf %parallel_loop3A_598, %get3A_6 : vector<16xf32>
      %parallel_loop3A_600 = arith.constant 16 : i32
      %parallel_loop3A_601 = vector.broadcast %parallel_loop3A_600 : i32 to vector<16xi32>
      %parallel_loop3A_602 = arith.shli %parallel_loop3A_560, %parallel_loop3A_601 : vector<16xi32>
      %parallel_loop3A_603 = arith.constant -2147483648 : i32
      %parallel_loop3A_604 = vector.broadcast %parallel_loop3A_603 : i32 to vector<16xi32>
      %parallel_loop3A_605 = arith.andi %parallel_loop3A_602, %parallel_loop3A_604 : vector<16xi32>
      %parallel_loop3A_606 = tpu.bitcast %parallel_loop3A_599 : vector<16xf32> -> vector<16xi32>
      %parallel_loop3A_607 = arith.ori %parallel_loop3A_606, %parallel_loop3A_605 : vector<16xi32>
      %parallel_loop3A_608 = tpu.bitcast %parallel_loop3A_607 : vector<16xi32> -> vector<16xf32>
      %parallel_loop3A_609 = arith.constant 2147418112 : i32
      %parallel_loop3A_610 = vector.broadcast %parallel_loop3A_609 : i32 to vector<16xi32>
      %parallel_loop3A_611 = arith.andi %parallel_loop3A_560, %parallel_loop3A_610 : vector<16xi32>
      %parallel_loop3A_612 = arith.constant 3 : i32
      %parallel_loop3A_613 = vector.broadcast %parallel_loop3A_612 : i32 to vector<16xi32>
      %parallel_loop3A_614 = arith.shrui %parallel_loop3A_611, %parallel_loop3A_613 : vector<16xi32>
      %parallel_loop3A_615 = tpu.bitcast %parallel_loop3A_614 : vector<16xi32> -> vector<16xf32>
      %parallel_loop3A_616 = arith.mulf %parallel_loop3A_615, %get3A_6 : vector<16xf32>
      %parallel_loop3A_617 = arith.constant -2147483648 : i32
      %parallel_loop3A_618 = vector.broadcast %parallel_loop3A_617 : i32 to vector<16xi32>
      %parallel_loop3A_619 = arith.andi %parallel_loop3A_560, %parallel_loop3A_618 : vector<16xi32>
      %parallel_loop3A_620 = tpu.bitcast %parallel_loop3A_616 : vector<16xf32> -> vector<16xi32>
      %parallel_loop3A_621 = arith.ori %parallel_loop3A_620, %parallel_loop3A_619 : vector<16xi32>
      %parallel_loop3A_622 = tpu.bitcast %parallel_loop3A_621 : vector<16xi32> -> vector<16xf32>
      %parallel_loop3A_623 = arith.index_cast %parallel_loop3A_552 : i32 to index
      %parallel_loop3A_624 = tpu.vector_load %arg11[%parallel_loop3A_623] {strides = array<i32>} : memref<8192xf32, #tpu.memory_space<vmem>>, vector<16xf32>,
      %parallel_loop3A_625 = vector.shape_cast %parallel_loop3A_624 : vector<16xf32> to vector<16xf32>
      %parallel_loop3A_626 = vector.shape_cast %parallel_loop3A_577 : vector<16xf32> to vector<16xf32>
      tpu.vector_store %arg11[%parallel_loop3A_623], %parallel_loop3A_626 {strides = array<i32>} : memref<8192xf32, #tpu.memory_space<vmem>>, vector<16xf32>,
      %parallel_loop3A_627 = arith.constant 16 : i32
      %parallel_loop3A_628 = arith.addi %parallel_loop3A_552, %parallel_loop3A_627 : i32
      %parallel_loop3A_629 = arith.index_cast %parallel_loop3A_628 : i32 to index
      %parallel_loop3A_630 = tpu.vector_load %arg11[%parallel_loop3A_629] {strides = array<i32>} : memref<8192xf32, #tpu.memory_space<vmem>>, vector<16xf32>,
      %parallel_loop3A_631 = vector.shape_cast %parallel_loop3A_630 : vector<16xf32> to vector<16xf32>
      %parallel_loop3A_632 = vector.shape_cast %parallel_loop3A_608 : vector<16xf32> to vector<16xf32>
      tpu.vector_store %arg11[%parallel_loop3A_629], %parallel_loop3A_632 {strides = array<i32>} : memref<8192xf32, #tpu.memory_space<vmem>>, vector<16xf32>,
      %parallel_loop3A_633 = arith.constant 32 : i32
      %parallel_loop3A_634 = arith.addi %parallel_loop3A_552, %parallel_loop3A_633 : i32
      %parallel_loop3A_635 = arith.index_cast %parallel_loop3A_634 : i32 to index
      %parallel_loop3A_636 = tpu.vector_load %arg11[%parallel_loop3A_635] {strides = array<i32>} : memref<8192xf32, #tpu.memory_space<vmem>>, vector<16xf32>,
      %parallel_loop3A_637 = vector.shape_cast %parallel_loop3A_636 : vector<16xf32> to vector<16xf32>
      %parallel_loop3A_638 = vector.shape_cast %parallel_loop3A_591 : vector<16xf32> to vector<16xf32>
      tpu.vector_store %arg11[%parallel_loop3A_635], %parallel_loop3A_638 {strides = array<i32>} : memref<8192xf32, #tpu.memory_space<vmem>>, vector<16xf32>,
      %parallel_loop3A_639 = arith.constant 48 : i32
      %parallel_loop3A_640 = arith.addi %parallel_loop3A_552, %parallel_loop3A_639 : i32
      %parallel_loop3A_641 = arith.index_cast %parallel_loop3A_640 : i32 to index
      %parallel_loop3A_642 = tpu.vector_load %arg11[%parallel_loop3A_641] {strides = array<i32>} : memref<8192xf32, #tpu.memory_space<vmem>>, vector<16xf32>,
      %parallel_loop3A_643 = vector.shape_cast %parallel_loop3A_642 : vector<16xf32> to vector<16xf32>
      %parallel_loop3A_644 = vector.shape_cast %parallel_loop3A_622 : vector<16xf32> to vector<16xf32>
      tpu.vector_store %arg11[%parallel_loop3A_641], %parallel_loop3A_644 {strides = array<i32>} : memref<8192xf32, #tpu.memory_space<vmem>>, vector<16xf32>,
    } {sc.loop_unroll_factor = 2 : i64, sc.parallel_access}
    %add3A_461 = arith.constant 21 : i32
    %add3A_462 = arith.addi %mul3A_2, %add3A_461 : i32
    %mul3A_463 = arith.constant 8192 : i32
    %mul3A_464 = arith.muli %add3A_462, %mul3A_463 : i32
    %dma_start3A_465 = tpu.memref_slice %arg5[%mul3A_464] : memref<6815744xf32, #tpu.memory_space<hbm>> -> memref<8192xf32, #tpu.memory_space<hbm>>
    %dma_start3A_466 = tpu.memref_slice %arg5[%mul3A_464] : memref<6815744xf32, #tpu.memory_space<hbm>> -> memref<8192xf32, #tpu.memory_space<hbm>>
    tpu.enqueue_dma source(%arg11 : memref<8192xf32, #tpu.memory_space<vmem>>) target(%dma_start3A_466 : memref<8192xf32, #tpu.memory_space<hbm>>) target_semaphore(%arg15 : memref<!tpu.dma_semaphore, #tpu.memory_space<semaphore_mem>>)
    %dma_start3A_467 = arith.constant 2944 : i32
    %dma_start3A_468 = tpu.memref_slice %arg6[%dma_start3A_467] : memref<3328xi32, #tpu.memory_space<vmem>> -> memref<128xi32, #tpu.memory_space<vmem>>
    %dma_start3A_469 = arith.constant 0 : i32
    %dma_start3A_470 = arith.constant 0 : i32
    %dma_start3A_471 = tpu.memref_slice %arg2[%dma_start3A_469, %dma_start3A_470] : memref<100000x32xi32, #tpu.memory_space<hbm>> -> memref<100000x32xi32, #tpu.memory_space<hbm>>
    tpu.enqueue_indirect_dma source(%dma_start3A_471 : memref<100000x32xi32, #tpu.memory_space<hbm>>) target(%arg9 : memref<128x32xi32, #tpu.memory_space<vmem>>) offsets(%dma_start3A_468 : memref<128xi32, #tpu.memory_space<vmem>>) semaphore(%arg13 : memref<!tpu.dma_semaphore, #tpu.memory_space<semaphore_mem>>)
    %dma_wait3A_472 = arith.constant 2816 : i32
    %dma_wait3A_473 = tpu.memref_slice %arg6[%dma_wait3A_472] : memref<3328xi32, #tpu.memory_space<vmem>> -> memref<128xi32, #tpu.memory_space<vmem>>
    %dma_wait3A_474 = arith.constant 0 : i32
    %dma_wait3A_475 = arith.constant 0 : i32
    %dma_wait3A_476 = tpu.memref_slice %arg2[%dma_wait3A_474, %dma_wait3A_475] : memref<100000x32xi32, #tpu.memory_space<hbm>> -> memref<100000x32xi32, #tpu.memory_space<hbm>>
    tpu.wait_indirect_dma semaphore(%arg12 : memref<!tpu.dma_semaphore, #tpu.memory_space<semaphore_mem>>) src(%dma_wait3A_476 : memref<100000x32xi32, #tpu.memory_space<hbm>>) dst(%arg8 : memref<128x32xi32, #tpu.memory_space<vmem>>)
    %dma_wait3A_477 = tpu.memref_slice %arg5[%mul3A_443] : memref<6815744xf32, #tpu.memory_space<hbm>> -> memref<8192xf32, #tpu.memory_space<hbm>>
    %dma_wait3A_478 = tpu.memref_slice %arg5[%mul3A_443] : memref<6815744xf32, #tpu.memory_space<hbm>> -> memref<8192xf32, #tpu.memory_space<hbm>>
    tpu.wait_dma2 semaphore(%arg14 : memref<!tpu.dma_semaphore, #tpu.memory_space<semaphore_mem>>) src(%arg10 : memref<8192xf32, #tpu.memory_space<vmem>>) dst(%dma_wait3A_478 : memref<8192xf32, #tpu.memory_space<hbm>>)
    %parallel_loop3A_479 = arith.constant 0 : i32
    %parallel_loop3A_480 = arith.constant 128 : i32
    %parallel_loop3A_481 = arith.constant 1 : i32
    scf.for %parallel_loop3A_550 = %parallel_loop3A_479 to %parallel_loop3A_480 step %parallel_loop3A_481  : i32 {
      %parallel_loop3A_551 = arith.constant 64 : i32
      %parallel_loop3A_552 = arith.muli %parallel_loop3A_550, %parallel_loop3A_551 : i32
      %parallel_loop3A_553 = arith.index_cast %parallel_loop3A_550 : i32 to index
      %parallel_loop3A_554 = arith.constant 0 : index
      %parallel_loop3A_555 = tpu.vector_load %arg8[%parallel_loop3A_553, %parallel_loop3A_554] {strides = array<i32>} : memref<128x32xi32, #tpu.memory_space<vmem>>, vector<1x16xi32>,
      %parallel_loop3A_556 = vector.shape_cast %parallel_loop3A_555 : vector<1x16xi32> to vector<16xi32>
      %parallel_loop3A_557 = arith.index_cast %parallel_loop3A_550 : i32 to index
      %parallel_loop3A_558 = arith.constant 16 : index
      %parallel_loop3A_559 = tpu.vector_load %arg8[%parallel_loop3A_557, %parallel_loop3A_558] {strides = array<i32>} : memref<128x32xi32, #tpu.memory_space<vmem>>, vector<1x16xi32>,
      %parallel_loop3A_560 = vector.shape_cast %parallel_loop3A_559 : vector<1x16xi32> to vector<16xi32>
      %parallel_loop3A_561 = arith.constant 32767 : i32
      %parallel_loop3A_562 = vector.broadcast %parallel_loop3A_561 : i32 to vector<16xi32>
      %parallel_loop3A_563 = arith.andi %parallel_loop3A_556, %parallel_loop3A_562 : vector<16xi32>
      %parallel_loop3A_564 = arith.constant 13 : i32
      %parallel_loop3A_565 = vector.broadcast %parallel_loop3A_564 : i32 to vector<16xi32>
      %parallel_loop3A_566 = arith.shli %parallel_loop3A_563, %parallel_loop3A_565 : vector<16xi32>
      %parallel_loop3A_567 = tpu.bitcast %parallel_loop3A_566 : vector<16xi32> -> vector<16xf32>
      %parallel_loop3A_568 = arith.mulf %parallel_loop3A_567, %get3A_6 : vector<16xf32>
      %parallel_loop3A_569 = arith.constant 16 : i32
      %parallel_loop3A_570 = vector.broadcast %parallel_loop3A_569 : i32 to vector<16xi32>
      %parallel_loop3A_571 = arith.shli %parallel_loop3A_556, %parallel_loop3A_570 : vector<16xi32>
      %parallel_loop3A_572 = arith.constant -2147483648 : i32
      %parallel_loop3A_573 = vector.broadcast %parallel_loop3A_572 : i32 to vector<16xi32>
      %parallel_loop3A_574 = arith.andi %parallel_loop3A_571, %parallel_loop3A_573 : vector<16xi32>
      %parallel_loop3A_575 = tpu.bitcast %parallel_loop3A_568 : vector<16xf32> -> vector<16xi32>
      %parallel_loop3A_576 = arith.ori %parallel_loop3A_575, %parallel_loop3A_574 : vector<16xi32>
      %parallel_loop3A_577 = tpu.bitcast %parallel_loop3A_576 : vector<16xi32> -> vector<16xf32>
      %parallel_loop3A_578 = arith.constant 2147418112 : i32
      %parallel_loop3A_579 = vector.broadcast %parallel_loop3A_578 : i32 to vector<16xi32>
      %parallel_loop3A_580 = arith.andi %parallel_loop3A_556, %parallel_loop3A_579 : vector<16xi32>
      %parallel_loop3A_581 = arith.constant 3 : i32
      %parallel_loop3A_582 = vector.broadcast %parallel_loop3A_581 : i32 to vector<16xi32>
      %parallel_loop3A_583 = arith.shrui %parallel_loop3A_580, %parallel_loop3A_582 : vector<16xi32>
      %parallel_loop3A_584 = tpu.bitcast %parallel_loop3A_583 : vector<16xi32> -> vector<16xf32>
      %parallel_loop3A_585 = arith.mulf %parallel_loop3A_584, %get3A_6 : vector<16xf32>
      %parallel_loop3A_586 = arith.constant -2147483648 : i32
      %parallel_loop3A_587 = vector.broadcast %parallel_loop3A_586 : i32 to vector<16xi32>
      %parallel_loop3A_588 = arith.andi %parallel_loop3A_556, %parallel_loop3A_587 : vector<16xi32>
      %parallel_loop3A_589 = tpu.bitcast %parallel_loop3A_585 : vector<16xf32> -> vector<16xi32>
      %parallel_loop3A_590 = arith.ori %parallel_loop3A_589, %parallel_loop3A_588 : vector<16xi32>
      %parallel_loop3A_591 = tpu.bitcast %parallel_loop3A_590 : vector<16xi32> -> vector<16xf32>
      %parallel_loop3A_592 = arith.constant 32767 : i32
      %parallel_loop3A_593 = vector.broadcast %parallel_loop3A_592 : i32 to vector<16xi32>
      %parallel_loop3A_594 = arith.andi %parallel_loop3A_560, %parallel_loop3A_593 : vector<16xi32>
      %parallel_loop3A_595 = arith.constant 13 : i32
      %parallel_loop3A_596 = vector.broadcast %parallel_loop3A_595 : i32 to vector<16xi32>
      %parallel_loop3A_597 = arith.shli %parallel_loop3A_594, %parallel_loop3A_596 : vector<16xi32>
      %parallel_loop3A_598 = tpu.bitcast %parallel_loop3A_597 : vector<16xi32> -> vector<16xf32>
      %parallel_loop3A_599 = arith.mulf %parallel_loop3A_598, %get3A_6 : vector<16xf32>
      %parallel_loop3A_600 = arith.constant 16 : i32
      %parallel_loop3A_601 = vector.broadcast %parallel_loop3A_600 : i32 to vector<16xi32>
      %parallel_loop3A_602 = arith.shli %parallel_loop3A_560, %parallel_loop3A_601 : vector<16xi32>
      %parallel_loop3A_603 = arith.constant -2147483648 : i32
      %parallel_loop3A_604 = vector.broadcast %parallel_loop3A_603 : i32 to vector<16xi32>
      %parallel_loop3A_605 = arith.andi %parallel_loop3A_602, %parallel_loop3A_604 : vector<16xi32>
      %parallel_loop3A_606 = tpu.bitcast %parallel_loop3A_599 : vector<16xf32> -> vector<16xi32>
      %parallel_loop3A_607 = arith.ori %parallel_loop3A_606, %parallel_loop3A_605 : vector<16xi32>
      %parallel_loop3A_608 = tpu.bitcast %parallel_loop3A_607 : vector<16xi32> -> vector<16xf32>
      %parallel_loop3A_609 = arith.constant 2147418112 : i32
      %parallel_loop3A_610 = vector.broadcast %parallel_loop3A_609 : i32 to vector<16xi32>
      %parallel_loop3A_611 = arith.andi %parallel_loop3A_560, %parallel_loop3A_610 : vector<16xi32>
      %parallel_loop3A_612 = arith.constant 3 : i32
      %parallel_loop3A_613 = vector.broadcast %parallel_loop3A_612 : i32 to vector<16xi32>
      %parallel_loop3A_614 = arith.shrui %parallel_loop3A_611, %parallel_loop3A_613 : vector<16xi32>
      %parallel_loop3A_615 = tpu.bitcast %parallel_loop3A_614 : vector<16xi32> -> vector<16xf32>
      %parallel_loop3A_616 = arith.mulf %parallel_loop3A_615, %get3A_6 : vector<16xf32>
      %parallel_loop3A_617 = arith.constant -2147483648 : i32
      %parallel_loop3A_618 = vector.broadcast %parallel_loop3A_617 : i32 to vector<16xi32>
      %parallel_loop3A_619 = arith.andi %parallel_loop3A_560, %parallel_loop3A_618 : vector<16xi32>
      %parallel_loop3A_620 = tpu.bitcast %parallel_loop3A_616 : vector<16xf32> -> vector<16xi32>
      %parallel_loop3A_621 = arith.ori %parallel_loop3A_620, %parallel_loop3A_619 : vector<16xi32>
      %parallel_loop3A_622 = tpu.bitcast %parallel_loop3A_621 : vector<16xi32> -> vector<16xf32>
      %parallel_loop3A_623 = arith.index_cast %parallel_loop3A_552 : i32 to index
      %parallel_loop3A_624 = tpu.vector_load %arg10[%parallel_loop3A_623] {strides = array<i32>} : memref<8192xf32, #tpu.memory_space<vmem>>, vector<16xf32>,
      %parallel_loop3A_625 = vector.shape_cast %parallel_loop3A_624 : vector<16xf32> to vector<16xf32>
      %parallel_loop3A_626 = vector.shape_cast %parallel_loop3A_577 : vector<16xf32> to vector<16xf32>
      tpu.vector_store %arg10[%parallel_loop3A_623], %parallel_loop3A_626 {strides = array<i32>} : memref<8192xf32, #tpu.memory_space<vmem>>, vector<16xf32>,
      %parallel_loop3A_627 = arith.constant 16 : i32
      %parallel_loop3A_628 = arith.addi %parallel_loop3A_552, %parallel_loop3A_627 : i32
      %parallel_loop3A_629 = arith.index_cast %parallel_loop3A_628 : i32 to index
      %parallel_loop3A_630 = tpu.vector_load %arg10[%parallel_loop3A_629] {strides = array<i32>} : memref<8192xf32, #tpu.memory_space<vmem>>, vector<16xf32>,
      %parallel_loop3A_631 = vector.shape_cast %parallel_loop3A_630 : vector<16xf32> to vector<16xf32>
      %parallel_loop3A_632 = vector.shape_cast %parallel_loop3A_608 : vector<16xf32> to vector<16xf32>
      tpu.vector_store %arg10[%parallel_loop3A_629], %parallel_loop3A_632 {strides = array<i32>} : memref<8192xf32, #tpu.memory_space<vmem>>, vector<16xf32>,
      %parallel_loop3A_633 = arith.constant 32 : i32
      %parallel_loop3A_634 = arith.addi %parallel_loop3A_552, %parallel_loop3A_633 : i32
      %parallel_loop3A_635 = arith.index_cast %parallel_loop3A_634 : i32 to index
      %parallel_loop3A_636 = tpu.vector_load %arg10[%parallel_loop3A_635] {strides = array<i32>} : memref<8192xf32, #tpu.memory_space<vmem>>, vector<16xf32>,
      %parallel_loop3A_637 = vector.shape_cast %parallel_loop3A_636 : vector<16xf32> to vector<16xf32>
      %parallel_loop3A_638 = vector.shape_cast %parallel_loop3A_591 : vector<16xf32> to vector<16xf32>
      tpu.vector_store %arg10[%parallel_loop3A_635], %parallel_loop3A_638 {strides = array<i32>} : memref<8192xf32, #tpu.memory_space<vmem>>, vector<16xf32>,
      %parallel_loop3A_639 = arith.constant 48 : i32
      %parallel_loop3A_640 = arith.addi %parallel_loop3A_552, %parallel_loop3A_639 : i32
      %parallel_loop3A_641 = arith.index_cast %parallel_loop3A_640 : i32 to index
      %parallel_loop3A_642 = tpu.vector_load %arg10[%parallel_loop3A_641] {strides = array<i32>} : memref<8192xf32, #tpu.memory_space<vmem>>, vector<16xf32>,
      %parallel_loop3A_643 = vector.shape_cast %parallel_loop3A_642 : vector<16xf32> to vector<16xf32>
      %parallel_loop3A_644 = vector.shape_cast %parallel_loop3A_622 : vector<16xf32> to vector<16xf32>
      tpu.vector_store %arg10[%parallel_loop3A_641], %parallel_loop3A_644 {strides = array<i32>} : memref<8192xf32, #tpu.memory_space<vmem>>, vector<16xf32>,
    } {sc.loop_unroll_factor = 2 : i64, sc.parallel_access}
    %add3A_482 = arith.constant 22 : i32
    %add3A_483 = arith.addi %mul3A_2, %add3A_482 : i32
    %mul3A_484 = arith.constant 8192 : i32
    %mul3A_485 = arith.muli %add3A_483, %mul3A_484 : i32
    %dma_start3A_486 = tpu.memref_slice %arg5[%mul3A_485] : memref<6815744xf32, #tpu.memory_space<hbm>> -> memref<8192xf32, #tpu.memory_space<hbm>>
    %dma_start3A_487 = tpu.memref_slice %arg5[%mul3A_485] : memref<6815744xf32, #tpu.memory_space<hbm>> -> memref<8192xf32, #tpu.memory_space<hbm>>
    tpu.enqueue_dma source(%arg10 : memref<8192xf32, #tpu.memory_space<vmem>>) target(%dma_start3A_487 : memref<8192xf32, #tpu.memory_space<hbm>>) target_semaphore(%arg14 : memref<!tpu.dma_semaphore, #tpu.memory_space<semaphore_mem>>)
    %dma_start3A_488 = arith.constant 3072 : i32
    %dma_start3A_489 = tpu.memref_slice %arg6[%dma_start3A_488] : memref<3328xi32, #tpu.memory_space<vmem>> -> memref<128xi32, #tpu.memory_space<vmem>>
    %dma_start3A_490 = arith.constant 0 : i32
    %dma_start3A_491 = arith.constant 0 : i32
    %dma_start3A_492 = tpu.memref_slice %arg2[%dma_start3A_490, %dma_start3A_491] : memref<100000x32xi32, #tpu.memory_space<hbm>> -> memref<100000x32xi32, #tpu.memory_space<hbm>>
    tpu.enqueue_indirect_dma source(%dma_start3A_492 : memref<100000x32xi32, #tpu.memory_space<hbm>>) target(%arg8 : memref<128x32xi32, #tpu.memory_space<vmem>>) offsets(%dma_start3A_489 : memref<128xi32, #tpu.memory_space<vmem>>) semaphore(%arg12 : memref<!tpu.dma_semaphore, #tpu.memory_space<semaphore_mem>>)
    %dma_wait3A_493 = arith.constant 2944 : i32
    %dma_wait3A_494 = tpu.memref_slice %arg6[%dma_wait3A_493] : memref<3328xi32, #tpu.memory_space<vmem>> -> memref<128xi32, #tpu.memory_space<vmem>>
    %dma_wait3A_495 = arith.constant 0 : i32
    %dma_wait3A_496 = arith.constant 0 : i32
    %dma_wait3A_497 = tpu.memref_slice %arg2[%dma_wait3A_495, %dma_wait3A_496] : memref<100000x32xi32, #tpu.memory_space<hbm>> -> memref<100000x32xi32, #tpu.memory_space<hbm>>
    tpu.wait_indirect_dma semaphore(%arg13 : memref<!tpu.dma_semaphore, #tpu.memory_space<semaphore_mem>>) src(%dma_wait3A_497 : memref<100000x32xi32, #tpu.memory_space<hbm>>) dst(%arg9 : memref<128x32xi32, #tpu.memory_space<vmem>>)
    %dma_wait3A_498 = tpu.memref_slice %arg5[%mul3A_464] : memref<6815744xf32, #tpu.memory_space<hbm>> -> memref<8192xf32, #tpu.memory_space<hbm>>
    %dma_wait3A_499 = tpu.memref_slice %arg5[%mul3A_464] : memref<6815744xf32, #tpu.memory_space<hbm>> -> memref<8192xf32, #tpu.memory_space<hbm>>
    tpu.wait_dma2 semaphore(%arg15 : memref<!tpu.dma_semaphore, #tpu.memory_space<semaphore_mem>>) src(%arg11 : memref<8192xf32, #tpu.memory_space<vmem>>) dst(%dma_wait3A_499 : memref<8192xf32, #tpu.memory_space<hbm>>)
    %parallel_loop3A_500 = arith.constant 0 : i32
    %parallel_loop3A_501 = arith.constant 128 : i32
    %parallel_loop3A_502 = arith.constant 1 : i32
    scf.for %parallel_loop3A_550 = %parallel_loop3A_500 to %parallel_loop3A_501 step %parallel_loop3A_502  : i32 {
      %parallel_loop3A_551 = arith.constant 64 : i32
      %parallel_loop3A_552 = arith.muli %parallel_loop3A_550, %parallel_loop3A_551 : i32
      %parallel_loop3A_553 = arith.index_cast %parallel_loop3A_550 : i32 to index
      %parallel_loop3A_554 = arith.constant 0 : index
      %parallel_loop3A_555 = tpu.vector_load %arg9[%parallel_loop3A_553, %parallel_loop3A_554] {strides = array<i32>} : memref<128x32xi32, #tpu.memory_space<vmem>>, vector<1x16xi32>,
      %parallel_loop3A_556 = vector.shape_cast %parallel_loop3A_555 : vector<1x16xi32> to vector<16xi32>
      %parallel_loop3A_557 = arith.index_cast %parallel_loop3A_550 : i32 to index
      %parallel_loop3A_558 = arith.constant 16 : index
      %parallel_loop3A_559 = tpu.vector_load %arg9[%parallel_loop3A_557, %parallel_loop3A_558] {strides = array<i32>} : memref<128x32xi32, #tpu.memory_space<vmem>>, vector<1x16xi32>,
      %parallel_loop3A_560 = vector.shape_cast %parallel_loop3A_559 : vector<1x16xi32> to vector<16xi32>
      %parallel_loop3A_561 = arith.constant 32767 : i32
      %parallel_loop3A_562 = vector.broadcast %parallel_loop3A_561 : i32 to vector<16xi32>
      %parallel_loop3A_563 = arith.andi %parallel_loop3A_556, %parallel_loop3A_562 : vector<16xi32>
      %parallel_loop3A_564 = arith.constant 13 : i32
      %parallel_loop3A_565 = vector.broadcast %parallel_loop3A_564 : i32 to vector<16xi32>
      %parallel_loop3A_566 = arith.shli %parallel_loop3A_563, %parallel_loop3A_565 : vector<16xi32>
      %parallel_loop3A_567 = tpu.bitcast %parallel_loop3A_566 : vector<16xi32> -> vector<16xf32>
      %parallel_loop3A_568 = arith.mulf %parallel_loop3A_567, %get3A_6 : vector<16xf32>
      %parallel_loop3A_569 = arith.constant 16 : i32
      %parallel_loop3A_570 = vector.broadcast %parallel_loop3A_569 : i32 to vector<16xi32>
      %parallel_loop3A_571 = arith.shli %parallel_loop3A_556, %parallel_loop3A_570 : vector<16xi32>
      %parallel_loop3A_572 = arith.constant -2147483648 : i32
      %parallel_loop3A_573 = vector.broadcast %parallel_loop3A_572 : i32 to vector<16xi32>
      %parallel_loop3A_574 = arith.andi %parallel_loop3A_571, %parallel_loop3A_573 : vector<16xi32>
      %parallel_loop3A_575 = tpu.bitcast %parallel_loop3A_568 : vector<16xf32> -> vector<16xi32>
      %parallel_loop3A_576 = arith.ori %parallel_loop3A_575, %parallel_loop3A_574 : vector<16xi32>
      %parallel_loop3A_577 = tpu.bitcast %parallel_loop3A_576 : vector<16xi32> -> vector<16xf32>
      %parallel_loop3A_578 = arith.constant 2147418112 : i32
      %parallel_loop3A_579 = vector.broadcast %parallel_loop3A_578 : i32 to vector<16xi32>
      %parallel_loop3A_580 = arith.andi %parallel_loop3A_556, %parallel_loop3A_579 : vector<16xi32>
      %parallel_loop3A_581 = arith.constant 3 : i32
      %parallel_loop3A_582 = vector.broadcast %parallel_loop3A_581 : i32 to vector<16xi32>
      %parallel_loop3A_583 = arith.shrui %parallel_loop3A_580, %parallel_loop3A_582 : vector<16xi32>
      %parallel_loop3A_584 = tpu.bitcast %parallel_loop3A_583 : vector<16xi32> -> vector<16xf32>
      %parallel_loop3A_585 = arith.mulf %parallel_loop3A_584, %get3A_6 : vector<16xf32>
      %parallel_loop3A_586 = arith.constant -2147483648 : i32
      %parallel_loop3A_587 = vector.broadcast %parallel_loop3A_586 : i32 to vector<16xi32>
      %parallel_loop3A_588 = arith.andi %parallel_loop3A_556, %parallel_loop3A_587 : vector<16xi32>
      %parallel_loop3A_589 = tpu.bitcast %parallel_loop3A_585 : vector<16xf32> -> vector<16xi32>
      %parallel_loop3A_590 = arith.ori %parallel_loop3A_589, %parallel_loop3A_588 : vector<16xi32>
      %parallel_loop3A_591 = tpu.bitcast %parallel_loop3A_590 : vector<16xi32> -> vector<16xf32>
      %parallel_loop3A_592 = arith.constant 32767 : i32
      %parallel_loop3A_593 = vector.broadcast %parallel_loop3A_592 : i32 to vector<16xi32>
      %parallel_loop3A_594 = arith.andi %parallel_loop3A_560, %parallel_loop3A_593 : vector<16xi32>
      %parallel_loop3A_595 = arith.constant 13 : i32
      %parallel_loop3A_596 = vector.broadcast %parallel_loop3A_595 : i32 to vector<16xi32>
      %parallel_loop3A_597 = arith.shli %parallel_loop3A_594, %parallel_loop3A_596 : vector<16xi32>
      %parallel_loop3A_598 = tpu.bitcast %parallel_loop3A_597 : vector<16xi32> -> vector<16xf32>
      %parallel_loop3A_599 = arith.mulf %parallel_loop3A_598, %get3A_6 : vector<16xf32>
      %parallel_loop3A_600 = arith.constant 16 : i32
      %parallel_loop3A_601 = vector.broadcast %parallel_loop3A_600 : i32 to vector<16xi32>
      %parallel_loop3A_602 = arith.shli %parallel_loop3A_560, %parallel_loop3A_601 : vector<16xi32>
      %parallel_loop3A_603 = arith.constant -2147483648 : i32
      %parallel_loop3A_604 = vector.broadcast %parallel_loop3A_603 : i32 to vector<16xi32>
      %parallel_loop3A_605 = arith.andi %parallel_loop3A_602, %parallel_loop3A_604 : vector<16xi32>
      %parallel_loop3A_606 = tpu.bitcast %parallel_loop3A_599 : vector<16xf32> -> vector<16xi32>
      %parallel_loop3A_607 = arith.ori %parallel_loop3A_606, %parallel_loop3A_605 : vector<16xi32>
      %parallel_loop3A_608 = tpu.bitcast %parallel_loop3A_607 : vector<16xi32> -> vector<16xf32>
      %parallel_loop3A_609 = arith.constant 2147418112 : i32
      %parallel_loop3A_610 = vector.broadcast %parallel_loop3A_609 : i32 to vector<16xi32>
      %parallel_loop3A_611 = arith.andi %parallel_loop3A_560, %parallel_loop3A_610 : vector<16xi32>
      %parallel_loop3A_612 = arith.constant 3 : i32
      %parallel_loop3A_613 = vector.broadcast %parallel_loop3A_612 : i32 to vector<16xi32>
      %parallel_loop3A_614 = arith.shrui %parallel_loop3A_611, %parallel_loop3A_613 : vector<16xi32>
      %parallel_loop3A_615 = tpu.bitcast %parallel_loop3A_614 : vector<16xi32> -> vector<16xf32>
      %parallel_loop3A_616 = arith.mulf %parallel_loop3A_615, %get3A_6 : vector<16xf32>
      %parallel_loop3A_617 = arith.constant -2147483648 : i32
      %parallel_loop3A_618 = vector.broadcast %parallel_loop3A_617 : i32 to vector<16xi32>
      %parallel_loop3A_619 = arith.andi %parallel_loop3A_560, %parallel_loop3A_618 : vector<16xi32>
      %parallel_loop3A_620 = tpu.bitcast %parallel_loop3A_616 : vector<16xf32> -> vector<16xi32>
      %parallel_loop3A_621 = arith.ori %parallel_loop3A_620, %parallel_loop3A_619 : vector<16xi32>
      %parallel_loop3A_622 = tpu.bitcast %parallel_loop3A_621 : vector<16xi32> -> vector<16xf32>
      %parallel_loop3A_623 = arith.index_cast %parallel_loop3A_552 : i32 to index
      %parallel_loop3A_624 = tpu.vector_load %arg11[%parallel_loop3A_623] {strides = array<i32>} : memref<8192xf32, #tpu.memory_space<vmem>>, vector<16xf32>,
      %parallel_loop3A_625 = vector.shape_cast %parallel_loop3A_624 : vector<16xf32> to vector<16xf32>
      %parallel_loop3A_626 = vector.shape_cast %parallel_loop3A_577 : vector<16xf32> to vector<16xf32>
      tpu.vector_store %arg11[%parallel_loop3A_623], %parallel_loop3A_626 {strides = array<i32>} : memref<8192xf32, #tpu.memory_space<vmem>>, vector<16xf32>,
      %parallel_loop3A_627 = arith.constant 16 : i32
      %parallel_loop3A_628 = arith.addi %parallel_loop3A_552, %parallel_loop3A_627 : i32
      %parallel_loop3A_629 = arith.index_cast %parallel_loop3A_628 : i32 to index
      %parallel_loop3A_630 = tpu.vector_load %arg11[%parallel_loop3A_629] {strides = array<i32>} : memref<8192xf32, #tpu.memory_space<vmem>>, vector<16xf32>,
      %parallel_loop3A_631 = vector.shape_cast %parallel_loop3A_630 : vector<16xf32> to vector<16xf32>
      %parallel_loop3A_632 = vector.shape_cast %parallel_loop3A_608 : vector<16xf32> to vector<16xf32>
      tpu.vector_store %arg11[%parallel_loop3A_629], %parallel_loop3A_632 {strides = array<i32>} : memref<8192xf32, #tpu.memory_space<vmem>>, vector<16xf32>,
      %parallel_loop3A_633 = arith.constant 32 : i32
      %parallel_loop3A_634 = arith.addi %parallel_loop3A_552, %parallel_loop3A_633 : i32
      %parallel_loop3A_635 = arith.index_cast %parallel_loop3A_634 : i32 to index
      %parallel_loop3A_636 = tpu.vector_load %arg11[%parallel_loop3A_635] {strides = array<i32>} : memref<8192xf32, #tpu.memory_space<vmem>>, vector<16xf32>,
      %parallel_loop3A_637 = vector.shape_cast %parallel_loop3A_636 : vector<16xf32> to vector<16xf32>
      %parallel_loop3A_638 = vector.shape_cast %parallel_loop3A_591 : vector<16xf32> to vector<16xf32>
      tpu.vector_store %arg11[%parallel_loop3A_635], %parallel_loop3A_638 {strides = array<i32>} : memref<8192xf32, #tpu.memory_space<vmem>>, vector<16xf32>,
      %parallel_loop3A_639 = arith.constant 48 : i32
      %parallel_loop3A_640 = arith.addi %parallel_loop3A_552, %parallel_loop3A_639 : i32
      %parallel_loop3A_641 = arith.index_cast %parallel_loop3A_640 : i32 to index
      %parallel_loop3A_642 = tpu.vector_load %arg11[%parallel_loop3A_641] {strides = array<i32>} : memref<8192xf32, #tpu.memory_space<vmem>>, vector<16xf32>,
      %parallel_loop3A_643 = vector.shape_cast %parallel_loop3A_642 : vector<16xf32> to vector<16xf32>
      %parallel_loop3A_644 = vector.shape_cast %parallel_loop3A_622 : vector<16xf32> to vector<16xf32>
      tpu.vector_store %arg11[%parallel_loop3A_641], %parallel_loop3A_644 {strides = array<i32>} : memref<8192xf32, #tpu.memory_space<vmem>>, vector<16xf32>,
    } {sc.loop_unroll_factor = 2 : i64, sc.parallel_access}
    %add3A_503 = arith.constant 23 : i32
    %add3A_504 = arith.addi %mul3A_2, %add3A_503 : i32
    %mul3A_505 = arith.constant 8192 : i32
    %mul3A_506 = arith.muli %add3A_504, %mul3A_505 : i32
    %dma_start3A_507 = tpu.memref_slice %arg5[%mul3A_506] : memref<6815744xf32, #tpu.memory_space<hbm>> -> memref<8192xf32, #tpu.memory_space<hbm>>
    %dma_start3A_508 = tpu.memref_slice %arg5[%mul3A_506] : memref<6815744xf32, #tpu.memory_space<hbm>> -> memref<8192xf32, #tpu.memory_space<hbm>>
    tpu.enqueue_dma source(%arg11 : memref<8192xf32, #tpu.memory_space<vmem>>) target(%dma_start3A_508 : memref<8192xf32, #tpu.memory_space<hbm>>) target_semaphore(%arg15 : memref<!tpu.dma_semaphore, #tpu.memory_space<semaphore_mem>>)
    %dma_start3A_509 = arith.constant 3200 : i32
    %dma_start3A_510 = tpu.memref_slice %arg6[%dma_start3A_509] : memref<3328xi32, #tpu.memory_space<vmem>> -> memref<128xi32, #tpu.memory_space<vmem>>
    %dma_start3A_511 = arith.constant 0 : i32
    %dma_start3A_512 = arith.constant 0 : i32
    %dma_start3A_513 = tpu.memref_slice %arg2[%dma_start3A_511, %dma_start3A_512] : memref<100000x32xi32, #tpu.memory_space<hbm>> -> memref<100000x32xi32, #tpu.memory_space<hbm>>
    tpu.enqueue_indirect_dma source(%dma_start3A_513 : memref<100000x32xi32, #tpu.memory_space<hbm>>) target(%arg9 : memref<128x32xi32, #tpu.memory_space<vmem>>) offsets(%dma_start3A_510 : memref<128xi32, #tpu.memory_space<vmem>>) semaphore(%arg13 : memref<!tpu.dma_semaphore, #tpu.memory_space<semaphore_mem>>)
    %dma_wait3A_514 = arith.constant 3072 : i32
    %dma_wait3A_515 = tpu.memref_slice %arg6[%dma_wait3A_514] : memref<3328xi32, #tpu.memory_space<vmem>> -> memref<128xi32, #tpu.memory_space<vmem>>
    %dma_wait3A_516 = arith.constant 0 : i32
    %dma_wait3A_517 = arith.constant 0 : i32
    %dma_wait3A_518 = tpu.memref_slice %arg2[%dma_wait3A_516, %dma_wait3A_517] : memref<100000x32xi32, #tpu.memory_space<hbm>> -> memref<100000x32xi32, #tpu.memory_space<hbm>>
    tpu.wait_indirect_dma semaphore(%arg12 : memref<!tpu.dma_semaphore, #tpu.memory_space<semaphore_mem>>) src(%dma_wait3A_518 : memref<100000x32xi32, #tpu.memory_space<hbm>>) dst(%arg8 : memref<128x32xi32, #tpu.memory_space<vmem>>)
    %dma_wait3A_519 = tpu.memref_slice %arg5[%mul3A_485] : memref<6815744xf32, #tpu.memory_space<hbm>> -> memref<8192xf32, #tpu.memory_space<hbm>>
    %dma_wait3A_520 = tpu.memref_slice %arg5[%mul3A_485] : memref<6815744xf32, #tpu.memory_space<hbm>> -> memref<8192xf32, #tpu.memory_space<hbm>>
    tpu.wait_dma2 semaphore(%arg14 : memref<!tpu.dma_semaphore, #tpu.memory_space<semaphore_mem>>) src(%arg10 : memref<8192xf32, #tpu.memory_space<vmem>>) dst(%dma_wait3A_520 : memref<8192xf32, #tpu.memory_space<hbm>>)
    %parallel_loop3A_521 = arith.constant 0 : i32
    %parallel_loop3A_522 = arith.constant 128 : i32
    %parallel_loop3A_523 = arith.constant 1 : i32
    scf.for %parallel_loop3A_550 = %parallel_loop3A_521 to %parallel_loop3A_522 step %parallel_loop3A_523  : i32 {
      %parallel_loop3A_551 = arith.constant 64 : i32
      %parallel_loop3A_552 = arith.muli %parallel_loop3A_550, %parallel_loop3A_551 : i32
      %parallel_loop3A_553 = arith.index_cast %parallel_loop3A_550 : i32 to index
      %parallel_loop3A_554 = arith.constant 0 : index
      %parallel_loop3A_555 = tpu.vector_load %arg8[%parallel_loop3A_553, %parallel_loop3A_554] {strides = array<i32>} : memref<128x32xi32, #tpu.memory_space<vmem>>, vector<1x16xi32>,
      %parallel_loop3A_556 = vector.shape_cast %parallel_loop3A_555 : vector<1x16xi32> to vector<16xi32>
      %parallel_loop3A_557 = arith.index_cast %parallel_loop3A_550 : i32 to index
      %parallel_loop3A_558 = arith.constant 16 : index
      %parallel_loop3A_559 = tpu.vector_load %arg8[%parallel_loop3A_557, %parallel_loop3A_558] {strides = array<i32>} : memref<128x32xi32, #tpu.memory_space<vmem>>, vector<1x16xi32>,
      %parallel_loop3A_560 = vector.shape_cast %parallel_loop3A_559 : vector<1x16xi32> to vector<16xi32>
      %parallel_loop3A_561 = arith.constant 32767 : i32
      %parallel_loop3A_562 = vector.broadcast %parallel_loop3A_561 : i32 to vector<16xi32>
      %parallel_loop3A_563 = arith.andi %parallel_loop3A_556, %parallel_loop3A_562 : vector<16xi32>
      %parallel_loop3A_564 = arith.constant 13 : i32
      %parallel_loop3A_565 = vector.broadcast %parallel_loop3A_564 : i32 to vector<16xi32>
      %parallel_loop3A_566 = arith.shli %parallel_loop3A_563, %parallel_loop3A_565 : vector<16xi32>
      %parallel_loop3A_567 = tpu.bitcast %parallel_loop3A_566 : vector<16xi32> -> vector<16xf32>
      %parallel_loop3A_568 = arith.mulf %parallel_loop3A_567, %get3A_6 : vector<16xf32>
      %parallel_loop3A_569 = arith.constant 16 : i32
      %parallel_loop3A_570 = vector.broadcast %parallel_loop3A_569 : i32 to vector<16xi32>
      %parallel_loop3A_571 = arith.shli %parallel_loop3A_556, %parallel_loop3A_570 : vector<16xi32>
      %parallel_loop3A_572 = arith.constant -2147483648 : i32
      %parallel_loop3A_573 = vector.broadcast %parallel_loop3A_572 : i32 to vector<16xi32>
      %parallel_loop3A_574 = arith.andi %parallel_loop3A_571, %parallel_loop3A_573 : vector<16xi32>
      %parallel_loop3A_575 = tpu.bitcast %parallel_loop3A_568 : vector<16xf32> -> vector<16xi32>
      %parallel_loop3A_576 = arith.ori %parallel_loop3A_575, %parallel_loop3A_574 : vector<16xi32>
      %parallel_loop3A_577 = tpu.bitcast %parallel_loop3A_576 : vector<16xi32> -> vector<16xf32>
      %parallel_loop3A_578 = arith.constant 2147418112 : i32
      %parallel_loop3A_579 = vector.broadcast %parallel_loop3A_578 : i32 to vector<16xi32>
      %parallel_loop3A_580 = arith.andi %parallel_loop3A_556, %parallel_loop3A_579 : vector<16xi32>
      %parallel_loop3A_581 = arith.constant 3 : i32
      %parallel_loop3A_582 = vector.broadcast %parallel_loop3A_581 : i32 to vector<16xi32>
      %parallel_loop3A_583 = arith.shrui %parallel_loop3A_580, %parallel_loop3A_582 : vector<16xi32>
      %parallel_loop3A_584 = tpu.bitcast %parallel_loop3A_583 : vector<16xi32> -> vector<16xf32>
      %parallel_loop3A_585 = arith.mulf %parallel_loop3A_584, %get3A_6 : vector<16xf32>
      %parallel_loop3A_586 = arith.constant -2147483648 : i32
      %parallel_loop3A_587 = vector.broadcast %parallel_loop3A_586 : i32 to vector<16xi32>
      %parallel_loop3A_588 = arith.andi %parallel_loop3A_556, %parallel_loop3A_587 : vector<16xi32>
      %parallel_loop3A_589 = tpu.bitcast %parallel_loop3A_585 : vector<16xf32> -> vector<16xi32>
      %parallel_loop3A_590 = arith.ori %parallel_loop3A_589, %parallel_loop3A_588 : vector<16xi32>
      %parallel_loop3A_591 = tpu.bitcast %parallel_loop3A_590 : vector<16xi32> -> vector<16xf32>
      %parallel_loop3A_592 = arith.constant 32767 : i32
      %parallel_loop3A_593 = vector.broadcast %parallel_loop3A_592 : i32 to vector<16xi32>
      %parallel_loop3A_594 = arith.andi %parallel_loop3A_560, %parallel_loop3A_593 : vector<16xi32>
      %parallel_loop3A_595 = arith.constant 13 : i32
      %parallel_loop3A_596 = vector.broadcast %parallel_loop3A_595 : i32 to vector<16xi32>
      %parallel_loop3A_597 = arith.shli %parallel_loop3A_594, %parallel_loop3A_596 : vector<16xi32>
      %parallel_loop3A_598 = tpu.bitcast %parallel_loop3A_597 : vector<16xi32> -> vector<16xf32>
      %parallel_loop3A_599 = arith.mulf %parallel_loop3A_598, %get3A_6 : vector<16xf32>
      %parallel_loop3A_600 = arith.constant 16 : i32
      %parallel_loop3A_601 = vector.broadcast %parallel_loop3A_600 : i32 to vector<16xi32>
      %parallel_loop3A_602 = arith.shli %parallel_loop3A_560, %parallel_loop3A_601 : vector<16xi32>
      %parallel_loop3A_603 = arith.constant -2147483648 : i32
      %parallel_loop3A_604 = vector.broadcast %parallel_loop3A_603 : i32 to vector<16xi32>
      %parallel_loop3A_605 = arith.andi %parallel_loop3A_602, %parallel_loop3A_604 : vector<16xi32>
      %parallel_loop3A_606 = tpu.bitcast %parallel_loop3A_599 : vector<16xf32> -> vector<16xi32>
      %parallel_loop3A_607 = arith.ori %parallel_loop3A_606, %parallel_loop3A_605 : vector<16xi32>
      %parallel_loop3A_608 = tpu.bitcast %parallel_loop3A_607 : vector<16xi32> -> vector<16xf32>
      %parallel_loop3A_609 = arith.constant 2147418112 : i32
      %parallel_loop3A_610 = vector.broadcast %parallel_loop3A_609 : i32 to vector<16xi32>
      %parallel_loop3A_611 = arith.andi %parallel_loop3A_560, %parallel_loop3A_610 : vector<16xi32>
      %parallel_loop3A_612 = arith.constant 3 : i32
      %parallel_loop3A_613 = vector.broadcast %parallel_loop3A_612 : i32 to vector<16xi32>
      %parallel_loop3A_614 = arith.shrui %parallel_loop3A_611, %parallel_loop3A_613 : vector<16xi32>
      %parallel_loop3A_615 = tpu.bitcast %parallel_loop3A_614 : vector<16xi32> -> vector<16xf32>
      %parallel_loop3A_616 = arith.mulf %parallel_loop3A_615, %get3A_6 : vector<16xf32>
      %parallel_loop3A_617 = arith.constant -2147483648 : i32
      %parallel_loop3A_618 = vector.broadcast %parallel_loop3A_617 : i32 to vector<16xi32>
      %parallel_loop3A_619 = arith.andi %parallel_loop3A_560, %parallel_loop3A_618 : vector<16xi32>
      %parallel_loop3A_620 = tpu.bitcast %parallel_loop3A_616 : vector<16xf32> -> vector<16xi32>
      %parallel_loop3A_621 = arith.ori %parallel_loop3A_620, %parallel_loop3A_619 : vector<16xi32>
      %parallel_loop3A_622 = tpu.bitcast %parallel_loop3A_621 : vector<16xi32> -> vector<16xf32>
      %parallel_loop3A_623 = arith.index_cast %parallel_loop3A_552 : i32 to index
      %parallel_loop3A_624 = tpu.vector_load %arg10[%parallel_loop3A_623] {strides = array<i32>} : memref<8192xf32, #tpu.memory_space<vmem>>, vector<16xf32>,
      %parallel_loop3A_625 = vector.shape_cast %parallel_loop3A_624 : vector<16xf32> to vector<16xf32>
      %parallel_loop3A_626 = vector.shape_cast %parallel_loop3A_577 : vector<16xf32> to vector<16xf32>
      tpu.vector_store %arg10[%parallel_loop3A_623], %parallel_loop3A_626 {strides = array<i32>} : memref<8192xf32, #tpu.memory_space<vmem>>, vector<16xf32>,
      %parallel_loop3A_627 = arith.constant 16 : i32
      %parallel_loop3A_628 = arith.addi %parallel_loop3A_552, %parallel_loop3A_627 : i32
      %parallel_loop3A_629 = arith.index_cast %parallel_loop3A_628 : i32 to index
      %parallel_loop3A_630 = tpu.vector_load %arg10[%parallel_loop3A_629] {strides = array<i32>} : memref<8192xf32, #tpu.memory_space<vmem>>, vector<16xf32>,
      %parallel_loop3A_631 = vector.shape_cast %parallel_loop3A_630 : vector<16xf32> to vector<16xf32>
      %parallel_loop3A_632 = vector.shape_cast %parallel_loop3A_608 : vector<16xf32> to vector<16xf32>
      tpu.vector_store %arg10[%parallel_loop3A_629], %parallel_loop3A_632 {strides = array<i32>} : memref<8192xf32, #tpu.memory_space<vmem>>, vector<16xf32>,
      %parallel_loop3A_633 = arith.constant 32 : i32
      %parallel_loop3A_634 = arith.addi %parallel_loop3A_552, %parallel_loop3A_633 : i32
      %parallel_loop3A_635 = arith.index_cast %parallel_loop3A_634 : i32 to index
      %parallel_loop3A_636 = tpu.vector_load %arg10[%parallel_loop3A_635] {strides = array<i32>} : memref<8192xf32, #tpu.memory_space<vmem>>, vector<16xf32>,
      %parallel_loop3A_637 = vector.shape_cast %parallel_loop3A_636 : vector<16xf32> to vector<16xf32>
      %parallel_loop3A_638 = vector.shape_cast %parallel_loop3A_591 : vector<16xf32> to vector<16xf32>
      tpu.vector_store %arg10[%parallel_loop3A_635], %parallel_loop3A_638 {strides = array<i32>} : memref<8192xf32, #tpu.memory_space<vmem>>, vector<16xf32>,
      %parallel_loop3A_639 = arith.constant 48 : i32
      %parallel_loop3A_640 = arith.addi %parallel_loop3A_552, %parallel_loop3A_639 : i32
      %parallel_loop3A_641 = arith.index_cast %parallel_loop3A_640 : i32 to index
      %parallel_loop3A_642 = tpu.vector_load %arg10[%parallel_loop3A_641] {strides = array<i32>} : memref<8192xf32, #tpu.memory_space<vmem>>, vector<16xf32>,
      %parallel_loop3A_643 = vector.shape_cast %parallel_loop3A_642 : vector<16xf32> to vector<16xf32>
      %parallel_loop3A_644 = vector.shape_cast %parallel_loop3A_622 : vector<16xf32> to vector<16xf32>
      tpu.vector_store %arg10[%parallel_loop3A_641], %parallel_loop3A_644 {strides = array<i32>} : memref<8192xf32, #tpu.memory_space<vmem>>, vector<16xf32>,
    } {sc.loop_unroll_factor = 2 : i64, sc.parallel_access}
    %add3A_524 = arith.constant 24 : i32
    %add3A_525 = arith.addi %mul3A_2, %add3A_524 : i32
    %mul3A_526 = arith.constant 8192 : i32
    %mul3A_527 = arith.muli %add3A_525, %mul3A_526 : i32
    %dma_start3A_528 = tpu.memref_slice %arg5[%mul3A_527] : memref<6815744xf32, #tpu.memory_space<hbm>> -> memref<8192xf32, #tpu.memory_space<hbm>>
    %dma_start3A_529 = tpu.memref_slice %arg5[%mul3A_527] : memref<6815744xf32, #tpu.memory_space<hbm>> -> memref<8192xf32, #tpu.memory_space<hbm>>
    tpu.enqueue_dma source(%arg10 : memref<8192xf32, #tpu.memory_space<vmem>>) target(%dma_start3A_529 : memref<8192xf32, #tpu.memory_space<hbm>>) target_semaphore(%arg14 : memref<!tpu.dma_semaphore, #tpu.memory_space<semaphore_mem>>)
    %dma_wait3A_530 = arith.constant 3200 : i32
    %dma_wait3A_531 = tpu.memref_slice %arg6[%dma_wait3A_530] : memref<3328xi32, #tpu.memory_space<vmem>> -> memref<128xi32, #tpu.memory_space<vmem>>
    %dma_wait3A_532 = arith.constant 0 : i32
    %dma_wait3A_533 = arith.constant 0 : i32
    %dma_wait3A_534 = tpu.memref_slice %arg2[%dma_wait3A_532, %dma_wait3A_533] : memref<100000x32xi32, #tpu.memory_space<hbm>> -> memref<100000x32xi32, #tpu.memory_space<hbm>>
    tpu.wait_indirect_dma semaphore(%arg13 : memref<!tpu.dma_semaphore, #tpu.memory_space<semaphore_mem>>) src(%dma_wait3A_534 : memref<100000x32xi32, #tpu.memory_space<hbm>>) dst(%arg9 : memref<128x32xi32, #tpu.memory_space<vmem>>)
    %dma_wait3A_535 = tpu.memref_slice %arg5[%mul3A_506] : memref<6815744xf32, #tpu.memory_space<hbm>> -> memref<8192xf32, #tpu.memory_space<hbm>>
    %dma_wait3A_536 = tpu.memref_slice %arg5[%mul3A_506] : memref<6815744xf32, #tpu.memory_space<hbm>> -> memref<8192xf32, #tpu.memory_space<hbm>>
    tpu.wait_dma2 semaphore(%arg15 : memref<!tpu.dma_semaphore, #tpu.memory_space<semaphore_mem>>) src(%arg11 : memref<8192xf32, #tpu.memory_space<vmem>>) dst(%dma_wait3A_536 : memref<8192xf32, #tpu.memory_space<hbm>>)
    %parallel_loop3A_537 = arith.constant 0 : i32
    %parallel_loop3A_538 = arith.constant 128 : i32
    %parallel_loop3A_539 = arith.constant 1 : i32
    scf.for %parallel_loop3A_550 = %parallel_loop3A_537 to %parallel_loop3A_538 step %parallel_loop3A_539  : i32 {
      %parallel_loop3A_551 = arith.constant 64 : i32
      %parallel_loop3A_552 = arith.muli %parallel_loop3A_550, %parallel_loop3A_551 : i32
      %parallel_loop3A_553 = arith.index_cast %parallel_loop3A_550 : i32 to index
      %parallel_loop3A_554 = arith.constant 0 : index
      %parallel_loop3A_555 = tpu.vector_load %arg9[%parallel_loop3A_553, %parallel_loop3A_554] {strides = array<i32>} : memref<128x32xi32, #tpu.memory_space<vmem>>, vector<1x16xi32>,
      %parallel_loop3A_556 = vector.shape_cast %parallel_loop3A_555 : vector<1x16xi32> to vector<16xi32>
      %parallel_loop3A_557 = arith.index_cast %parallel_loop3A_550 : i32 to index
      %parallel_loop3A_558 = arith.constant 16 : index
      %parallel_loop3A_559 = tpu.vector_load %arg9[%parallel_loop3A_557, %parallel_loop3A_558] {strides = array<i32>} : memref<128x32xi32, #tpu.memory_space<vmem>>, vector<1x16xi32>,
      %parallel_loop3A_560 = vector.shape_cast %parallel_loop3A_559 : vector<1x16xi32> to vector<16xi32>
      %parallel_loop3A_561 = arith.constant 32767 : i32
      %parallel_loop3A_562 = vector.broadcast %parallel_loop3A_561 : i32 to vector<16xi32>
      %parallel_loop3A_563 = arith.andi %parallel_loop3A_556, %parallel_loop3A_562 : vector<16xi32>
      %parallel_loop3A_564 = arith.constant 13 : i32
      %parallel_loop3A_565 = vector.broadcast %parallel_loop3A_564 : i32 to vector<16xi32>
      %parallel_loop3A_566 = arith.shli %parallel_loop3A_563, %parallel_loop3A_565 : vector<16xi32>
      %parallel_loop3A_567 = tpu.bitcast %parallel_loop3A_566 : vector<16xi32> -> vector<16xf32>
      %parallel_loop3A_568 = arith.mulf %parallel_loop3A_567, %get3A_6 : vector<16xf32>
      %parallel_loop3A_569 = arith.constant 16 : i32
      %parallel_loop3A_570 = vector.broadcast %parallel_loop3A_569 : i32 to vector<16xi32>
      %parallel_loop3A_571 = arith.shli %parallel_loop3A_556, %parallel_loop3A_570 : vector<16xi32>
      %parallel_loop3A_572 = arith.constant -2147483648 : i32
      %parallel_loop3A_573 = vector.broadcast %parallel_loop3A_572 : i32 to vector<16xi32>
      %parallel_loop3A_574 = arith.andi %parallel_loop3A_571, %parallel_loop3A_573 : vector<16xi32>
      %parallel_loop3A_575 = tpu.bitcast %parallel_loop3A_568 : vector<16xf32> -> vector<16xi32>
      %parallel_loop3A_576 = arith.ori %parallel_loop3A_575, %parallel_loop3A_574 : vector<16xi32>
      %parallel_loop3A_577 = tpu.bitcast %parallel_loop3A_576 : vector<16xi32> -> vector<16xf32>
      %parallel_loop3A_578 = arith.constant 2147418112 : i32
      %parallel_loop3A_579 = vector.broadcast %parallel_loop3A_578 : i32 to vector<16xi32>
      %parallel_loop3A_580 = arith.andi %parallel_loop3A_556, %parallel_loop3A_579 : vector<16xi32>
      %parallel_loop3A_581 = arith.constant 3 : i32
      %parallel_loop3A_582 = vector.broadcast %parallel_loop3A_581 : i32 to vector<16xi32>
      %parallel_loop3A_583 = arith.shrui %parallel_loop3A_580, %parallel_loop3A_582 : vector<16xi32>
      %parallel_loop3A_584 = tpu.bitcast %parallel_loop3A_583 : vector<16xi32> -> vector<16xf32>
      %parallel_loop3A_585 = arith.mulf %parallel_loop3A_584, %get3A_6 : vector<16xf32>
      %parallel_loop3A_586 = arith.constant -2147483648 : i32
      %parallel_loop3A_587 = vector.broadcast %parallel_loop3A_586 : i32 to vector<16xi32>
      %parallel_loop3A_588 = arith.andi %parallel_loop3A_556, %parallel_loop3A_587 : vector<16xi32>
      %parallel_loop3A_589 = tpu.bitcast %parallel_loop3A_585 : vector<16xf32> -> vector<16xi32>
      %parallel_loop3A_590 = arith.ori %parallel_loop3A_589, %parallel_loop3A_588 : vector<16xi32>
      %parallel_loop3A_591 = tpu.bitcast %parallel_loop3A_590 : vector<16xi32> -> vector<16xf32>
      %parallel_loop3A_592 = arith.constant 32767 : i32
      %parallel_loop3A_593 = vector.broadcast %parallel_loop3A_592 : i32 to vector<16xi32>
      %parallel_loop3A_594 = arith.andi %parallel_loop3A_560, %parallel_loop3A_593 : vector<16xi32>
      %parallel_loop3A_595 = arith.constant 13 : i32
      %parallel_loop3A_596 = vector.broadcast %parallel_loop3A_595 : i32 to vector<16xi32>
      %parallel_loop3A_597 = arith.shli %parallel_loop3A_594, %parallel_loop3A_596 : vector<16xi32>
      %parallel_loop3A_598 = tpu.bitcast %parallel_loop3A_597 : vector<16xi32> -> vector<16xf32>
      %parallel_loop3A_599 = arith.mulf %parallel_loop3A_598, %get3A_6 : vector<16xf32>
      %parallel_loop3A_600 = arith.constant 16 : i32
      %parallel_loop3A_601 = vector.broadcast %parallel_loop3A_600 : i32 to vector<16xi32>
      %parallel_loop3A_602 = arith.shli %parallel_loop3A_560, %parallel_loop3A_601 : vector<16xi32>
      %parallel_loop3A_603 = arith.constant -2147483648 : i32
      %parallel_loop3A_604 = vector.broadcast %parallel_loop3A_603 : i32 to vector<16xi32>
      %parallel_loop3A_605 = arith.andi %parallel_loop3A_602, %parallel_loop3A_604 : vector<16xi32>
      %parallel_loop3A_606 = tpu.bitcast %parallel_loop3A_599 : vector<16xf32> -> vector<16xi32>
      %parallel_loop3A_607 = arith.ori %parallel_loop3A_606, %parallel_loop3A_605 : vector<16xi32>
      %parallel_loop3A_608 = tpu.bitcast %parallel_loop3A_607 : vector<16xi32> -> vector<16xf32>
      %parallel_loop3A_609 = arith.constant 2147418112 : i32
      %parallel_loop3A_610 = vector.broadcast %parallel_loop3A_609 : i32 to vector<16xi32>
      %parallel_loop3A_611 = arith.andi %parallel_loop3A_560, %parallel_loop3A_610 : vector<16xi32>
      %parallel_loop3A_612 = arith.constant 3 : i32
      %parallel_loop3A_613 = vector.broadcast %parallel_loop3A_612 : i32 to vector<16xi32>
      %parallel_loop3A_614 = arith.shrui %parallel_loop3A_611, %parallel_loop3A_613 : vector<16xi32>
      %parallel_loop3A_615 = tpu.bitcast %parallel_loop3A_614 : vector<16xi32> -> vector<16xf32>
      %parallel_loop3A_616 = arith.mulf %parallel_loop3A_615, %get3A_6 : vector<16xf32>
      %parallel_loop3A_617 = arith.constant -2147483648 : i32
      %parallel_loop3A_618 = vector.broadcast %parallel_loop3A_617 : i32 to vector<16xi32>
      %parallel_loop3A_619 = arith.andi %parallel_loop3A_560, %parallel_loop3A_618 : vector<16xi32>
      %parallel_loop3A_620 = tpu.bitcast %parallel_loop3A_616 : vector<16xf32> -> vector<16xi32>
      %parallel_loop3A_621 = arith.ori %parallel_loop3A_620, %parallel_loop3A_619 : vector<16xi32>
      %parallel_loop3A_622 = tpu.bitcast %parallel_loop3A_621 : vector<16xi32> -> vector<16xf32>
      %parallel_loop3A_623 = arith.index_cast %parallel_loop3A_552 : i32 to index
      %parallel_loop3A_624 = tpu.vector_load %arg11[%parallel_loop3A_623] {strides = array<i32>} : memref<8192xf32, #tpu.memory_space<vmem>>, vector<16xf32>,
      %parallel_loop3A_625 = vector.shape_cast %parallel_loop3A_624 : vector<16xf32> to vector<16xf32>
      %parallel_loop3A_626 = vector.shape_cast %parallel_loop3A_577 : vector<16xf32> to vector<16xf32>
      tpu.vector_store %arg11[%parallel_loop3A_623], %parallel_loop3A_626 {strides = array<i32>} : memref<8192xf32, #tpu.memory_space<vmem>>, vector<16xf32>,
      %parallel_loop3A_627 = arith.constant 16 : i32
      %parallel_loop3A_628 = arith.addi %parallel_loop3A_552, %parallel_loop3A_627 : i32
      %parallel_loop3A_629 = arith.index_cast %parallel_loop3A_628 : i32 to index
      %parallel_loop3A_630 = tpu.vector_load %arg11[%parallel_loop3A_629] {strides = array<i32>} : memref<8192xf32, #tpu.memory_space<vmem>>, vector<16xf32>,
      %parallel_loop3A_631 = vector.shape_cast %parallel_loop3A_630 : vector<16xf32> to vector<16xf32>
      %parallel_loop3A_632 = vector.shape_cast %parallel_loop3A_608 : vector<16xf32> to vector<16xf32>
      tpu.vector_store %arg11[%parallel_loop3A_629], %parallel_loop3A_632 {strides = array<i32>} : memref<8192xf32, #tpu.memory_space<vmem>>, vector<16xf32>,
      %parallel_loop3A_633 = arith.constant 32 : i32
      %parallel_loop3A_634 = arith.addi %parallel_loop3A_552, %parallel_loop3A_633 : i32
      %parallel_loop3A_635 = arith.index_cast %parallel_loop3A_634 : i32 to index
      %parallel_loop3A_636 = tpu.vector_load %arg11[%parallel_loop3A_635] {strides = array<i32>} : memref<8192xf32, #tpu.memory_space<vmem>>, vector<16xf32>,
      %parallel_loop3A_637 = vector.shape_cast %parallel_loop3A_636 : vector<16xf32> to vector<16xf32>
      %parallel_loop3A_638 = vector.shape_cast %parallel_loop3A_591 : vector<16xf32> to vector<16xf32>
      tpu.vector_store %arg11[%parallel_loop3A_635], %parallel_loop3A_638 {strides = array<i32>} : memref<8192xf32, #tpu.memory_space<vmem>>, vector<16xf32>,
      %parallel_loop3A_639 = arith.constant 48 : i32
      %parallel_loop3A_640 = arith.addi %parallel_loop3A_552, %parallel_loop3A_639 : i32
      %parallel_loop3A_641 = arith.index_cast %parallel_loop3A_640 : i32 to index
      %parallel_loop3A_642 = tpu.vector_load %arg11[%parallel_loop3A_641] {strides = array<i32>} : memref<8192xf32, #tpu.memory_space<vmem>>, vector<16xf32>,
      %parallel_loop3A_643 = vector.shape_cast %parallel_loop3A_642 : vector<16xf32> to vector<16xf32>
      %parallel_loop3A_644 = vector.shape_cast %parallel_loop3A_622 : vector<16xf32> to vector<16xf32>
      tpu.vector_store %arg11[%parallel_loop3A_641], %parallel_loop3A_644 {strides = array<i32>} : memref<8192xf32, #tpu.memory_space<vmem>>, vector<16xf32>,
    } {sc.loop_unroll_factor = 2 : i64, sc.parallel_access}
    %add3A_540 = arith.constant 25 : i32
    %add3A_541 = arith.addi %mul3A_2, %add3A_540 : i32
    %mul3A_542 = arith.constant 8192 : i32
    %mul3A_543 = arith.muli %add3A_541, %mul3A_542 : i32
    %dma_start3A_544 = tpu.memref_slice %arg5[%mul3A_543] : memref<6815744xf32, #tpu.memory_space<hbm>> -> memref<8192xf32, #tpu.memory_space<hbm>>
    %dma_start3A_545 = tpu.memref_slice %arg5[%mul3A_543] : memref<6815744xf32, #tpu.memory_space<hbm>> -> memref<8192xf32, #tpu.memory_space<hbm>>
    tpu.enqueue_dma source(%arg11 : memref<8192xf32, #tpu.memory_space<vmem>>) target(%dma_start3A_545 : memref<8192xf32, #tpu.memory_space<hbm>>) target_semaphore(%arg15 : memref<!tpu.dma_semaphore, #tpu.memory_space<semaphore_mem>>)
    %dma_wait3A_546 = tpu.memref_slice %arg5[%mul3A_527] : memref<6815744xf32, #tpu.memory_space<hbm>> -> memref<8192xf32, #tpu.memory_space<hbm>>
    %dma_wait3A_547 = tpu.memref_slice %arg5[%mul3A_527] : memref<6815744xf32, #tpu.memory_space<hbm>> -> memref<8192xf32, #tpu.memory_space<hbm>>
    tpu.wait_dma2 semaphore(%arg14 : memref<!tpu.dma_semaphore, #tpu.memory_space<semaphore_mem>>) src(%arg10 : memref<8192xf32, #tpu.memory_space<vmem>>) dst(%dma_wait3A_547 : memref<8192xf32, #tpu.memory_space<hbm>>)
    %dma_wait3A_548 = tpu.memref_slice %arg5[%mul3A_543] : memref<6815744xf32, #tpu.memory_space<hbm>> -> memref<8192xf32, #tpu.memory_space<hbm>>
    %dma_wait3A_549 = tpu.memref_slice %arg5[%mul3A_543] : memref<6815744xf32, #tpu.memory_space<hbm>> -> memref<8192xf32, #tpu.memory_space<hbm>>
    tpu.wait_dma2 semaphore(%arg15 : memref<!tpu.dma_semaphore, #tpu.memory_space<semaphore_mem>>) src(%arg11 : memref<8192xf32, #tpu.memory_space<vmem>>) dst(%dma_wait3A_549 : memref<8192xf32, #tpu.memory_space<hbm>>)
    return
  }
}

</mosaic_0001>

<sc_bundles>
// kernel: kernel.3.cloned.1.call-start
scs
__scs_entry_jumppad:
0x0: {  	(pc) =	sbr.rel $0x88, $3  }
0x1: {  	(tag) =	ssettag $0x0;
	lr =	simm.s32 $0x1  }
0x2: {  	[smem:$0x3F9E] =	sst lr;
	_ =	strace $0xD0000000  }
0x3: {  	_ = 	snop  }
0x4: {  	_ = 	snop  }
0x5: {  	_ = 	snop  }
0x6: {  	_ = 	snop  }
0x7: {  	_ = 	snop  }
__scs_overlays_trampoline_lowered:
0x8: {  	[smem:$0x3FAD] =	sst s0  }
0x9: {  	[smem:$0x3FAE] =	sst s1  }
0xa: {  	[smem:$0x3FAF] =	sst s2  }
0xb: {  	[smem:$0x3FB0] =	sst s3  }
0xc: {  	[smem:$0x3FB1] =	sst s4  }
0xd: {  	[smem:$0x3FB2] =	sst s5  }
0xe: {  	[smem:$0x3FB3] =	sst s6  }
0xf: {  	[smem:$0x3FB4] =	sst s7  }
0x10: {  	[smem:$0x3FB5] =	sst s8  }
0x11: {  	[smem:$0x3FB6] =	sst s9;
	s0 =	simm.s32 @!p0 $0x0  }
0x12: {  	s1 =	sld [smem:$0x3F9C];
	s0 =	simm.s32 @p0 $0x1  }
0x13: {  	[smem:$0x3FB7] =	sst s0;
	s0 =	simm.s32 @!p1 $0x0  }
0x14: {  	s2 =	sld [smem:$0x3F9B];
	s0 =	simm.s32 @p1 $0x1  }
0x15: {  	[smem:$0x3FB8] =	sst s0;
	s0 =	simm.s32 @!p2 $0x0  }
0x16: {  	s3 =	sld [smem:$0x3FDB];
	s0 =	simm.s32 @p2 $0x1  }
0x17: {  	s4 =	simm.s32 $0x1BF5;
	[smem:$0x3FBA] =	sst s0  }
0x18: {  	s0 =	sld [smem:$0x3F9D];
	_ =	swait.ge [sflag:s4], $0x0  }
0x19: {  	s7 =	sld [smem:$0x3F9E]  }
0x1a: {  	s8 =	sadd.s32 $0xFFFFE003, lr  }
0x1b: {  	s9 =	sadd.s32 $0xFFFFFEF7, lr;
	s5 =	simm.s32 $0xFFFFFFFF;
	p2 =	slt.u32 s8, $0xFFFFF086  }
0x1c: {  	p1 =	slt.u32 s9, $0xF7A;
	s5 =	simm.s32 @!p2 $0x0  }
0x1d: {  	s5 =	simm.s32 @p1 $0x1;
	p0 =	seq.s32 s7, s2  }
0x1e: {  	s7 =	smul.u32 @!p0 $0xF7A, s2;
	p2 =	seq.s32 @!p0 s5, $0x0  }
0x1f: {  	s9 =	smul.u32 $0xF7A, s1;
	s8 =	simm.s32 @!p0 $0x1BF5;
	p2 =	por !p2, p0  }
0x20: {  	[sflag:s8] =	ssyncset.s32 @!p0 $0xFFFFF086;
	s6 =	sadd.s32 @!p0 s3, s7;
	s7 =	simm.s32 @!p0 $0x108  }
0x21: {  	s3 =	sadd.s32 s3, s9;
	s6 =	sadd.s32 @!p0 $0x88, s6;
	s7 =	simm.s32 @p2 $0x1082  }
0x22: {  	[simem:s7], [sflag:s8] =	dma.local @!p0 [hbm:s6], $0xF7A  }
0x23: {  	s9 =	sor.u32 $0xD0000000, s2;
	s6 =	simm.s32 $0x108;
	_ =	swait.ge @!p0 [sflag:s8], $0x0  }
0x24: {  	s3 =	sadd.s32 $0x88, s3;
	s6 =	simm.s32 @!p1 $0x1082;
	[sflag:s4] =	ssyncset.s32 $0xFFFFF086  }
0x25: {  	[simem:s6], [sflag:s4] =	dma.local [hbm:s3], $0xF7A  }
0x26: {  	[smem:$0x3F9E] =	sst s1;
	(tag) =	ssettag s2;
	_ =	strace s9  }
0x27: {  	s1 =	sld [smem:$0x3FAE]  }
0x28: {  	s2 =	sld [smem:$0x3FAF]  }
0x29: {  	s4 =	sld [smem:$0x3FB1]  }
0x2a: {  	p0 =	seq.s32 s5, $0x0;
	s5 =	sld [smem:$0x3FB2]  }
0x2b: {  	s6 =	sld [smem:$0x3FB3]  }
0x2c: {  	s7 =	sld [smem:$0x3FB4]  }
0x2d: {  	s3 =	simm.s32 $0x108;
	s8 =	sld [smem:$0x3FB5]  }
0x2e: {  	s3 =	simm.s32 @!p0 $0x1082;
	s9 =	sld [smem:$0x3FB6]  }
0x2f: {  	lr =	sadd.s32 s0, s3;
	s0 =	sld [smem:$0x3FAD]  }
0x30: {  	s3 =	sld [smem:$0x3FB0]  }
0x31: {  	[smem:$0x3FB9] =	sst s10  }
0x32: {  	s10 =	sld [smem:$0x3FB7];
	_ =	sdelay $0x3  }
0x33: {  	p0 =	seq.s32 s10, $0x1;
	s10 =	sld [smem:$0x3FB9];
	_ =	sdelay $0x3  }
0x34: {  	[smem:$0x3FB9] =	sst s10  }
0x35: {  	s10 =	sld [smem:$0x3FB8];
	_ =	sdelay $0x3  }
0x36: {  	p1 =	seq.s32 s10, $0x1;
	s10 =	sld [smem:$0x3FB9];
	_ =	sdelay $0x3  }
0x37: {  	[smem:$0x3FB9] =	sst s10  }
0x38: {  	s10 =	sld [smem:$0x3FBA]  }
0x39: {  	_ = 	snop;
	(pc) =	sbr.ind lr, $3  }
0x3a: {  	_ = 	snop  }
0x3b: {  	_ = 	snop  }
0x3c: {  	p2 =	seq.s32 s10, $0x1;
	s10 =	sld [smem:$0x3FB9]  }
0x3d: {  	_ =	shalt  }
0x3e: {  	_ =	shalt  }
0x3f: {  	_ =	shalt  }
0x40: {  	_ =	shalt  }
0x41: {  	_ =	shalt  }
0x42: {  	_ =	shalt  }
0x43: {  	_ =	shalt  }
0x44: {  	_ =	shalt  }
0x45: {  	_ =	shalt  }
0x46: {  	_ =	shalt  }
0x47: {  	_ =	shalt  }
0x48: {  	_ =	shalt  }
0x49: {  	_ =	shalt  }
0x4a: {  	_ =	shalt  }
0x4b: {  	_ =	shalt  }
0x4c: {  	_ =	shalt  }
0x4d: {  	_ =	shalt  }
0x4e: {  	_ =	shalt  }
0x4f: {  	_ =	shalt  }
0x50: {  	_ =	shalt  }
0x51: {  	_ =	shalt  }
0x52: {  	_ =	shalt  }
0x53: {  	_ =	shalt  }
0x54: {  	_ =	shalt  }
0x55: {  	_ =	shalt  }
0x56: {  	_ =	shalt  }
0x57: {  	_ =	shalt  }
0x58: {  	_ =	shalt  }
0x59: {  	_ =	shalt  }
0x5a: {  	_ =	shalt  }
0x5b: {  	_ =	shalt  }
0x5c: {  	_ =	shalt  }
0x5d: {  	_ =	shalt  }
0x5e: {  	_ =	shalt  }
0x5f: {  	_ =	shalt  }
0x60: {  	_ =	shalt  }
0x61: {  	_ =	shalt  }
0x62: {  	_ =	shalt  }
0x63: {  	_ =	shalt  }
0x64: {  	_ =	shalt  }
0x65: {  	_ =	shalt  }
0x66: {  	_ =	shalt  }
0x67: {  	_ =	shalt  }
0x68: {  	_ =	shalt  }
0x69: {  	_ =	shalt  }
0x6a: {  	_ =	shalt  }
0x6b: {  	_ =	shalt  }
0x6c: {  	_ =	shalt  }
0x6d: {  	_ =	shalt  }
0x6e: {  	_ =	shalt  }
0x6f: {  	_ =	shalt  }
0x70: {  	_ =	shalt  }
0x71: {  	_ =	shalt  }
0x72: {  	_ =	shalt  }
0x73: {  	_ =	shalt  }
0x74: {  	_ =	shalt  }
0x75: {  	_ =	shalt  }
0x76: {  	_ =	shalt  }
0x77: {  	_ =	shalt  }
0x78: {  	_ =	shalt  }
0x79: {  	_ =	shalt  }
0x7a: {  	_ =	shalt  }
0x7b: {  	_ =	shalt  }
0x7c: {  	_ =	shalt  }
0x7d: {  	_ =	shalt  }
0x7e: {  	_ =	shalt  }
0x7f: {  	_ =	shalt  }
0x80: {  	_ =	shalt  }
0x81: {  	_ =	shalt  }
0x82: {  	_ =	shalt  }
0x83: {  	_ =	shalt  }
0x84: {  	_ =	shalt  }
0x85: {  	_ =	shalt  }
0x86: {  	_ =	shalt  }
0x87: {  	_ =	shalt  }
.Lfunc_end0:
.L_simem_size_0:
called_computation_lowered:
.L_overlay_start_0:
0x88: {  	s2 =	sld [smem:$0x3FD9]  }
0x89: {  	s3 =	sld [smem:$0x3FFE];
	_ =	sdelay $0x1  }
0x8a: {  	s1 =	srdreg.scid  }
0x8b: {  	s0 =	sand.u32 $0x1, s1  }
0x8c: {  	s17 =	sshll.u32 s0, $0xA;
	s2 =	sadd.s32 s3, s2  }
0x8d: {  	s2 =	sadd.s32 s2, s17  }
0x8e: {  	[smem:$0x3FC5] =	sst s2  }
0x8f: {  	_ = 	snop  }
0x90: {  	s2 =	sld [smem:$0x3FD0];
	(tm) =	ssettm $0x1  }
0x91: {  	s18 =	sld [smem:$0x3FFB];
	_ =	sdelay $0x3  }
0x92: {  	_ =	strace s18  }
0x93: {  	s3 =	sld [smem:$0x3FFC];
	_ =	sdelay $0x3  }
0x94: {  	_ =	strace s3  }
0x95: {  	s3 =	sld [smem:$0x3FFD];
	_ =	sdelay $0x3  }
0x96: {  	_ =	strace s3  }
0x97: {  	_ =	strace $0x8FFFFFFF  }
0x98: {  	s19 =	sld [smem:$0x3FDB];
	_ =	sdelay $0x1  }
0x99: {  	s4 =	simm.s32 $_scs_section_size  }
0x9a: {  	s5 =	simm.s32 $_size__tile_overlayer_lowered;
	s6 =	simm.s32 $_tile_overlayer_lowered  }
0x9b: {  	s22 =	simm.s32 $0x1BFF;
	s21 =	sshll.u32 s6, $0x1;
	s3 =	sadd.s32 s4, s19  }
0x9c: {  	s7 =	simm.s32 $0x0;
	s20 =	sshll.u32 s5, $0x1;
	s5 =	sadd.s32 s21, s3  }
0x9d: {  	[timem:s7], [sflag:s22] =	dma.local [hbm:s5], s20  }
0x9e: {  	_ =	swait.ge [sflag:s22], s20  }
0x9f: {  	s4 =	ssub.s32 $0x0, s20;
	[sflag:s22] =	ssyncset.done $0x0  }
0xa0: {  	[sflag:s22] =	ssyncadd.s32 s4;
	_ =	sdelay $0x1  }
0xa1: {  	s23 =	simm.s32 $0x1B8B  }
0xa2: {  	_ =	swait.ge [sflag:s23], $0x1  }
0xa3: {  	[sflag:s23] =	ssyncset.done $0x0  }
0xa4: {  	s25 =	simm.s32 $0x1B8E;
	s24 =	sld [smem:$0x3FFE];
	[sflag:s23] =	ssyncadd.s32 $0xFFFFFFFF  }
0xa5: {  	s26 =	simm.s32 $execute0_lowered;
	[smem:$0x3FD2] =	sst s25  }
0xa6: {  	s5 =	sshll.u32 s26, $0x1;
	_ =	strace $0x80000046;
	[dreg:$0x1] =	wrdreg $0xFFFFFFFF  }
0xa7: {  	s28 =	simm.s32 $_size_execute0_lowered;
	s3 =	sadd.s32 s3, s5;
	[dreg:$0x0] =	wrdreg $0x0  }
0xa8: {  	s5 =	sshll.u32 s28, $0x1;
	[dreg:$0x2] =	wrdreg s3  }
0xa9: {  	[dreg:$0x3] =	wrdreg s5  }
0xaa: {  	[dreg:$0x4] =	wrdreg $0xC0  }
0xab: {  	_ =	task [dreg:s7], $0x5FFFF  }
0xac: {  	[dreg:$0x1] =	wrdreg $0xFFFFFFFF  }
0xad: {  	[dreg:$0x0] =	wrdreg $0x60  }
0xae: {  	[dreg:$0x2] =	wrdreg s24  }
0xaf: {  	[dreg:$0x3] =	wrdreg s2  }
0xb0: {  	[dreg:$0x4] =	wrdreg $0x9  }
0xb1: {  	_ =	task.clear_ibuf [dreg:s7], $0x5FFFF;
	_ =	strace $0x90000046  }
0xb2: {  	s29 =	simm.s32 $0x9;
	_ =	strace $0x80000048  }
0xb3: {  	_ =	swait.ge [sflag:s29], $0x1  }
0xb4: {  	[sflag:s29] =	ssyncadd.s32 $0xFFFFFFFF  }
0xb5: {  	_ =	strace $0x90000048  }
0xb6: {  	_ =	sfence  }
0xb7: {  	s30 =	sld [smem:$0x0];
	_ =	sdelay $0x2  }
0xb8: {  	s31 =	sshll.u32 s1, $0xD;
	s1 =	sshrl.u32 s1, $0x2  }
0xb9: {  	s3 =	sand.u32 $0x4000, s31;
	s1 =	sadd.s32 s1, s30  }
0xba: {  	s0 =	sor.u32 s3, s0;
	s1 =	sshll.u32 s1, $0x11  }
0xbb: {  	s0 =	sor.u32 s1, s0  }
0xbc: {  	s0 =	sadd.s32 $0x8F2B, s0  }
0xbd: {  	[sflag:s0] =	ssyncadd.remote.s32 $0x1  }
0xbe: {  	_ =	sfence.sel $0xFFFF  }
0xbf: {  	[dreg:$0x0] =	wrdreg $0xFFFFFFFF;
	(pc) =	sbr.abs _section_cstart, $3  }
0xc0: {  	[dreg:$0x1] =	wrdreg $0xFFFFFFFF  }
0xc1: {  	_ =	task.clear_ibuf [dreg:s7], $0x2FFFF;
	_ =	strace $0x9FFFFFFF  }
0xc2: {  	(tm) =	ssettm $0x7FFFFFFF  }
0xc3: {  	_ =	shalt  }
tec
execute0_lowered:
.L_overlay_start_1:
0x0: {  	(tag) =	ssettag $0x1  }
0x1: {  	s0 =	rddreg [dreg:$0x0]  }
0x2: {  	s1 =	rddreg [dreg:$0x1];
	s2 =	simm.s32 $0x0;
	s3 =	srdreg.scid  }
0x3: {  	s5 =	stileid.u32;
	s9 =	simm.s32 $0x1;
	s10 =	simm.s32 $0x2D10  }
0x4: {  	s11 =	simm.s32 $0x2;
	s4 =	sand.u32 $0x1, s3;
	s12 =	sshll.u32 s5, $0x1  }
0x5: {  	[smem:$0x7FF] =	sst s2;
	s3 =	sadd.s32 $0x189E00, s0;
	s5 =	sor.u32 s4, s12  }
0x6: {  	s7 =	sadd.s32 $0x3400, s0;
	_ =	strace $0x80000047;
	s6 =	smul.u32 $0x34000, s5  }
0x7: {  	[dreg:$0x3] =	wrdreg s7;
	s4 =	ssub.s32 $0x2, s4;
	s13 =	smul.u32 $0x1A0, s5  }
0x8: {  	s7 =	simm.s32 $0xD10;
	s12 =	simm.s32 $0x4D10;
	s6 =	sshrl.u32 s6, $0x3  }
0x9: {  	s8 =	sshrl.u32 s4, $0x1;
	s0 =	sadd.s32 s0, s13;
	s14 =	sadd.s32 s1, s6  }
0xa: {  	s5 =	smul.u32 $0x6800, s5;
	[dreg:$0x4] =	wrdreg s0;
	s15 =	sadd.s32 $0x800, s14  }
0xb: {  	s4 =	ssub.s32 s4, s8;
	s16 =	sadd.s32 $0xC00, s14;
	[dreg:$0x5] =	wrdreg s15  }
0xc: {  	s8 =	simm.s32 $0x1D10;
	s17 =	sadd.s32 $0x1000, s14;
	[dreg:$0x6] =	wrdreg s16  }
0xd: {  	s13 =	simm.s32 $0x3;
	s18 =	sadd.s32 $0x1400, s14;
	[dreg:$0x7] =	wrdreg s17  }
0xe: {  	s6 =	sadd.s32 s1, s5;
	s19 =	sadd.s32 $0x1800, s14;
	[dreg:$0x8] =	wrdreg s18  }
0xf: {  	s0 =	smax.u32 s4, $0x1;
	s20 =	sadd.s32 $0x1C00, s14;
	[dreg:$0x9] =	wrdreg s19  }
0x10: {  	s4 =	simm.s32 $0x5;
	s21 =	sadd.s32 $0x2000, s14;
	[dreg:$0xa] =	wrdreg s20  }
0x11: {  	s5 =	simm.s32 $0x80;
	s22 =	sadd.s32 $0x2400, s14;
	[dreg:$0xb] =	wrdreg s21  }
0x12: {  	s23 =	sadd.s32 $0x2800, s14;
	s24 =	sadd.s32 $0x2C00, s14;
	[dreg:$0xc] =	wrdreg s22  }
0x13: {  	s25 =	sadd.s32 $0x3000, s14;
	s26 =	sadd.s32 $0x3400, s14;
	[dreg:$0xd] =	wrdreg s23  }
0x14: {  	s28 =	sadd.s32 $0x5800, s14;
	s29 =	sadd.s32 $0x5C00, s14;
	[dreg:$0xe] =	wrdreg s24  }
0x15: {  	s30 =	sadd.s32 $0x6000, s14;
	s31 =	sadd.s32 $0x6400, s14;
	[dreg:$0xf] =	wrdreg s25  }
0x16: {  	s1 =	sadd.s32 $0x400, s6;
	[dreg:$0x10] =	wrdreg s26;
	s19 =	sadd.s32 $0x3800, s14  }
0x17: {  	s20 =	sadd.s32 $0x3C00, s14;
	s21 =	sadd.s32 $0x4000, s14;
	s22 =	sadd.s32 $0x4400, s14  }
0x18: {  	s23 =	sadd.s32 $0x4800, s14;
	s24 =	sadd.s32 $0x4C00, s14;
	s25 =	sadd.s32 $0x5000, s14  }
0x19: {  	s26 =	sadd.s32 $0x5400, s14;
	s14 =	simm.s32 $0x4;
	s15 =	simm.s32 $0x0  }
.LBB2_1:
0x1a: {  	s16 =	rddreg [dreg:$0x4]  }
0x1b: {  	[tilespmem:s2], [sflag:$0x5] =	stream.linear.gather [hbm4b:s16+s2], $0xD00, $0x38;
	[tilespmem:$0x6D10] =	vst v63  }
0x1c: {  	_ =	swait.ge [sflag:s4], $0xD00  }
0x1d: {  	[sflag:s4] =	ssyncset.done $0x0  }
0x1e: {  	s17 =	simm.s32 $0xD00;
	s18 =	rddreg [dreg:$0x3];
	[sflag:s4] =	ssyncadd.s32 $0xFFFFF300  }
0x1f: {  	[tilespmem:s17], [sflag:$0x5] =	stream.linear.gather [hbm4b:s18+s2], $0x10, $0x38;
	[tilespmem:$0x6D10] =	vst v63  }
0x20: {  	_ =	swait.ge [sflag:s4], $0x10  }
0x21: {  	[sflag:s4] =	ssyncset.done $0x0  }
0x22: {  	[sflag:s4] =	ssyncadd.s32 $0xFFFFFFF0  }
0x23: {  	v0 =	vld [tilespmem:$0xD00];
	[tilespmem:s7], [sflag:$0x1] =	stream.indirect.gather [hbm4b:s3+s5], $0x20, s2, s5, $0xb8  }
0x24: {  	_ = 	snop  }
0x25: {  	[tilespmem:s8], [sflag:$0x2] =	stream.indirect.gather [hbm4b:s3+s5], $0x20, s5, s5, $0xb8;
	[tilespmem:$0x6D10] =	vst v63  }
0x26: {  	_ =	swait.ge [sflag:s9], $0x1000  }
0x27: {  	[sflag:s9] =	ssyncset.done $0x0  }
0x28: {  	s18 =	simm.s32 $0xD30;
	[sflag:s9] =	ssyncadd.s32 $0xFFFFF000  }
0x29: {  	v1 =	vld [tilespmem:s18+$0x10]  }
0x2a: {  	v7 =	vld [tilespmem:s18+$0xFFFFFFF0]  }
0x2b: {  	v5 =	vld [tilespmem:s18+$0xFFFFFFE0];
	_ =	sdelay $0x2  }
0x2c: {  	v2 =	vshll.u32 v1, $0xD;
	v8 =	vshll.u32 v1, $0x10;
	v3 =	vshrl.u32 v1, $0x3  }
0x2d: {  	v4 =	vshll.u32 v7, $0xD;
	v6 =	vshrl.u32 v7, $0x3;
	v3 =	vand.u32 $0xFFFE000, v3  }
0x2e: {  	v9 =	vshll.u32 v5, $0xD;
	v10 =	vshrl.u32 v5, $0x3;
	v3 =	vmul.f32 v3, v0  }
0x2f: {  	v1 =	vand.u32 $0x80000000, v1;
	v9 =	vand.u32 $0xFFFE000, v9;
	v10 =	vand.u32 $0xFFFE000, v10  }
0x30: {  	v11 =	vor.u32 v3, v1;
	v1 =	vand.u32 $0xFFFE000, v2;
	v3 =	vshll.u32 v5, $0x10  }
0x31: {  	v4 =	vand.u32 $0xFFFE000, v4;
	v12 =	vand.u32 $0x80000000, v3;
	v3 =	vmul.f32 v1, v0;
	v1 =	vld [tilespmem:s18+$0x0]  }
0x32: {  	v6 =	vand.u32 $0xFFFE000, v6;
	v9 =	vmul.f32 v9, v0;
	v10 =	vmul.f32 v10, v0  }
0x33: {  	v13 =	vand.u32 $0x80000000, v5;
	v4 =	vmul.f32 v4, v0;
	v2 =	vmul.f32 v6, v0  }
0x34: {  	s16 =	simm.s32 $0x2D50;
	v6 =	vshll.u32 v7, $0x10;
	v5 =	vand.u32 $0x80000000, v8;
	v8 =	vor.u32 v10, v13  }
0x35: {  	s17 =	simm.s32 $0x0;
	v7 =	vand.u32 $0x80000000, v7;
	v6 =	vand.u32 $0x80000000, v6;
	[tilespmem:s16+$0x30] =	vst v11;
	s18 =	simm.s32 $0xD70;
	v9 =	vor.u32 v9, v12  }
.LBB2_2:
0x36: {  	v10 =	vld [tilespmem:s18+$0x10];
	s17 =	sadd.s32 $0x2, s17;
	[tilespmem:s16+$0xFFFFFFC0] =	vst v9;
	v9 =	vshll.u32 v1, $0xD;
	v11 =	vshll.u32 v1, $0x10;
	v12 =	vshrl.u32 v1, $0x3  }
0x37: {  	v13 =	vld [tilespmem:s18+$0xFFFFFFF0];
	p0 =	slt.u32 s17, $0x7E;
	[tilespmem:s16+$0xFFFFFFE0] =	vst v8;
	v8 =	vand.u32 $0xFFFE000, v9;
	v9 =	vand.u32 $0x80000000, v11;
	v11 =	vand.u32 $0xFFFE000, v12  }
0x38: {  	v1 =	vand.u32 $0x80000000, v1;
	v12 =	vld [tilespmem:s18+$0xFFFFFFE0];
	v8 =	vmul.f32 v8, v0;
	v11 =	vmul.f32 v11, v0  }
0x39: {  	v4 =	vor.u32 v4, v6;
	v2 =	vor.u32 v2, v7;
	v3 =	vor.u32 v3, v5  }
0x3a: {  	[tilespmem:s16+$0xFFFFFFD0] =	vst v4;
	v4 =	vor.u32 v8, v9;
	v1 =	vor.u32 v11, v1  }
0x3b: {  	v5 =	vshll.u32 v10, $0xD;
	v7 =	vshll.u32 v10, $0x10;
	v6 =	vshrl.u32 v10, $0x3;
	[tilespmem:s16+$0xFFFFFFF0] =	vst v2  }
0x3c: {  	v2 =	vshll.u32 v13, $0xD;
	v8 =	vshrl.u32 v13, $0x3;
	v6 =	vand.u32 $0xFFFE000, v6;
	[tilespmem:s16+$0x0] =	vst v4  }
0x3d: {  	v4 =	vshll.u32 v12, $0xD;
	v9 =	vshrl.u32 v12, $0x3;
	v6 =	vmul.f32 v6, v0;
	[tilespmem:s16+$0x10] =	vst v3  }
0x3e: {  	v3 =	vand.u32 $0xFFFE000, v4;
	v4 =	vand.u32 $0xFFFE000, v9;
	v9 =	vand.u32 $0x80000000, v10;
	[tilespmem:s16+$0x20] =	vst v1  }
0x3f: {  	v2 =	vand.u32 $0xFFFE000, v2;
	v8 =	vand.u32 $0xFFFE000, v8;
	s16 =	sadd.s32 $0x80, s16;
	v6 =	vor.u32 v6, v9  }
.Ltmp0:
0x40: {  	v9 =	vmul.f32 v3, v0;
	v10 =	vmul.f32 v4, v0;
	v3 =	vand.u32 $0xFFFE000, v5;
	v1 =	vld [tilespmem:s18+$0x0];
	[tilespmem:s16+$0x30] =	vst v6;
	(pc) =	sbr.rel @p0 .LBB2_2-.Ltmp0, $4  }
0x41: {  	v5 =	vshll.u32 v12, $0x10;
	v4 =	vmul.f32 v2, v0;
	v2 =	vmul.f32 v8, v0  }
0x42: {  	v8 =	vand.u32 $0x80000000, v5;
	v5 =	vshll.u32 v13, $0x10;
	v3 =	vmul.f32 v3, v0  }
0x43: {  	v11 =	vand.u32 $0x80000000, v12;
	v6 =	vand.u32 $0x80000000, v5;
	v5 =	vand.u32 $0x80000000, v7  }
0x44: {  	s18 =	sadd.s32 $0x40, s18;
	v9 =	vor.u32 v9, v8;
	v8 =	vor.u32 v10, v11;
	v7 =	vand.u32 $0x80000000, v13  }
0x45: {  	v10 =	vshll.u32 v1, $0xD;
	[tilespmem:s16+$0xFFFFFFC0] =	vst v9;
	v9 =	vshll.u32 v1, $0x10;
	v11 =	vshrl.u32 v1, $0x3  }
0x46: {  	[tilespmem:s16+$0xFFFFFFE0] =	vst v8;
	v4 =	vor.u32 v4, v6;
	v2 =	vor.u32 v2, v7;
	v10 =	vand.u32 $0xFFFE000, v10  }
0x47: {  	v6 =	vand.u32 $0x80000000, v9;
	v9 =	vand.u32 $0xFFFE000, v11;
	[tilespmem:s16+$0xFFFFFFD0] =	vst v4;
	v8 =	vmul.f32 v10, v0  }
0x48: {  	[tilespmem:s16+$0xFFFFFFF0] =	vst v2;
	v2 =	vor.u32 v3, v5;
	v4 =	vmul.f32 v9, v0  }
0x49: {  	v1 =	vand.u32 $0x80000000, v1;
	[tilespmem:s16+$0x10] =	vst v2;
	v6 =	vor.u32 v8, v6  }
0x4a: {  	v1 =	vor.u32 v4, v1;
	[tilespmem:s16+$0x0] =	vst v6  }
0x4b: {  	[tilespmem:s16+$0x20] =	vst v1  }
0x4c: {  	[hbm4b:s6+s2] =	stream.linear.scatter [tilespmem:s10], [sflag:$0x3], $0x2000, $0x38;
	[tilespmem:$0x6D10] =	vst v63  }
0x4d: {  	s18 =	simm.s32 $0x100  }
0x4e: {  	[tilespmem:s7], [sflag:$0x1] =	stream.indirect.gather [hbm4b:s3+s5], $0x20, s18, s5, $0xb8;
	[tilespmem:$0x6D10] =	vst v63  }
0x4f: {  	_ =	swait.ge [sflag:s11], $0x1000  }
0x50: {  	[sflag:s11] =	ssyncset.done $0x0  }
0x51: {  	s17 =	simm.s32 $0x1D30;
	[sflag:s11] =	ssyncadd.s32 $0xFFFFF000  }
0x52: {  	v1 =	vld [tilespmem:s17+$0x10]  }
0x53: {  	v7 =	vld [tilespmem:s17+$0xFFFFFFF0]  }
0x54: {  	v5 =	vld [tilespmem:s17+$0xFFFFFFE0];
	_ =	sdelay $0x2  }
0x55: {  	v2 =	vshll.u32 v1, $0xD;
	v8 =	vshll.u32 v1, $0x10;
	v3 =	vshrl.u32 v1, $0x3  }
0x56: {  	v4 =	vshll.u32 v7, $0xD;
	v6 =	vshrl.u32 v7, $0x3;
	v3 =	vand.u32 $0xFFFE000, v3  }
0x57: {  	v9 =	vshll.u32 v5, $0xD;
	v10 =	vshrl.u32 v5, $0x3;
	v3 =	vmul.f32 v3, v0  }
0x58: {  	v1 =	vand.u32 $0x80000000, v1;
	v9 =	vand.u32 $0xFFFE000, v9;
	v10 =	vand.u32 $0xFFFE000, v10  }
0x59: {  	v11 =	vor.u32 v3, v1;
	v1 =	vand.u32 $0xFFFE000, v2;
	v3 =	vshll.u32 v5, $0x10  }
0x5a: {  	v4 =	vand.u32 $0xFFFE000, v4;
	v12 =	vand.u32 $0x80000000, v3;
	v3 =	vmul.f32 v1, v0;
	v1 =	vld [tilespmem:s17+$0x0]  }
0x5b: {  	v6 =	vand.u32 $0xFFFE000, v6;
	v9 =	vmul.f32 v9, v0;
	v10 =	vmul.f32 v10, v0  }
0x5c: {  	v13 =	vand.u32 $0x80000000, v5;
	v4 =	vmul.f32 v4, v0;
	v2 =	vmul.f32 v6, v0  }
0x5d: {  	s16 =	simm.s32 $0x4D50;
	v6 =	vshll.u32 v7, $0x10;
	v5 =	vand.u32 $0x80000000, v8;
	v8 =	vor.u32 v10, v13  }
0x5e: {  	s18 =	simm.s32 $0x1D70;
	v7 =	vand.u32 $0x80000000, v7;
	v6 =	vand.u32 $0x80000000, v6;
	[tilespmem:s16+$0x30] =	vst v11;
	s17 =	simm.s32 $0x0;
	v9 =	vor.u32 v9, v12  }
.LBB2_4:
0x5f: {  	v10 =	vld [tilespmem:s18+$0x10];
	s17 =	sadd.s32 $0x2, s17;
	[tilespmem:s16+$0xFFFFFFC0] =	vst v9;
	v9 =	vshll.u32 v1, $0xD;
	v11 =	vshll.u32 v1, $0x10;
	v12 =	vshrl.u32 v1, $0x3  }
0x60: {  	v13 =	vld [tilespmem:s18+$0xFFFFFFF0];
	p0 =	slt.u32 s17, $0x7E;
	[tilespmem:s16+$0xFFFFFFE0] =	vst v8;
	v8 =	vand.u32 $0xFFFE000, v9;
	v9 =	vand.u32 $0x80000000, v11;
	v11 =	vand.u32 $0xFFFE000, v12  }
0x61: {  	v1 =	vand.u32 $0x80000000, v1;
	v12 =	vld [tilespmem:s18+$0xFFFFFFE0];
	v8 =	vmul.f32 v8, v0;
	v11 =	vmul.f32 v11, v0  }
0x62: {  	v4 =	vor.u32 v4, v6;
	v2 =	vor.u32 v2, v7;
	v3 =	vor.u32 v3, v5  }
0x63: {  	[tilespmem:s16+$0xFFFFFFD0] =	vst v4;
	v4 =	vor.u32 v8, v9;
	v1 =	vor.u32 v11, v1  }
0x64: {  	v5 =	vshll.u32 v10, $0xD;
	v7 =	vshll.u32 v10, $0x10;
	v6 =	vshrl.u32 v10, $0x3;
	[tilespmem:s16+$0xFFFFFFF0] =	vst v2  }
0x65: {  	v2 =	vshll.u32 v13, $0xD;
	v8 =	vshrl.u32 v13, $0x3;
	v6 =	vand.u32 $0xFFFE000, v6;
	[tilespmem:s16+$0x0] =	vst v4  }
0x66: {  	v4 =	vshll.u32 v12, $0xD;
	v9 =	vshrl.u32 v12, $0x3;
	v6 =	vmul.f32 v6, v0;
	[tilespmem:s16+$0x10] =	vst v3  }
0x67: {  	v3 =	vand.u32 $0xFFFE000, v4;
	v4 =	vand.u32 $0xFFFE000, v9;
	v9 =	vand.u32 $0x80000000, v10;
	[tilespmem:s16+$0x20] =	vst v1  }
0x68: {  	v2 =	vand.u32 $0xFFFE000, v2;
	v8 =	vand.u32 $0xFFFE000, v8;
	s16 =	sadd.s32 $0x80, s16;
	v6 =	vor.u32 v6, v9  }
.Ltmp1:
0x69: {  	v9 =	vmul.f32 v3, v0;
	v10 =	vmul.f32 v4, v0;
	v3 =	vand.u32 $0xFFFE000, v5;
	v1 =	vld [tilespmem:s18+$0x0];
	[tilespmem:s16+$0x30] =	vst v6;
	(pc) =	sbr.rel @p0 .LBB2_4-.Ltmp1, $4  }
0x6a: {  	v5 =	vshll.u32 v12, $0x10;
	v4 =	vmul.f32 v2, v0;
	v2 =	vmul.f32 v8, v0  }
0x6b: {  	v8 =	vand.u32 $0x80000000, v5;
	v5 =	vshll.u32 v13, $0x10;
	v3 =	vmul.f32 v3, v0  }
0x6c: {  	v11 =	vand.u32 $0x80000000, v12;
	v6 =	vand.u32 $0x80000000, v5;
	v5 =	vand.u32 $0x80000000, v7  }
0x6d: {  	s18 =	sadd.s32 $0x40, s18;
	v9 =	vor.u32 v9, v8;
	v8 =	vor.u32 v10, v11;
	v7 =	vand.u32 $0x80000000, v13  }
0x6e: {  	v10 =	vshll.u32 v1, $0xD;
	[tilespmem:s16+$0xFFFFFFC0] =	vst v9;
	v9 =	vshll.u32 v1, $0x10;
	v11 =	vshrl.u32 v1, $0x3  }
0x6f: {  	[tilespmem:s16+$0xFFFFFFE0] =	vst v8;
	v4 =	vor.u32 v4, v6;
	v2 =	vor.u32 v2, v7;
	v10 =	vand.u32 $0xFFFE000, v10  }
0x70: {  	v6 =	vand.u32 $0x80000000, v9;
	v9 =	vand.u32 $0xFFFE000, v11;
	[tilespmem:s16+$0xFFFFFFD0] =	vst v4;
	v8 =	vmul.f32 v10, v0  }
0x71: {  	[tilespmem:s16+$0xFFFFFFF0] =	vst v2;
	v2 =	vor.u32 v3, v5;
	v4 =	vmul.f32 v9, v0  }
0x72: {  	v1 =	vand.u32 $0x80000000, v1;
	[tilespmem:s16+$0x10] =	vst v2;
	v6 =	vor.u32 v8, v6  }
0x73: {  	v1 =	vor.u32 v4, v1;
	[tilespmem:s16+$0x0] =	vst v6  }
0x74: {  	[tilespmem:s16+$0x20] =	vst v1  }
0x75: {  	[hbm4b:s1+s2] =	stream.linear.scatter [tilespmem:s12], [sflag:$0x4], $0x2000, $0x38;
	[tilespmem:$0x6D10] =	vst v63  }
0x76: {  	s18 =	simm.s32 $0x180  }
0x77: {  	[tilespmem:s8], [sflag:$0x2] =	stream.indirect.gather [hbm4b:s3+s5], $0x20, s18, s5, $0xb8;
	[tilespmem:$0x6D10] =	vst v63  }
0x78: {  	_ =	swait.ge [sflag:s9], $0x1000  }
0x79: {  	[sflag:s9] =	ssyncset.done $0x0  }
0x7a: {  	[sflag:s9] =	ssyncadd.s32 $0xFFFFF000  }
0x7b: {  	_ =	swait.ge [sflag:s13], $0x2000  }
0x7c: {  	[sflag:s13] =	ssyncset.done $0x0  }
0x7d: {  	s17 =	simm.s32 $0xD30;
	[sflag:s13] =	ssyncadd.s32 $0xFFFFE000  }
0x7e: {  	v1 =	vld [tilespmem:s17+$0x10]  }
0x7f: {  	v7 =	vld [tilespmem:s17+$0xFFFFFFF0]  }
0x80: {  	v5 =	vld [tilespmem:s17+$0xFFFFFFE0];
	_ =	sdelay $0x2  }
0x81: {  	v2 =	vshll.u32 v1, $0xD;
	v8 =	vshll.u32 v1, $0x10;
	v3 =	vshrl.u32 v1, $0x3  }
0x82: {  	v4 =	vshll.u32 v7, $0xD;
	v6 =	vshrl.u32 v7, $0x3;
	v3 =	vand.u32 $0xFFFE000, v3  }
0x83: {  	v9 =	vshll.u32 v5, $0xD;
	v10 =	vshrl.u32 v5, $0x3;
	v3 =	vmul.f32 v3, v0  }
0x84: {  	v1 =	vand.u32 $0x80000000, v1;
	v9 =	vand.u32 $0xFFFE000, v9;
	v10 =	vand.u32 $0xFFFE000, v10  }
0x85: {  	v11 =	vor.u32 v3, v1;
	v1 =	vand.u32 $0xFFFE000, v2;
	v3 =	vshll.u32 v5, $0x10  }
0x86: {  	v4 =	vand.u32 $0xFFFE000, v4;
	v12 =	vand.u32 $0x80000000, v3;
	v3 =	vmul.f32 v1, v0;
	v1 =	vld [tilespmem:s17+$0x0]  }
0x87: {  	v6 =	vand.u32 $0xFFFE000, v6;
	v9 =	vmul.f32 v9, v0;
	v10 =	vmul.f32 v10, v0  }
0x88: {  	v13 =	vand.u32 $0x80000000, v5;
	v4 =	vmul.f32 v4, v0;
	v2 =	vmul.f32 v6, v0  }
0x89: {  	s16 =	simm.s32 $0x2D50;
	v6 =	vshll.u32 v7, $0x10;
	v5 =	vand.u32 $0x80000000, v8;
	v8 =	vor.u32 v10, v13  }
0x8a: {  	s18 =	simm.s32 $0xD70;
	v7 =	vand.u32 $0x80000000, v7;
	v6 =	vand.u32 $0x80000000, v6;
	[tilespmem:s16+$0x30] =	vst v11;
	s17 =	simm.s32 $0x0;
	v9 =	vor.u32 v9, v12  }
.LBB2_6:
0x8b: {  	v10 =	vld [tilespmem:s18+$0x10];
	s17 =	sadd.s32 $0x2, s17;
	[tilespmem:s16+$0xFFFFFFC0] =	vst v9;
	v9 =	vshll.u32 v1, $0xD;
	v11 =	vshll.u32 v1, $0x10;
	v12 =	vshrl.u32 v1, $0x3  }
0x8c: {  	v13 =	vld [tilespmem:s18+$0xFFFFFFF0];
	p0 =	slt.u32 s17, $0x7E;
	[tilespmem:s16+$0xFFFFFFE0] =	vst v8;
	v8 =	vand.u32 $0xFFFE000, v9;
	v9 =	vand.u32 $0x80000000, v11;
	v11 =	vand.u32 $0xFFFE000, v12  }
0x8d: {  	v1 =	vand.u32 $0x80000000, v1;
	v12 =	vld [tilespmem:s18+$0xFFFFFFE0];
	v8 =	vmul.f32 v8, v0;
	v11 =	vmul.f32 v11, v0  }
0x8e: {  	v4 =	vor.u32 v4, v6;
	v2 =	vor.u32 v2, v7;
	v3 =	vor.u32 v3, v5  }
0x8f: {  	[tilespmem:s16+$0xFFFFFFD0] =	vst v4;
	v4 =	vor.u32 v8, v9;
	v1 =	vor.u32 v11, v1  }
0x90: {  	v5 =	vshll.u32 v10, $0xD;
	v7 =	vshll.u32 v10, $0x10;
	v6 =	vshrl.u32 v10, $0x3;
	[tilespmem:s16+$0xFFFFFFF0] =	vst v2  }
0x91: {  	v2 =	vshll.u32 v13, $0xD;
	v8 =	vshrl.u32 v13, $0x3;
	v6 =	vand.u32 $0xFFFE000, v6;
	[tilespmem:s16+$0x0] =	vst v4  }
0x92: {  	v4 =	vshll.u32 v12, $0xD;
	v9 =	vshrl.u32 v12, $0x3;
	v6 =	vmul.f32 v6, v0;
	[tilespmem:s16+$0x10] =	vst v3  }
0x93: {  	v3 =	vand.u32 $0xFFFE000, v4;
	v4 =	vand.u32 $0xFFFE000, v9;
	v9 =	vand.u32 $0x80000000, v10;
	[tilespmem:s16+$0x20] =	vst v1  }
0x94: {  	v2 =	vand.u32 $0xFFFE000, v2;
	v8 =	vand.u32 $0xFFFE000, v8;
	s16 =	sadd.s32 $0x80, s16;
	v6 =	vor.u32 v6, v9  }
.Ltmp2:
0x95: {  	v9 =	vmul.f32 v3, v0;
	v10 =	vmul.f32 v4, v0;
	v3 =	vand.u32 $0xFFFE000, v5;
	v1 =	vld [tilespmem:s18+$0x0];
	[tilespmem:s16+$0x30] =	vst v6;
	(pc) =	sbr.rel @p0 .LBB2_6-.Ltmp2, $4  }
0x96: {  	v5 =	vshll.u32 v12, $0x10;
	v4 =	vmul.f32 v2, v0;
	v2 =	vmul.f32 v8, v0  }
0x97: {  	v8 =	vand.u32 $0x80000000, v5;
	v5 =	vshll.u32 v13, $0x10;
	v3 =	vmul.f32 v3, v0  }
0x98: {  	v11 =	vand.u32 $0x80000000, v12;
	v6 =	vand.u32 $0x80000000, v5;
	v5 =	vand.u32 $0x80000000, v7  }
0x99: {  	s18 =	sadd.s32 $0x40, s18;
	v9 =	vor.u32 v9, v8;
	v8 =	vor.u32 v10, v11;
	v7 =	vand.u32 $0x80000000, v13  }
0x9a: {  	v10 =	vshll.u32 v1, $0xD;
	[tilespmem:s16+$0xFFFFFFC0] =	vst v9;
	v9 =	vshll.u32 v1, $0x10;
	v11 =	vshrl.u32 v1, $0x3  }
0x9b: {  	[tilespmem:s16+$0xFFFFFFE0] =	vst v8;
	v4 =	vor.u32 v4, v6;
	v2 =	vor.u32 v2, v7;
	v10 =	vand.u32 $0xFFFE000, v10  }
0x9c: {  	v6 =	vand.u32 $0x80000000, v9;
	v9 =	vand.u32 $0xFFFE000, v11;
	[tilespmem:s16+$0xFFFFFFD0] =	vst v4;
	v8 =	vmul.f32 v10, v0  }
0x9d: {  	[tilespmem:s16+$0xFFFFFFF0] =	vst v2;
	v2 =	vor.u32 v3, v5;
	v4 =	vmul.f32 v9, v0  }
0x9e: {  	v1 =	vand.u32 $0x80000000, v1;
	[tilespmem:s16+$0x10] =	vst v2;
	v6 =	vor.u32 v8, v6  }
0x9f: {  	v1 =	vor.u32 v4, v1;
	[tilespmem:s16+$0x0] =	vst v6  }
0xa0: {  	[tilespmem:s16+$0x20] =	vst v1  }
0xa1: {  	s16 =	rddreg [dreg:$0x5]  }
0xa2: {  	[hbm4b:s16+s2] =	stream.linear.scatter [tilespmem:s10], [sflag:$0x3], $0x2000, $0x38;
	[tilespmem:$0x6D10] =	vst v63  }
0xa3: {  	s18 =	simm.s32 $0x200  }
0xa4: {  	[tilespmem:s7], [sflag:$0x1] =	stream.indirect.gather [hbm4b:s3+s5], $0x20, s18, s5, $0xb8;
	[tilespmem:$0x6D10] =	vst v63  }
0xa5: {  	_ =	swait.ge [sflag:s11], $0x1000  }
0xa6: {  	[sflag:s11] =	ssyncset.done $0x0  }
0xa7: {  	[sflag:s11] =	ssyncadd.s32 $0xFFFFF000  }
0xa8: {  	_ =	swait.ge [sflag:s14], $0x2000  }
0xa9: {  	[sflag:s14] =	ssyncset.done $0x0  }
0xaa: {  	s17 =	simm.s32 $0x1D30;
	[sflag:s14] =	ssyncadd.s32 $0xFFFFE000  }
0xab: {  	v1 =	vld [tilespmem:s17+$0x10]  }
0xac: {  	v7 =	vld [tilespmem:s17+$0xFFFFFFF0]  }
0xad: {  	v5 =	vld [tilespmem:s17+$0xFFFFFFE0];
	_ =	sdelay $0x2  }
0xae: {  	v2 =	vshll.u32 v1, $0xD;
	v8 =	vshll.u32 v1, $0x10;
	v3 =	vshrl.u32 v1, $0x3  }
0xaf: {  	v4 =	vshll.u32 v7, $0xD;
	v6 =	vshrl.u32 v7, $0x3;
	v3 =	vand.u32 $0xFFFE000, v3  }
0xb0: {  	v9 =	vshll.u32 v5, $0xD;
	v10 =	vshrl.u32 v5, $0x3;
	v3 =	vmul.f32 v3, v0  }
0xb1: {  	v1 =	vand.u32 $0x80000000, v1;
	v9 =	vand.u32 $0xFFFE000, v9;
	v10 =	vand.u32 $0xFFFE000, v10  }
0xb2: {  	v11 =	vor.u32 v3, v1;
	v1 =	vand.u32 $0xFFFE000, v2;
	v3 =	vshll.u32 v5, $0x10  }
0xb3: {  	v4 =	vand.u32 $0xFFFE000, v4;
	v12 =	vand.u32 $0x80000000, v3;
	v3 =	vmul.f32 v1, v0;
	v1 =	vld [tilespmem:s17+$0x0]  }
0xb4: {  	v6 =	vand.u32 $0xFFFE000, v6;
	v9 =	vmul.f32 v9, v0;
	v10 =	vmul.f32 v10, v0  }
0xb5: {  	v13 =	vand.u32 $0x80000000, v5;
	v4 =	vmul.f32 v4, v0;
	v2 =	vmul.f32 v6, v0  }
0xb6: {  	s16 =	simm.s32 $0x4D50;
	v6 =	vshll.u32 v7, $0x10;
	v5 =	vand.u32 $0x80000000, v8;
	v8 =	vor.u32 v10, v13  }
0xb7: {  	s18 =	simm.s32 $0x1D70;
	v7 =	vand.u32 $0x80000000, v7;
	v6 =	vand.u32 $0x80000000, v6;
	[tilespmem:s16+$0x30] =	vst v11;
	s17 =	simm.s32 $0x0;
	v9 =	vor.u32 v9, v12  }
.LBB2_8:
0xb8: {  	v10 =	vld [tilespmem:s18+$0x10];
	s17 =	sadd.s32 $0x2, s17;
	[tilespmem:s16+$0xFFFFFFC0] =	vst v9;
	v9 =	vshll.u32 v1, $0xD;
	v11 =	vshll.u32 v1, $0x10;
	v12 =	vshrl.u32 v1, $0x3  }
0xb9: {  	v13 =	vld [tilespmem:s18+$0xFFFFFFF0];
	p0 =	slt.u32 s17, $0x7E;
	[tilespmem:s16+$0xFFFFFFE0] =	vst v8;
	v8 =	vand.u32 $0xFFFE000, v9;
	v9 =	vand.u32 $0x80000000, v11;
	v11 =	vand.u32 $0xFFFE000, v12  }
0xba: {  	v1 =	vand.u32 $0x80000000, v1;
	v12 =	vld [tilespmem:s18+$0xFFFFFFE0];
	v8 =	vmul.f32 v8, v0;
	v11 =	vmul.f32 v11, v0  }
0xbb: {  	v4 =	vor.u32 v4, v6;
	v2 =	vor.u32 v2, v7;
	v3 =	vor.u32 v3, v5  }
0xbc: {  	[tilespmem:s16+$0xFFFFFFD0] =	vst v4;
	v4 =	vor.u32 v8, v9;
	v1 =	vor.u32 v11, v1  }
0xbd: {  	v5 =	vshll.u32 v10, $0xD;
	v7 =	vshll.u32 v10, $0x10;
	v6 =	vshrl.u32 v10, $0x3;
	[tilespmem:s16+$0xFFFFFFF0] =	vst v2  }
0xbe: {  	v2 =	vshll.u32 v13, $0xD;
	v8 =	vshrl.u32 v13, $0x3;
	v6 =	vand.u32 $0xFFFE000, v6;
	[tilespmem:s16+$0x0] =	vst v4  }
0xbf: {  	v4 =	vshll.u32 v12, $0xD;
	v9 =	vshrl.u32 v12, $0x3;
	v6 =	vmul.f32 v6, v0;
	[tilespmem:s16+$0x10] =	vst v3  }
0xc0: {  	v3 =	vand.u32 $0xFFFE000, v4;
	v4 =	vand.u32 $0xFFFE000, v9;
	v9 =	vand.u32 $0x80000000, v10;
	[tilespmem:s16+$0x20] =	vst v1  }
0xc1: {  	v2 =	vand.u32 $0xFFFE000, v2;
	v8 =	vand.u32 $0xFFFE000, v8;
	s16 =	sadd.s32 $0x80, s16;
	v6 =	vor.u32 v6, v9  }
.Ltmp3:
0xc2: {  	v9 =	vmul.f32 v3, v0;
	v10 =	vmul.f32 v4, v0;
	v3 =	vand.u32 $0xFFFE000, v5;
	v1 =	vld [tilespmem:s18+$0x0];
	[tilespmem:s16+$0x30] =	vst v6;
	(pc) =	sbr.rel @p0 .LBB2_8-.Ltmp3, $4  }
0xc3: {  	v5 =	vshll.u32 v12, $0x10;
	v4 =	vmul.f32 v2, v0;
	v2 =	vmul.f32 v8, v0  }
0xc4: {  	v8 =	vand.u32 $0x80000000, v5;
	v5 =	vshll.u32 v13, $0x10;
	v3 =	vmul.f32 v3, v0  }
0xc5: {  	v11 =	vand.u32 $0x80000000, v12;
	v6 =	vand.u32 $0x80000000, v5;
	v5 =	vand.u32 $0x80000000, v7  }
0xc6: {  	s18 =	sadd.s32 $0x40, s18;
	v9 =	vor.u32 v9, v8;
	v8 =	vor.u32 v10, v11;
	v7 =	vand.u32 $0x80000000, v13  }
0xc7: {  	v10 =	vshll.u32 v1, $0xD;
	[tilespmem:s16+$0xFFFFFFC0] =	vst v9;
	v9 =	vshll.u32 v1, $0x10;
	v11 =	vshrl.u32 v1, $0x3  }
0xc8: {  	[tilespmem:s16+$0xFFFFFFE0] =	vst v8;
	v4 =	vor.u32 v4, v6;
	v2 =	vor.u32 v2, v7;
	v10 =	vand.u32 $0xFFFE000, v10  }
0xc9: {  	v6 =	vand.u32 $0x80000000, v9;
	v9 =	vand.u32 $0xFFFE000, v11;
	[tilespmem:s16+$0xFFFFFFD0] =	vst v4;
	v8 =	vmul.f32 v10, v0  }
0xca: {  	[tilespmem:s16+$0xFFFFFFF0] =	vst v2;
	v2 =	vor.u32 v3, v5;
	v4 =	vmul.f32 v9, v0  }
0xcb: {  	v1 =	vand.u32 $0x80000000, v1;
	[tilespmem:s16+$0x10] =	vst v2;
	v6 =	vor.u32 v8, v6  }
0xcc: {  	v1 =	vor.u32 v4, v1;
	[tilespmem:s16+$0x0] =	vst v6  }
0xcd: {  	[tilespmem:s16+$0x20] =	vst v1  }
0xce: {  	s16 =	rddreg [dreg:$0x6]  }
0xcf: {  	[hbm4b:s16+s2] =	stream.linear.scatter [tilespmem:s12], [sflag:$0x4], $0x2000, $0x38;
	[tilespmem:$0x6D10] =	vst v63  }
0xd0: {  	s18 =	simm.s32 $0x280  }
0xd1: {  	[tilespmem:s8], [sflag:$0x2] =	stream.indirect.gather [hbm4b:s3+s5], $0x20, s18, s5, $0xb8;
	[tilespmem:$0x6D10] =	vst v63  }
0xd2: {  	_ =	swait.ge [sflag:s9], $0x1000  }
0xd3: {  	[sflag:s9] =	ssyncset.done $0x0  }
0xd4: {  	[sflag:s9] =	ssyncadd.s32 $0xFFFFF000  }
0xd5: {  	_ =	swait.ge [sflag:s13], $0x2000  }
0xd6: {  	[sflag:s13] =	ssyncset.done $0x0  }
0xd7: {  	s17 =	simm.s32 $0xD30;
	[sflag:s13] =	ssyncadd.s32 $0xFFFFE000  }
0xd8: {  	v1 =	vld [tilespmem:s17+$0x10]  }
0xd9: {  	v7 =	vld [tilespmem:s17+$0xFFFFFFF0]  }
0xda: {  	v5 =	vld [tilespmem:s17+$0xFFFFFFE0];
	_ =	sdelay $0x2  }
0xdb: {  	v2 =	vshll.u32 v1, $0xD;
	v8 =	vshll.u32 v1, $0x10;
	v3 =	vshrl.u32 v1, $0x3  }
0xdc: {  	v4 =	vshll.u32 v7, $0xD;
	v6 =	vshrl.u32 v7, $0x3;
	v3 =	vand.u32 $0xFFFE000, v3  }
0xdd: {  	v9 =	vshll.u32 v5, $0xD;
	v10 =	vshrl.u32 v5, $0x3;
	v3 =	vmul.f32 v3, v0  }
0xde: {  	v1 =	vand.u32 $0x80000000, v1;
	v9 =	vand.u32 $0xFFFE000, v9;
	v10 =	vand.u32 $0xFFFE000, v10  }
0xdf: {  	v11 =	vor.u32 v3, v1;
	v1 =	vand.u32 $0xFFFE000, v2;
	v3 =	vshll.u32 v5, $0x10  }
0xe0: {  	v4 =	vand.u32 $0xFFFE000, v4;
	v12 =	vand.u32 $0x80000000, v3;
	v3 =	vmul.f32 v1, v0;
	v1 =	vld [tilespmem:s17+$0x0]  }
0xe1: {  	v6 =	vand.u32 $0xFFFE000, v6;
	v9 =	vmul.f32 v9, v0;
	v10 =	vmul.f32 v10, v0  }
0xe2: {  	v13 =	vand.u32 $0x80000000, v5;
	v4 =	vmul.f32 v4, v0;
	v2 =	vmul.f32 v6, v0  }
0xe3: {  	s16 =	simm.s32 $0x2D50;
	v6 =	vshll.u32 v7, $0x10;
	v5 =	vand.u32 $0x80000000, v8;
	v8 =	vor.u32 v10, v13  }
0xe4: {  	s18 =	simm.s32 $0xD70;
	v7 =	vand.u32 $0x80000000, v7;
	v6 =	vand.u32 $0x80000000, v6;
	[tilespmem:s16+$0x30] =	vst v11;
	s17 =	simm.s32 $0x0;
	v9 =	vor.u32 v9, v12  }
.LBB2_10:
0xe5: {  	v10 =	vld [tilespmem:s18+$0x10];
	s17 =	sadd.s32 $0x2, s17;
	[tilespmem:s16+$0xFFFFFFC0] =	vst v9;
	v9 =	vshll.u32 v1, $0xD;
	v11 =	vshll.u32 v1, $0x10;
	v12 =	vshrl.u32 v1, $0x3  }
0xe6: {  	v13 =	vld [tilespmem:s18+$0xFFFFFFF0];
	p0 =	slt.u32 s17, $0x7E;
	[tilespmem:s16+$0xFFFFFFE0] =	vst v8;
	v8 =	vand.u32 $0xFFFE000, v9;
	v9 =	vand.u32 $0x80000000, v11;
	v11 =	vand.u32 $0xFFFE000, v12  }
0xe7: {  	v1 =	vand.u32 $0x80000000, v1;
	v12 =	vld [tilespmem:s18+$0xFFFFFFE0];
	v8 =	vmul.f32 v8, v0;
	v11 =	vmul.f32 v11, v0  }
0xe8: {  	v4 =	vor.u32 v4, v6;
	v2 =	vor.u32 v2, v7;
	v3 =	vor.u32 v3, v5  }
0xe9: {  	[tilespmem:s16+$0xFFFFFFD0] =	vst v4;
	v4 =	vor.u32 v8, v9;
	v1 =	vor.u32 v11, v1  }
0xea: {  	v5 =	vshll.u32 v10, $0xD;
	v7 =	vshll.u32 v10, $0x10;
	v6 =	vshrl.u32 v10, $0x3;
	[tilespmem:s16+$0xFFFFFFF0] =	vst v2  }
0xeb: {  	v2 =	vshll.u32 v13, $0xD;
	v8 =	vshrl.u32 v13, $0x3;
	v6 =	vand.u32 $0xFFFE000, v6;
	[tilespmem:s16+$0x0] =	vst v4  }
0xec: {  	v4 =	vshll.u32 v12, $0xD;
	v9 =	vshrl.u32 v12, $0x3;
	v6 =	vmul.f32 v6, v0;
	[tilespmem:s16+$0x10] =	vst v3  }
0xed: {  	v3 =	vand.u32 $0xFFFE000, v4;
	v4 =	vand.u32 $0xFFFE000, v9;
	v9 =	vand.u32 $0x80000000, v10;
	[tilespmem:s16+$0x20] =	vst v1  }
0xee: {  	v2 =	vand.u32 $0xFFFE000, v2;
	v8 =	vand.u32 $0xFFFE000, v8;
	s16 =	sadd.s32 $0x80, s16;
	v6 =	vor.u32 v6, v9  }
.Ltmp4:
0xef: {  	v9 =	vmul.f32 v3, v0;
	v10 =	vmul.f32 v4, v0;
	v3 =	vand.u32 $0xFFFE000, v5;
	v1 =	vld [tilespmem:s18+$0x0];
	[tilespmem:s16+$0x30] =	vst v6;
	(pc) =	sbr.rel @p0 .LBB2_10-.Ltmp4, $4  }
0xf0: {  	v5 =	vshll.u32 v12, $0x10;
	v4 =	vmul.f32 v2, v0;
	v2 =	vmul.f32 v8, v0  }
0xf1: {  	v8 =	vand.u32 $0x80000000, v5;
	v5 =	vshll.u32 v13, $0x10;
	v3 =	vmul.f32 v3, v0  }
0xf2: {  	v11 =	vand.u32 $0x80000000, v12;
	v6 =	vand.u32 $0x80000000, v5;
	v5 =	vand.u32 $0x80000000, v7  }
0xf3: {  	s18 =	sadd.s32 $0x40, s18;
	v9 =	vor.u32 v9, v8;
	v8 =	vor.u32 v10, v11;
	v7 =	vand.u32 $0x80000000, v13  }
0xf4: {  	v10 =	vshll.u32 v1, $0xD;
	[tilespmem:s16+$0xFFFFFFC0] =	vst v9;
	v9 =	vshll.u32 v1, $0x10;
	v11 =	vshrl.u32 v1, $0x3  }
0xf5: {  	[tilespmem:s16+$0xFFFFFFE0] =	vst v8;
	v4 =	vor.u32 v4, v6;
	v2 =	vor.u32 v2, v7;
	v10 =	vand.u32 $0xFFFE000, v10  }
0xf6: {  	v6 =	vand.u32 $0x80000000, v9;
	v9 =	vand.u32 $0xFFFE000, v11;
	[tilespmem:s16+$0xFFFFFFD0] =	vst v4;
	v8 =	vmul.f32 v10, v0  }
0xf7: {  	[tilespmem:s16+$0xFFFFFFF0] =	vst v2;
	v2 =	vor.u32 v3, v5;
	v4 =	vmul.f32 v9, v0  }
0xf8: {  	v1 =	vand.u32 $0x80000000, v1;
	[tilespmem:s16+$0x10] =	vst v2;
	v6 =	vor.u32 v8, v6  }
0xf9: {  	v1 =	vor.u32 v4, v1;
	[tilespmem:s16+$0x0] =	vst v6  }
0xfa: {  	[tilespmem:s16+$0x20] =	vst v1  }
0xfb: {  	s16 =	rddreg [dreg:$0x7]  }
0xfc: {  	[hbm4b:s16+s2] =	stream.linear.scatter [tilespmem:s10], [sflag:$0x3], $0x2000, $0x38;
	[tilespmem:$0x6D10] =	vst v63  }
0xfd: {  	s18 =	simm.s32 $0x300  }
0xfe: {  	[tilespmem:s7], [sflag:$0x1] =	stream.indirect.gather [hbm4b:s3+s5], $0x20, s18, s5, $0xb8;
	[tilespmem:$0x6D10] =	vst v63  }
0xff: {  	_ =	swait.ge [sflag:s11], $0x1000  }
0x100: {  	[sflag:s11] =	ssyncset.done $0x0  }
0x101: {  	[sflag:s11] =	ssyncadd.s32 $0xFFFFF000  }
0x102: {  	_ =	swait.ge [sflag:s14], $0x2000  }
0x103: {  	[sflag:s14] =	ssyncset.done $0x0  }
0x104: {  	s17 =	simm.s32 $0x1D30;
	[sflag:s14] =	ssyncadd.s32 $0xFFFFE000  }
0x105: {  	v1 =	vld [tilespmem:s17+$0x10]  }
0x106: {  	v7 =	vld [tilespmem:s17+$0xFFFFFFF0]  }
0x107: {  	v5 =	vld [tilespmem:s17+$0xFFFFFFE0];
	_ =	sdelay $0x2  }
0x108: {  	v2 =	vshll.u32 v1, $0xD;
	v8 =	vshll.u32 v1, $0x10;
	v3 =	vshrl.u32 v1, $0x3  }
0x109: {  	v4 =	vshll.u32 v7, $0xD;
	v6 =	vshrl.u32 v7, $0x3;
	v3 =	vand.u32 $0xFFFE000, v3  }
0x10a: {  	v9 =	vshll.u32 v5, $0xD;
	v10 =	vshrl.u32 v5, $0x3;
	v3 =	vmul.f32 v3, v0  }
0x10b: {  	v1 =	vand.u32 $0x80000000, v1;
	v9 =	vand.u32 $0xFFFE000, v9;
	v10 =	vand.u32 $0xFFFE000, v10  }
0x10c: {  	v11 =	vor.u32 v3, v1;
	v1 =	vand.u32 $0xFFFE000, v2;
	v3 =	vshll.u32 v5, $0x10  }
0x10d: {  	v4 =	vand.u32 $0xFFFE000, v4;
	v12 =	vand.u32 $0x80000000, v3;
	v3 =	vmul.f32 v1, v0;
	v1 =	vld [tilespmem:s17+$0x0]  }
0x10e: {  	v6 =	vand.u32 $0xFFFE000, v6;
	v9 =	vmul.f32 v9, v0;
	v10 =	vmul.f32 v10, v0  }
0x10f: {  	v13 =	vand.u32 $0x80000000, v5;
	v4 =	vmul.f32 v4, v0;
	v2 =	vmul.f32 v6, v0  }
0x110: {  	s16 =	simm.s32 $0x4D50;
	v6 =	vshll.u32 v7, $0x10;
	v5 =	vand.u32 $0x80000000, v8;
	v8 =	vor.u32 v10, v13  }
0x111: {  	s18 =	simm.s32 $0x1D70;
	v7 =	vand.u32 $0x80000000, v7;
	v6 =	vand.u32 $0x80000000, v6;
	[tilespmem:s16+$0x30] =	vst v11;
	s17 =	simm.s32 $0x0;
	v9 =	vor.u32 v9, v12  }
.LBB2_12:
0x112: {  	v10 =	vld [tilespmem:s18+$0x10];
	s17 =	sadd.s32 $0x2, s17;
	[tilespmem:s16+$0xFFFFFFC0] =	vst v9;
	v9 =	vshll.u32 v1, $0xD;
	v11 =	vshll.u32 v1, $0x10;
	v12 =	vshrl.u32 v1, $0x3  }
0x113: {  	v13 =	vld [tilespmem:s18+$0xFFFFFFF0];
	p0 =	slt.u32 s17, $0x7E;
	[tilespmem:s16+$0xFFFFFFE0] =	vst v8;
	v8 =	vand.u32 $0xFFFE000, v9;
	v9 =	vand.u32 $0x80000000, v11;
	v11 =	vand.u32 $0xFFFE000, v12  }
0x114: {  	v1 =	vand.u32 $0x80000000, v1;
	v12 =	vld [tilespmem:s18+$0xFFFFFFE0];
	v8 =	vmul.f32 v8, v0;
	v11 =	vmul.f32 v11, v0  }
0x115: {  	v4 =	vor.u32 v4, v6;
	v2 =	vor.u32 v2, v7;
	v3 =	vor.u32 v3, v5  }
0x116: {  	[tilespmem:s16+$0xFFFFFFD0] =	vst v4;
	v4 =	vor.u32 v8, v9;
	v1 =	vor.u32 v11, v1  }
0x117: {  	v5 =	vshll.u32 v10, $0xD;
	v7 =	vshll.u32 v10, $0x10;
	v6 =	vshrl.u32 v10, $0x3;
	[tilespmem:s16+$0xFFFFFFF0] =	vst v2  }
0x118: {  	v2 =	vshll.u32 v13, $0xD;
	v8 =	vshrl.u32 v13, $0x3;
	v6 =	vand.u32 $0xFFFE000, v6;
	[tilespmem:s16+$0x0] =	vst v4  }
0x119: {  	v4 =	vshll.u32 v12, $0xD;
	v9 =	vshrl.u32 v12, $0x3;
	v6 =	vmul.f32 v6, v0;
	[tilespmem:s16+$0x10] =	vst v3  }
0x11a: {  	v3 =	vand.u32 $0xFFFE000, v4;
	v4 =	vand.u32 $0xFFFE000, v9;
	v9 =	vand.u32 $0x80000000, v10;
	[tilespmem:s16+$0x20] =	vst v1  }
0x11b: {  	v2 =	vand.u32 $0xFFFE000, v2;
	v8 =	vand.u32 $0xFFFE000, v8;
	s16 =	sadd.s32 $0x80, s16;
	v6 =	vor.u32 v6, v9  }
.Ltmp5:
0x11c: {  	v9 =	vmul.f32 v3, v0;
	v10 =	vmul.f32 v4, v0;
	v3 =	vand.u32 $0xFFFE000, v5;
	v1 =	vld [tilespmem:s18+$0x0];
	[tilespmem:s16+$0x30] =	vst v6;
	(pc) =	sbr.rel @p0 .LBB2_12-.Ltmp5, $4  }
0x11d: {  	v5 =	vshll.u32 v12, $0x10;
	v4 =	vmul.f32 v2, v0;
	v2 =	vmul.f32 v8, v0  }
0x11e: {  	v8 =	vand.u32 $0x80000000, v5;
	v5 =	vshll.u32 v13, $0x10;
	v3 =	vmul.f32 v3, v0  }
0x11f: {  	v11 =	vand.u32 $0x80000000, v12;
	v6 =	vand.u32 $0x80000000, v5;
	v5 =	vand.u32 $0x80000000, v7  }
0x120: {  	s18 =	sadd.s32 $0x40, s18;
	v9 =	vor.u32 v9, v8;
	v8 =	vor.u32 v10, v11;
	v7 =	vand.u32 $0x80000000, v13  }
0x121: {  	v10 =	vshll.u32 v1, $0xD;
	[tilespmem:s16+$0xFFFFFFC0] =	vst v9;
	v9 =	vshll.u32 v1, $0x10;
	v11 =	vshrl.u32 v1, $0x3  }
0x122: {  	[tilespmem:s16+$0xFFFFFFE0] =	vst v8;
	v4 =	vor.u32 v4, v6;
	v2 =	vor.u32 v2, v7;
	v10 =	vand.u32 $0xFFFE000, v10  }
0x123: {  	v6 =	vand.u32 $0x80000000, v9;
	v9 =	vand.u32 $0xFFFE000, v11;
	[tilespmem:s16+$0xFFFFFFD0] =	vst v4;
	v8 =	vmul.f32 v10, v0  }
0x124: {  	[tilespmem:s16+$0xFFFFFFF0] =	vst v2;
	v2 =	vor.u32 v3, v5;
	v4 =	vmul.f32 v9, v0  }
0x125: {  	v1 =	vand.u32 $0x80000000, v1;
	[tilespmem:s16+$0x10] =	vst v2;
	v6 =	vor.u32 v8, v6  }
0x126: {  	v1 =	vor.u32 v4, v1;
	[tilespmem:s16+$0x0] =	vst v6  }
0x127: {  	[tilespmem:s16+$0x20] =	vst v1  }
0x128: {  	s16 =	rddreg [dreg:$0x8]  }
0x129: {  	[hbm4b:s16+s2] =	stream.linear.scatter [tilespmem:s12], [sflag:$0x4], $0x2000, $0x38;
	[tilespmem:$0x6D10] =	vst v63  }
0x12a: {  	s18 =	simm.s32 $0x380  }
0x12b: {  	[tilespmem:s8], [sflag:$0x2] =	stream.indirect.gather [hbm4b:s3+s5], $0x20, s18, s5, $0xb8;
	[tilespmem:$0x6D10] =	vst v63  }
0x12c: {  	_ =	swait.ge [sflag:s9], $0x1000  }
0x12d: {  	[sflag:s9] =	ssyncset.done $0x0  }
0x12e: {  	[sflag:s9] =	ssyncadd.s32 $0xFFFFF000  }
0x12f: {  	_ =	swait.ge [sflag:s13], $0x2000  }
0x130: {  	[sflag:s13] =	ssyncset.done $0x0  }
0x131: {  	s17 =	simm.s32 $0xD30;
	[sflag:s13] =	ssyncadd.s32 $0xFFFFE000  }
0x132: {  	v1 =	vld [tilespmem:s17+$0x10]  }
0x133: {  	v7 =	vld [tilespmem:s17+$0xFFFFFFF0]  }
0x134: {  	v5 =	vld [tilespmem:s17+$0xFFFFFFE0];
	_ =	sdelay $0x2  }
0x135: {  	v2 =	vshll.u32 v1, $0xD;
	v8 =	vshll.u32 v1, $0x10;
	v3 =	vshrl.u32 v1, $0x3  }
0x136: {  	v4 =	vshll.u32 v7, $0xD;
	v6 =	vshrl.u32 v7, $0x3;
	v3 =	vand.u32 $0xFFFE000, v3  }
0x137: {  	v9 =	vshll.u32 v5, $0xD;
	v10 =	vshrl.u32 v5, $0x3;
	v3 =	vmul.f32 v3, v0  }
0x138: {  	v1 =	vand.u32 $0x80000000, v1;
	v9 =	vand.u32 $0xFFFE000, v9;
	v10 =	vand.u32 $0xFFFE000, v10  }
0x139: {  	v11 =	vor.u32 v3, v1;
	v1 =	vand.u32 $0xFFFE000, v2;
	v3 =	vshll.u32 v5, $0x10  }
0x13a: {  	v4 =	vand.u32 $0xFFFE000, v4;
	v12 =	vand.u32 $0x80000000, v3;
	v3 =	vmul.f32 v1, v0;
	v1 =	vld [tilespmem:s17+$0x0]  }
0x13b: {  	v6 =	vand.u32 $0xFFFE000, v6;
	v9 =	vmul.f32 v9, v0;
	v10 =	vmul.f32 v10, v0  }
0x13c: {  	v13 =	vand.u32 $0x80000000, v5;
	v4 =	vmul.f32 v4, v0;
	v2 =	vmul.f32 v6, v0  }
0x13d: {  	s16 =	simm.s32 $0x2D50;
	v6 =	vshll.u32 v7, $0x10;
	v5 =	vand.u32 $0x80000000, v8;
	v8 =	vor.u32 v10, v13  }
0x13e: {  	s18 =	simm.s32 $0xD70;
	v7 =	vand.u32 $0x80000000, v7;
	v6 =	vand.u32 $0x80000000, v6;
	[tilespmem:s16+$0x30] =	vst v11;
	s17 =	simm.s32 $0x0;
	v9 =	vor.u32 v9, v12  }
.LBB2_14:
0x13f: {  	v10 =	vld [tilespmem:s18+$0x10];
	s17 =	sadd.s32 $0x2, s17;
	[tilespmem:s16+$0xFFFFFFC0] =	vst v9;
	v9 =	vshll.u32 v1, $0xD;
	v11 =	vshll.u32 v1, $0x10;
	v12 =	vshrl.u32 v1, $0x3  }
0x140: {  	v13 =	vld [tilespmem:s18+$0xFFFFFFF0];
	p0 =	slt.u32 s17, $0x7E;
	[tilespmem:s16+$0xFFFFFFE0] =	vst v8;
	v8 =	vand.u32 $0xFFFE000, v9;
	v9 =	vand.u32 $0x80000000, v11;
	v11 =	vand.u32 $0xFFFE000, v12  }
0x141: {  	v1 =	vand.u32 $0x80000000, v1;
	v12 =	vld [tilespmem:s18+$0xFFFFFFE0];
	v8 =	vmul.f32 v8, v0;
	v11 =	vmul.f32 v11, v0  }
0x142: {  	v4 =	vor.u32 v4, v6;
	v2 =	vor.u32 v2, v7;
	v3 =	vor.u32 v3, v5  }
0x143: {  	[tilespmem:s16+$0xFFFFFFD0] =	vst v4;
	v4 =	vor.u32 v8, v9;
	v1 =	vor.u32 v11, v1  }
0x144: {  	v5 =	vshll.u32 v10, $0xD;
	v7 =	vshll.u32 v10, $0x10;
	v6 =	vshrl.u32 v10, $0x3;
	[tilespmem:s16+$0xFFFFFFF0] =	vst v2  }
0x145: {  	v2 =	vshll.u32 v13, $0xD;
	v8 =	vshrl.u32 v13, $0x3;
	v6 =	vand.u32 $0xFFFE000, v6;
	[tilespmem:s16+$0x0] =	vst v4  }
0x146: {  	v4 =	vshll.u32 v12, $0xD;
	v9 =	vshrl.u32 v12, $0x3;
	v6 =	vmul.f32 v6, v0;
	[tilespmem:s16+$0x10] =	vst v3  }
0x147: {  	v3 =	vand.u32 $0xFFFE000, v4;
	v4 =	vand.u32 $0xFFFE000, v9;
	v9 =	vand.u32 $0x80000000, v10;
	[tilespmem:s16+$0x20] =	vst v1  }
0x148: {  	v2 =	vand.u32 $0xFFFE000, v2;
	v8 =	vand.u32 $0xFFFE000, v8;
	s16 =	sadd.s32 $0x80, s16;
	v6 =	vor.u32 v6, v9  }
.Ltmp6:
0x149: {  	v9 =	vmul.f32 v3, v0;
	v10 =	vmul.f32 v4, v0;
	v3 =	vand.u32 $0xFFFE000, v5;
	v1 =	vld [tilespmem:s18+$0x0];
	[tilespmem:s16+$0x30] =	vst v6;
	(pc) =	sbr.rel @p0 .LBB2_14-.Ltmp6, $4  }
0x14a: {  	v5 =	vshll.u32 v12, $0x10;
	v4 =	vmul.f32 v2, v0;
	v2 =	vmul.f32 v8, v0  }
0x14b: {  	v8 =	vand.u32 $0x80000000, v5;
	v5 =	vshll.u32 v13, $0x10;
	v3 =	vmul.f32 v3, v0  }
0x14c: {  	v11 =	vand.u32 $0x80000000, v12;
	v6 =	vand.u32 $0x80000000, v5;
	v5 =	vand.u32 $0x80000000, v7  }
0x14d: {  	s18 =	sadd.s32 $0x40, s18;
	v9 =	vor.u32 v9, v8;
	v8 =	vor.u32 v10, v11;
	v7 =	vand.u32 $0x80000000, v13  }
0x14e: {  	v10 =	vshll.u32 v1, $0xD;
	[tilespmem:s16+$0xFFFFFFC0] =	vst v9;
	v9 =	vshll.u32 v1, $0x10;
	v11 =	vshrl.u32 v1, $0x3  }
0x14f: {  	[tilespmem:s16+$0xFFFFFFE0] =	vst v8;
	v4 =	vor.u32 v4, v6;
	v2 =	vor.u32 v2, v7;
	v10 =	vand.u32 $0xFFFE000, v10  }
0x150: {  	v6 =	vand.u32 $0x80000000, v9;
	v9 =	vand.u32 $0xFFFE000, v11;
	[tilespmem:s16+$0xFFFFFFD0] =	vst v4;
	v8 =	vmul.f32 v10, v0  }
0x151: {  	[tilespmem:s16+$0xFFFFFFF0] =	vst v2;
	v2 =	vor.u32 v3, v5;
	v4 =	vmul.f32 v9, v0  }
0x152: {  	v1 =	vand.u32 $0x80000000, v1;
	[tilespmem:s16+$0x10] =	vst v2;
	v6 =	vor.u32 v8, v6  }
0x153: {  	v1 =	vor.u32 v4, v1;
	[tilespmem:s16+$0x0] =	vst v6  }
0x154: {  	[tilespmem:s16+$0x20] =	vst v1  }
0x155: {  	s16 =	rddreg [dreg:$0x9]  }
0x156: {  	[hbm4b:s16+s2] =	stream.linear.scatter [tilespmem:s10], [sflag:$0x3], $0x2000, $0x38;
	[tilespmem:$0x6D10] =	vst v63  }
0x157: {  	s18 =	simm.s32 $0x400  }
0x158: {  	[tilespmem:s7], [sflag:$0x1] =	stream.indirect.gather [hbm4b:s3+s5], $0x20, s18, s5, $0xb8;
	[tilespmem:$0x6D10] =	vst v63  }
0x159: {  	_ =	swait.ge [sflag:s11], $0x1000  }
0x15a: {  	[sflag:s11] =	ssyncset.done $0x0  }
0x15b: {  	[sflag:s11] =	ssyncadd.s32 $0xFFFFF000  }
0x15c: {  	_ =	swait.ge [sflag:s14], $0x2000  }
0x15d: {  	[sflag:s14] =	ssyncset.done $0x0  }
0x15e: {  	s17 =	simm.s32 $0x1D30;
	[sflag:s14] =	ssyncadd.s32 $0xFFFFE000  }
0x15f: {  	v1 =	vld [tilespmem:s17+$0x10]  }
0x160: {  	v7 =	vld [tilespmem:s17+$0xFFFFFFF0]  }
0x161: {  	v5 =	vld [tilespmem:s17+$0xFFFFFFE0];
	_ =	sdelay $0x2  }
0x162: {  	v2 =	vshll.u32 v1, $0xD;
	v8 =	vshll.u32 v1, $0x10;
	v3 =	vshrl.u32 v1, $0x3  }
0x163: {  	v4 =	vshll.u32 v7, $0xD;
	v6 =	vshrl.u32 v7, $0x3;
	v3 =	vand.u32 $0xFFFE000, v3  }
0x164: {  	v9 =	vshll.u32 v5, $0xD;
	v10 =	vshrl.u32 v5, $0x3;
	v3 =	vmul.f32 v3, v0  }
0x165: {  	v1 =	vand.u32 $0x80000000, v1;
	v9 =	vand.u32 $0xFFFE000, v9;
	v10 =	vand.u32 $0xFFFE000, v10  }
0x166: {  	v11 =	vor.u32 v3, v1;
	v1 =	vand.u32 $0xFFFE000, v2;
	v3 =	vshll.u32 v5, $0x10  }
0x167: {  	v4 =	vand.u32 $0xFFFE000, v4;
	v12 =	vand.u32 $0x80000000, v3;
	v3 =	vmul.f32 v1, v0;
	v1 =	vld [tilespmem:s17+$0x0]  }
0x168: {  	v6 =	vand.u32 $0xFFFE000, v6;
	v9 =	vmul.f32 v9, v0;
	v10 =	vmul.f32 v10, v0  }
0x169: {  	v13 =	vand.u32 $0x80000000, v5;
	v4 =	vmul.f32 v4, v0;
	v2 =	vmul.f32 v6, v0  }
0x16a: {  	s16 =	simm.s32 $0x4D50;
	v6 =	vshll.u32 v7, $0x10;
	v5 =	vand.u32 $0x80000000, v8;
	v8 =	vor.u32 v10, v13  }
0x16b: {  	s18 =	simm.s32 $0x1D70;
	v7 =	vand.u32 $0x80000000, v7;
	v6 =	vand.u32 $0x80000000, v6;
	[tilespmem:s16+$0x30] =	vst v11;
	s17 =	simm.s32 $0x0;
	v9 =	vor.u32 v9, v12  }
.LBB2_16:
0x16c: {  	v10 =	vld [tilespmem:s18+$0x10];
	s17 =	sadd.s32 $0x2, s17;
	[tilespmem:s16+$0xFFFFFFC0] =	vst v9;
	v9 =	vshll.u32 v1, $0xD;
	v11 =	vshll.u32 v1, $0x10;
	v12 =	vshrl.u32 v1, $0x3  }
0x16d: {  	v13 =	vld [tilespmem:s18+$0xFFFFFFF0];
	p0 =	slt.u32 s17, $0x7E;
	[tilespmem:s16+$0xFFFFFFE0] =	vst v8;
	v8 =	vand.u32 $0xFFFE000, v9;
	v9 =	vand.u32 $0x80000000, v11;
	v11 =	vand.u32 $0xFFFE000, v12  }
0x16e: {  	v1 =	vand.u32 $0x80000000, v1;
	v12 =	vld [tilespmem:s18+$0xFFFFFFE0];
	v8 =	vmul.f32 v8, v0;
	v11 =	vmul.f32 v11, v0  }
0x16f: {  	v4 =	vor.u32 v4, v6;
	v2 =	vor.u32 v2, v7;
	v3 =	vor.u32 v3, v5  }
0x170: {  	[tilespmem:s16+$0xFFFFFFD0] =	vst v4;
	v4 =	vor.u32 v8, v9;
	v1 =	vor.u32 v11, v1  }
0x171: {  	v5 =	vshll.u32 v10, $0xD;
	v7 =	vshll.u32 v10, $0x10;
	v6 =	vshrl.u32 v10, $0x3;
	[tilespmem:s16+$0xFFFFFFF0] =	vst v2  }
0x172: {  	v2 =	vshll.u32 v13, $0xD;
	v8 =	vshrl.u32 v13, $0x3;
	v6 =	vand.u32 $0xFFFE000, v6;
	[tilespmem:s16+$0x0] =	vst v4  }
0x173: {  	v4 =	vshll.u32 v12, $0xD;
	v9 =	vshrl.u32 v12, $0x3;
	v6 =	vmul.f32 v6, v0;
	[tilespmem:s16+$0x10] =	vst v3  }
0x174: {  	v3 =	vand.u32 $0xFFFE000, v4;
	v4 =	vand.u32 $0xFFFE000, v9;
	v9 =	vand.u32 $0x80000000, v10;
	[tilespmem:s16+$0x20] =	vst v1  }
0x175: {  	v2 =	vand.u32 $0xFFFE000, v2;
	v8 =	vand.u32 $0xFFFE000, v8;
	s16 =	sadd.s32 $0x80, s16;
	v6 =	vor.u32 v6, v9  }
.Ltmp7:
0x176: {  	v9 =	vmul.f32 v3, v0;
	v10 =	vmul.f32 v4, v0;
	v3 =	vand.u32 $0xFFFE000, v5;
	v1 =	vld [tilespmem:s18+$0x0];
	[tilespmem:s16+$0x30] =	vst v6;
	(pc) =	sbr.rel @p0 .LBB2_16-.Ltmp7, $4  }
0x177: {  	v5 =	vshll.u32 v12, $0x10;
	v4 =	vmul.f32 v2, v0;
	v2 =	vmul.f32 v8, v0  }
0x178: {  	v8 =	vand.u32 $0x80000000, v5;
	v5 =	vshll.u32 v13, $0x10;
	v3 =	vmul.f32 v3, v0  }
0x179: {  	v11 =	vand.u32 $0x80000000, v12;
	v6 =	vand.u32 $0x80000000, v5;
	v5 =	vand.u32 $0x80000000, v7  }
0x17a: {  	s18 =	sadd.s32 $0x40, s18;
	v9 =	vor.u32 v9, v8;
	v8 =	vor.u32 v10, v11;
	v7 =	vand.u32 $0x80000000, v13  }
0x17b: {  	v10 =	vshll.u32 v1, $0xD;
	[tilespmem:s16+$0xFFFFFFC0] =	vst v9;
	v9 =	vshll.u32 v1, $0x10;
	v11 =	vshrl.u32 v1, $0x3  }
0x17c: {  	[tilespmem:s16+$0xFFFFFFE0] =	vst v8;
	v4 =	vor.u32 v4, v6;
	v2 =	vor.u32 v2, v7;
	v10 =	vand.u32 $0xFFFE000, v10  }
0x17d: {  	v6 =	vand.u32 $0x80000000, v9;
	v9 =	vand.u32 $0xFFFE000, v11;
	[tilespmem:s16+$0xFFFFFFD0] =	vst v4;
	v8 =	vmul.f32 v10, v0  }
0x17e: {  	[tilespmem:s16+$0xFFFFFFF0] =	vst v2;
	v2 =	vor.u32 v3, v5;
	v4 =	vmul.f32 v9, v0  }
0x17f: {  	v1 =	vand.u32 $0x80000000, v1;
	[tilespmem:s16+$0x10] =	vst v2;
	v6 =	vor.u32 v8, v6  }
0x180: {  	v1 =	vor.u32 v4, v1;
	[tilespmem:s16+$0x0] =	vst v6  }
0x181: {  	[tilespmem:s16+$0x20] =	vst v1  }
0x182: {  	s16 =	rddreg [dreg:$0xa]  }
0x183: {  	[hbm4b:s16+s2] =	stream.linear.scatter [tilespmem:s12], [sflag:$0x4], $0x2000, $0x38;
	[tilespmem:$0x6D10] =	vst v63  }
0x184: {  	s18 =	simm.s32 $0x480  }
0x185: {  	[tilespmem:s8], [sflag:$0x2] =	stream.indirect.gather [hbm4b:s3+s5], $0x20, s18, s5, $0xb8;
	[tilespmem:$0x6D10] =	vst v63  }
0x186: {  	_ =	swait.ge [sflag:s9], $0x1000  }
0x187: {  	[sflag:s9] =	ssyncset.done $0x0  }
0x188: {  	[sflag:s9] =	ssyncadd.s32 $0xFFFFF000  }
0x189: {  	_ =	swait.ge [sflag:s13], $0x2000  }
0x18a: {  	[sflag:s13] =	ssyncset.done $0x0  }
0x18b: {  	s17 =	simm.s32 $0xD30;
	[sflag:s13] =	ssyncadd.s32 $0xFFFFE000  }
0x18c: {  	v1 =	vld [tilespmem:s17+$0x10]  }
0x18d: {  	v7 =	vld [tilespmem:s17+$0xFFFFFFF0]  }
0x18e: {  	v5 =	vld [tilespmem:s17+$0xFFFFFFE0];
	_ =	sdelay $0x2  }
0x18f: {  	v2 =	vshll.u32 v1, $0xD;
	v8 =	vshll.u32 v1, $0x10;
	v3 =	vshrl.u32 v1, $0x3  }
0x190: {  	v4 =	vshll.u32 v7, $0xD;
	v6 =	vshrl.u32 v7, $0x3;
	v3 =	vand.u32 $0xFFFE000, v3  }
0x191: {  	v9 =	vshll.u32 v5, $0xD;
	v10 =	vshrl.u32 v5, $0x3;
	v3 =	vmul.f32 v3, v0  }
0x192: {  	v1 =	vand.u32 $0x80000000, v1;
	v9 =	vand.u32 $0xFFFE000, v9;
	v10 =	vand.u32 $0xFFFE000, v10  }
0x193: {  	v11 =	vor.u32 v3, v1;
	v1 =	vand.u32 $0xFFFE000, v2;
	v3 =	vshll.u32 v5, $0x10  }
0x194: {  	v4 =	vand.u32 $0xFFFE000, v4;
	v12 =	vand.u32 $0x80000000, v3;
	v3 =	vmul.f32 v1, v0;
	v1 =	vld [tilespmem:s17+$0x0]  }
0x195: {  	v6 =	vand.u32 $0xFFFE000, v6;
	v9 =	vmul.f32 v9, v0;
	v10 =	vmul.f32 v10, v0  }
0x196: {  	v13 =	vand.u32 $0x80000000, v5;
	v4 =	vmul.f32 v4, v0;
	v2 =	vmul.f32 v6, v0  }
0x197: {  	s16 =	simm.s32 $0x2D50;
	v6 =	vshll.u32 v7, $0x10;
	v5 =	vand.u32 $0x80000000, v8;
	v8 =	vor.u32 v10, v13  }
0x198: {  	s18 =	simm.s32 $0xD70;
	v7 =	vand.u32 $0x80000000, v7;
	v6 =	vand.u32 $0x80000000, v6;
	[tilespmem:s16+$0x30] =	vst v11;
	s17 =	simm.s32 $0x0;
	v9 =	vor.u32 v9, v12  }
.LBB2_18:
0x199: {  	v10 =	vld [tilespmem:s18+$0x10];
	s17 =	sadd.s32 $0x2, s17;
	[tilespmem:s16+$0xFFFFFFC0] =	vst v9;
	v9 =	vshll.u32 v1, $0xD;
	v11 =	vshll.u32 v1, $0x10;
	v12 =	vshrl.u32 v1, $0x3  }
0x19a: {  	v13 =	vld [tilespmem:s18+$0xFFFFFFF0];
	p0 =	slt.u32 s17, $0x7E;
	[tilespmem:s16+$0xFFFFFFE0] =	vst v8;
	v8 =	vand.u32 $0xFFFE000, v9;
	v9 =	vand.u32 $0x80000000, v11;
	v11 =	vand.u32 $0xFFFE000, v12  }
0x19b: {  	v1 =	vand.u32 $0x80000000, v1;
	v12 =	vld [tilespmem:s18+$0xFFFFFFE0];
	v8 =	vmul.f32 v8, v0;
	v11 =	vmul.f32 v11, v0  }
0x19c: {  	v4 =	vor.u32 v4, v6;
	v2 =	vor.u32 v2, v7;
	v3 =	vor.u32 v3, v5  }
0x19d: {  	[tilespmem:s16+$0xFFFFFFD0] =	vst v4;
	v4 =	vor.u32 v8, v9;
	v1 =	vor.u32 v11, v1  }
0x19e: {  	v5 =	vshll.u32 v10, $0xD;
	v7 =	vshll.u32 v10, $0x10;
	v6 =	vshrl.u32 v10, $0x3;
	[tilespmem:s16+$0xFFFFFFF0] =	vst v2  }
0x19f: {  	v2 =	vshll.u32 v13, $0xD;
	v8 =	vshrl.u32 v13, $0x3;
	v6 =	vand.u32 $0xFFFE000, v6;
	[tilespmem:s16+$0x0] =	vst v4  }
0x1a0: {  	v4 =	vshll.u32 v12, $0xD;
	v9 =	vshrl.u32 v12, $0x3;
	v6 =	vmul.f32 v6, v0;
	[tilespmem:s16+$0x10] =	vst v3  }
0x1a1: {  	v3 =	vand.u32 $0xFFFE000, v4;
	v4 =	vand.u32 $0xFFFE000, v9;
	v9 =	vand.u32 $0x80000000, v10;
	[tilespmem:s16+$0x20] =	vst v1  }
0x1a2: {  	v2 =	vand.u32 $0xFFFE000, v2;
	v8 =	vand.u32 $0xFFFE000, v8;
	s16 =	sadd.s32 $0x80, s16;
	v6 =	vor.u32 v6, v9  }
.Ltmp8:
0x1a3: {  	v9 =	vmul.f32 v3, v0;
	v10 =	vmul.f32 v4, v0;
	v3 =	vand.u32 $0xFFFE000, v5;
	v1 =	vld [tilespmem:s18+$0x0];
	[tilespmem:s16+$0x30] =	vst v6;
	(pc) =	sbr.rel @p0 .LBB2_18-.Ltmp8, $4  }
0x1a4: {  	v5 =	vshll.u32 v12, $0x10;
	v4 =	vmul.f32 v2, v0;
	v2 =	vmul.f32 v8, v0  }
0x1a5: {  	v8 =	vand.u32 $0x80000000, v5;
	v5 =	vshll.u32 v13, $0x10;
	v3 =	vmul.f32 v3, v0  }
0x1a6: {  	v11 =	vand.u32 $0x80000000, v12;
	v6 =	vand.u32 $0x80000000, v5;
	v5 =	vand.u32 $0x80000000, v7  }
0x1a7: {  	s18 =	sadd.s32 $0x40, s18;
	v9 =	vor.u32 v9, v8;
	v8 =	vor.u32 v10, v11;
	v7 =	vand.u32 $0x80000000, v13  }
0x1a8: {  	v10 =	vshll.u32 v1, $0xD;
	[tilespmem:s16+$0xFFFFFFC0] =	vst v9;
	v9 =	vshll.u32 v1, $0x10;
	v11 =	vshrl.u32 v1, $0x3  }
0x1a9: {  	[tilespmem:s16+$0xFFFFFFE0] =	vst v8;
	v4 =	vor.u32 v4, v6;
	v2 =	vor.u32 v2, v7;
	v10 =	vand.u32 $0xFFFE000, v10  }
0x1aa: {  	v6 =	vand.u32 $0x80000000, v9;
	v9 =	vand.u32 $0xFFFE000, v11;
	[tilespmem:s16+$0xFFFFFFD0] =	vst v4;
	v8 =	vmul.f32 v10, v0  }
0x1ab: {  	[tilespmem:s16+$0xFFFFFFF0] =	vst v2;
	v2 =	vor.u32 v3, v5;
	v4 =	vmul.f32 v9, v0  }
0x1ac: {  	v1 =	vand.u32 $0x80000000, v1;
	[tilespmem:s16+$0x10] =	vst v2;
	v6 =	vor.u32 v8, v6  }
0x1ad: {  	v1 =	vor.u32 v4, v1;
	[tilespmem:s16+$0x0] =	vst v6  }
0x1ae: {  	[tilespmem:s16+$0x20] =	vst v1  }
0x1af: {  	s16 =	rddreg [dreg:$0xb]  }
0x1b0: {  	[hbm4b:s16+s2] =	stream.linear.scatter [tilespmem:s10], [sflag:$0x3], $0x2000, $0x38;
	[tilespmem:$0x6D10] =	vst v63  }
0x1b1: {  	s18 =	simm.s32 $0x500  }
0x1b2: {  	[tilespmem:s7], [sflag:$0x1] =	stream.indirect.gather [hbm4b:s3+s5], $0x20, s18, s5, $0xb8;
	[tilespmem:$0x6D10] =	vst v63  }
0x1b3: {  	_ =	swait.ge [sflag:s11], $0x1000  }
0x1b4: {  	[sflag:s11] =	ssyncset.done $0x0  }
0x1b5: {  	[sflag:s11] =	ssyncadd.s32 $0xFFFFF000  }
0x1b6: {  	_ =	swait.ge [sflag:s14], $0x2000  }
0x1b7: {  	[sflag:s14] =	ssyncset.done $0x0  }
0x1b8: {  	s17 =	simm.s32 $0x1D30;
	[sflag:s14] =	ssyncadd.s32 $0xFFFFE000  }
0x1b9: {  	v1 =	vld [tilespmem:s17+$0x10]  }
0x1ba: {  	v7 =	vld [tilespmem:s17+$0xFFFFFFF0]  }
0x1bb: {  	v5 =	vld [tilespmem:s17+$0xFFFFFFE0];
	_ =	sdelay $0x2  }
0x1bc: {  	v2 =	vshll.u32 v1, $0xD;
	v8 =	vshll.u32 v1, $0x10;
	v3 =	vshrl.u32 v1, $0x3  }
0x1bd: {  	v4 =	vshll.u32 v7, $0xD;
	v6 =	vshrl.u32 v7, $0x3;
	v3 =	vand.u32 $0xFFFE000, v3  }
0x1be: {  	v9 =	vshll.u32 v5, $0xD;
	v10 =	vshrl.u32 v5, $0x3;
	v3 =	vmul.f32 v3, v0  }
0x1bf: {  	v1 =	vand.u32 $0x80000000, v1;
	v9 =	vand.u32 $0xFFFE000, v9;
	v10 =	vand.u32 $0xFFFE000, v10  }
0x1c0: {  	v11 =	vor.u32 v3, v1;
	v1 =	vand.u32 $0xFFFE000, v2;
	v3 =	vshll.u32 v5, $0x10  }
0x1c1: {  	v4 =	vand.u32 $0xFFFE000, v4;
	v12 =	vand.u32 $0x80000000, v3;
	v3 =	vmul.f32 v1, v0;
	v1 =	vld [tilespmem:s17+$0x0]  }
0x1c2: {  	v6 =	vand.u32 $0xFFFE000, v6;
	v9 =	vmul.f32 v9, v0;
	v10 =	vmul.f32 v10, v0  }
0x1c3: {  	v13 =	vand.u32 $0x80000000, v5;
	v4 =	vmul.f32 v4, v0;
	v2 =	vmul.f32 v6, v0  }
0x1c4: {  	s16 =	simm.s32 $0x4D50;
	v6 =	vshll.u32 v7, $0x10;
	v5 =	vand.u32 $0x80000000, v8;
	v8 =	vor.u32 v10, v13  }
0x1c5: {  	s18 =	simm.s32 $0x1D70;
	v7 =	vand.u32 $0x80000000, v7;
	v6 =	vand.u32 $0x80000000, v6;
	[tilespmem:s16+$0x30] =	vst v11;
	s17 =	simm.s32 $0x0;
	v9 =	vor.u32 v9, v12  }
.LBB2_20:
0x1c6: {  	v10 =	vld [tilespmem:s18+$0x10];
	s17 =	sadd.s32 $0x2, s17;
	[tilespmem:s16+$0xFFFFFFC0] =	vst v9;
	v9 =	vshll.u32 v1, $0xD;
	v11 =	vshll.u32 v1, $0x10;
	v12 =	vshrl.u32 v1, $0x3  }
0x1c7: {  	v13 =	vld [tilespmem:s18+$0xFFFFFFF0];
	p0 =	slt.u32 s17, $0x7E;
	[tilespmem:s16+$0xFFFFFFE0] =	vst v8;
	v8 =	vand.u32 $0xFFFE000, v9;
	v9 =	vand.u32 $0x80000000, v11;
	v11 =	vand.u32 $0xFFFE000, v12  }
0x1c8: {  	v1 =	vand.u32 $0x80000000, v1;
	v12 =	vld [tilespmem:s18+$0xFFFFFFE0];
	v8 =	vmul.f32 v8, v0;
	v11 =	vmul.f32 v11, v0  }
0x1c9: {  	v4 =	vor.u32 v4, v6;
	v2 =	vor.u32 v2, v7;
	v3 =	vor.u32 v3, v5  }
0x1ca: {  	[tilespmem:s16+$0xFFFFFFD0] =	vst v4;
	v4 =	vor.u32 v8, v9;
	v1 =	vor.u32 v11, v1  }
0x1cb: {  	v5 =	vshll.u32 v10, $0xD;
	v7 =	vshll.u32 v10, $0x10;
	v6 =	vshrl.u32 v10, $0x3;
	[tilespmem:s16+$0xFFFFFFF0] =	vst v2  }
0x1cc: {  	v2 =	vshll.u32 v13, $0xD;
	v8 =	vshrl.u32 v13, $0x3;
	v6 =	vand.u32 $0xFFFE000, v6;
	[tilespmem:s16+$0x0] =	vst v4  }
0x1cd: {  	v4 =	vshll.u32 v12, $0xD;
	v9 =	vshrl.u32 v12, $0x3;
	v6 =	vmul.f32 v6, v0;
	[tilespmem:s16+$0x10] =	vst v3  }
0x1ce: {  	v3 =	vand.u32 $0xFFFE000, v4;
	v4 =	vand.u32 $0xFFFE000, v9;
	v9 =	vand.u32 $0x80000000, v10;
	[tilespmem:s16+$0x20] =	vst v1  }
0x1cf: {  	v2 =	vand.u32 $0xFFFE000, v2;
	v8 =	vand.u32 $0xFFFE000, v8;
	s16 =	sadd.s32 $0x80, s16;
	v6 =	vor.u32 v6, v9  }
.Ltmp9:
0x1d0: {  	v9 =	vmul.f32 v3, v0;
	v10 =	vmul.f32 v4, v0;
	v3 =	vand.u32 $0xFFFE000, v5;
	v1 =	vld [tilespmem:s18+$0x0];
	[tilespmem:s16+$0x30] =	vst v6;
	(pc) =	sbr.rel @p0 .LBB2_20-.Ltmp9, $4  }
0x1d1: {  	v5 =	vshll.u32 v12, $0x10;
	v4 =	vmul.f32 v2, v0;
	v2 =	vmul.f32 v8, v0  }
0x1d2: {  	v8 =	vand.u32 $0x80000000, v5;
	v5 =	vshll.u32 v13, $0x10;
	v3 =	vmul.f32 v3, v0  }
0x1d3: {  	v11 =	vand.u32 $0x80000000, v12;
	v6 =	vand.u32 $0x80000000, v5;
	v5 =	vand.u32 $0x80000000, v7  }
0x1d4: {  	s18 =	sadd.s32 $0x40, s18;
	v9 =	vor.u32 v9, v8;
	v8 =	vor.u32 v10, v11;
	v7 =	vand.u32 $0x80000000, v13  }
0x1d5: {  	v10 =	vshll.u32 v1, $0xD;
	[tilespmem:s16+$0xFFFFFFC0] =	vst v9;
	v9 =	vshll.u32 v1, $0x10;
	v11 =	vshrl.u32 v1, $0x3  }
0x1d6: {  	[tilespmem:s16+$0xFFFFFFE0] =	vst v8;
	v4 =	vor.u32 v4, v6;
	v2 =	vor.u32 v2, v7;
	v10 =	vand.u32 $0xFFFE000, v10  }
0x1d7: {  	v6 =	vand.u32 $0x80000000, v9;
	v9 =	vand.u32 $0xFFFE000, v11;
	[tilespmem:s16+$0xFFFFFFD0] =	vst v4;
	v8 =	vmul.f32 v10, v0  }
0x1d8: {  	[tilespmem:s16+$0xFFFFFFF0] =	vst v2;
	v2 =	vor.u32 v3, v5;
	v4 =	vmul.f32 v9, v0  }
0x1d9: {  	v1 =	vand.u32 $0x80000000, v1;
	[tilespmem:s16+$0x10] =	vst v2;
	v6 =	vor.u32 v8, v6  }
0x1da: {  	v1 =	vor.u32 v4, v1;
	[tilespmem:s16+$0x0] =	vst v6  }
0x1db: {  	[tilespmem:s16+$0x20] =	vst v1  }
0x1dc: {  	s16 =	rddreg [dreg:$0xc]  }
0x1dd: {  	[hbm4b:s16+s2] =	stream.linear.scatter [tilespmem:s12], [sflag:$0x4], $0x2000, $0x38;
	[tilespmem:$0x6D10] =	vst v63  }
0x1de: {  	s18 =	simm.s32 $0x580  }
0x1df: {  	[tilespmem:s8], [sflag:$0x2] =	stream.indirect.gather [hbm4b:s3+s5], $0x20, s18, s5, $0xb8;
	[tilespmem:$0x6D10] =	vst v63  }
0x1e0: {  	_ =	swait.ge [sflag:s9], $0x1000  }
0x1e1: {  	[sflag:s9] =	ssyncset.done $0x0  }
0x1e2: {  	[sflag:s9] =	ssyncadd.s32 $0xFFFFF000  }
0x1e3: {  	_ =	swait.ge [sflag:s13], $0x2000  }
0x1e4: {  	[sflag:s13] =	ssyncset.done $0x0  }
0x1e5: {  	s17 =	simm.s32 $0xD30;
	[sflag:s13] =	ssyncadd.s32 $0xFFFFE000  }
0x1e6: {  	v1 =	vld [tilespmem:s17+$0x10]  }
0x1e7: {  	v7 =	vld [tilespmem:s17+$0xFFFFFFF0]  }
0x1e8: {  	v5 =	vld [tilespmem:s17+$0xFFFFFFE0];
	_ =	sdelay $0x2  }
0x1e9: {  	v2 =	vshll.u32 v1, $0xD;
	v8 =	vshll.u32 v1, $0x10;
	v3 =	vshrl.u32 v1, $0x3  }
0x1ea: {  	v4 =	vshll.u32 v7, $0xD;
	v6 =	vshrl.u32 v7, $0x3;
	v3 =	vand.u32 $0xFFFE000, v3  }
0x1eb: {  	v9 =	vshll.u32 v5, $0xD;
	v10 =	vshrl.u32 v5, $0x3;
	v3 =	vmul.f32 v3, v0  }
0x1ec: {  	v1 =	vand.u32 $0x80000000, v1;
	v9 =	vand.u32 $0xFFFE000, v9;
	v10 =	vand.u32 $0xFFFE000, v10  }
0x1ed: {  	v11 =	vor.u32 v3, v1;
	v1 =	vand.u32 $0xFFFE000, v2;
	v3 =	vshll.u32 v5, $0x10  }
0x1ee: {  	v4 =	vand.u32 $0xFFFE000, v4;
	v12 =	vand.u32 $0x80000000, v3;
	v3 =	vmul.f32 v1, v0;
	v1 =	vld [tilespmem:s17+$0x0]  }
0x1ef: {  	v6 =	vand.u32 $0xFFFE000, v6;
	v9 =	vmul.f32 v9, v0;
	v10 =	vmul.f32 v10, v0  }
0x1f0: {  	v13 =	vand.u32 $0x80000000, v5;
	v4 =	vmul.f32 v4, v0;
	v2 =	vmul.f32 v6, v0  }
0x1f1: {  	s16 =	simm.s32 $0x2D50;
	v6 =	vshll.u32 v7, $0x10;
	v5 =	vand.u32 $0x80000000, v8;
	v8 =	vor.u32 v10, v13  }
0x1f2: {  	s18 =	simm.s32 $0xD70;
	v7 =	vand.u32 $0x80000000, v7;
	v6 =	vand.u32 $0x80000000, v6;
	[tilespmem:s16+$0x30] =	vst v11;
	s17 =	simm.s32 $0x0;
	v9 =	vor.u32 v9, v12  }
.LBB2_22:
0x1f3: {  	v10 =	vld [tilespmem:s18+$0x10];
	s17 =	sadd.s32 $0x2, s17;
	[tilespmem:s16+$0xFFFFFFC0] =	vst v9;
	v9 =	vshll.u32 v1, $0xD;
	v11 =	vshll.u32 v1, $0x10;
	v12 =	vshrl.u32 v1, $0x3  }
0x1f4: {  	v13 =	vld [tilespmem:s18+$0xFFFFFFF0];
	p0 =	slt.u32 s17, $0x7E;
	[tilespmem:s16+$0xFFFFFFE0] =	vst v8;
	v8 =	vand.u32 $0xFFFE000, v9;
	v9 =	vand.u32 $0x80000000, v11;
	v11 =	vand.u32 $0xFFFE000, v12  }
0x1f5: {  	v1 =	vand.u32 $0x80000000, v1;
	v12 =	vld [tilespmem:s18+$0xFFFFFFE0];
	v8 =	vmul.f32 v8, v0;
	v11 =	vmul.f32 v11, v0  }
0x1f6: {  	v4 =	vor.u32 v4, v6;
	v2 =	vor.u32 v2, v7;
	v3 =	vor.u32 v3, v5  }
0x1f7: {  	[tilespmem:s16+$0xFFFFFFD0] =	vst v4;
	v4 =	vor.u32 v8, v9;
	v1 =	vor.u32 v11, v1  }
0x1f8: {  	v5 =	vshll.u32 v10, $0xD;
	v7 =	vshll.u32 v10, $0x10;
	v6 =	vshrl.u32 v10, $0x3;
	[tilespmem:s16+$0xFFFFFFF0] =	vst v2  }
0x1f9: {  	v2 =	vshll.u32 v13, $0xD;
	v8 =	vshrl.u32 v13, $0x3;
	v6 =	vand.u32 $0xFFFE000, v6;
	[tilespmem:s16+$0x0] =	vst v4  }
0x1fa: {  	v4 =	vshll.u32 v12, $0xD;
	v9 =	vshrl.u32 v12, $0x3;
	v6 =	vmul.f32 v6, v0;
	[tilespmem:s16+$0x10] =	vst v3  }
0x1fb: {  	v3 =	vand.u32 $0xFFFE000, v4;
	v4 =	vand.u32 $0xFFFE000, v9;
	v9 =	vand.u32 $0x80000000, v10;
	[tilespmem:s16+$0x20] =	vst v1  }
0x1fc: {  	v2 =	vand.u32 $0xFFFE000, v2;
	v8 =	vand.u32 $0xFFFE000, v8;
	s16 =	sadd.s32 $0x80, s16;
	v6 =	vor.u32 v6, v9  }
.Ltmp10:
0x1fd: {  	v9 =	vmul.f32 v3, v0;
	v10 =	vmul.f32 v4, v0;
	v3 =	vand.u32 $0xFFFE000, v5;
	v1 =	vld [tilespmem:s18+$0x0];
	[tilespmem:s16+$0x30] =	vst v6;
	(pc) =	sbr.rel @p0 .LBB2_22-.Ltmp10, $4  }
0x1fe: {  	v5 =	vshll.u32 v12, $0x10;
	v4 =	vmul.f32 v2, v0;
	v2 =	vmul.f32 v8, v0  }
0x1ff: {  	v8 =	vand.u32 $0x80000000, v5;
	v5 =	vshll.u32 v13, $0x10;
	v3 =	vmul.f32 v3, v0  }
0x200: {  	v11 =	vand.u32 $0x80000000, v12;
	v6 =	vand.u32 $0x80000000, v5;
	v5 =	vand.u32 $0x80000000, v7  }
0x201: {  	s18 =	sadd.s32 $0x40, s18;
	v9 =	vor.u32 v9, v8;
	v8 =	vor.u32 v10, v11;
	v7 =	vand.u32 $0x80000000, v13  }
0x202: {  	v10 =	vshll.u32 v1, $0xD;
	[tilespmem:s16+$0xFFFFFFC0] =	vst v9;
	v9 =	vshll.u32 v1, $0x10;
	v11 =	vshrl.u32 v1, $0x3  }
0x203: {  	[tilespmem:s16+$0xFFFFFFE0] =	vst v8;
	v4 =	vor.u32 v4, v6;
	v2 =	vor.u32 v2, v7;
	v10 =	vand.u32 $0xFFFE000, v10  }
0x204: {  	v6 =	vand.u32 $0x80000000, v9;
	v9 =	vand.u32 $0xFFFE000, v11;
	[tilespmem:s16+$0xFFFFFFD0] =	vst v4;
	v8 =	vmul.f32 v10, v0  }
0x205: {  	[tilespmem:s16+$0xFFFFFFF0] =	vst v2;
	v2 =	vor.u32 v3, v5;
	v4 =	vmul.f32 v9, v0  }
0x206: {  	v1 =	vand.u32 $0x80000000, v1;
	[tilespmem:s16+$0x10] =	vst v2;
	v6 =	vor.u32 v8, v6  }
0x207: {  	v1 =	vor.u32 v4, v1;
	[tilespmem:s16+$0x0] =	vst v6  }
0x208: {  	[tilespmem:s16+$0x20] =	vst v1  }
0x209: {  	s16 =	rddreg [dreg:$0xd]  }
0x20a: {  	[hbm4b:s16+s2] =	stream.linear.scatter [tilespmem:s10], [sflag:$0x3], $0x2000, $0x38;
	[tilespmem:$0x6D10] =	vst v63  }
0x20b: {  	s18 =	simm.s32 $0x600  }
0x20c: {  	[tilespmem:s7], [sflag:$0x1] =	stream.indirect.gather [hbm4b:s3+s5], $0x20, s18, s5, $0xb8;
	[tilespmem:$0x6D10] =	vst v63  }
0x20d: {  	_ =	swait.ge [sflag:s11], $0x1000  }
0x20e: {  	[sflag:s11] =	ssyncset.done $0x0  }
0x20f: {  	[sflag:s11] =	ssyncadd.s32 $0xFFFFF000  }
0x210: {  	_ =	swait.ge [sflag:s14], $0x2000  }
0x211: {  	[sflag:s14] =	ssyncset.done $0x0  }
0x212: {  	s17 =	simm.s32 $0x1D30;
	[sflag:s14] =	ssyncadd.s32 $0xFFFFE000  }
0x213: {  	v1 =	vld [tilespmem:s17+$0x10]  }
0x214: {  	v7 =	vld [tilespmem:s17+$0xFFFFFFF0]  }
0x215: {  	v5 =	vld [tilespmem:s17+$0xFFFFFFE0];
	_ =	sdelay $0x2  }
0x216: {  	v2 =	vshll.u32 v1, $0xD;
	v8 =	vshll.u32 v1, $0x10;
	v3 =	vshrl.u32 v1, $0x3  }
0x217: {  	v4 =	vshll.u32 v7, $0xD;
	v6 =	vshrl.u32 v7, $0x3;
	v3 =	vand.u32 $0xFFFE000, v3  }
0x218: {  	v9 =	vshll.u32 v5, $0xD;
	v10 =	vshrl.u32 v5, $0x3;
	v3 =	vmul.f32 v3, v0  }
0x219: {  	v1 =	vand.u32 $0x80000000, v1;
	v9 =	vand.u32 $0xFFFE000, v9;
	v10 =	vand.u32 $0xFFFE000, v10  }
0x21a: {  	v11 =	vor.u32 v3, v1;
	v1 =	vand.u32 $0xFFFE000, v2;
	v3 =	vshll.u32 v5, $0x10  }
0x21b: {  	v4 =	vand.u32 $0xFFFE000, v4;
	v12 =	vand.u32 $0x80000000, v3;
	v3 =	vmul.f32 v1, v0;
	v1 =	vld [tilespmem:s17+$0x0]  }
0x21c: {  	v6 =	vand.u32 $0xFFFE000, v6;
	v9 =	vmul.f32 v9, v0;
	v10 =	vmul.f32 v10, v0  }
0x21d: {  	v13 =	vand.u32 $0x80000000, v5;
	v4 =	vmul.f32 v4, v0;
	v2 =	vmul.f32 v6, v0  }
0x21e: {  	s16 =	simm.s32 $0x4D50;
	v6 =	vshll.u32 v7, $0x10;
	v5 =	vand.u32 $0x80000000, v8;
	v8 =	vor.u32 v10, v13  }
0x21f: {  	s18 =	simm.s32 $0x1D70;
	v7 =	vand.u32 $0x80000000, v7;
	v6 =	vand.u32 $0x80000000, v6;
	[tilespmem:s16+$0x30] =	vst v11;
	s17 =	simm.s32 $0x0;
	v9 =	vor.u32 v9, v12  }
.LBB2_24:
0x220: {  	v10 =	vld [tilespmem:s18+$0x10];
	s17 =	sadd.s32 $0x2, s17;
	[tilespmem:s16+$0xFFFFFFC0] =	vst v9;
	v9 =	vshll.u32 v1, $0xD;
	v11 =	vshll.u32 v1, $0x10;
	v12 =	vshrl.u32 v1, $0x3  }
0x221: {  	v13 =	vld [tilespmem:s18+$0xFFFFFFF0];
	p0 =	slt.u32 s17, $0x7E;
	[tilespmem:s16+$0xFFFFFFE0] =	vst v8;
	v8 =	vand.u32 $0xFFFE000, v9;
	v9 =	vand.u32 $0x80000000, v11;
	v11 =	vand.u32 $0xFFFE000, v12  }
0x222: {  	v1 =	vand.u32 $0x80000000, v1;
	v12 =	vld [tilespmem:s18+$0xFFFFFFE0];
	v8 =	vmul.f32 v8, v0;
	v11 =	vmul.f32 v11, v0  }
0x223: {  	v4 =	vor.u32 v4, v6;
	v2 =	vor.u32 v2, v7;
	v3 =	vor.u32 v3, v5  }
0x224: {  	[tilespmem:s16+$0xFFFFFFD0] =	vst v4;
	v4 =	vor.u32 v8, v9;
	v1 =	vor.u32 v11, v1  }
0x225: {  	v5 =	vshll.u32 v10, $0xD;
	v7 =	vshll.u32 v10, $0x10;
	v6 =	vshrl.u32 v10, $0x3;
	[tilespmem:s16+$0xFFFFFFF0] =	vst v2  }
0x226: {  	v2 =	vshll.u32 v13, $0xD;
	v8 =	vshrl.u32 v13, $0x3;
	v6 =	vand.u32 $0xFFFE000, v6;
	[tilespmem:s16+$0x0] =	vst v4  }
0x227: {  	v4 =	vshll.u32 v12, $0xD;
	v9 =	vshrl.u32 v12, $0x3;
	v6 =	vmul.f32 v6, v0;
	[tilespmem:s16+$0x10] =	vst v3  }
0x228: {  	v3 =	vand.u32 $0xFFFE000, v4;
	v4 =	vand.u32 $0xFFFE000, v9;
	v9 =	vand.u32 $0x80000000, v10;
	[tilespmem:s16+$0x20] =	vst v1  }
0x229: {  	v2 =	vand.u32 $0xFFFE000, v2;
	v8 =	vand.u32 $0xFFFE000, v8;
	s16 =	sadd.s32 $0x80, s16;
	v6 =	vor.u32 v6, v9  }
.Ltmp11:
0x22a: {  	v9 =	vmul.f32 v3, v0;
	v10 =	vmul.f32 v4, v0;
	v3 =	vand.u32 $0xFFFE000, v5;
	v1 =	vld [tilespmem:s18+$0x0];
	[tilespmem:s16+$0x30] =	vst v6;
	(pc) =	sbr.rel @p0 .LBB2_24-.Ltmp11, $4  }
0x22b: {  	v5 =	vshll.u32 v12, $0x10;
	v4 =	vmul.f32 v2, v0;
	v2 =	vmul.f32 v8, v0  }
0x22c: {  	v8 =	vand.u32 $0x80000000, v5;
	v5 =	vshll.u32 v13, $0x10;
	v3 =	vmul.f32 v3, v0  }
0x22d: {  	v11 =	vand.u32 $0x80000000, v12;
	v6 =	vand.u32 $0x80000000, v5;
	v5 =	vand.u32 $0x80000000, v7  }
0x22e: {  	s18 =	sadd.s32 $0x40, s18;
	v9 =	vor.u32 v9, v8;
	v8 =	vor.u32 v10, v11;
	v7 =	vand.u32 $0x80000000, v13  }
0x22f: {  	v10 =	vshll.u32 v1, $0xD;
	[tilespmem:s16+$0xFFFFFFC0] =	vst v9;
	v9 =	vshll.u32 v1, $0x10;
	v11 =	vshrl.u32 v1, $0x3  }
0x230: {  	[tilespmem:s16+$0xFFFFFFE0] =	vst v8;
	v4 =	vor.u32 v4, v6;
	v2 =	vor.u32 v2, v7;
	v10 =	vand.u32 $0xFFFE000, v10  }
0x231: {  	v6 =	vand.u32 $0x80000000, v9;
	v9 =	vand.u32 $0xFFFE000, v11;
	[tilespmem:s16+$0xFFFFFFD0] =	vst v4;
	v8 =	vmul.f32 v10, v0  }
0x232: {  	[tilespmem:s16+$0xFFFFFFF0] =	vst v2;
	v2 =	vor.u32 v3, v5;
	v4 =	vmul.f32 v9, v0  }
0x233: {  	v1 =	vand.u32 $0x80000000, v1;
	[tilespmem:s16+$0x10] =	vst v2;
	v6 =	vor.u32 v8, v6  }
0x234: {  	v1 =	vor.u32 v4, v1;
	[tilespmem:s16+$0x0] =	vst v6  }
0x235: {  	[tilespmem:s16+$0x20] =	vst v1  }
0x236: {  	s16 =	rddreg [dreg:$0xe]  }
0x237: {  	[hbm4b:s16+s2] =	stream.linear.scatter [tilespmem:s12], [sflag:$0x4], $0x2000, $0x38;
	[tilespmem:$0x6D10] =	vst v63  }
0x238: {  	s18 =	simm.s32 $0x680  }
0x239: {  	[tilespmem:s8], [sflag:$0x2] =	stream.indirect.gather [hbm4b:s3+s5], $0x20, s18, s5, $0xb8;
	[tilespmem:$0x6D10] =	vst v63  }
0x23a: {  	_ =	swait.ge [sflag:s9], $0x1000  }
0x23b: {  	[sflag:s9] =	ssyncset.done $0x0  }
0x23c: {  	[sflag:s9] =	ssyncadd.s32 $0xFFFFF000  }
0x23d: {  	_ =	swait.ge [sflag:s13], $0x2000  }
0x23e: {  	[sflag:s13] =	ssyncset.done $0x0  }
0x23f: {  	s17 =	simm.s32 $0xD30;
	[sflag:s13] =	ssyncadd.s32 $0xFFFFE000  }
0x240: {  	v1 =	vld [tilespmem:s17+$0x10]  }
0x241: {  	v7 =	vld [tilespmem:s17+$0xFFFFFFF0]  }
0x242: {  	v5 =	vld [tilespmem:s17+$0xFFFFFFE0];
	_ =	sdelay $0x2  }
0x243: {  	v2 =	vshll.u32 v1, $0xD;
	v8 =	vshll.u32 v1, $0x10;
	v3 =	vshrl.u32 v1, $0x3  }
0x244: {  	v4 =	vshll.u32 v7, $0xD;
	v6 =	vshrl.u32 v7, $0x3;
	v3 =	vand.u32 $0xFFFE000, v3  }
0x245: {  	v9 =	vshll.u32 v5, $0xD;
	v10 =	vshrl.u32 v5, $0x3;
	v3 =	vmul.f32 v3, v0  }
0x246: {  	v1 =	vand.u32 $0x80000000, v1;
	v9 =	vand.u32 $0xFFFE000, v9;
	v10 =	vand.u32 $0xFFFE000, v10  }
0x247: {  	v11 =	vor.u32 v3, v1;
	v1 =	vand.u32 $0xFFFE000, v2;
	v3 =	vshll.u32 v5, $0x10  }
0x248: {  	v4 =	vand.u32 $0xFFFE000, v4;
	v12 =	vand.u32 $0x80000000, v3;
	v3 =	vmul.f32 v1, v0;
	v1 =	vld [tilespmem:s17+$0x0]  }
0x249: {  	v6 =	vand.u32 $0xFFFE000, v6;
	v9 =	vmul.f32 v9, v0;
	v10 =	vmul.f32 v10, v0  }
0x24a: {  	v13 =	vand.u32 $0x80000000, v5;
	v4 =	vmul.f32 v4, v0;
	v2 =	vmul.f32 v6, v0  }
0x24b: {  	s16 =	simm.s32 $0x2D50;
	v6 =	vshll.u32 v7, $0x10;
	v5 =	vand.u32 $0x80000000, v8;
	v8 =	vor.u32 v10, v13  }
0x24c: {  	s18 =	simm.s32 $0xD70;
	v7 =	vand.u32 $0x80000000, v7;
	v6 =	vand.u32 $0x80000000, v6;
	[tilespmem:s16+$0x30] =	vst v11;
	s17 =	simm.s32 $0x0;
	v9 =	vor.u32 v9, v12  }
.LBB2_26:
0x24d: {  	v10 =	vld [tilespmem:s18+$0x10];
	s17 =	sadd.s32 $0x2, s17;
	[tilespmem:s16+$0xFFFFFFC0] =	vst v9;
	v9 =	vshll.u32 v1, $0xD;
	v11 =	vshll.u32 v1, $0x10;
	v12 =	vshrl.u32 v1, $0x3  }
0x24e: {  	v13 =	vld [tilespmem:s18+$0xFFFFFFF0];
	p0 =	slt.u32 s17, $0x7E;
	[tilespmem:s16+$0xFFFFFFE0] =	vst v8;
	v8 =	vand.u32 $0xFFFE000, v9;
	v9 =	vand.u32 $0x80000000, v11;
	v11 =	vand.u32 $0xFFFE000, v12  }
0x24f: {  	v1 =	vand.u32 $0x80000000, v1;
	v12 =	vld [tilespmem:s18+$0xFFFFFFE0];
	v8 =	vmul.f32 v8, v0;
	v11 =	vmul.f32 v11, v0  }
0x250: {  	v4 =	vor.u32 v4, v6;
	v2 =	vor.u32 v2, v7;
	v3 =	vor.u32 v3, v5  }
0x251: {  	[tilespmem:s16+$0xFFFFFFD0] =	vst v4;
	v4 =	vor.u32 v8, v9;
	v1 =	vor.u32 v11, v1  }
0x252: {  	v5 =	vshll.u32 v10, $0xD;
	v7 =	vshll.u32 v10, $0x10;
	v6 =	vshrl.u32 v10, $0x3;
	[tilespmem:s16+$0xFFFFFFF0] =	vst v2  }
0x253: {  	v2 =	vshll.u32 v13, $0xD;
	v8 =	vshrl.u32 v13, $0x3;
	v6 =	vand.u32 $0xFFFE000, v6;
	[tilespmem:s16+$0x0] =	vst v4  }
0x254: {  	v4 =	vshll.u32 v12, $0xD;
	v9 =	vshrl.u32 v12, $0x3;
	v6 =	vmul.f32 v6, v0;
	[tilespmem:s16+$0x10] =	vst v3  }
0x255: {  	v3 =	vand.u32 $0xFFFE000, v4;
	v4 =	vand.u32 $0xFFFE000, v9;
	v9 =	vand.u32 $0x80000000, v10;
	[tilespmem:s16+$0x20] =	vst v1  }
0x256: {  	v2 =	vand.u32 $0xFFFE000, v2;
	v8 =	vand.u32 $0xFFFE000, v8;
	s16 =	sadd.s32 $0x80, s16;
	v6 =	vor.u32 v6, v9  }
.Ltmp12:
0x257: {  	v9 =	vmul.f32 v3, v0;
	v10 =	vmul.f32 v4, v0;
	v3 =	vand.u32 $0xFFFE000, v5;
	v1 =	vld [tilespmem:s18+$0x0];
	[tilespmem:s16+$0x30] =	vst v6;
	(pc) =	sbr.rel @p0 .LBB2_26-.Ltmp12, $4  }
0x258: {  	v5 =	vshll.u32 v12, $0x10;
	v4 =	vmul.f32 v2, v0;
	v2 =	vmul.f32 v8, v0  }
0x259: {  	v8 =	vand.u32 $0x80000000, v5;
	v5 =	vshll.u32 v13, $0x10;
	v3 =	vmul.f32 v3, v0  }
0x25a: {  	v11 =	vand.u32 $0x80000000, v12;
	v6 =	vand.u32 $0x80000000, v5;
	v5 =	vand.u32 $0x80000000, v7  }
0x25b: {  	s18 =	sadd.s32 $0x40, s18;
	v9 =	vor.u32 v9, v8;
	v8 =	vor.u32 v10, v11;
	v7 =	vand.u32 $0x80000000, v13  }
0x25c: {  	v10 =	vshll.u32 v1, $0xD;
	[tilespmem:s16+$0xFFFFFFC0] =	vst v9;
	v9 =	vshll.u32 v1, $0x10;
	v11 =	vshrl.u32 v1, $0x3  }
0x25d: {  	[tilespmem:s16+$0xFFFFFFE0] =	vst v8;
	v4 =	vor.u32 v4, v6;
	v2 =	vor.u32 v2, v7;
	v10 =	vand.u32 $0xFFFE000, v10  }
0x25e: {  	v6 =	vand.u32 $0x80000000, v9;
	v9 =	vand.u32 $0xFFFE000, v11;
	[tilespmem:s16+$0xFFFFFFD0] =	vst v4;
	v8 =	vmul.f32 v10, v0  }
0x25f: {  	[tilespmem:s16+$0xFFFFFFF0] =	vst v2;
	v2 =	vor.u32 v3, v5;
	v4 =	vmul.f32 v9, v0  }
0x260: {  	v1 =	vand.u32 $0x80000000, v1;
	[tilespmem:s16+$0x10] =	vst v2;
	v6 =	vor.u32 v8, v6  }
0x261: {  	v1 =	vor.u32 v4, v1;
	[tilespmem:s16+$0x0] =	vst v6  }
0x262: {  	[tilespmem:s16+$0x20] =	vst v1  }
0x263: {  	s16 =	rddreg [dreg:$0xf]  }
0x264: {  	[hbm4b:s16+s2] =	stream.linear.scatter [tilespmem:s10], [sflag:$0x3], $0x2000, $0x38;
	[tilespmem:$0x6D10] =	vst v63  }
0x265: {  	s18 =	simm.s32 $0x700  }
0x266: {  	[tilespmem:s7], [sflag:$0x1] =	stream.indirect.gather [hbm4b:s3+s5], $0x20, s18, s5, $0xb8;
	[tilespmem:$0x6D10] =	vst v63  }
0x267: {  	_ =	swait.ge [sflag:s11], $0x1000  }
0x268: {  	[sflag:s11] =	ssyncset.done $0x0  }
0x269: {  	[sflag:s11] =	ssyncadd.s32 $0xFFFFF000  }
0x26a: {  	_ =	swait.ge [sflag:s14], $0x2000  }
0x26b: {  	[sflag:s14] =	ssyncset.done $0x0  }
0x26c: {  	s17 =	simm.s32 $0x1D30;
	[sflag:s14] =	ssyncadd.s32 $0xFFFFE000  }
0x26d: {  	v1 =	vld [tilespmem:s17+$0x10]  }
0x26e: {  	v7 =	vld [tilespmem:s17+$0xFFFFFFF0]  }
0x26f: {  	v5 =	vld [tilespmem:s17+$0xFFFFFFE0];
	_ =	sdelay $0x2  }
0x270: {  	v2 =	vshll.u32 v1, $0xD;
	v8 =	vshll.u32 v1, $0x10;
	v3 =	vshrl.u32 v1, $0x3  }
0x271: {  	v4 =	vshll.u32 v7, $0xD;
	v6 =	vshrl.u32 v7, $0x3;
	v3 =	vand.u32 $0xFFFE000, v3  }
0x272: {  	v9 =	vshll.u32 v5, $0xD;
	v10 =	vshrl.u32 v5, $0x3;
	v3 =	vmul.f32 v3, v0  }
0x273: {  	v1 =	vand.u32 $0x80000000, v1;
	v9 =	vand.u32 $0xFFFE000, v9;
	v10 =	vand.u32 $0xFFFE000, v10  }
0x274: {  	v11 =	vor.u32 v3, v1;
	v1 =	vand.u32 $0xFFFE000, v2;
	v3 =	vshll.u32 v5, $0x10  }
0x275: {  	v4 =	vand.u32 $0xFFFE000, v4;
	v12 =	vand.u32 $0x80000000, v3;
	v3 =	vmul.f32 v1, v0;
	v1 =	vld [tilespmem:s17+$0x0]  }
0x276: {  	v6 =	vand.u32 $0xFFFE000, v6;
	v9 =	vmul.f32 v9, v0;
	v10 =	vmul.f32 v10, v0  }
0x277: {  	v13 =	vand.u32 $0x80000000, v5;
	v4 =	vmul.f32 v4, v0;
	v2 =	vmul.f32 v6, v0  }
0x278: {  	s16 =	simm.s32 $0x4D50;
	v6 =	vshll.u32 v7, $0x10;
	v5 =	vand.u32 $0x80000000, v8;
	v8 =	vor.u32 v10, v13  }
0x279: {  	s18 =	simm.s32 $0x1D70;
	v7 =	vand.u32 $0x80000000, v7;
	v6 =	vand.u32 $0x80000000, v6;
	[tilespmem:s16+$0x30] =	vst v11;
	s17 =	simm.s32 $0x0;
	v9 =	vor.u32 v9, v12  }
.LBB2_28:
0x27a: {  	v10 =	vld [tilespmem:s18+$0x10];
	s17 =	sadd.s32 $0x2, s17;
	[tilespmem:s16+$0xFFFFFFC0] =	vst v9;
	v9 =	vshll.u32 v1, $0xD;
	v11 =	vshll.u32 v1, $0x10;
	v12 =	vshrl.u32 v1, $0x3  }
0x27b: {  	v13 =	vld [tilespmem:s18+$0xFFFFFFF0];
	p0 =	slt.u32 s17, $0x7E;
	[tilespmem:s16+$0xFFFFFFE0] =	vst v8;
	v8 =	vand.u32 $0xFFFE000, v9;
	v9 =	vand.u32 $0x80000000, v11;
	v11 =	vand.u32 $0xFFFE000, v12  }
0x27c: {  	v1 =	vand.u32 $0x80000000, v1;
	v12 =	vld [tilespmem:s18+$0xFFFFFFE0];
	v8 =	vmul.f32 v8, v0;
	v11 =	vmul.f32 v11, v0  }
0x27d: {  	v4 =	vor.u32 v4, v6;
	v2 =	vor.u32 v2, v7;
	v3 =	vor.u32 v3, v5  }
0x27e: {  	[tilespmem:s16+$0xFFFFFFD0] =	vst v4;
	v4 =	vor.u32 v8, v9;
	v1 =	vor.u32 v11, v1  }
0x27f: {  	v5 =	vshll.u32 v10, $0xD;
	v7 =	vshll.u32 v10, $0x10;
	v6 =	vshrl.u32 v10, $0x3;
	[tilespmem:s16+$0xFFFFFFF0] =	vst v2  }
0x280: {  	v2 =	vshll.u32 v13, $0xD;
	v8 =	vshrl.u32 v13, $0x3;
	v6 =	vand.u32 $0xFFFE000, v6;
	[tilespmem:s16+$0x0] =	vst v4  }
0x281: {  	v4 =	vshll.u32 v12, $0xD;
	v9 =	vshrl.u32 v12, $0x3;
	v6 =	vmul.f32 v6, v0;
	[tilespmem:s16+$0x10] =	vst v3  }
0x282: {  	v3 =	vand.u32 $0xFFFE000, v4;
	v4 =	vand.u32 $0xFFFE000, v9;
	v9 =	vand.u32 $0x80000000, v10;
	[tilespmem:s16+$0x20] =	vst v1  }
0x283: {  	v2 =	vand.u32 $0xFFFE000, v2;
	v8 =	vand.u32 $0xFFFE000, v8;
	s16 =	sadd.s32 $0x80, s16;
	v6 =	vor.u32 v6, v9  }
.Ltmp13:
0x284: {  	v9 =	vmul.f32 v3, v0;
	v10 =	vmul.f32 v4, v0;
	v3 =	vand.u32 $0xFFFE000, v5;
	v1 =	vld [tilespmem:s18+$0x0];
	[tilespmem:s16+$0x30] =	vst v6;
	(pc) =	sbr.rel @p0 .LBB2_28-.Ltmp13, $4  }
0x285: {  	v5 =	vshll.u32 v12, $0x10;
	v4 =	vmul.f32 v2, v0;
	v2 =	vmul.f32 v8, v0  }
0x286: {  	v8 =	vand.u32 $0x80000000, v5;
	v5 =	vshll.u32 v13, $0x10;
	v3 =	vmul.f32 v3, v0  }
0x287: {  	v11 =	vand.u32 $0x80000000, v12;
	v6 =	vand.u32 $0x80000000, v5;
	v5 =	vand.u32 $0x80000000, v7  }
0x288: {  	s18 =	sadd.s32 $0x40, s18;
	v9 =	vor.u32 v9, v8;
	v8 =	vor.u32 v10, v11;
	v7 =	vand.u32 $0x80000000, v13  }
0x289: {  	v10 =	vshll.u32 v1, $0xD;
	[tilespmem:s16+$0xFFFFFFC0] =	vst v9;
	v9 =	vshll.u32 v1, $0x10;
	v11 =	vshrl.u32 v1, $0x3  }
0x28a: {  	[tilespmem:s16+$0xFFFFFFE0] =	vst v8;
	v4 =	vor.u32 v4, v6;
	v2 =	vor.u32 v2, v7;
	v10 =	vand.u32 $0xFFFE000, v10  }
0x28b: {  	v6 =	vand.u32 $0x80000000, v9;
	v9 =	vand.u32 $0xFFFE000, v11;
	[tilespmem:s16+$0xFFFFFFD0] =	vst v4;
	v8 =	vmul.f32 v10, v0  }
0x28c: {  	[tilespmem:s16+$0xFFFFFFF0] =	vst v2;
	v2 =	vor.u32 v3, v5;
	v4 =	vmul.f32 v9, v0  }
0x28d: {  	v1 =	vand.u32 $0x80000000, v1;
	[tilespmem:s16+$0x10] =	vst v2;
	v6 =	vor.u32 v8, v6  }
0x28e: {  	v1 =	vor.u32 v4, v1;
	[tilespmem:s16+$0x0] =	vst v6  }
0x28f: {  	[tilespmem:s16+$0x20] =	vst v1  }
0x290: {  	s16 =	rddreg [dreg:$0x10]  }
0x291: {  	[hbm4b:s16+s2] =	stream.linear.scatter [tilespmem:s12], [sflag:$0x4], $0x2000, $0x38;
	[tilespmem:$0x6D10] =	vst v63  }
0x292: {  	s18 =	simm.s32 $0x780  }
0x293: {  	[tilespmem:s8], [sflag:$0x2] =	stream.indirect.gather [hbm4b:s3+s5], $0x20, s18, s5, $0xb8;
	[tilespmem:$0x6D10] =	vst v63  }
0x294: {  	_ =	swait.ge [sflag:s9], $0x1000  }
0x295: {  	[sflag:s9] =	ssyncset.done $0x0  }
0x296: {  	[sflag:s9] =	ssyncadd.s32 $0xFFFFF000  }
0x297: {  	_ =	swait.ge [sflag:s13], $0x2000  }
0x298: {  	[sflag:s13] =	ssyncset.done $0x0  }
0x299: {  	s17 =	simm.s32 $0xD30;
	[sflag:s13] =	ssyncadd.s32 $0xFFFFE000  }
0x29a: {  	v1 =	vld [tilespmem:s17+$0x10]  }
0x29b: {  	v7 =	vld [tilespmem:s17+$0xFFFFFFF0]  }
0x29c: {  	v5 =	vld [tilespmem:s17+$0xFFFFFFE0];
	_ =	sdelay $0x2  }
0x29d: {  	v2 =	vshll.u32 v1, $0xD;
	v8 =	vshll.u32 v1, $0x10;
	v3 =	vshrl.u32 v1, $0x3  }
0x29e: {  	v4 =	vshll.u32 v7, $0xD;
	v6 =	vshrl.u32 v7, $0x3;
	v3 =	vand.u32 $0xFFFE000, v3  }
0x29f: {  	v9 =	vshll.u32 v5, $0xD;
	v10 =	vshrl.u32 v5, $0x3;
	v3 =	vmul.f32 v3, v0  }
0x2a0: {  	v1 =	vand.u32 $0x80000000, v1;
	v9 =	vand.u32 $0xFFFE000, v9;
	v10 =	vand.u32 $0xFFFE000, v10  }
0x2a1: {  	v11 =	vor.u32 v3, v1;
	v1 =	vand.u32 $0xFFFE000, v2;
	v3 =	vshll.u32 v5, $0x10  }
0x2a2: {  	v4 =	vand.u32 $0xFFFE000, v4;
	v12 =	vand.u32 $0x80000000, v3;
	v3 =	vmul.f32 v1, v0;
	v1 =	vld [tilespmem:s17+$0x0]  }
0x2a3: {  	v6 =	vand.u32 $0xFFFE000, v6;
	v9 =	vmul.f32 v9, v0;
	v10 =	vmul.f32 v10, v0  }
0x2a4: {  	v13 =	vand.u32 $0x80000000, v5;
	v4 =	vmul.f32 v4, v0;
	v2 =	vmul.f32 v6, v0  }
0x2a5: {  	s16 =	simm.s32 $0x2D50;
	v6 =	vshll.u32 v7, $0x10;
	v5 =	vand.u32 $0x80000000, v8;
	v8 =	vor.u32 v10, v13  }
0x2a6: {  	s18 =	simm.s32 $0xD70;
	v7 =	vand.u32 $0x80000000, v7;
	v6 =	vand.u32 $0x80000000, v6;
	[tilespmem:s16+$0x30] =	vst v11;
	s17 =	simm.s32 $0x0;
	v9 =	vor.u32 v9, v12  }
.LBB2_30:
0x2a7: {  	v10 =	vld [tilespmem:s18+$0x10];
	s17 =	sadd.s32 $0x2, s17;
	[tilespmem:s16+$0xFFFFFFC0] =	vst v9;
	v9 =	vshll.u32 v1, $0xD;
	v11 =	vshll.u32 v1, $0x10;
	v12 =	vshrl.u32 v1, $0x3  }
0x2a8: {  	v13 =	vld [tilespmem:s18+$0xFFFFFFF0];
	p0 =	slt.u32 s17, $0x7E;
	[tilespmem:s16+$0xFFFFFFE0] =	vst v8;
	v8 =	vand.u32 $0xFFFE000, v9;
	v9 =	vand.u32 $0x80000000, v11;
	v11 =	vand.u32 $0xFFFE000, v12  }
0x2a9: {  	v1 =	vand.u32 $0x80000000, v1;
	v12 =	vld [tilespmem:s18+$0xFFFFFFE0];
	v8 =	vmul.f32 v8, v0;
	v11 =	vmul.f32 v11, v0  }
0x2aa: {  	v4 =	vor.u32 v4, v6;
	v2 =	vor.u32 v2, v7;
	v3 =	vor.u32 v3, v5  }
0x2ab: {  	[tilespmem:s16+$0xFFFFFFD0] =	vst v4;
	v4 =	vor.u32 v8, v9;
	v1 =	vor.u32 v11, v1  }
0x2ac: {  	v5 =	vshll.u32 v10, $0xD;
	v7 =	vshll.u32 v10, $0x10;
	v6 =	vshrl.u32 v10, $0x3;
	[tilespmem:s16+$0xFFFFFFF0] =	vst v2  }
0x2ad: {  	v2 =	vshll.u32 v13, $0xD;
	v8 =	vshrl.u32 v13, $0x3;
	v6 =	vand.u32 $0xFFFE000, v6;
	[tilespmem:s16+$0x0] =	vst v4  }
0x2ae: {  	v4 =	vshll.u32 v12, $0xD;
	v9 =	vshrl.u32 v12, $0x3;
	v6 =	vmul.f32 v6, v0;
	[tilespmem:s16+$0x10] =	vst v3  }
0x2af: {  	v3 =	vand.u32 $0xFFFE000, v4;
	v4 =	vand.u32 $0xFFFE000, v9;
	v9 =	vand.u32 $0x80000000, v10;
	[tilespmem:s16+$0x20] =	vst v1  }
0x2b0: {  	v2 =	vand.u32 $0xFFFE000, v2;
	v8 =	vand.u32 $0xFFFE000, v8;
	s16 =	sadd.s32 $0x80, s16;
	v6 =	vor.u32 v6, v9  }
.Ltmp14:
0x2b1: {  	v9 =	vmul.f32 v3, v0;
	v10 =	vmul.f32 v4, v0;
	v3 =	vand.u32 $0xFFFE000, v5;
	v1 =	vld [tilespmem:s18+$0x0];
	[tilespmem:s16+$0x30] =	vst v6;
	(pc) =	sbr.rel @p0 .LBB2_30-.Ltmp14, $4  }
0x2b2: {  	v5 =	vshll.u32 v12, $0x10;
	v4 =	vmul.f32 v2, v0;
	v2 =	vmul.f32 v8, v0  }
0x2b3: {  	v8 =	vand.u32 $0x80000000, v5;
	v5 =	vshll.u32 v13, $0x10;
	v3 =	vmul.f32 v3, v0  }
0x2b4: {  	v11 =	vand.u32 $0x80000000, v12;
	v6 =	vand.u32 $0x80000000, v5;
	v5 =	vand.u32 $0x80000000, v7  }
0x2b5: {  	s18 =	sadd.s32 $0x40, s18;
	v9 =	vor.u32 v9, v8;
	v8 =	vor.u32 v10, v11;
	v7 =	vand.u32 $0x80000000, v13  }
0x2b6: {  	v10 =	vshll.u32 v1, $0xD;
	[tilespmem:s16+$0xFFFFFFC0] =	vst v9;
	v9 =	vshll.u32 v1, $0x10;
	v11 =	vshrl.u32 v1, $0x3  }
0x2b7: {  	[tilespmem:s16+$0xFFFFFFE0] =	vst v8;
	v4 =	vor.u32 v4, v6;
	v2 =	vor.u32 v2, v7;
	v10 =	vand.u32 $0xFFFE000, v10  }
0x2b8: {  	v6 =	vand.u32 $0x80000000, v9;
	v9 =	vand.u32 $0xFFFE000, v11;
	[tilespmem:s16+$0xFFFFFFD0] =	vst v4;
	v8 =	vmul.f32 v10, v0  }
0x2b9: {  	[tilespmem:s16+$0xFFFFFFF0] =	vst v2;
	v2 =	vor.u32 v3, v5;
	v4 =	vmul.f32 v9, v0  }
0x2ba: {  	v1 =	vand.u32 $0x80000000, v1;
	[tilespmem:s16+$0x10] =	vst v2;
	v6 =	vor.u32 v8, v6  }
0x2bb: {  	v1 =	vor.u32 v4, v1;
	[tilespmem:s16+$0x0] =	vst v6  }
0x2bc: {  	[tilespmem:s16+$0x20] =	vst v1  }
0x2bd: {  	[hbm4b:s19+s2] =	stream.linear.scatter [tilespmem:s10], [sflag:$0x3], $0x2000, $0x38;
	[tilespmem:$0x6D10] =	vst v63  }
0x2be: {  	s18 =	simm.s32 $0x800  }
0x2bf: {  	[tilespmem:s7], [sflag:$0x1] =	stream.indirect.gather [hbm4b:s3+s5], $0x20, s18, s5, $0xb8;
	[tilespmem:$0x6D10] =	vst v63  }
0x2c0: {  	_ =	swait.ge [sflag:s11], $0x1000  }
0x2c1: {  	[sflag:s11] =	ssyncset.done $0x0  }
0x2c2: {  	[sflag:s11] =	ssyncadd.s32 $0xFFFFF000  }
0x2c3: {  	_ =	swait.ge [sflag:s14], $0x2000  }
0x2c4: {  	[sflag:s14] =	ssyncset.done $0x0  }
0x2c5: {  	s17 =	simm.s32 $0x1D30;
	[sflag:s14] =	ssyncadd.s32 $0xFFFFE000  }
0x2c6: {  	v1 =	vld [tilespmem:s17+$0x10]  }
0x2c7: {  	v7 =	vld [tilespmem:s17+$0xFFFFFFF0]  }
0x2c8: {  	v5 =	vld [tilespmem:s17+$0xFFFFFFE0];
	_ =	sdelay $0x2  }
0x2c9: {  	v2 =	vshll.u32 v1, $0xD;
	v8 =	vshll.u32 v1, $0x10;
	v3 =	vshrl.u32 v1, $0x3  }
0x2ca: {  	v4 =	vshll.u32 v7, $0xD;
	v6 =	vshrl.u32 v7, $0x3;
	v3 =	vand.u32 $0xFFFE000, v3  }
0x2cb: {  	v9 =	vshll.u32 v5, $0xD;
	v10 =	vshrl.u32 v5, $0x3;
	v3 =	vmul.f32 v3, v0  }
0x2cc: {  	v1 =	vand.u32 $0x80000000, v1;
	v9 =	vand.u32 $0xFFFE000, v9;
	v10 =	vand.u32 $0xFFFE000, v10  }
0x2cd: {  	v11 =	vor.u32 v3, v1;
	v1 =	vand.u32 $0xFFFE000, v2;
	v3 =	vshll.u32 v5, $0x10  }
0x2ce: {  	v4 =	vand.u32 $0xFFFE000, v4;
	v12 =	vand.u32 $0x80000000, v3;
	v3 =	vmul.f32 v1, v0;
	v1 =	vld [tilespmem:s17+$0x0]  }
0x2cf: {  	v6 =	vand.u32 $0xFFFE000, v6;
	v9 =	vmul.f32 v9, v0;
	v10 =	vmul.f32 v10, v0  }
0x2d0: {  	v13 =	vand.u32 $0x80000000, v5;
	v4 =	vmul.f32 v4, v0;
	v2 =	vmul.f32 v6, v0  }
0x2d1: {  	s16 =	simm.s32 $0x4D50;
	v6 =	vshll.u32 v7, $0x10;
	v5 =	vand.u32 $0x80000000, v8;
	v8 =	vor.u32 v10, v13  }
0x2d2: {  	s18 =	simm.s32 $0x1D70;
	v7 =	vand.u32 $0x80000000, v7;
	v6 =	vand.u32 $0x80000000, v6;
	[tilespmem:s16+$0x30] =	vst v11;
	s17 =	simm.s32 $0x0;
	v9 =	vor.u32 v9, v12  }
.LBB2_32:
0x2d3: {  	v10 =	vld [tilespmem:s18+$0x10];
	s17 =	sadd.s32 $0x2, s17;
	[tilespmem:s16+$0xFFFFFFC0] =	vst v9;
	v9 =	vshll.u32 v1, $0xD;
	v11 =	vshll.u32 v1, $0x10;
	v12 =	vshrl.u32 v1, $0x3  }
0x2d4: {  	v13 =	vld [tilespmem:s18+$0xFFFFFFF0];
	p0 =	slt.u32 s17, $0x7E;
	[tilespmem:s16+$0xFFFFFFE0] =	vst v8;
	v8 =	vand.u32 $0xFFFE000, v9;
	v9 =	vand.u32 $0x80000000, v11;
	v11 =	vand.u32 $0xFFFE000, v12  }
0x2d5: {  	v1 =	vand.u32 $0x80000000, v1;
	v12 =	vld [tilespmem:s18+$0xFFFFFFE0];
	v8 =	vmul.f32 v8, v0;
	v11 =	vmul.f32 v11, v0  }
0x2d6: {  	v4 =	vor.u32 v4, v6;
	v2 =	vor.u32 v2, v7;
	v3 =	vor.u32 v3, v5  }
0x2d7: {  	[tilespmem:s16+$0xFFFFFFD0] =	vst v4;
	v4 =	vor.u32 v8, v9;
	v1 =	vor.u32 v11, v1  }
0x2d8: {  	v5 =	vshll.u32 v10, $0xD;
	v7 =	vshll.u32 v10, $0x10;
	v6 =	vshrl.u32 v10, $0x3;
	[tilespmem:s16+$0xFFFFFFF0] =	vst v2  }
0x2d9: {  	v2 =	vshll.u32 v13, $0xD;
	v8 =	vshrl.u32 v13, $0x3;
	v6 =	vand.u32 $0xFFFE000, v6;
	[tilespmem:s16+$0x0] =	vst v4  }
0x2da: {  	v4 =	vshll.u32 v12, $0xD;
	v9 =	vshrl.u32 v12, $0x3;
	v6 =	vmul.f32 v6, v0;
	[tilespmem:s16+$0x10] =	vst v3  }
0x2db: {  	v3 =	vand.u32 $0xFFFE000, v4;
	v4 =	vand.u32 $0xFFFE000, v9;
	v9 =	vand.u32 $0x80000000, v10;
	[tilespmem:s16+$0x20] =	vst v1  }
0x2dc: {  	v2 =	vand.u32 $0xFFFE000, v2;
	v8 =	vand.u32 $0xFFFE000, v8;
	s16 =	sadd.s32 $0x80, s16;
	v6 =	vor.u32 v6, v9  }
.Ltmp15:
0x2dd: {  	v9 =	vmul.f32 v3, v0;
	v10 =	vmul.f32 v4, v0;
	v3 =	vand.u32 $0xFFFE000, v5;
	v1 =	vld [tilespmem:s18+$0x0];
	[tilespmem:s16+$0x30] =	vst v6;
	(pc) =	sbr.rel @p0 .LBB2_32-.Ltmp15, $4  }
0x2de: {  	v5 =	vshll.u32 v12, $0x10;
	v4 =	vmul.f32 v2, v0;
	v2 =	vmul.f32 v8, v0  }
0x2df: {  	v8 =	vand.u32 $0x80000000, v5;
	v5 =	vshll.u32 v13, $0x10;
	v3 =	vmul.f32 v3, v0  }
0x2e0: {  	v11 =	vand.u32 $0x80000000, v12;
	v6 =	vand.u32 $0x80000000, v5;
	v5 =	vand.u32 $0x80000000, v7  }
0x2e1: {  	s18 =	sadd.s32 $0x40, s18;
	v9 =	vor.u32 v9, v8;
	v8 =	vor.u32 v10, v11;
	v7 =	vand.u32 $0x80000000, v13  }
0x2e2: {  	v10 =	vshll.u32 v1, $0xD;
	[tilespmem:s16+$0xFFFFFFC0] =	vst v9;
	v9 =	vshll.u32 v1, $0x10;
	v11 =	vshrl.u32 v1, $0x3  }
0x2e3: {  	[tilespmem:s16+$0xFFFFFFE0] =	vst v8;
	v4 =	vor.u32 v4, v6;
	v2 =	vor.u32 v2, v7;
	v10 =	vand.u32 $0xFFFE000, v10  }
0x2e4: {  	v6 =	vand.u32 $0x80000000, v9;
	v9 =	vand.u32 $0xFFFE000, v11;
	[tilespmem:s16+$0xFFFFFFD0] =	vst v4;
	v8 =	vmul.f32 v10, v0  }
0x2e5: {  	[tilespmem:s16+$0xFFFFFFF0] =	vst v2;
	v2 =	vor.u32 v3, v5;
	v4 =	vmul.f32 v9, v0  }
0x2e6: {  	v1 =	vand.u32 $0x80000000, v1;
	[tilespmem:s16+$0x10] =	vst v2;
	v6 =	vor.u32 v8, v6  }
0x2e7: {  	v1 =	vor.u32 v4, v1;
	[tilespmem:s16+$0x0] =	vst v6  }
0x2e8: {  	[tilespmem:s16+$0x20] =	vst v1  }
0x2e9: {  	[hbm4b:s20+s2] =	stream.linear.scatter [tilespmem:s12], [sflag:$0x4], $0x2000, $0x38;
	[tilespmem:$0x6D10] =	vst v63  }
0x2ea: {  	s18 =	simm.s32 $0x880  }
0x2eb: {  	[tilespmem:s8], [sflag:$0x2] =	stream.indirect.gather [hbm4b:s3+s5], $0x20, s18, s5, $0xb8;
	[tilespmem:$0x6D10] =	vst v63  }
0x2ec: {  	_ =	swait.ge [sflag:s9], $0x1000  }
0x2ed: {  	[sflag:s9] =	ssyncset.done $0x0  }
0x2ee: {  	[sflag:s9] =	ssyncadd.s32 $0xFFFFF000  }
0x2ef: {  	_ =	swait.ge [sflag:s13], $0x2000  }
0x2f0: {  	[sflag:s13] =	ssyncset.done $0x0  }
0x2f1: {  	s17 =	simm.s32 $0xD30;
	[sflag:s13] =	ssyncadd.s32 $0xFFFFE000  }
0x2f2: {  	v1 =	vld [tilespmem:s17+$0x10]  }
0x2f3: {  	v7 =	vld [tilespmem:s17+$0xFFFFFFF0]  }
0x2f4: {  	v5 =	vld [tilespmem:s17+$0xFFFFFFE0];
	_ =	sdelay $0x2  }
0x2f5: {  	v2 =	vshll.u32 v1, $0xD;
	v8 =	vshll.u32 v1, $0x10;
	v3 =	vshrl.u32 v1, $0x3  }
0x2f6: {  	v4 =	vshll.u32 v7, $0xD;
	v6 =	vshrl.u32 v7, $0x3;
	v3 =	vand.u32 $0xFFFE000, v3  }
0x2f7: {  	v9 =	vshll.u32 v5, $0xD;
	v10 =	vshrl.u32 v5, $0x3;
	v3 =	vmul.f32 v3, v0  }
0x2f8: {  	v1 =	vand.u32 $0x80000000, v1;
	v9 =	vand.u32 $0xFFFE000, v9;
	v10 =	vand.u32 $0xFFFE000, v10  }
0x2f9: {  	v11 =	vor.u32 v3, v1;
	v1 =	vand.u32 $0xFFFE000, v2;
	v3 =	vshll.u32 v5, $0x10  }
0x2fa: {  	v4 =	vand.u32 $0xFFFE000, v4;
	v12 =	vand.u32 $0x80000000, v3;
	v3 =	vmul.f32 v1, v0;
	v1 =	vld [tilespmem:s17+$0x0]  }
0x2fb: {  	v6 =	vand.u32 $0xFFFE000, v6;
	v9 =	vmul.f32 v9, v0;
	v10 =	vmul.f32 v10, v0  }
0x2fc: {  	v13 =	vand.u32 $0x80000000, v5;
	v4 =	vmul.f32 v4, v0;
	v2 =	vmul.f32 v6, v0  }
0x2fd: {  	s16 =	simm.s32 $0x2D50;
	v6 =	vshll.u32 v7, $0x10;
	v5 =	vand.u32 $0x80000000, v8;
	v8 =	vor.u32 v10, v13  }
0x2fe: {  	s18 =	simm.s32 $0xD70;
	v7 =	vand.u32 $0x80000000, v7;
	v6 =	vand.u32 $0x80000000, v6;
	[tilespmem:s16+$0x30] =	vst v11;
	s17 =	simm.s32 $0x0;
	v9 =	vor.u32 v9, v12  }
.LBB2_34:
0x2ff: {  	v10 =	vld [tilespmem:s18+$0x10];
	s17 =	sadd.s32 $0x2, s17;
	[tilespmem:s16+$0xFFFFFFC0] =	vst v9;
	v9 =	vshll.u32 v1, $0xD;
	v11 =	vshll.u32 v1, $0x10;
	v12 =	vshrl.u32 v1, $0x3  }
0x300: {  	v13 =	vld [tilespmem:s18+$0xFFFFFFF0];
	p0 =	slt.u32 s17, $0x7E;
	[tilespmem:s16+$0xFFFFFFE0] =	vst v8;
	v8 =	vand.u32 $0xFFFE000, v9;
	v9 =	vand.u32 $0x80000000, v11;
	v11 =	vand.u32 $0xFFFE000, v12  }
0x301: {  	v1 =	vand.u32 $0x80000000, v1;
	v12 =	vld [tilespmem:s18+$0xFFFFFFE0];
	v8 =	vmul.f32 v8, v0;
	v11 =	vmul.f32 v11, v0  }
0x302: {  	v4 =	vor.u32 v4, v6;
	v2 =	vor.u32 v2, v7;
	v3 =	vor.u32 v3, v5  }
0x303: {  	[tilespmem:s16+$0xFFFFFFD0] =	vst v4;
	v4 =	vor.u32 v8, v9;
	v1 =	vor.u32 v11, v1  }
0x304: {  	v5 =	vshll.u32 v10, $0xD;
	v7 =	vshll.u32 v10, $0x10;
	v6 =	vshrl.u32 v10, $0x3;
	[tilespmem:s16+$0xFFFFFFF0] =	vst v2  }
0x305: {  	v2 =	vshll.u32 v13, $0xD;
	v8 =	vshrl.u32 v13, $0x3;
	v6 =	vand.u32 $0xFFFE000, v6;
	[tilespmem:s16+$0x0] =	vst v4  }
0x306: {  	v4 =	vshll.u32 v12, $0xD;
	v9 =	vshrl.u32 v12, $0x3;
	v6 =	vmul.f32 v6, v0;
	[tilespmem:s16+$0x10] =	vst v3  }
0x307: {  	v3 =	vand.u32 $0xFFFE000, v4;
	v4 =	vand.u32 $0xFFFE000, v9;
	v9 =	vand.u32 $0x80000000, v10;
	[tilespmem:s16+$0x20] =	vst v1  }
0x308: {  	v2 =	vand.u32 $0xFFFE000, v2;
	v8 =	vand.u32 $0xFFFE000, v8;
	s16 =	sadd.s32 $0x80, s16;
	v6 =	vor.u32 v6, v9  }
.Ltmp16:
0x309: {  	v9 =	vmul.f32 v3, v0;
	v10 =	vmul.f32 v4, v0;
	v3 =	vand.u32 $0xFFFE000, v5;
	v1 =	vld [tilespmem:s18+$0x0];
	[tilespmem:s16+$0x30] =	vst v6;
	(pc) =	sbr.rel @p0 .LBB2_34-.Ltmp16, $4  }
0x30a: {  	v5 =	vshll.u32 v12, $0x10;
	v4 =	vmul.f32 v2, v0;
	v2 =	vmul.f32 v8, v0  }
0x30b: {  	v8 =	vand.u32 $0x80000000, v5;
	v5 =	vshll.u32 v13, $0x10;
	v3 =	vmul.f32 v3, v0  }
0x30c: {  	v11 =	vand.u32 $0x80000000, v12;
	v6 =	vand.u32 $0x80000000, v5;
	v5 =	vand.u32 $0x80000000, v7  }
0x30d: {  	s18 =	sadd.s32 $0x40, s18;
	v9 =	vor.u32 v9, v8;
	v8 =	vor.u32 v10, v11;
	v7 =	vand.u32 $0x80000000, v13  }
0x30e: {  	v10 =	vshll.u32 v1, $0xD;
	[tilespmem:s16+$0xFFFFFFC0] =	vst v9;
	v9 =	vshll.u32 v1, $0x10;
	v11 =	vshrl.u32 v1, $0x3  }
0x30f: {  	[tilespmem:s16+$0xFFFFFFE0] =	vst v8;
	v4 =	vor.u32 v4, v6;
	v2 =	vor.u32 v2, v7;
	v10 =	vand.u32 $0xFFFE000, v10  }
0x310: {  	v6 =	vand.u32 $0x80000000, v9;
	v9 =	vand.u32 $0xFFFE000, v11;
	[tilespmem:s16+$0xFFFFFFD0] =	vst v4;
	v8 =	vmul.f32 v10, v0  }
0x311: {  	[tilespmem:s16+$0xFFFFFFF0] =	vst v2;
	v2 =	vor.u32 v3, v5;
	v4 =	vmul.f32 v9, v0  }
0x312: {  	v1 =	vand.u32 $0x80000000, v1;
	[tilespmem:s16+$0x10] =	vst v2;
	v6 =	vor.u32 v8, v6  }
0x313: {  	v1 =	vor.u32 v4, v1;
	[tilespmem:s16+$0x0] =	vst v6  }
0x314: {  	[tilespmem:s16+$0x20] =	vst v1  }
0x315: {  	[hbm4b:s21+s2] =	stream.linear.scatter [tilespmem:s10], [sflag:$0x3], $0x2000, $0x38;
	[tilespmem:$0x6D10] =	vst v63  }
0x316: {  	s18 =	simm.s32 $0x900  }
0x317: {  	[tilespmem:s7], [sflag:$0x1] =	stream.indirect.gather [hbm4b:s3+s5], $0x20, s18, s5, $0xb8;
	[tilespmem:$0x6D10] =	vst v63  }
0x318: {  	_ =	swait.ge [sflag:s11], $0x1000  }
0x319: {  	[sflag:s11] =	ssyncset.done $0x0  }
0x31a: {  	[sflag:s11] =	ssyncadd.s32 $0xFFFFF000  }
0x31b: {  	_ =	swait.ge [sflag:s14], $0x2000  }
0x31c: {  	[sflag:s14] =	ssyncset.done $0x0  }
0x31d: {  	s17 =	simm.s32 $0x1D30;
	[sflag:s14] =	ssyncadd.s32 $0xFFFFE000  }
0x31e: {  	v1 =	vld [tilespmem:s17+$0x10]  }
0x31f: {  	v7 =	vld [tilespmem:s17+$0xFFFFFFF0]  }
0x320: {  	v5 =	vld [tilespmem:s17+$0xFFFFFFE0];
	_ =	sdelay $0x2  }
0x321: {  	v2 =	vshll.u32 v1, $0xD;
	v8 =	vshll.u32 v1, $0x10;
	v3 =	vshrl.u32 v1, $0x3  }
0x322: {  	v4 =	vshll.u32 v7, $0xD;
	v6 =	vshrl.u32 v7, $0x3;
	v3 =	vand.u32 $0xFFFE000, v3  }
0x323: {  	v9 =	vshll.u32 v5, $0xD;
	v10 =	vshrl.u32 v5, $0x3;
	v3 =	vmul.f32 v3, v0  }
0x324: {  	v1 =	vand.u32 $0x80000000, v1;
	v9 =	vand.u32 $0xFFFE000, v9;
	v10 =	vand.u32 $0xFFFE000, v10  }
0x325: {  	v11 =	vor.u32 v3, v1;
	v1 =	vand.u32 $0xFFFE000, v2;
	v3 =	vshll.u32 v5, $0x10  }
0x326: {  	v4 =	vand.u32 $0xFFFE000, v4;
	v12 =	vand.u32 $0x80000000, v3;
	v3 =	vmul.f32 v1, v0;
	v1 =	vld [tilespmem:s17+$0x0]  }
0x327: {  	v6 =	vand.u32 $0xFFFE000, v6;
	v9 =	vmul.f32 v9, v0;
	v10 =	vmul.f32 v10, v0  }
0x328: {  	v13 =	vand.u32 $0x80000000, v5;
	v4 =	vmul.f32 v4, v0;
	v2 =	vmul.f32 v6, v0  }
0x329: {  	s16 =	simm.s32 $0x4D50;
	v6 =	vshll.u32 v7, $0x10;
	v5 =	vand.u32 $0x80000000, v8;
	v8 =	vor.u32 v10, v13  }
0x32a: {  	s18 =	simm.s32 $0x1D70;
	v7 =	vand.u32 $0x80000000, v7;
	v6 =	vand.u32 $0x80000000, v6;
	[tilespmem:s16+$0x30] =	vst v11;
	s17 =	simm.s32 $0x0;
	v9 =	vor.u32 v9, v12  }
.LBB2_36:
0x32b: {  	v10 =	vld [tilespmem:s18+$0x10];
	s17 =	sadd.s32 $0x2, s17;
	[tilespmem:s16+$0xFFFFFFC0] =	vst v9;
	v9 =	vshll.u32 v1, $0xD;
	v11 =	vshll.u32 v1, $0x10;
	v12 =	vshrl.u32 v1, $0x3  }
0x32c: {  	v13 =	vld [tilespmem:s18+$0xFFFFFFF0];
	p0 =	slt.u32 s17, $0x7E;
	[tilespmem:s16+$0xFFFFFFE0] =	vst v8;
	v8 =	vand.u32 $0xFFFE000, v9;
	v9 =	vand.u32 $0x80000000, v11;
	v11 =	vand.u32 $0xFFFE000, v12  }
0x32d: {  	v1 =	vand.u32 $0x80000000, v1;
	v12 =	vld [tilespmem:s18+$0xFFFFFFE0];
	v8 =	vmul.f32 v8, v0;
	v11 =	vmul.f32 v11, v0  }
0x32e: {  	v4 =	vor.u32 v4, v6;
	v2 =	vor.u32 v2, v7;
	v3 =	vor.u32 v3, v5  }
0x32f: {  	[tilespmem:s16+$0xFFFFFFD0] =	vst v4;
	v4 =	vor.u32 v8, v9;
	v1 =	vor.u32 v11, v1  }
0x330: {  	v5 =	vshll.u32 v10, $0xD;
	v7 =	vshll.u32 v10, $0x10;
	v6 =	vshrl.u32 v10, $0x3;
	[tilespmem:s16+$0xFFFFFFF0] =	vst v2  }
0x331: {  	v2 =	vshll.u32 v13, $0xD;
	v8 =	vshrl.u32 v13, $0x3;
	v6 =	vand.u32 $0xFFFE000, v6;
	[tilespmem:s16+$0x0] =	vst v4  }
0x332: {  	v4 =	vshll.u32 v12, $0xD;
	v9 =	vshrl.u32 v12, $0x3;
	v6 =	vmul.f32 v6, v0;
	[tilespmem:s16+$0x10] =	vst v3  }
0x333: {  	v3 =	vand.u32 $0xFFFE000, v4;
	v4 =	vand.u32 $0xFFFE000, v9;
	v9 =	vand.u32 $0x80000000, v10;
	[tilespmem:s16+$0x20] =	vst v1  }
0x334: {  	v2 =	vand.u32 $0xFFFE000, v2;
	v8 =	vand.u32 $0xFFFE000, v8;
	s16 =	sadd.s32 $0x80, s16;
	v6 =	vor.u32 v6, v9  }
.Ltmp17:
0x335: {  	v9 =	vmul.f32 v3, v0;
	v10 =	vmul.f32 v4, v0;
	v3 =	vand.u32 $0xFFFE000, v5;
	v1 =	vld [tilespmem:s18+$0x0];
	[tilespmem:s16+$0x30] =	vst v6;
	(pc) =	sbr.rel @p0 .LBB2_36-.Ltmp17, $4  }
0x336: {  	v5 =	vshll.u32 v12, $0x10;
	v4 =	vmul.f32 v2, v0;
	v2 =	vmul.f32 v8, v0  }
0x337: {  	v8 =	vand.u32 $0x80000000, v5;
	v5 =	vshll.u32 v13, $0x10;
	v3 =	vmul.f32 v3, v0  }
0x338: {  	v11 =	vand.u32 $0x80000000, v12;
	v6 =	vand.u32 $0x80000000, v5;
	v5 =	vand.u32 $0x80000000, v7  }
0x339: {  	s18 =	sadd.s32 $0x40, s18;
	v9 =	vor.u32 v9, v8;
	v8 =	vor.u32 v10, v11;
	v7 =	vand.u32 $0x80000000, v13  }
0x33a: {  	v10 =	vshll.u32 v1, $0xD;
	[tilespmem:s16+$0xFFFFFFC0] =	vst v9;
	v9 =	vshll.u32 v1, $0x10;
	v11 =	vshrl.u32 v1, $0x3  }
0x33b: {  	[tilespmem:s16+$0xFFFFFFE0] =	vst v8;
	v4 =	vor.u32 v4, v6;
	v2 =	vor.u32 v2, v7;
	v10 =	vand.u32 $0xFFFE000, v10  }
0x33c: {  	v6 =	vand.u32 $0x80000000, v9;
	v9 =	vand.u32 $0xFFFE000, v11;
	[tilespmem:s16+$0xFFFFFFD0] =	vst v4;
	v8 =	vmul.f32 v10, v0  }
0x33d: {  	[tilespmem:s16+$0xFFFFFFF0] =	vst v2;
	v2 =	vor.u32 v3, v5;
	v4 =	vmul.f32 v9, v0  }
0x33e: {  	v1 =	vand.u32 $0x80000000, v1;
	[tilespmem:s16+$0x10] =	vst v2;
	v6 =	vor.u32 v8, v6  }
0x33f: {  	v1 =	vor.u32 v4, v1;
	[tilespmem:s16+$0x0] =	vst v6  }
0x340: {  	[tilespmem:s16+$0x20] =	vst v1  }
0x341: {  	[hbm4b:s22+s2] =	stream.linear.scatter [tilespmem:s12], [sflag:$0x4], $0x2000, $0x38;
	[tilespmem:$0x6D10] =	vst v63  }
0x342: {  	s18 =	simm.s32 $0x980  }
0x343: {  	[tilespmem:s8], [sflag:$0x2] =	stream.indirect.gather [hbm4b:s3+s5], $0x20, s18, s5, $0xb8;
	[tilespmem:$0x6D10] =	vst v63  }
0x344: {  	_ =	swait.ge [sflag:s9], $0x1000  }
0x345: {  	[sflag:s9] =	ssyncset.done $0x0  }
0x346: {  	[sflag:s9] =	ssyncadd.s32 $0xFFFFF000  }
0x347: {  	_ =	swait.ge [sflag:s13], $0x2000  }
0x348: {  	[sflag:s13] =	ssyncset.done $0x0  }
0x349: {  	s17 =	simm.s32 $0xD30;
	[sflag:s13] =	ssyncadd.s32 $0xFFFFE000  }
0x34a: {  	v1 =	vld [tilespmem:s17+$0x10]  }
0x34b: {  	v7 =	vld [tilespmem:s17+$0xFFFFFFF0]  }
0x34c: {  	v5 =	vld [tilespmem:s17+$0xFFFFFFE0];
	_ =	sdelay $0x2  }
0x34d: {  	v2 =	vshll.u32 v1, $0xD;
	v8 =	vshll.u32 v1, $0x10;
	v3 =	vshrl.u32 v1, $0x3  }
0x34e: {  	v4 =	vshll.u32 v7, $0xD;
	v6 =	vshrl.u32 v7, $0x3;
	v3 =	vand.u32 $0xFFFE000, v3  }
0x34f: {  	v9 =	vshll.u32 v5, $0xD;
	v10 =	vshrl.u32 v5, $0x3;
	v3 =	vmul.f32 v3, v0  }
0x350: {  	v1 =	vand.u32 $0x80000000, v1;
	v9 =	vand.u32 $0xFFFE000, v9;
	v10 =	vand.u32 $0xFFFE000, v10  }
0x351: {  	v11 =	vor.u32 v3, v1;
	v1 =	vand.u32 $0xFFFE000, v2;
	v3 =	vshll.u32 v5, $0x10  }
0x352: {  	v4 =	vand.u32 $0xFFFE000, v4;
	v12 =	vand.u32 $0x80000000, v3;
	v3 =	vmul.f32 v1, v0;
	v1 =	vld [tilespmem:s17+$0x0]  }
0x353: {  	v6 =	vand.u32 $0xFFFE000, v6;
	v9 =	vmul.f32 v9, v0;
	v10 =	vmul.f32 v10, v0  }
0x354: {  	v13 =	vand.u32 $0x80000000, v5;
	v4 =	vmul.f32 v4, v0;
	v2 =	vmul.f32 v6, v0  }
0x355: {  	s16 =	simm.s32 $0x2D50;
	v6 =	vshll.u32 v7, $0x10;
	v5 =	vand.u32 $0x80000000, v8;
	v8 =	vor.u32 v10, v13  }
0x356: {  	s18 =	simm.s32 $0xD70;
	v7 =	vand.u32 $0x80000000, v7;
	v6 =	vand.u32 $0x80000000, v6;
	[tilespmem:s16+$0x30] =	vst v11;
	s17 =	simm.s32 $0x0;
	v9 =	vor.u32 v9, v12  }
.LBB2_38:
0x357: {  	v10 =	vld [tilespmem:s18+$0x10];
	s17 =	sadd.s32 $0x2, s17;
	[tilespmem:s16+$0xFFFFFFC0] =	vst v9;
	v9 =	vshll.u32 v1, $0xD;
	v11 =	vshll.u32 v1, $0x10;
	v12 =	vshrl.u32 v1, $0x3  }
0x358: {  	v13 =	vld [tilespmem:s18+$0xFFFFFFF0];
	p0 =	slt.u32 s17, $0x7E;
	[tilespmem:s16+$0xFFFFFFE0] =	vst v8;
	v8 =	vand.u32 $0xFFFE000, v9;
	v9 =	vand.u32 $0x80000000, v11;
	v11 =	vand.u32 $0xFFFE000, v12  }
0x359: {  	v1 =	vand.u32 $0x80000000, v1;
	v12 =	vld [tilespmem:s18+$0xFFFFFFE0];
	v8 =	vmul.f32 v8, v0;
	v11 =	vmul.f32 v11, v0  }
0x35a: {  	v4 =	vor.u32 v4, v6;
	v2 =	vor.u32 v2, v7;
	v3 =	vor.u32 v3, v5  }
0x35b: {  	[tilespmem:s16+$0xFFFFFFD0] =	vst v4;
	v4 =	vor.u32 v8, v9;
	v1 =	vor.u32 v11, v1  }
0x35c: {  	v5 =	vshll.u32 v10, $0xD;
	v7 =	vshll.u32 v10, $0x10;
	v6 =	vshrl.u32 v10, $0x3;
	[tilespmem:s16+$0xFFFFFFF0] =	vst v2  }
0x35d: {  	v2 =	vshll.u32 v13, $0xD;
	v8 =	vshrl.u32 v13, $0x3;
	v6 =	vand.u32 $0xFFFE000, v6;
	[tilespmem:s16+$0x0] =	vst v4  }
0x35e: {  	v4 =	vshll.u32 v12, $0xD;
	v9 =	vshrl.u32 v12, $0x3;
	v6 =	vmul.f32 v6, v0;
	[tilespmem:s16+$0x10] =	vst v3  }
0x35f: {  	v3 =	vand.u32 $0xFFFE000, v4;
	v4 =	vand.u32 $0xFFFE000, v9;
	v9 =	vand.u32 $0x80000000, v10;
	[tilespmem:s16+$0x20] =	vst v1  }
0x360: {  	v2 =	vand.u32 $0xFFFE000, v2;
	v8 =	vand.u32 $0xFFFE000, v8;
	s16 =	sadd.s32 $0x80, s16;
	v6 =	vor.u32 v6, v9  }
.Ltmp18:
0x361: {  	v9 =	vmul.f32 v3, v0;
	v10 =	vmul.f32 v4, v0;
	v3 =	vand.u32 $0xFFFE000, v5;
	v1 =	vld [tilespmem:s18+$0x0];
	[tilespmem:s16+$0x30] =	vst v6;
	(pc) =	sbr.rel @p0 .LBB2_38-.Ltmp18, $4  }
0x362: {  	v5 =	vshll.u32 v12, $0x10;
	v4 =	vmul.f32 v2, v0;
	v2 =	vmul.f32 v8, v0  }
0x363: {  	v8 =	vand.u32 $0x80000000, v5;
	v5 =	vshll.u32 v13, $0x10;
	v3 =	vmul.f32 v3, v0  }
0x364: {  	v11 =	vand.u32 $0x80000000, v12;
	v6 =	vand.u32 $0x80000000, v5;
	v5 =	vand.u32 $0x80000000, v7  }
0x365: {  	s18 =	sadd.s32 $0x40, s18;
	v9 =	vor.u32 v9, v8;
	v8 =	vor.u32 v10, v11;
	v7 =	vand.u32 $0x80000000, v13  }
0x366: {  	v10 =	vshll.u32 v1, $0xD;
	[tilespmem:s16+$0xFFFFFFC0] =	vst v9;
	v9 =	vshll.u32 v1, $0x10;
	v11 =	vshrl.u32 v1, $0x3  }
0x367: {  	[tilespmem:s16+$0xFFFFFFE0] =	vst v8;
	v4 =	vor.u32 v4, v6;
	v2 =	vor.u32 v2, v7;
	v10 =	vand.u32 $0xFFFE000, v10  }
0x368: {  	v6 =	vand.u32 $0x80000000, v9;
	v9 =	vand.u32 $0xFFFE000, v11;
	[tilespmem:s16+$0xFFFFFFD0] =	vst v4;
	v8 =	vmul.f32 v10, v0  }
0x369: {  	[tilespmem:s16+$0xFFFFFFF0] =	vst v2;
	v2 =	vor.u32 v3, v5;
	v4 =	vmul.f32 v9, v0  }
0x36a: {  	v1 =	vand.u32 $0x80000000, v1;
	[tilespmem:s16+$0x10] =	vst v2;
	v6 =	vor.u32 v8, v6  }
0x36b: {  	v1 =	vor.u32 v4, v1;
	[tilespmem:s16+$0x0] =	vst v6  }
0x36c: {  	[tilespmem:s16+$0x20] =	vst v1  }
0x36d: {  	[hbm4b:s23+s2] =	stream.linear.scatter [tilespmem:s10], [sflag:$0x3], $0x2000, $0x38;
	[tilespmem:$0x6D10] =	vst v63  }
0x36e: {  	s18 =	simm.s32 $0xA00  }
0x36f: {  	[tilespmem:s7], [sflag:$0x1] =	stream.indirect.gather [hbm4b:s3+s5], $0x20, s18, s5, $0xb8;
	[tilespmem:$0x6D10] =	vst v63  }
0x370: {  	_ =	swait.ge [sflag:s11], $0x1000  }
0x371: {  	[sflag:s11] =	ssyncset.done $0x0  }
0x372: {  	[sflag:s11] =	ssyncadd.s32 $0xFFFFF000  }
0x373: {  	_ =	swait.ge [sflag:s14], $0x2000  }
0x374: {  	[sflag:s14] =	ssyncset.done $0x0  }
0x375: {  	s17 =	simm.s32 $0x1D30;
	[sflag:s14] =	ssyncadd.s32 $0xFFFFE000  }
0x376: {  	v1 =	vld [tilespmem:s17+$0x10]  }
0x377: {  	v7 =	vld [tilespmem:s17+$0xFFFFFFF0]  }
0x378: {  	v5 =	vld [tilespmem:s17+$0xFFFFFFE0];
	_ =	sdelay $0x2  }
0x379: {  	v2 =	vshll.u32 v1, $0xD;
	v8 =	vshll.u32 v1, $0x10;
	v3 =	vshrl.u32 v1, $0x3  }
0x37a: {  	v4 =	vshll.u32 v7, $0xD;
	v6 =	vshrl.u32 v7, $0x3;
	v3 =	vand.u32 $0xFFFE000, v3  }
0x37b: {  	v9 =	vshll.u32 v5, $0xD;
	v10 =	vshrl.u32 v5, $0x3;
	v3 =	vmul.f32 v3, v0  }
0x37c: {  	v1 =	vand.u32 $0x80000000, v1;
	v9 =	vand.u32 $0xFFFE000, v9;
	v10 =	vand.u32 $0xFFFE000, v10  }
0x37d: {  	v11 =	vor.u32 v3, v1;
	v1 =	vand.u32 $0xFFFE000, v2;
	v3 =	vshll.u32 v5, $0x10  }
0x37e: {  	v4 =	vand.u32 $0xFFFE000, v4;
	v12 =	vand.u32 $0x80000000, v3;
	v3 =	vmul.f32 v1, v0;
	v1 =	vld [tilespmem:s17+$0x0]  }
0x37f: {  	v6 =	vand.u32 $0xFFFE000, v6;
	v9 =	vmul.f32 v9, v0;
	v10 =	vmul.f32 v10, v0  }
0x380: {  	v13 =	vand.u32 $0x80000000, v5;
	v4 =	vmul.f32 v4, v0;
	v2 =	vmul.f32 v6, v0  }
0x381: {  	s16 =	simm.s32 $0x4D50;
	v6 =	vshll.u32 v7, $0x10;
	v5 =	vand.u32 $0x80000000, v8;
	v8 =	vor.u32 v10, v13  }
0x382: {  	s18 =	simm.s32 $0x1D70;
	v7 =	vand.u32 $0x80000000, v7;
	v6 =	vand.u32 $0x80000000, v6;
	[tilespmem:s16+$0x30] =	vst v11;
	s17 =	simm.s32 $0x0;
	v9 =	vor.u32 v9, v12  }
.LBB2_40:
0x383: {  	v10 =	vld [tilespmem:s18+$0x10];
	s17 =	sadd.s32 $0x2, s17;
	[tilespmem:s16+$0xFFFFFFC0] =	vst v9;
	v9 =	vshll.u32 v1, $0xD;
	v11 =	vshll.u32 v1, $0x10;
	v12 =	vshrl.u32 v1, $0x3  }
0x384: {  	v13 =	vld [tilespmem:s18+$0xFFFFFFF0];
	p0 =	slt.u32 s17, $0x7E;
	[tilespmem:s16+$0xFFFFFFE0] =	vst v8;
	v8 =	vand.u32 $0xFFFE000, v9;
	v9 =	vand.u32 $0x80000000, v11;
	v11 =	vand.u32 $0xFFFE000, v12  }
0x385: {  	v1 =	vand.u32 $0x80000000, v1;
	v12 =	vld [tilespmem:s18+$0xFFFFFFE0];
	v8 =	vmul.f32 v8, v0;
	v11 =	vmul.f32 v11, v0  }
0x386: {  	v4 =	vor.u32 v4, v6;
	v2 =	vor.u32 v2, v7;
	v3 =	vor.u32 v3, v5  }
0x387: {  	[tilespmem:s16+$0xFFFFFFD0] =	vst v4;
	v4 =	vor.u32 v8, v9;
	v1 =	vor.u32 v11, v1  }
0x388: {  	v5 =	vshll.u32 v10, $0xD;
	v7 =	vshll.u32 v10, $0x10;
	v6 =	vshrl.u32 v10, $0x3;
	[tilespmem:s16+$0xFFFFFFF0] =	vst v2  }
0x389: {  	v2 =	vshll.u32 v13, $0xD;
	v8 =	vshrl.u32 v13, $0x3;
	v6 =	vand.u32 $0xFFFE000, v6;
	[tilespmem:s16+$0x0] =	vst v4  }
0x38a: {  	v4 =	vshll.u32 v12, $0xD;
	v9 =	vshrl.u32 v12, $0x3;
	v6 =	vmul.f32 v6, v0;
	[tilespmem:s16+$0x10] =	vst v3  }
0x38b: {  	v3 =	vand.u32 $0xFFFE000, v4;
	v4 =	vand.u32 $0xFFFE000, v9;
	v9 =	vand.u32 $0x80000000, v10;
	[tilespmem:s16+$0x20] =	vst v1  }
0x38c: {  	v2 =	vand.u32 $0xFFFE000, v2;
	v8 =	vand.u32 $0xFFFE000, v8;
	s16 =	sadd.s32 $0x80, s16;
	v6 =	vor.u32 v6, v9  }
.Ltmp19:
0x38d: {  	v9 =	vmul.f32 v3, v0;
	v10 =	vmul.f32 v4, v0;
	v3 =	vand.u32 $0xFFFE000, v5;
	v1 =	vld [tilespmem:s18+$0x0];
	[tilespmem:s16+$0x30] =	vst v6;
	(pc) =	sbr.rel @p0 .LBB2_40-.Ltmp19, $4  }
0x38e: {  	v5 =	vshll.u32 v12, $0x10;
	v4 =	vmul.f32 v2, v0;
	v2 =	vmul.f32 v8, v0  }
0x38f: {  	v8 =	vand.u32 $0x80000000, v5;
	v5 =	vshll.u32 v13, $0x10;
	v3 =	vmul.f32 v3, v0  }
0x390: {  	v11 =	vand.u32 $0x80000000, v12;
	v6 =	vand.u32 $0x80000000, v5;
	v5 =	vand.u32 $0x80000000, v7  }
0x391: {  	s18 =	sadd.s32 $0x40, s18;
	v9 =	vor.u32 v9, v8;
	v8 =	vor.u32 v10, v11;
	v7 =	vand.u32 $0x80000000, v13  }
0x392: {  	v10 =	vshll.u32 v1, $0xD;
	[tilespmem:s16+$0xFFFFFFC0] =	vst v9;
	v9 =	vshll.u32 v1, $0x10;
	v11 =	vshrl.u32 v1, $0x3  }
0x393: {  	[tilespmem:s16+$0xFFFFFFE0] =	vst v8;
	v4 =	vor.u32 v4, v6;
	v2 =	vor.u32 v2, v7;
	v10 =	vand.u32 $0xFFFE000, v10  }
0x394: {  	v6 =	vand.u32 $0x80000000, v9;
	v9 =	vand.u32 $0xFFFE000, v11;
	[tilespmem:s16+$0xFFFFFFD0] =	vst v4;
	v8 =	vmul.f32 v10, v0  }
0x395: {  	[tilespmem:s16+$0xFFFFFFF0] =	vst v2;
	v2 =	vor.u32 v3, v5;
	v4 =	vmul.f32 v9, v0  }
0x396: {  	v1 =	vand.u32 $0x80000000, v1;
	[tilespmem:s16+$0x10] =	vst v2;
	v6 =	vor.u32 v8, v6  }
0x397: {  	v1 =	vor.u32 v4, v1;
	[tilespmem:s16+$0x0] =	vst v6  }
0x398: {  	[tilespmem:s16+$0x20] =	vst v1  }
0x399: {  	[hbm4b:s24+s2] =	stream.linear.scatter [tilespmem:s12], [sflag:$0x4], $0x2000, $0x38;
	[tilespmem:$0x6D10] =	vst v63  }
0x39a: {  	s18 =	simm.s32 $0xA80  }
0x39b: {  	[tilespmem:s8], [sflag:$0x2] =	stream.indirect.gather [hbm4b:s3+s5], $0x20, s18, s5, $0xb8;
	[tilespmem:$0x6D10] =	vst v63  }
0x39c: {  	_ =	swait.ge [sflag:s9], $0x1000  }
0x39d: {  	[sflag:s9] =	ssyncset.done $0x0  }
0x39e: {  	[sflag:s9] =	ssyncadd.s32 $0xFFFFF000  }
0x39f: {  	_ =	swait.ge [sflag:s13], $0x2000  }
0x3a0: {  	[sflag:s13] =	ssyncset.done $0x0  }
0x3a1: {  	s17 =	simm.s32 $0xD30;
	[sflag:s13] =	ssyncadd.s32 $0xFFFFE000  }
0x3a2: {  	v1 =	vld [tilespmem:s17+$0x10]  }
0x3a3: {  	v7 =	vld [tilespmem:s17+$0xFFFFFFF0]  }
0x3a4: {  	v5 =	vld [tilespmem:s17+$0xFFFFFFE0];
	_ =	sdelay $0x2  }
0x3a5: {  	v2 =	vshll.u32 v1, $0xD;
	v8 =	vshll.u32 v1, $0x10;
	v3 =	vshrl.u32 v1, $0x3  }
0x3a6: {  	v4 =	vshll.u32 v7, $0xD;
	v6 =	vshrl.u32 v7, $0x3;
	v3 =	vand.u32 $0xFFFE000, v3  }
0x3a7: {  	v9 =	vshll.u32 v5, $0xD;
	v10 =	vshrl.u32 v5, $0x3;
	v3 =	vmul.f32 v3, v0  }
0x3a8: {  	v1 =	vand.u32 $0x80000000, v1;
	v9 =	vand.u32 $0xFFFE000, v9;
	v10 =	vand.u32 $0xFFFE000, v10  }
0x3a9: {  	v11 =	vor.u32 v3, v1;
	v1 =	vand.u32 $0xFFFE000, v2;
	v3 =	vshll.u32 v5, $0x10  }
0x3aa: {  	v4 =	vand.u32 $0xFFFE000, v4;
	v12 =	vand.u32 $0x80000000, v3;
	v3 =	vmul.f32 v1, v0;
	v1 =	vld [tilespmem:s17+$0x0]  }
0x3ab: {  	v6 =	vand.u32 $0xFFFE000, v6;
	v9 =	vmul.f32 v9, v0;
	v10 =	vmul.f32 v10, v0  }
0x3ac: {  	v13 =	vand.u32 $0x80000000, v5;
	v4 =	vmul.f32 v4, v0;
	v2 =	vmul.f32 v6, v0  }
0x3ad: {  	s16 =	simm.s32 $0x2D50;
	v6 =	vshll.u32 v7, $0x10;
	v5 =	vand.u32 $0x80000000, v8;
	v8 =	vor.u32 v10, v13  }
0x3ae: {  	s18 =	simm.s32 $0xD70;
	v7 =	vand.u32 $0x80000000, v7;
	v6 =	vand.u32 $0x80000000, v6;
	[tilespmem:s16+$0x30] =	vst v11;
	s17 =	simm.s32 $0x0;
	v9 =	vor.u32 v9, v12  }
.LBB2_42:
0x3af: {  	v10 =	vld [tilespmem:s18+$0x10];
	s17 =	sadd.s32 $0x2, s17;
	[tilespmem:s16+$0xFFFFFFC0] =	vst v9;
	v9 =	vshll.u32 v1, $0xD;
	v11 =	vshll.u32 v1, $0x10;
	v12 =	vshrl.u32 v1, $0x3  }
0x3b0: {  	v13 =	vld [tilespmem:s18+$0xFFFFFFF0];
	p0 =	slt.u32 s17, $0x7E;
	[tilespmem:s16+$0xFFFFFFE0] =	vst v8;
	v8 =	vand.u32 $0xFFFE000, v9;
	v9 =	vand.u32 $0x80000000, v11;
	v11 =	vand.u32 $0xFFFE000, v12  }
0x3b1: {  	v1 =	vand.u32 $0x80000000, v1;
	v12 =	vld [tilespmem:s18+$0xFFFFFFE0];
	v8 =	vmul.f32 v8, v0;
	v11 =	vmul.f32 v11, v0  }
0x3b2: {  	v4 =	vor.u32 v4, v6;
	v2 =	vor.u32 v2, v7;
	v3 =	vor.u32 v3, v5  }
0x3b3: {  	[tilespmem:s16+$0xFFFFFFD0] =	vst v4;
	v4 =	vor.u32 v8, v9;
	v1 =	vor.u32 v11, v1  }
0x3b4: {  	v5 =	vshll.u32 v10, $0xD;
	v7 =	vshll.u32 v10, $0x10;
	v6 =	vshrl.u32 v10, $0x3;
	[tilespmem:s16+$0xFFFFFFF0] =	vst v2  }
0x3b5: {  	v2 =	vshll.u32 v13, $0xD;
	v8 =	vshrl.u32 v13, $0x3;
	v6 =	vand.u32 $0xFFFE000, v6;
	[tilespmem:s16+$0x0] =	vst v4  }
0x3b6: {  	v4 =	vshll.u32 v12, $0xD;
	v9 =	vshrl.u32 v12, $0x3;
	v6 =	vmul.f32 v6, v0;
	[tilespmem:s16+$0x10] =	vst v3  }
0x3b7: {  	v3 =	vand.u32 $0xFFFE000, v4;
	v4 =	vand.u32 $0xFFFE000, v9;
	v9 =	vand.u32 $0x80000000, v10;
	[tilespmem:s16+$0x20] =	vst v1  }
0x3b8: {  	v2 =	vand.u32 $0xFFFE000, v2;
	v8 =	vand.u32 $0xFFFE000, v8;
	s16 =	sadd.s32 $0x80, s16;
	v6 =	vor.u32 v6, v9  }
.Ltmp20:
0x3b9: {  	v9 =	vmul.f32 v3, v0;
	v10 =	vmul.f32 v4, v0;
	v3 =	vand.u32 $0xFFFE000, v5;
	v1 =	vld [tilespmem:s18+$0x0];
	[tilespmem:s16+$0x30] =	vst v6;
	(pc) =	sbr.rel @p0 .LBB2_42-.Ltmp20, $4  }
0x3ba: {  	v5 =	vshll.u32 v12, $0x10;
	v4 =	vmul.f32 v2, v0;
	v2 =	vmul.f32 v8, v0  }
0x3bb: {  	v8 =	vand.u32 $0x80000000, v5;
	v5 =	vshll.u32 v13, $0x10;
	v3 =	vmul.f32 v3, v0  }
0x3bc: {  	v11 =	vand.u32 $0x80000000, v12;
	v6 =	vand.u32 $0x80000000, v5;
	v5 =	vand.u32 $0x80000000, v7  }
0x3bd: {  	s18 =	sadd.s32 $0x40, s18;
	v9 =	vor.u32 v9, v8;
	v8 =	vor.u32 v10, v11;
	v7 =	vand.u32 $0x80000000, v13  }
0x3be: {  	v10 =	vshll.u32 v1, $0xD;
	[tilespmem:s16+$0xFFFFFFC0] =	vst v9;
	v9 =	vshll.u32 v1, $0x10;
	v11 =	vshrl.u32 v1, $0x3  }
0x3bf: {  	[tilespmem:s16+$0xFFFFFFE0] =	vst v8;
	v4 =	vor.u32 v4, v6;
	v2 =	vor.u32 v2, v7;
	v10 =	vand.u32 $0xFFFE000, v10  }
0x3c0: {  	v6 =	vand.u32 $0x80000000, v9;
	v9 =	vand.u32 $0xFFFE000, v11;
	[tilespmem:s16+$0xFFFFFFD0] =	vst v4;
	v8 =	vmul.f32 v10, v0  }
0x3c1: {  	[tilespmem:s16+$0xFFFFFFF0] =	vst v2;
	v2 =	vor.u32 v3, v5;
	v4 =	vmul.f32 v9, v0  }
0x3c2: {  	v1 =	vand.u32 $0x80000000, v1;
	[tilespmem:s16+$0x10] =	vst v2;
	v6 =	vor.u32 v8, v6  }
0x3c3: {  	v1 =	vor.u32 v4, v1;
	[tilespmem:s16+$0x0] =	vst v6  }
0x3c4: {  	[tilespmem:s16+$0x20] =	vst v1  }
0x3c5: {  	[hbm4b:s25+s2] =	stream.linear.scatter [tilespmem:s10], [sflag:$0x3], $0x2000, $0x38;
	[tilespmem:$0x6D10] =	vst v63  }
0x3c6: {  	s18 =	simm.s32 $0xB00  }
0x3c7: {  	[tilespmem:s7], [sflag:$0x1] =	stream.indirect.gather [hbm4b:s3+s5], $0x20, s18, s5, $0xb8;
	[tilespmem:$0x6D10] =	vst v63  }
0x3c8: {  	_ =	swait.ge [sflag:s11], $0x1000  }
0x3c9: {  	[sflag:s11] =	ssyncset.done $0x0  }
0x3ca: {  	[sflag:s11] =	ssyncadd.s32 $0xFFFFF000  }
0x3cb: {  	_ =	swait.ge [sflag:s14], $0x2000  }
0x3cc: {  	[sflag:s14] =	ssyncset.done $0x0  }
0x3cd: {  	s17 =	simm.s32 $0x1D30;
	[sflag:s14] =	ssyncadd.s32 $0xFFFFE000  }
0x3ce: {  	v1 =	vld [tilespmem:s17+$0x10]  }
0x3cf: {  	v7 =	vld [tilespmem:s17+$0xFFFFFFF0]  }
0x3d0: {  	v5 =	vld [tilespmem:s17+$0xFFFFFFE0];
	_ =	sdelay $0x2  }
0x3d1: {  	v2 =	vshll.u32 v1, $0xD;
	v8 =	vshll.u32 v1, $0x10;
	v3 =	vshrl.u32 v1, $0x3  }
0x3d2: {  	v4 =	vshll.u32 v7, $0xD;
	v6 =	vshrl.u32 v7, $0x3;
	v3 =	vand.u32 $0xFFFE000, v3  }
0x3d3: {  	v9 =	vshll.u32 v5, $0xD;
	v10 =	vshrl.u32 v5, $0x3;
	v3 =	vmul.f32 v3, v0  }
0x3d4: {  	v1 =	vand.u32 $0x80000000, v1;
	v9 =	vand.u32 $0xFFFE000, v9;
	v10 =	vand.u32 $0xFFFE000, v10  }
0x3d5: {  	v11 =	vor.u32 v3, v1;
	v1 =	vand.u32 $0xFFFE000, v2;
	v3 =	vshll.u32 v5, $0x10  }
0x3d6: {  	v4 =	vand.u32 $0xFFFE000, v4;
	v12 =	vand.u32 $0x80000000, v3;
	v3 =	vmul.f32 v1, v0;
	v1 =	vld [tilespmem:s17+$0x0]  }
0x3d7: {  	v6 =	vand.u32 $0xFFFE000, v6;
	v9 =	vmul.f32 v9, v0;
	v10 =	vmul.f32 v10, v0  }
0x3d8: {  	v13 =	vand.u32 $0x80000000, v5;
	v4 =	vmul.f32 v4, v0;
	v2 =	vmul.f32 v6, v0  }
0x3d9: {  	s16 =	simm.s32 $0x4D50;
	v6 =	vshll.u32 v7, $0x10;
	v5 =	vand.u32 $0x80000000, v8;
	v8 =	vor.u32 v10, v13  }
0x3da: {  	s18 =	simm.s32 $0x1D70;
	v7 =	vand.u32 $0x80000000, v7;
	v6 =	vand.u32 $0x80000000, v6;
	[tilespmem:s16+$0x30] =	vst v11;
	s17 =	simm.s32 $0x0;
	v9 =	vor.u32 v9, v12  }
.LBB2_44:
0x3db: {  	v10 =	vld [tilespmem:s18+$0x10];
	s17 =	sadd.s32 $0x2, s17;
	[tilespmem:s16+$0xFFFFFFC0] =	vst v9;
	v9 =	vshll.u32 v1, $0xD;
	v11 =	vshll.u32 v1, $0x10;
	v12 =	vshrl.u32 v1, $0x3  }
0x3dc: {  	v13 =	vld [tilespmem:s18+$0xFFFFFFF0];
	p0 =	slt.u32 s17, $0x7E;
	[tilespmem:s16+$0xFFFFFFE0] =	vst v8;
	v8 =	vand.u32 $0xFFFE000, v9;
	v9 =	vand.u32 $0x80000000, v11;
	v11 =	vand.u32 $0xFFFE000, v12  }
0x3dd: {  	v1 =	vand.u32 $0x80000000, v1;
	v12 =	vld [tilespmem:s18+$0xFFFFFFE0];
	v8 =	vmul.f32 v8, v0;
	v11 =	vmul.f32 v11, v0  }
0x3de: {  	v4 =	vor.u32 v4, v6;
	v2 =	vor.u32 v2, v7;
	v3 =	vor.u32 v3, v5  }
0x3df: {  	[tilespmem:s16+$0xFFFFFFD0] =	vst v4;
	v4 =	vor.u32 v8, v9;
	v1 =	vor.u32 v11, v1  }
0x3e0: {  	v5 =	vshll.u32 v10, $0xD;
	v7 =	vshll.u32 v10, $0x10;
	v6 =	vshrl.u32 v10, $0x3;
	[tilespmem:s16+$0xFFFFFFF0] =	vst v2  }
0x3e1: {  	v2 =	vshll.u32 v13, $0xD;
	v8 =	vshrl.u32 v13, $0x3;
	v6 =	vand.u32 $0xFFFE000, v6;
	[tilespmem:s16+$0x0] =	vst v4  }
0x3e2: {  	v4 =	vshll.u32 v12, $0xD;
	v9 =	vshrl.u32 v12, $0x3;
	v6 =	vmul.f32 v6, v0;
	[tilespmem:s16+$0x10] =	vst v3  }
0x3e3: {  	v3 =	vand.u32 $0xFFFE000, v4;
	v4 =	vand.u32 $0xFFFE000, v9;
	v9 =	vand.u32 $0x80000000, v10;
	[tilespmem:s16+$0x20] =	vst v1  }
0x3e4: {  	v2 =	vand.u32 $0xFFFE000, v2;
	v8 =	vand.u32 $0xFFFE000, v8;
	s16 =	sadd.s32 $0x80, s16;
	v6 =	vor.u32 v6, v9  }
.Ltmp21:
0x3e5: {  	v9 =	vmul.f32 v3, v0;
	v10 =	vmul.f32 v4, v0;
	v3 =	vand.u32 $0xFFFE000, v5;
	v1 =	vld [tilespmem:s18+$0x0];
	[tilespmem:s16+$0x30] =	vst v6;
	(pc) =	sbr.rel @p0 .LBB2_44-.Ltmp21, $4  }
0x3e6: {  	v5 =	vshll.u32 v12, $0x10;
	v4 =	vmul.f32 v2, v0;
	v2 =	vmul.f32 v8, v0  }
0x3e7: {  	v8 =	vand.u32 $0x80000000, v5;
	v5 =	vshll.u32 v13, $0x10;
	v3 =	vmul.f32 v3, v0  }
0x3e8: {  	v11 =	vand.u32 $0x80000000, v12;
	v6 =	vand.u32 $0x80000000, v5;
	v5 =	vand.u32 $0x80000000, v7  }
0x3e9: {  	s18 =	sadd.s32 $0x40, s18;
	v9 =	vor.u32 v9, v8;
	v8 =	vor.u32 v10, v11;
	v7 =	vand.u32 $0x80000000, v13  }
0x3ea: {  	v10 =	vshll.u32 v1, $0xD;
	[tilespmem:s16+$0xFFFFFFC0] =	vst v9;
	v9 =	vshll.u32 v1, $0x10;
	v11 =	vshrl.u32 v1, $0x3  }
0x3eb: {  	[tilespmem:s16+$0xFFFFFFE0] =	vst v8;
	v4 =	vor.u32 v4, v6;
	v2 =	vor.u32 v2, v7;
	v10 =	vand.u32 $0xFFFE000, v10  }
0x3ec: {  	v6 =	vand.u32 $0x80000000, v9;
	v9 =	vand.u32 $0xFFFE000, v11;
	[tilespmem:s16+$0xFFFFFFD0] =	vst v4;
	v8 =	vmul.f32 v10, v0  }
0x3ed: {  	[tilespmem:s16+$0xFFFFFFF0] =	vst v2;
	v2 =	vor.u32 v3, v5;
	v4 =	vmul.f32 v9, v0  }
0x3ee: {  	v1 =	vand.u32 $0x80000000, v1;
	[tilespmem:s16+$0x10] =	vst v2;
	v6 =	vor.u32 v8, v6  }
0x3ef: {  	v1 =	vor.u32 v4, v1;
	[tilespmem:s16+$0x0] =	vst v6  }
0x3f0: {  	[tilespmem:s16+$0x20] =	vst v1  }
0x3f1: {  	[hbm4b:s26+s2] =	stream.linear.scatter [tilespmem:s12], [sflag:$0x4], $0x2000, $0x38;
	[tilespmem:$0x6D10] =	vst v63  }
0x3f2: {  	s18 =	simm.s32 $0xB80  }
0x3f3: {  	[tilespmem:s8], [sflag:$0x2] =	stream.indirect.gather [hbm4b:s3+s5], $0x20, s18, s5, $0xb8;
	[tilespmem:$0x6D10] =	vst v63  }
0x3f4: {  	_ =	swait.ge [sflag:s9], $0x1000  }
0x3f5: {  	[sflag:s9] =	ssyncset.done $0x0  }
0x3f6: {  	[sflag:s9] =	ssyncadd.s32 $0xFFFFF000  }
0x3f7: {  	_ =	swait.ge [sflag:s13], $0x2000  }
0x3f8: {  	[sflag:s13] =	ssyncset.done $0x0  }
0x3f9: {  	s17 =	simm.s32 $0xD30;
	[sflag:s13] =	ssyncadd.s32 $0xFFFFE000  }
0x3fa: {  	v1 =	vld [tilespmem:s17+$0x10]  }
0x3fb: {  	v7 =	vld [tilespmem:s17+$0xFFFFFFF0]  }
0x3fc: {  	v5 =	vld [tilespmem:s17+$0xFFFFFFE0];
	_ =	sdelay $0x2  }
0x3fd: {  	v2 =	vshll.u32 v1, $0xD;
	v8 =	vshll.u32 v1, $0x10;
	v3 =	vshrl.u32 v1, $0x3  }
0x3fe: {  	v4 =	vshll.u32 v7, $0xD;
	v6 =	vshrl.u32 v7, $0x3;
	v3 =	vand.u32 $0xFFFE000, v3  }
0x3ff: {  	v9 =	vshll.u32 v5, $0xD;
	v10 =	vshrl.u32 v5, $0x3;
	v3 =	vmul.f32 v3, v0  }
0x400: {  	v1 =	vand.u32 $0x80000000, v1;
	v9 =	vand.u32 $0xFFFE000, v9;
	v10 =	vand.u32 $0xFFFE000, v10  }
0x401: {  	v11 =	vor.u32 v3, v1;
	v1 =	vand.u32 $0xFFFE000, v2;
	v3 =	vshll.u32 v5, $0x10  }
0x402: {  	v4 =	vand.u32 $0xFFFE000, v4;
	v12 =	vand.u32 $0x80000000, v3;
	v3 =	vmul.f32 v1, v0;
	v1 =	vld [tilespmem:s17+$0x0]  }
0x403: {  	v6 =	vand.u32 $0xFFFE000, v6;
	v9 =	vmul.f32 v9, v0;
	v10 =	vmul.f32 v10, v0  }
0x404: {  	v13 =	vand.u32 $0x80000000, v5;
	v4 =	vmul.f32 v4, v0;
	v2 =	vmul.f32 v6, v0  }
0x405: {  	s16 =	simm.s32 $0x2D50;
	v6 =	vshll.u32 v7, $0x10;
	v5 =	vand.u32 $0x80000000, v8;
	v8 =	vor.u32 v10, v13  }
0x406: {  	s18 =	simm.s32 $0xD70;
	v7 =	vand.u32 $0x80000000, v7;
	v6 =	vand.u32 $0x80000000, v6;
	[tilespmem:s16+$0x30] =	vst v11;
	s17 =	simm.s32 $0x0;
	v9 =	vor.u32 v9, v12  }
.LBB2_46:
0x407: {  	v10 =	vld [tilespmem:s18+$0x10];
	s17 =	sadd.s32 $0x2, s17;
	[tilespmem:s16+$0xFFFFFFC0] =	vst v9;
	v9 =	vshll.u32 v1, $0xD;
	v11 =	vshll.u32 v1, $0x10;
	v12 =	vshrl.u32 v1, $0x3  }
0x408: {  	v13 =	vld [tilespmem:s18+$0xFFFFFFF0];
	p0 =	slt.u32 s17, $0x7E;
	[tilespmem:s16+$0xFFFFFFE0] =	vst v8;
	v8 =	vand.u32 $0xFFFE000, v9;
	v9 =	vand.u32 $0x80000000, v11;
	v11 =	vand.u32 $0xFFFE000, v12  }
0x409: {  	v1 =	vand.u32 $0x80000000, v1;
	v12 =	vld [tilespmem:s18+$0xFFFFFFE0];
	v8 =	vmul.f32 v8, v0;
	v11 =	vmul.f32 v11, v0  }
0x40a: {  	v4 =	vor.u32 v4, v6;
	v2 =	vor.u32 v2, v7;
	v3 =	vor.u32 v3, v5  }
0x40b: {  	[tilespmem:s16+$0xFFFFFFD0] =	vst v4;
	v4 =	vor.u32 v8, v9;
	v1 =	vor.u32 v11, v1  }
0x40c: {  	v5 =	vshll.u32 v10, $0xD;
	v7 =	vshll.u32 v10, $0x10;
	v6 =	vshrl.u32 v10, $0x3;
	[tilespmem:s16+$0xFFFFFFF0] =	vst v2  }
0x40d: {  	v2 =	vshll.u32 v13, $0xD;
	v8 =	vshrl.u32 v13, $0x3;
	v6 =	vand.u32 $0xFFFE000, v6;
	[tilespmem:s16+$0x0] =	vst v4  }
0x40e: {  	v4 =	vshll.u32 v12, $0xD;
	v9 =	vshrl.u32 v12, $0x3;
	v6 =	vmul.f32 v6, v0;
	[tilespmem:s16+$0x10] =	vst v3  }
0x40f: {  	v3 =	vand.u32 $0xFFFE000, v4;
	v4 =	vand.u32 $0xFFFE000, v9;
	v9 =	vand.u32 $0x80000000, v10;
	[tilespmem:s16+$0x20] =	vst v1  }
0x410: {  	v2 =	vand.u32 $0xFFFE000, v2;
	v8 =	vand.u32 $0xFFFE000, v8;
	s16 =	sadd.s32 $0x80, s16;
	v6 =	vor.u32 v6, v9  }
.Ltmp22:
0x411: {  	v9 =	vmul.f32 v3, v0;
	v10 =	vmul.f32 v4, v0;
	v3 =	vand.u32 $0xFFFE000, v5;
	v1 =	vld [tilespmem:s18+$0x0];
	[tilespmem:s16+$0x30] =	vst v6;
	(pc) =	sbr.rel @p0 .LBB2_46-.Ltmp22, $4  }
0x412: {  	v5 =	vshll.u32 v12, $0x10;
	v4 =	vmul.f32 v2, v0;
	v2 =	vmul.f32 v8, v0  }
0x413: {  	v8 =	vand.u32 $0x80000000, v5;
	v5 =	vshll.u32 v13, $0x10;
	v3 =	vmul.f32 v3, v0  }
0x414: {  	v11 =	vand.u32 $0x80000000, v12;
	v6 =	vand.u32 $0x80000000, v5;
	v5 =	vand.u32 $0x80000000, v7  }
0x415: {  	s18 =	sadd.s32 $0x40, s18;
	v9 =	vor.u32 v9, v8;
	v8 =	vor.u32 v10, v11;
	v7 =	vand.u32 $0x80000000, v13  }
0x416: {  	v10 =	vshll.u32 v1, $0xD;
	[tilespmem:s16+$0xFFFFFFC0] =	vst v9;
	v9 =	vshll.u32 v1, $0x10;
	v11 =	vshrl.u32 v1, $0x3  }
0x417: {  	[tilespmem:s16+$0xFFFFFFE0] =	vst v8;
	v4 =	vor.u32 v4, v6;
	v2 =	vor.u32 v2, v7;
	v10 =	vand.u32 $0xFFFE000, v10  }
0x418: {  	v6 =	vand.u32 $0x80000000, v9;
	v9 =	vand.u32 $0xFFFE000, v11;
	[tilespmem:s16+$0xFFFFFFD0] =	vst v4;
	v8 =	vmul.f32 v10, v0  }
0x419: {  	[tilespmem:s16+$0xFFFFFFF0] =	vst v2;
	v2 =	vor.u32 v3, v5;
	v4 =	vmul.f32 v9, v0  }
0x41a: {  	v1 =	vand.u32 $0x80000000, v1;
	[tilespmem:s16+$0x10] =	vst v2;
	v6 =	vor.u32 v8, v6  }
0x41b: {  	v1 =	vor.u32 v4, v1;
	[tilespmem:s16+$0x0] =	vst v6  }
0x41c: {  	[tilespmem:s16+$0x20] =	vst v1  }
0x41d: {  	[hbm4b:s28+s2] =	stream.linear.scatter [tilespmem:s10], [sflag:$0x3], $0x2000, $0x38;
	[tilespmem:$0x6D10] =	vst v63  }
0x41e: {  	s18 =	simm.s32 $0xC00  }
0x41f: {  	[tilespmem:s7], [sflag:$0x1] =	stream.indirect.gather [hbm4b:s3+s5], $0x20, s18, s5, $0xb8;
	[tilespmem:$0x6D10] =	vst v63  }
0x420: {  	_ =	swait.ge [sflag:s11], $0x1000  }
0x421: {  	[sflag:s11] =	ssyncset.done $0x0  }
0x422: {  	[sflag:s11] =	ssyncadd.s32 $0xFFFFF000  }
0x423: {  	_ =	swait.ge [sflag:s14], $0x2000  }
0x424: {  	[sflag:s14] =	ssyncset.done $0x0  }
0x425: {  	s17 =	simm.s32 $0x1D30;
	[sflag:s14] =	ssyncadd.s32 $0xFFFFE000  }
0x426: {  	v1 =	vld [tilespmem:s17+$0x10]  }
0x427: {  	v7 =	vld [tilespmem:s17+$0xFFFFFFF0]  }
0x428: {  	v5 =	vld [tilespmem:s17+$0xFFFFFFE0];
	_ =	sdelay $0x2  }
0x429: {  	v2 =	vshll.u32 v1, $0xD;
	v8 =	vshll.u32 v1, $0x10;
	v3 =	vshrl.u32 v1, $0x3  }
0x42a: {  	v4 =	vshll.u32 v7, $0xD;
	v6 =	vshrl.u32 v7, $0x3;
	v3 =	vand.u32 $0xFFFE000, v3  }
0x42b: {  	v9 =	vshll.u32 v5, $0xD;
	v10 =	vshrl.u32 v5, $0x3;
	v3 =	vmul.f32 v3, v0  }
0x42c: {  	v1 =	vand.u32 $0x80000000, v1;
	v9 =	vand.u32 $0xFFFE000, v9;
	v10 =	vand.u32 $0xFFFE000, v10  }
0x42d: {  	v11 =	vor.u32 v3, v1;
	v1 =	vand.u32 $0xFFFE000, v2;
	v3 =	vshll.u32 v5, $0x10  }
0x42e: {  	v4 =	vand.u32 $0xFFFE000, v4;
	v12 =	vand.u32 $0x80000000, v3;
	v3 =	vmul.f32 v1, v0;
	v1 =	vld [tilespmem:s17+$0x0]  }
0x42f: {  	v6 =	vand.u32 $0xFFFE000, v6;
	v9 =	vmul.f32 v9, v0;
	v10 =	vmul.f32 v10, v0  }
0x430: {  	v13 =	vand.u32 $0x80000000, v5;
	v4 =	vmul.f32 v4, v0;
	v2 =	vmul.f32 v6, v0  }
0x431: {  	s16 =	simm.s32 $0x4D50;
	v6 =	vshll.u32 v7, $0x10;
	v5 =	vand.u32 $0x80000000, v8;
	v8 =	vor.u32 v10, v13  }
0x432: {  	s18 =	simm.s32 $0x1D70;
	v7 =	vand.u32 $0x80000000, v7;
	v6 =	vand.u32 $0x80000000, v6;
	[tilespmem:s16+$0x30] =	vst v11;
	s17 =	simm.s32 $0x0;
	v9 =	vor.u32 v9, v12  }
.LBB2_48:
0x433: {  	v10 =	vld [tilespmem:s18+$0x10];
	s17 =	sadd.s32 $0x2, s17;
	[tilespmem:s16+$0xFFFFFFC0] =	vst v9;
	v9 =	vshll.u32 v1, $0xD;
	v11 =	vshll.u32 v1, $0x10;
	v12 =	vshrl.u32 v1, $0x3  }
0x434: {  	v13 =	vld [tilespmem:s18+$0xFFFFFFF0];
	p0 =	slt.u32 s17, $0x7E;
	[tilespmem:s16+$0xFFFFFFE0] =	vst v8;
	v8 =	vand.u32 $0xFFFE000, v9;
	v9 =	vand.u32 $0x80000000, v11;
	v11 =	vand.u32 $0xFFFE000, v12  }
0x435: {  	v1 =	vand.u32 $0x80000000, v1;
	v12 =	vld [tilespmem:s18+$0xFFFFFFE0];
	v8 =	vmul.f32 v8, v0;
	v11 =	vmul.f32 v11, v0  }
0x436: {  	v4 =	vor.u32 v4, v6;
	v2 =	vor.u32 v2, v7;
	v3 =	vor.u32 v3, v5  }
0x437: {  	[tilespmem:s16+$0xFFFFFFD0] =	vst v4;
	v4 =	vor.u32 v8, v9;
	v1 =	vor.u32 v11, v1  }
0x438: {  	v5 =	vshll.u32 v10, $0xD;
	v7 =	vshll.u32 v10, $0x10;
	v6 =	vshrl.u32 v10, $0x3;
	[tilespmem:s16+$0xFFFFFFF0] =	vst v2  }
0x439: {  	v2 =	vshll.u32 v13, $0xD;
	v8 =	vshrl.u32 v13, $0x3;
	v6 =	vand.u32 $0xFFFE000, v6;
	[tilespmem:s16+$0x0] =	vst v4  }
0x43a: {  	v4 =	vshll.u32 v12, $0xD;
	v9 =	vshrl.u32 v12, $0x3;
	v6 =	vmul.f32 v6, v0;
	[tilespmem:s16+$0x10] =	vst v3  }
0x43b: {  	v3 =	vand.u32 $0xFFFE000, v4;
	v4 =	vand.u32 $0xFFFE000, v9;
	v9 =	vand.u32 $0x80000000, v10;
	[tilespmem:s16+$0x20] =	vst v1  }
0x43c: {  	v2 =	vand.u32 $0xFFFE000, v2;
	v8 =	vand.u32 $0xFFFE000, v8;
	s16 =	sadd.s32 $0x80, s16;
	v6 =	vor.u32 v6, v9  }
.Ltmp23:
0x43d: {  	v9 =	vmul.f32 v3, v0;
	v10 =	vmul.f32 v4, v0;
	v3 =	vand.u32 $0xFFFE000, v5;
	v1 =	vld [tilespmem:s18+$0x0];
	[tilespmem:s16+$0x30] =	vst v6;
	(pc) =	sbr.rel @p0 .LBB2_48-.Ltmp23, $4  }
0x43e: {  	v5 =	vshll.u32 v12, $0x10;
	v4 =	vmul.f32 v2, v0;
	v2 =	vmul.f32 v8, v0  }
0x43f: {  	v8 =	vand.u32 $0x80000000, v5;
	v5 =	vshll.u32 v13, $0x10;
	v3 =	vmul.f32 v3, v0  }
0x440: {  	v11 =	vand.u32 $0x80000000, v12;
	v6 =	vand.u32 $0x80000000, v5;
	v5 =	vand.u32 $0x80000000, v7  }
0x441: {  	s18 =	sadd.s32 $0x40, s18;
	v9 =	vor.u32 v9, v8;
	v8 =	vor.u32 v10, v11;
	v7 =	vand.u32 $0x80000000, v13  }
0x442: {  	v10 =	vshll.u32 v1, $0xD;
	[tilespmem:s16+$0xFFFFFFC0] =	vst v9;
	v9 =	vshll.u32 v1, $0x10;
	v11 =	vshrl.u32 v1, $0x3  }
0x443: {  	[tilespmem:s16+$0xFFFFFFE0] =	vst v8;
	v4 =	vor.u32 v4, v6;
	v2 =	vor.u32 v2, v7;
	v10 =	vand.u32 $0xFFFE000, v10  }
0x444: {  	v6 =	vand.u32 $0x80000000, v9;
	v9 =	vand.u32 $0xFFFE000, v11;
	[tilespmem:s16+$0xFFFFFFD0] =	vst v4;
	v8 =	vmul.f32 v10, v0  }
0x445: {  	[tilespmem:s16+$0xFFFFFFF0] =	vst v2;
	v2 =	vor.u32 v3, v5;
	v4 =	vmul.f32 v9, v0  }
0x446: {  	v1 =	vand.u32 $0x80000000, v1;
	[tilespmem:s16+$0x10] =	vst v2;
	v6 =	vor.u32 v8, v6  }
0x447: {  	v1 =	vor.u32 v4, v1;
	[tilespmem:s16+$0x0] =	vst v6  }
0x448: {  	[tilespmem:s16+$0x20] =	vst v1  }
0x449: {  	[hbm4b:s29+s2] =	stream.linear.scatter [tilespmem:s12], [sflag:$0x4], $0x2000, $0x38;
	[tilespmem:$0x6D10] =	vst v63  }
0x44a: {  	s18 =	simm.s32 $0xC80  }
0x44b: {  	[tilespmem:s8], [sflag:$0x2] =	stream.indirect.gather [hbm4b:s3+s5], $0x20, s18, s5, $0xb8;
	[tilespmem:$0x6D10] =	vst v63  }
0x44c: {  	_ =	swait.ge [sflag:s9], $0x1000  }
0x44d: {  	[sflag:s9] =	ssyncset.done $0x0  }
0x44e: {  	[sflag:s9] =	ssyncadd.s32 $0xFFFFF000  }
0x44f: {  	_ =	swait.ge [sflag:s13], $0x2000  }
0x450: {  	[sflag:s13] =	ssyncset.done $0x0  }
0x451: {  	s17 =	simm.s32 $0xD30;
	[sflag:s13] =	ssyncadd.s32 $0xFFFFE000  }
0x452: {  	v1 =	vld [tilespmem:s17+$0x10]  }
0x453: {  	v7 =	vld [tilespmem:s17+$0xFFFFFFF0]  }
0x454: {  	v5 =	vld [tilespmem:s17+$0xFFFFFFE0];
	_ =	sdelay $0x2  }
0x455: {  	v2 =	vshll.u32 v1, $0xD;
	v8 =	vshll.u32 v1, $0x10;
	v3 =	vshrl.u32 v1, $0x3  }
0x456: {  	v4 =	vshll.u32 v7, $0xD;
	v6 =	vshrl.u32 v7, $0x3;
	v3 =	vand.u32 $0xFFFE000, v3  }
0x457: {  	v9 =	vshll.u32 v5, $0xD;
	v10 =	vshrl.u32 v5, $0x3;
	v3 =	vmul.f32 v3, v0  }
0x458: {  	v1 =	vand.u32 $0x80000000, v1;
	v9 =	vand.u32 $0xFFFE000, v9;
	v10 =	vand.u32 $0xFFFE000, v10  }
0x459: {  	v11 =	vor.u32 v3, v1;
	v1 =	vand.u32 $0xFFFE000, v2;
	v3 =	vshll.u32 v5, $0x10  }
0x45a: {  	v4 =	vand.u32 $0xFFFE000, v4;
	v12 =	vand.u32 $0x80000000, v3;
	v3 =	vmul.f32 v1, v0;
	v1 =	vld [tilespmem:s17+$0x0]  }
0x45b: {  	v6 =	vand.u32 $0xFFFE000, v6;
	v9 =	vmul.f32 v9, v0;
	v10 =	vmul.f32 v10, v0  }
0x45c: {  	v13 =	vand.u32 $0x80000000, v5;
	v4 =	vmul.f32 v4, v0;
	v2 =	vmul.f32 v6, v0  }
0x45d: {  	s16 =	simm.s32 $0x2D50;
	v6 =	vshll.u32 v7, $0x10;
	v5 =	vand.u32 $0x80000000, v8;
	v8 =	vor.u32 v10, v13  }
0x45e: {  	s18 =	simm.s32 $0xD70;
	v7 =	vand.u32 $0x80000000, v7;
	v6 =	vand.u32 $0x80000000, v6;
	[tilespmem:s16+$0x30] =	vst v11;
	s17 =	simm.s32 $0x0;
	v9 =	vor.u32 v9, v12  }
.LBB2_50:
0x45f: {  	v10 =	vld [tilespmem:s18+$0x10];
	s17 =	sadd.s32 $0x2, s17;
	[tilespmem:s16+$0xFFFFFFC0] =	vst v9;
	v9 =	vshll.u32 v1, $0xD;
	v11 =	vshll.u32 v1, $0x10;
	v12 =	vshrl.u32 v1, $0x3  }
0x460: {  	v13 =	vld [tilespmem:s18+$0xFFFFFFF0];
	p0 =	slt.u32 s17, $0x7E;
	[tilespmem:s16+$0xFFFFFFE0] =	vst v8;
	v8 =	vand.u32 $0xFFFE000, v9;
	v9 =	vand.u32 $0x80000000, v11;
	v11 =	vand.u32 $0xFFFE000, v12  }
0x461: {  	v1 =	vand.u32 $0x80000000, v1;
	v12 =	vld [tilespmem:s18+$0xFFFFFFE0];
	v8 =	vmul.f32 v8, v0;
	v11 =	vmul.f32 v11, v0  }
0x462: {  	v4 =	vor.u32 v4, v6;
	v2 =	vor.u32 v2, v7;
	v3 =	vor.u32 v3, v5  }
0x463: {  	[tilespmem:s16+$0xFFFFFFD0] =	vst v4;
	v4 =	vor.u32 v8, v9;
	v1 =	vor.u32 v11, v1  }
0x464: {  	v5 =	vshll.u32 v10, $0xD;
	v7 =	vshll.u32 v10, $0x10;
	v6 =	vshrl.u32 v10, $0x3;
	[tilespmem:s16+$0xFFFFFFF0] =	vst v2  }
0x465: {  	v2 =	vshll.u32 v13, $0xD;
	v8 =	vshrl.u32 v13, $0x3;
	v6 =	vand.u32 $0xFFFE000, v6;
	[tilespmem:s16+$0x0] =	vst v4  }
0x466: {  	v4 =	vshll.u32 v12, $0xD;
	v9 =	vshrl.u32 v12, $0x3;
	v6 =	vmul.f32 v6, v0;
	[tilespmem:s16+$0x10] =	vst v3  }
0x467: {  	v3 =	vand.u32 $0xFFFE000, v4;
	v4 =	vand.u32 $0xFFFE000, v9;
	v9 =	vand.u32 $0x80000000, v10;
	[tilespmem:s16+$0x20] =	vst v1  }
0x468: {  	v2 =	vand.u32 $0xFFFE000, v2;
	v8 =	vand.u32 $0xFFFE000, v8;
	s16 =	sadd.s32 $0x80, s16;
	v6 =	vor.u32 v6, v9  }
.Ltmp24:
0x469: {  	v9 =	vmul.f32 v3, v0;
	v10 =	vmul.f32 v4, v0;
	v3 =	vand.u32 $0xFFFE000, v5;
	v1 =	vld [tilespmem:s18+$0x0];
	[tilespmem:s16+$0x30] =	vst v6;
	(pc) =	sbr.rel @p0 .LBB2_50-.Ltmp24, $4  }
0x46a: {  	v5 =	vshll.u32 v12, $0x10;
	v4 =	vmul.f32 v2, v0;
	v2 =	vmul.f32 v8, v0  }
0x46b: {  	v8 =	vand.u32 $0x80000000, v5;
	v5 =	vshll.u32 v13, $0x10;
	v3 =	vmul.f32 v3, v0  }
0x46c: {  	v11 =	vand.u32 $0x80000000, v12;
	v6 =	vand.u32 $0x80000000, v5;
	v5 =	vand.u32 $0x80000000, v7  }
0x46d: {  	s18 =	sadd.s32 $0x40, s18;
	v9 =	vor.u32 v9, v8;
	v8 =	vor.u32 v10, v11;
	v7 =	vand.u32 $0x80000000, v13  }
0x46e: {  	v10 =	vshll.u32 v1, $0xD;
	[tilespmem:s16+$0xFFFFFFC0] =	vst v9;
	v9 =	vshll.u32 v1, $0x10;
	v11 =	vshrl.u32 v1, $0x3  }
0x46f: {  	[tilespmem:s16+$0xFFFFFFE0] =	vst v8;
	v4 =	vor.u32 v4, v6;
	v2 =	vor.u32 v2, v7;
	v10 =	vand.u32 $0xFFFE000, v10  }
0x470: {  	v6 =	vand.u32 $0x80000000, v9;
	v9 =	vand.u32 $0xFFFE000, v11;
	[tilespmem:s16+$0xFFFFFFD0] =	vst v4;
	v8 =	vmul.f32 v10, v0  }
0x471: {  	[tilespmem:s16+$0xFFFFFFF0] =	vst v2;
	v2 =	vor.u32 v3, v5;
	v4 =	vmul.f32 v9, v0  }
0x472: {  	v1 =	vand.u32 $0x80000000, v1;
	[tilespmem:s16+$0x10] =	vst v2;
	v6 =	vor.u32 v8, v6  }
0x473: {  	v1 =	vor.u32 v4, v1;
	[tilespmem:s16+$0x0] =	vst v6  }
0x474: {  	[tilespmem:s16+$0x20] =	vst v1  }
0x475: {  	[hbm4b:s30+s2] =	stream.linear.scatter [tilespmem:s10], [sflag:$0x3], $0x2000, $0x38;
	[tilespmem:$0x6D10] =	vst v63  }
0x476: {  	_ =	swait.ge [sflag:s11], $0x1000  }
0x477: {  	[sflag:s11] =	ssyncset.done $0x0  }
0x478: {  	[sflag:s11] =	ssyncadd.s32 $0xFFFFF000  }
0x479: {  	_ =	swait.ge [sflag:s14], $0x2000  }
0x47a: {  	[sflag:s14] =	ssyncset.done $0x0  }
0x47b: {  	s17 =	simm.s32 $0x1D30;
	[sflag:s14] =	ssyncadd.s32 $0xFFFFE000  }
0x47c: {  	v1 =	vld [tilespmem:s17+$0x10]  }
0x47d: {  	v7 =	vld [tilespmem:s17+$0xFFFFFFF0]  }
0x47e: {  	v5 =	vld [tilespmem:s17+$0xFFFFFFE0];
	_ =	sdelay $0x2  }
0x47f: {  	v2 =	vshll.u32 v1, $0xD;
	v8 =	vshll.u32 v1, $0x10;
	v3 =	vshrl.u32 v1, $0x3  }
0x480: {  	v4 =	vshll.u32 v7, $0xD;
	v6 =	vshrl.u32 v7, $0x3;
	v3 =	vand.u32 $0xFFFE000, v3  }
0x481: {  	v9 =	vshll.u32 v5, $0xD;
	v10 =	vshrl.u32 v5, $0x3;
	v3 =	vmul.f32 v3, v0  }
0x482: {  	v1 =	vand.u32 $0x80000000, v1;
	v9 =	vand.u32 $0xFFFE000, v9;
	v10 =	vand.u32 $0xFFFE000, v10  }
0x483: {  	v11 =	vor.u32 v3, v1;
	v1 =	vand.u32 $0xFFFE000, v2;
	v3 =	vshll.u32 v5, $0x10  }
0x484: {  	v4 =	vand.u32 $0xFFFE000, v4;
	v12 =	vand.u32 $0x80000000, v3;
	v3 =	vmul.f32 v1, v0;
	v1 =	vld [tilespmem:s17+$0x0]  }
0x485: {  	v6 =	vand.u32 $0xFFFE000, v6;
	v9 =	vmul.f32 v9, v0;
	v10 =	vmul.f32 v10, v0  }
0x486: {  	v13 =	vand.u32 $0x80000000, v5;
	v4 =	vmul.f32 v4, v0;
	v2 =	vmul.f32 v6, v0  }
0x487: {  	s16 =	simm.s32 $0x4D50;
	v6 =	vshll.u32 v7, $0x10;
	v5 =	vand.u32 $0x80000000, v8;
	v8 =	vor.u32 v10, v13  }
0x488: {  	s18 =	simm.s32 $0x1D70;
	v7 =	vand.u32 $0x80000000, v7;
	v6 =	vand.u32 $0x80000000, v6;
	[tilespmem:s16+$0x30] =	vst v11;
	s17 =	simm.s32 $0x0;
	v9 =	vor.u32 v9, v12  }
.LBB2_52:
0x489: {  	v10 =	vld [tilespmem:s18+$0x10];
	s17 =	sadd.s32 $0x2, s17;
	[tilespmem:s16+$0xFFFFFFC0] =	vst v9;
	v9 =	vshll.u32 v1, $0xD;
	v11 =	vshll.u32 v1, $0x10;
	v12 =	vshrl.u32 v1, $0x3  }
0x48a: {  	v13 =	vld [tilespmem:s18+$0xFFFFFFF0];
	p0 =	slt.u32 s17, $0x7E;
	[tilespmem:s16+$0xFFFFFFE0] =	vst v8;
	v8 =	vand.u32 $0xFFFE000, v9;
	v9 =	vand.u32 $0x80000000, v11;
	v11 =	vand.u32 $0xFFFE000, v12  }
0x48b: {  	v1 =	vand.u32 $0x80000000, v1;
	v12 =	vld [tilespmem:s18+$0xFFFFFFE0];
	v8 =	vmul.f32 v8, v0;
	v11 =	vmul.f32 v11, v0  }
0x48c: {  	v4 =	vor.u32 v4, v6;
	v2 =	vor.u32 v2, v7;
	v3 =	vor.u32 v3, v5  }
0x48d: {  	[tilespmem:s16+$0xFFFFFFD0] =	vst v4;
	v4 =	vor.u32 v8, v9;
	v1 =	vor.u32 v11, v1  }
0x48e: {  	v5 =	vshll.u32 v10, $0xD;
	v7 =	vshll.u32 v10, $0x10;
	v6 =	vshrl.u32 v10, $0x3;
	[tilespmem:s16+$0xFFFFFFF0] =	vst v2  }
0x48f: {  	v2 =	vshll.u32 v13, $0xD;
	v8 =	vshrl.u32 v13, $0x3;
	v6 =	vand.u32 $0xFFFE000, v6;
	[tilespmem:s16+$0x0] =	vst v4  }
0x490: {  	v4 =	vshll.u32 v12, $0xD;
	v9 =	vshrl.u32 v12, $0x3;
	v6 =	vmul.f32 v6, v0;
	[tilespmem:s16+$0x10] =	vst v3  }
0x491: {  	v3 =	vand.u32 $0xFFFE000, v4;
	v4 =	vand.u32 $0xFFFE000, v9;
	v9 =	vand.u32 $0x80000000, v10;
	[tilespmem:s16+$0x20] =	vst v1  }
0x492: {  	v2 =	vand.u32 $0xFFFE000, v2;
	v8 =	vand.u32 $0xFFFE000, v8;
	s16 =	sadd.s32 $0x80, s16;
	v6 =	vor.u32 v6, v9  }
.Ltmp25:
0x493: {  	v9 =	vmul.f32 v3, v0;
	v10 =	vmul.f32 v4, v0;
	v3 =	vand.u32 $0xFFFE000, v5;
	v1 =	vld [tilespmem:s18+$0x0];
	[tilespmem:s16+$0x30] =	vst v6;
	(pc) =	sbr.rel @p0 .LBB2_52-.Ltmp25, $4  }
0x494: {  	v5 =	vshll.u32 v12, $0x10;
	v4 =	vmul.f32 v2, v0;
	v2 =	vmul.f32 v8, v0  }
0x495: {  	v8 =	vand.u32 $0x80000000, v5;
	v5 =	vshll.u32 v13, $0x10;
	v3 =	vmul.f32 v3, v0  }
0x496: {  	v11 =	vand.u32 $0x80000000, v12;
	v6 =	vand.u32 $0x80000000, v5;
	v5 =	vand.u32 $0x80000000, v7  }
0x497: {  	s18 =	sadd.s32 $0x40, s18;
	v9 =	vor.u32 v9, v8;
	v8 =	vor.u32 v10, v11;
	v7 =	vand.u32 $0x80000000, v13  }
0x498: {  	v10 =	vshll.u32 v1, $0xD;
	[tilespmem:s16+$0xFFFFFFC0] =	vst v9;
	v56 =	vshll.u32 v1, $0x10  }
0x499: {  	v11 =	vshrl.u32 v1, $0x3;
	[tilespmem:s16+$0xFFFFFFE0] =	vst v8;
	v4 =	vor.u32 v4, v6;
	v10 =	vand.u32 $0xFFFE000, v10  }
0x49a: {  	v2 =	vor.u32 v2, v7;
	v59 =	vand.u32 $0xFFFE000, v11;
	[tilespmem:s16+$0xFFFFFFD0] =	vst v4;
	v57 =	vmul.f32 v10, v0  }
0x49b: {  	v63 =	vor.u32 v3, v5;
	v58 =	vand.u32 $0x80000000, v56;
	[tilespmem:s16+$0xFFFFFFF0] =	vst v2;
	v60 =	vmul.f32 v59, v0  }
0x49c: {  	v62 =	vand.u32 $0x80000000, v1;
	[tilespmem:s16+$0x10] =	vst v63;
	v61 =	vor.u32 v57, v58  }
0x49d: {  	v0 =	vor.u32 v60, v62;
	[tilespmem:s16+$0x0] =	vst v61  }
0x49e: {  	s15 =	sadd.s32 $0x1, s15;
	[tilespmem:s16+$0x20] =	vst v0  }
0x49f: {  	[hbm4b:s31+s2] =	stream.linear.scatter [tilespmem:s12], [sflag:$0x4], $0x2000, $0x38;
	[tilespmem:$0x6D10] =	vst v63  }
0x4a0: {  	p0 =	sne.s32 s15, s0;
	_ =	swait.ge [sflag:s13], $0x2000  }
.Ltmp26:
0x4a1: {  	[sflag:s13] =	ssyncset.done $0x0;
	(pc) =	sbr.rel @p0 .LBB2_1-.Ltmp26, $4  }
0x4a2: {  	[sflag:s13] =	ssyncadd.s32 $0xFFFFE000  }
0x4a3: {  	_ =	swait.ge [sflag:s14], $0x2000  }
0x4a4: {  	[sflag:s14] =	ssyncset.done $0x0  }
0x4a5: {  	[sflag:s14] =	ssyncadd.s32 $0xFFFFE000  }
0x4a6: {  	_ =	sfence.sel $0x180000  }
0x4a7: {  	[bflag:$0x0] =	sbarrier.arrive $0xFFFF  }
0x4a8: {  	_ =	strace $0x90000047  }
0x4a9: {  	s0 =	stileid.u32;
	[bflag:$0x2] =	sbarrier.arrive $0xFFFF  }
0x4aa: {  	p0 =	sne.s32 s0, $0x0;
	s0 =	rddreg [dreg:$0x2]  }
0x4ab: {  	s0 =	sadd.s32 @!p0 $0x100000, s0  }
0x4ac: {  	[sflag:s0] =	ssyncadd.tile.s32 @!p0 $0x1;
	_ =	shalt  }
.Lfunc_end2:
_tile_overlayer_lowered:
.L_overlay_start_2:
0x4ad: {  	(tag) =	ssettag $0x2  }
0x4ae: {  	s0 =	rddreg [dreg:$0x0];
	s2 =	stileid.u32  }
0x4af: {  	s1 =	rddreg [dreg:$0x1];
	p0 =	sne.s32 s2, $0x0  }
0x4b0: {  	s3 =	rddreg [dreg:$0x2];
	[bflag:$0x3] =	sbarrier.arrive $0xFFFF;
	s2 =	simm.s32 @!p0 $0x1C05  }
0x4b1: {  	[timem:s3], [sflag:s2] =	dma.local @!p0 [hbm:s0], s1  }
0x4b2: {  	s0 =	simm.s32 @!p0 $0x5  }
0x4b3: {  	_ =	swait.ge @!p0 [sflag:s0], s1  }
0x4b4: {  	s1 =	ssub.s32 @!p0 $0x0, s1;
	[sflag:s0] =	ssyncset.done @!p0 $0x0  }
0x4b5: {  	[sflag:s0] =	ssyncadd.s32 @!p0 s1  }
0x4b6: {  	[bflag:$0x3] =	sbarrier.arrive $0xFFFF  }
0x4b7: {  	_ =	shalt  }

</sc_bundles>
